<compile_context>
chip_gen: v7x
topology: tpu7x:2x2x1
jax: 0.10.2.dev20260603
libtpu: 0.0.44.dev20260713+nightly
codegen_flags: <defaults>
</compile_context>

<pallas_src>
import functools

import jax
import jax.numpy as jnp
from jax import lax
from jax.experimental import pallas as pl
from jax.experimental.pallas import tpu as pltpu
from jax.experimental.pallas import tpu_sc as plsc

N = 10000
E = 160000
IN = 128
HID = 128
OUT = 2048

NSC = 2
NT = 16
NPAD = 10240
ROWS_T = NPAD // NT
EDGE_SC = E // NSC
EDGE_T = EDGE_SC // NT
SEG_B = 200
SEG_FULL = EDGE_T // SEG_B

EDGE_ALL_T = E // NT

DEG_B = 200
DEG_FULL = EDGE_T // DEG_B

BROWS = 640
NBLOCK_SC = 8
BEL = BROWS * OUT
BPAD = BEL
ZCH = 8192
SCHUNK = 4096
FTILE = BEL // NT
PPAD = 20480
SENT = 1 << 30

BLK = 400
NBLK = N // BLK

@functools.cache
def _mesh():
    return plsc.VectorSubcoreMesh(core_axis_name="c", subcore_axis_name="s")


def _seg_body(g_hbm, src_hbm, dst_hbm, zeros_hbm, out_hbm,
              idx_s0, idx_d0, idx_s1, idx_d1, rows, acc, semi, semg):
    c = lax.axis_index("c")
    s = lax.axis_index("s")
    pltpu.sync_copy(zeros_hbm, acc.at[pl.ds(s * ROWS_T, ROWS_T)])
    plsc.subcore_barrier()

    base = c * EDGE_SC + s * EDGE_T
    last = base + (SEG_FULL - 1) * SEG_B

    def _di(sem, dst):
        pltpu.make_async_copy(src_hbm.at[pl.ds(0, SEG_B)], dst, sem).wait()

    pltpu.sync_copy(src_hbm.at[pl.ds(base, SEG_B)], idx_s0)
    pltpu.sync_copy(dst_hbm.at[pl.ds(base, SEG_B)], idx_d0)

    def one(off_next, idx_sc, idx_dc, idx_sn, idx_dn):
        pltpu.async_copy(src_hbm.at[pl.ds(off_next, SEG_B)], idx_sn, semi)
        pltpu.async_copy(dst_hbm.at[pl.ds(off_next, SEG_B)], idx_dn, semi)
        pltpu.async_copy(g_hbm.at[idx_sc], rows, semg).wait()
        pltpu.sync_copy(rows, acc.at[idx_dc], add=True)
        _di(semi, idx_sn)
        _di(semi, idx_dn)

    def pair(k2, _):
        off1 = base + (2 * k2 + 1) * SEG_B
        off2 = jnp.minimum(base + (2 * k2 + 2) * SEG_B, last)
        one(off1, idx_s0, idx_d0, idx_s1, idx_d1)
        one(off2, idx_s1, idx_d1, idx_s0, idx_d0)
        return _

    lax.fori_loop(0, (SEG_FULL - 1) // 2, pair, None)
    pltpu.async_copy(g_hbm.at[idx_s0], rows, semg).wait()
    pltpu.sync_copy(rows, acc.at[idx_d0], add=True)

    plsc.subcore_barrier()
    pltpu.sync_copy(acc.at[pl.ds(s * ROWS_T, ROWS_T)],
                    out_hbm.at[c, pl.ds(s * ROWS_T, ROWS_T)])


@functools.cache
def _seg_kernel():
  return pl.kernel(
    _seg_body,
    out_type=jax.ShapeDtypeStruct((NSC, NPAD, HID), jnp.float32),
    mesh=_mesh(),
    scratch_types=[
        pltpu.VMEM((SEG_B,), jnp.int32),
        pltpu.VMEM((SEG_B,), jnp.int32),
        pltpu.VMEM((SEG_B,), jnp.int32),
        pltpu.VMEM((SEG_B,), jnp.int32),
        pltpu.VMEM((SEG_B, HID), jnp.float32),
        pltpu.VMEM_SHARED((NPAD, HID), jnp.float32),
        pltpu.SemaphoreType.DMA,
        pltpu.SemaphoreType.DMA,
    ],
  )


def _seg_call(*args):
    return _seg_kernel()(*args)


def _mask_body(src_hbm, dst_hbm, zeros_hbm, ones_hbm, mask_hbm,
               pall, prel, prel2, zero_v, ones_v, mblk, sems):
    c = lax.axis_index("c")
    s = lax.axis_index("s")

    pltpu.sync_copy(zeros_hbm, zero_v)
    pltpu.sync_copy(ones_hbm, ones_v)
    pltpu.sync_copy(src_hbm.at[pl.ds(s * EDGE_ALL_T, EDGE_ALL_T)],
                    pall.at[pl.ds(0, EDGE_ALL_T)])
    pltpu.sync_copy(dst_hbm.at[pl.ds(s * EDGE_ALL_T, EDGE_ALL_T)],
                    pall.at[pl.ds(PPAD // 2, EDGE_ALL_T)])

    def pos(k, _):
        for u in range(5):
            o = (k * 5 + u) * 16
            sv = pall[pl.ds(o, 16)]
            dv = pall[pl.ds(PPAD // 2 + o, 16)]
            pall[pl.ds(o, 16)] = jnp.where(sv < OUT, dv * OUT + sv, SENT)
            pall[pl.ds(PPAD // 2 + o, 16)] = jnp.where(dv < OUT,
                                                       sv * OUT + dv, SENT)
        return _

    lax.fori_loop(0, EDGE_ALL_T // 80, pos, None)
    for k in range(EDGE_ALL_T // 16, PPAD // 2 // 16):
        pall[pl.ds(k * 16, 16)] = jnp.full((16,), SENT, jnp.int32)
        pall[pl.ds(PPAD // 2 + k * 16, 16)] = jnp.full((16,), SENT, jnp.int32)

    def block(b, _):
        base = (NBLOCK_SC * c + b) * BEL

        for z in range(FTILE // ZCH):
            pltpu.sync_copy(zero_v, mblk.at[pl.ds(s * FTILE + z * ZCH, ZCH)])

        pltpu.sync_copy(zero_v.at[pl.ds(0, 128)],
                        mblk.at[pl.ds(BPAD + s * 128, 128)])

        plsc.subcore_barrier()

        def chunk(kb, dst):
            def sub(j, _):
                for u in range(8):
                    o = (j * 8 + u) * 16
                    pa = pall[pl.ds(kb * SCHUNK + o, 16)]
                    pr = pa - base
                    ok = (pr >= 0) & (pr < BEL)
                    dummy = BPAD + (pa & 2047)
                    dst[pl.ds(o, 16)] = jnp.where(ok, pr, dummy)
                return _

            lax.fori_loop(0, SCHUNK // 128, sub, None)

        def drain():
            pltpu.make_async_copy(ones_hbm, ones_v, sems).wait()

        chunk(0, prel)

        def sb2(k2, _):
            pltpu.async_copy(ones_v, mblk.at[prel], sems)
            chunk(2 * k2 + 1, prel2)
            drain()
            pltpu.async_copy(ones_v, mblk.at[prel2], sems)
            chunk(2 * k2 + 2, prel)
            drain()
            return _

        lax.fori_loop(0, (PPAD // SCHUNK) // 2, sb2, None)
        pltpu.sync_copy(ones_v, mblk.at[prel])
        plsc.subcore_barrier()

        pltpu.sync_copy(mblk.at[pl.ds(s * FTILE, FTILE)],
                        mask_hbm.at[pl.ds(base + s * FTILE, FTILE)])
        return _

    lax.fori_loop(0, NBLOCK_SC, block, None)


@functools.cache
def _mask_kernel():
  return pl.kernel(
    _mask_body,
    out_type=jax.ShapeDtypeStruct((NPAD * OUT,), jnp.float32),
    mesh=_mesh(),
    scratch_types=[
        pltpu.VMEM((PPAD,), jnp.int32),
        pltpu.VMEM((SCHUNK,), jnp.int32),
        pltpu.VMEM((SCHUNK,), jnp.int32),
        pltpu.VMEM((ZCH,), jnp.float32),
        pltpu.VMEM((SCHUNK,), jnp.float32),
        pltpu.VMEM_SHARED((BEL + 2048,), jnp.float32),
        pltpu.SemaphoreType.DMA,
    ],
  )


def _mask_call(*args):
    return _mask_kernel()(*args)


def _deg_body(src_hbm, dst_hbm, zeros_hbm, ones_hbm, deg_hbm,
              idx_d, ones_v, acc):
    c = lax.axis_index("c")
    s = lax.axis_index("s")
    pltpu.sync_copy(ones_hbm, ones_v)
    pltpu.sync_copy(zeros_hbm, acc.at[pl.ds(s * ROWS_T, ROWS_T)])
    plsc.subcore_barrier()

    base = c * EDGE_SC + s * EDGE_T

    def batch(k, _):
        off = base + k * DEG_B
        pltpu.sync_copy(dst_hbm.at[pl.ds(off, DEG_B)], idx_d)
        pltpu.sync_copy(ones_v, acc.at[idx_d], add=True)
        return _

    lax.fori_loop(0, DEG_FULL, batch, None)

    plsc.subcore_barrier()
    pltpu.sync_copy(acc.at[pl.ds(s * ROWS_T, ROWS_T)],
                    deg_hbm.at[c, pl.ds(s * ROWS_T, ROWS_T)])


@functools.cache
def _deg_kernel():
  return pl.kernel(
    _deg_body,
    out_type=jax.ShapeDtypeStruct((NSC, NPAD, HID), jnp.float32),
    mesh=_mesh(),
    scratch_types=[
        pltpu.VMEM((DEG_B,), jnp.int32),
        pltpu.VMEM((DEG_B, HID), jnp.float32),
        pltpu.VMEM_SHARED((NPAD, HID), jnp.float32),
    ],
  )


def _deg_call(*args):
    return _deg_kernel()(*args)


def _dot(a, b):
    return jnp.dot(a, b, preferred_element_type=jnp.float32)


def _tc_a_body(x, sfm, tfm, og, op, wl, wr, g1, r1):
    parts = (x[...], sfm[...], tfm[...], og[...], op[...])
    wlv = wl[...]
    wrv = wr[...]
    g = _dot(parts[0], wlv[0:IN])
    r = _dot(parts[0], wrv[0:IN])
    for k in range(1, 5):
        g = g + _dot(parts[k], wlv[k * IN:(k + 1) * IN])
        r = r + _dot(parts[k], wrv[k * IN:(k + 1) * IN])
    g1[...] = g
    r1[...] = r


def _tc_a(x, sfm, tfm, og, op, wl1t, wr1t):
    bs = pl.BlockSpec((BLK, IN), lambda i: (i, 0))
    ws = pl.BlockSpec((5 * IN, HID), lambda i: (0, 0))
    return pl.pallas_call(
        _tc_a_body,
        grid=(NBLK,),
        in_specs=[bs, bs, bs, bs, bs, ws, ws],
        out_specs=[pl.BlockSpec((BLK, HID), lambda i: (i, 0))] * 2,
        out_shape=[jax.ShapeDtypeStruct((N, HID), jnp.float32)] * 2,
    )(x, sfm, tfm, og, op, wl1t, wr1t)


def _deg_stats(degp):
    deg = degp[0, :, 0] + degp[1, :, 0]
    invdeg = 1.0 / jnp.maximum(deg, 1.0)
    degpos = (deg > 0).astype(jnp.float32)
    return invdeg, degpos


def _layernorm(h, g, b):
    m = jnp.mean(h, axis=-1, keepdims=True)
    v = jnp.var(h, axis=-1, keepdims=True)
    return (h - m) / jnp.sqrt(v + 1e-5) * g + b


def _tc_b_body(s1, degp, r1, tfm, bl1, g1n, b1n, wl2a, wr2a, g2, r2, t):
    i = pl.program_id(0)
    invdeg, _ = _deg_stats(degp[...])
    pre = (s1[0] + s1[1]) * invdeg[:, None] + bl1[...] + r1[...]
    h1 = _layernorm(jax.nn.relu(pre), g1n[...], b1n[...])
    g2[...] = _dot(h1, wl2a[...])
    r2[...] = _dot(h1, wr2a[...])
    flag = jnp.any(tfm[...] != 0, axis=1).astype(jnp.float32)
    tp = _dot(flag[None, :], h1)

    @pl.when(i == 0)
    def _init():
        t[...] = jnp.zeros_like(t)

    t[...] += tp


def _tc_b(s1, degp, r1, tfm, bl1, g1n, b1n, wl2at, wr2at):
    bs = pl.BlockSpec((BLK, HID), lambda i: (i, 0))
    ws = pl.BlockSpec((HID, HID), lambda i: (0, 0))
    vs = pl.BlockSpec((1, HID), lambda i: (0, 0))
    return pl.pallas_call(
        _tc_b_body,
        grid=(NBLK,),
        in_specs=[pl.BlockSpec((NSC, BLK, HID), lambda i: (0, i, 0)),
                  pl.BlockSpec((NSC, BLK, HID), lambda i: (0, i, 0)),
                  bs, bs, vs, vs, vs, ws, ws],
        out_specs=[bs, bs, vs],
        out_shape=[jax.ShapeDtypeStruct((N, HID), jnp.float32),
                   jax.ShapeDtypeStruct((N, HID), jnp.float32),
                   jax.ShapeDtypeStruct((1, HID), jnp.float32)],
    )(s1, degp, r1, tfm, bl1, g1n, b1n, wl2at, wr2at)


def _tc_c_body(s2, degp, r2, t, wl2b, wr2b, bl2, g2n, b2n, wl3, wr3, g3, r3):
    invdeg, degpos = _deg_stats(degp[...])
    tv = t[...]
    tl = _dot(tv, wl2b[...])
    tr = _dot(tv, wr2b[...])
    pre = ((s2[0] + s2[1]) * invdeg[:, None] + degpos[:, None] * tl
           + bl2[...] + r2[...] + tr)
    h2 = _layernorm(jax.nn.relu(pre), g2n[...], b2n[...])
    g3[...] = _dot(h2, wl3[...])
    r3[...] = _dot(h2, wr3[...])


def _tc_c(s2, degp, r2, t, wl2bt, wr2bt, bl2, g2n, b2n, wl3t, wr3t):
    bs = pl.BlockSpec((BLK, HID), lambda i: (i, 0))
    ws = pl.BlockSpec((HID, HID), lambda i: (0, 0))
    vs = pl.BlockSpec((1, HID), lambda i: (0, 0))
    return pl.pallas_call(
        _tc_c_body,
        grid=(NBLK,),
        in_specs=[pl.BlockSpec((NSC, BLK, HID), lambda i: (0, i, 0)),
                  pl.BlockSpec((NSC, BLK, HID), lambda i: (0, i, 0)),
                  bs, vs, ws, ws, vs, vs, vs, ws, ws],
        out_specs=[bs, bs],
        out_shape=[jax.ShapeDtypeStruct((N, HID), jnp.float32)] * 2,
    )(s2, degp, r2, t, wl2bt, wr2bt, bl2, g2n, b2n, wl3t, wr3t)


def _tc_d_body(s3, degp, r3, bl3, fcw, fcb, mask, out):
    i = pl.program_id(0)
    invdeg, _ = _deg_stats(degp[...])
    h3 = jax.nn.relu((s3[0] + s3[1]) * invdeg[:, None] + bl3[...] + r3[...])
    logits = _dot(h3, fcw[...]) + fcb[...]
    rid = i * BLK + lax.broadcasted_iota(jnp.int32, (BLK, OUT), 0)
    cid = lax.broadcasted_iota(jnp.int32, (BLK, OUT), 1)
    maskv = jnp.maximum(mask[...], (rid == cid).astype(jnp.float32))
    mx = jnp.max(logits, axis=1, keepdims=True)
    e = jnp.exp(logits - mx) * maskv
    z = jnp.sum(e, axis=1, keepdims=True)
    out[...] = jnp.where(z > 0, e / jnp.where(z > 0, z, 1.0), 0.0)


def _tc_d(s3, degp, r3, bl3, fcwt, fcb, maskm):
    bs = pl.BlockSpec((BLK, HID), lambda i: (i, 0))
    return pl.pallas_call(
        _tc_d_body,
        grid=(NBLK,),
        in_specs=[pl.BlockSpec((NSC, BLK, HID), lambda i: (0, i, 0)),
                  pl.BlockSpec((NSC, BLK, HID), lambda i: (0, i, 0)),
                  bs,
                  pl.BlockSpec((1, HID), lambda i: (0, 0)),
                  pl.BlockSpec((HID, OUT), lambda i: (0, 0)),
                  pl.BlockSpec((1, OUT), lambda i: (0, 0)),
                  pl.BlockSpec((BLK, OUT), lambda i: (i, 0))],
        out_specs=pl.BlockSpec((BLK, OUT), lambda i: (i, 0)),
        out_shape=jax.ShapeDtypeStruct((N, OUT), jnp.float32),
    )(s3, degp, r3, bl3, fcwt, fcb, maskm)


def kernel(x, start_feature_masked, target_feature_masked, other_goals,
           other_pos, edge_index,
           conv1_Wl, conv1_bl, conv1_Wr, conv2_Wl, conv2_bl, conv2_Wr,
           conv3_Wl, conv3_bl, conv3_Wr, fc_W, fc_b,
           ln1_g, ln1_b, ln2_g, ln2_b):
    src = edge_index[0]
    dst = edge_index[1]

    wl1t = conv1_Wl.T
    wr1t = conv1_Wr.T
    wl2at = conv2_Wl[:, :HID].T
    wl2bt = conv2_Wl[:, HID:].T
    wr2at = conv2_Wr[:, :HID].T
    wr2bt = conv2_Wr[:, HID:].T
    wl3t = conv3_Wl.T
    wr3t = conv3_Wr.T
    fcwt = fc_W.T

    bl1 = conv1_bl.reshape(1, HID)
    bl2 = conv2_bl.reshape(1, HID)
    bl3 = conv3_bl.reshape(1, HID)
    fcb = fc_b.reshape(1, OUT)
    g1n = ln1_g.reshape(1, HID)
    b1n = ln1_b.reshape(1, HID)
    g2n = ln2_g.reshape(1, HID)
    b2n = ln2_b.reshape(1, HID)

    zeros_a = jnp.zeros((ROWS_T, HID), jnp.float32)
    zeros_m = jnp.zeros((ZCH,), jnp.float32)
    ones_d = jnp.ones((DEG_B, HID), jnp.float32)
    ones_m = jnp.ones((SCHUNK,), jnp.float32)

    mask_flat = _mask_call(src, dst, zeros_m, ones_m)
    degp = _deg_call(src, dst, zeros_a, ones_d)
    maskm = mask_flat.reshape(NPAD, OUT)

    g1, r1 = _tc_a(x, start_feature_masked, target_feature_masked,
                   other_goals, other_pos, wl1t, wr1t)
    s1 = _seg_call(g1, src, dst, zeros_a)
    g2, r2, t = _tc_b(s1, degp, r1, target_feature_masked, bl1, g1n, b1n,
                      wl2at, wr2at)
    s2 = _seg_call(g2, src, dst, zeros_a)
    g3, r3 = _tc_c(s2, degp, r2, t, wl2bt, wr2bt, bl2, g2n, b2n, wl3t, wr3t)
    s3 = _seg_call(g3, src, dst, zeros_a)
    return _tc_d(s3, degp, r3, bl3, fcwt, fcb, maskm)

# --- scband reference (transcript-rebuilt; emitter-appended) ---
"""Pipeline reference for scband-path-predictor-36060545417339 (READ-ONLY COPY).

The authoritative reference and input builder live on the scoring server;
editing this copy changes nothing except your own understanding.
"""

import jax, jax.numpy as jnp
import numpy as np

N = 10000
E = 160000
IN = 128
HID = 128
OUT = 2048


def _kaiming(key, shape):
    fan_in = shape[1]
    return jax.random.normal(key, shape, jnp.float32) * np.sqrt(2.0 / fan_in)


def setup_inputs(seed: int = 0):
    key = jax.random.key(seed)
    ks = jax.random.split(key, 24)
    x = jax.random.normal(ks[0], (N, IN), jnp.float32)
    start_feature_masked = jax.random.normal(ks[1], (N, IN), jnp.float32)
    # exactly one node has nonzero target features (original code uses .item())
    target_feature_masked = jnp.zeros((N, IN), jnp.float32)
    target_feature_masked = target_feature_masked.at[123].set(jax.random.normal(ks[2], (IN,), jnp.float32))
    other_goals = jax.random.normal(ks[3], (N, IN), jnp.float32)
    other_pos = jax.random.normal(ks[4], (N, IN), jnp.float32)
    edge_index = jax.random.randint(ks[5], (2, E), 0, N, dtype=jnp.int32)
    params = {
        'conv1_Wl': _kaiming(ks[6], (HID, IN * 5)),
        'conv1_bl': jnp.zeros((HID,), jnp.float32),
        'conv1_Wr': _kaiming(ks[7], (HID, IN * 5)),
        'conv2_Wl': _kaiming(ks[8], (HID, HID * 2)),
        'conv2_bl': jnp.zeros((HID,), jnp.float32),
        'conv2_Wr': _kaiming(ks[9], (HID, HID * 2)),
        'conv3_Wl': _kaiming(ks[10], (HID, HID)),
        'conv3_bl': jnp.zeros((HID,), jnp.float32),
        'conv3_Wr': _kaiming(ks[11], (HID, HID)),
        'fc_W': _kaiming(ks[12], (OUT, HID)),
        'fc_b': jnp.zeros((OUT,), jnp.float32),
        'ln1_g': jnp.ones((HID,), jnp.float32),
        'ln1_b': jnp.zeros((HID,), jnp.float32),
        'ln2_g': jnp.ones((HID,), jnp.float32),
        'ln2_b': jnp.zeros((HID,), jnp.float32),
    }
    inp = {
        'x': x,
        'start_feature_masked': start_feature_masked,
        'target_feature_masked': target_feature_masked,
        'other_goals': other_goals,
        'other_pos': other_pos,
        'edge_index': edge_index,
    }
    inp.update(params)
    return inp


def _sage(h, src, dst, Wl, bl, Wr):
    msgs = jnp.take(h, src, axis=0)
    agg = jax.ops.segment_sum(msgs, dst, num_segments=N)
    deg = jax.ops.segment_sum(jnp.ones((src.shape[0],), h.dtype), dst, num_segments=N)
    agg = agg / jnp.clip(deg, 1.0)[:, None]
    return agg @ Wl.T + bl + h @ Wr.T


def _layernorm(h, g, b):
    m = jnp.mean(h, axis=-1, keepdims=True)
    v = jnp.var(h, axis=-1, keepdims=True)
    return (h - m) / jnp.sqrt(v + 1e-5) * g + b


def _neighbor_mask(edge_index):
    src = edge_index[0]
    dst = edge_index[1]
    mask = jnp.zeros((N, OUT), jnp.float32)
    mask = mask.at[dst, src].set(1.0, mode='drop')
    mask = mask.at[src, dst].set(1.0, mode='drop')
    diag = jnp.arange(min(N, OUT))
    mask = mask.at[diag, diag].set(1.0)
    return mask


def reference(x, start_feature_masked, target_feature_masked, other_goals, other_pos, edge_index,
              conv1_Wl, conv1_bl, conv1_Wr, conv2_Wl, conv2_bl, conv2_Wr,
              conv3_Wl, conv3_bl, conv3_Wr, fc_W, fc_b, ln1_g, ln1_b, ln2_g, ln2_b):
    src, dst = edge_index[0], edge_index[1]
    h = jnp.concatenate([x, start_feature_masked, target_feature_masked, other_goals, other_pos], axis=1)
    h = jax.nn.relu(_sage(h, src, dst, conv1_Wl, conv1_bl, conv1_Wr))
    h = _layernorm(h, ln1_g, ln1_b)
    target = jnp.argmax(jnp.any(target_feature_masked != 0, axis=1))
    target_node_feature = jnp.broadcast_to(h[target][None, :], (h.shape[0], h.shape[1]))
    h = jnp.concatenate([h, target_node_feature], axis=1)
    h = jax.nn.relu(_sage(h, src, dst, conv2_Wl, conv2_bl, conv2_Wr))
    h = _layernorm(h, ln2_g, ln2_b)
    h = jax.nn.relu(_sage(h, src, dst, conv3_Wl, conv3_bl, conv3_Wr))
    logits = h @ fc_W.T + fc_b
    probabilities = jax.nn.softmax(logits, axis=1)
    mask = _neighbor_mask(edge_index)
    masked = probabilities * mask
    s = jnp.sum(masked, axis=1, keepdims=True)
    safe = jnp.where(s > 0, s, 1.0)
    masked_probabilities = jnp.where(s > 0, masked / safe, masked)
    return masked_probabilities

if __name__ == "__main__":
    import jax
    _d = setup_inputs()
    print(jax.jit(kernel)(*tuple(_d.values())))

</pallas_src>

<mosaic_0001>
#map = affine_map<(d0, d1) -> (0)>
#map1 = affine_map<(d0, d1) -> (0, 0)>
#map2 = affine_map<(d0, d1) -> (0, 0, 0)>
module attributes {stable_mosaic.version = 14 : i64} {
  func.func @_deg_body(%arg0: i32, %arg1: i32, %arg2: memref<160000xi32, #tpu.memory_space<hbm>>, %arg3: memref<160000xi32, #tpu.memory_space<hbm>>, %arg4: memref<640x128xf32, #tpu.memory_space<hbm>>, %arg5: memref<200x128xf32, #tpu.memory_space<hbm>>, %arg6: memref<2x10240x128xf32, #tpu.memory_space<hbm>>, %arg7: memref<200xi32, #tpu.memory_space<vmem>>, %arg8: memref<200x128xf32, #tpu.memory_space<vmem>>, %arg9: memref<10240x128xf32, #tpu.memory_space<vmem_shared>>) attributes {dimension_semantics = [#tpu.dimension_semantics<core_parallel>, #tpu.dimension_semantics<subcore_parallel>], iteration_bounds = array<i64: 2, 16>, scalar_prefetch = 0 : i64, scratch_operands = 3 : i64, tpu.core_type = #tpu.core_type<sc_vector_subcore>, window_params = [{transform_indices = #map}, {transform_indices = #map}, {transform_indices = #map1}, {transform_indices = #map1}, {transform_indices = #map2}]} {
    "tpu.region"() ({
      %run_scoped3A = tpu.sem_alloc : memref<!tpu.dma_semaphore, #tpu.memory_space<semaphore_mem>>
      tpu.enqueue_dma source(%arg5 : memref<200x128xf32, #tpu.memory_space<hbm>>) target(%arg8 : memref<200x128xf32, #tpu.memory_space<vmem>>) target_semaphore(%run_scoped3A : memref<!tpu.dma_semaphore, #tpu.memory_space<semaphore_mem>>)
      tpu.wait_dma2 semaphore(%run_scoped3A : memref<!tpu.dma_semaphore, #tpu.memory_space<semaphore_mem>>) src(%arg5 : memref<200x128xf32, #tpu.memory_space<hbm>>) dst(%arg8 : memref<200x128xf32, #tpu.memory_space<vmem>>)
      tpu.yield
    }) : () -> ()
    %mul3A = arith.constant 640 : i32
    %mul3A_0 = arith.muli %arg1, %mul3A : i32
    "tpu.region"() ({
      %run_scoped3A = tpu.sem_alloc : memref<!tpu.dma_semaphore, #tpu.memory_space<semaphore_mem>>
      %dma_start3A = arith.constant 0 : i32
      %dma_start3A_14 = tpu.memref_slice %arg9[%mul3A_0, %dma_start3A] : memref<10240x128xf32, #tpu.memory_space<vmem_shared>> -> memref<640x128xf32, #tpu.memory_space<vmem_shared>>
      tpu.enqueue_dma source(%arg4 : memref<640x128xf32, #tpu.memory_space<hbm>>) target(%dma_start3A_14 : memref<640x128xf32, #tpu.memory_space<vmem_shared>>) target_semaphore(%run_scoped3A : memref<!tpu.dma_semaphore, #tpu.memory_space<semaphore_mem>>)
      %dma_wait3A = arith.constant 0 : i32
      %dma_wait3A_15 = tpu.memref_slice %arg9[%mul3A_0, %dma_wait3A] : memref<10240x128xf32, #tpu.memory_space<vmem_shared>> -> memref<640x128xf32, #tpu.memory_space<vmem_shared>>
      tpu.wait_dma2 semaphore(%run_scoped3A : memref<!tpu.dma_semaphore, #tpu.memory_space<semaphore_mem>>) src(%arg4 : memref<640x128xf32, #tpu.memory_space<hbm>>) dst(%dma_wait3A_15 : memref<640x128xf32, #tpu.memory_space<vmem_shared>>)
      tpu.yield
    }) : () -> ()
    %barrier3A = arith.constant 0 : index
    tpu.barrier barrier_id(%barrier3A)
    %mul3A_1 = arith.constant 80000 : i32
    %mul3A_2 = arith.muli %arg0, %mul3A_1 : i32
    %mul3A_3 = arith.constant 5000 : i32
    %mul3A_4 = arith.muli %arg1, %mul3A_3 : i32
    %add3A = arith.addi %mul3A_2, %mul3A_4 : i32
    %scan3A = arith.constant 0 : i32
    %scan3A_5 = arith.constant 25 : i32
    %scan3A_6 = arith.addi %scan3A, %scan3A_5 : i32
    %scan3A_7 = arith.constant 1 : i32
    scf.for %scan3A_14 = %scan3A to %scan3A_6 step %scan3A_7  : i32 {
      %mul3A_15 = arith.constant 200 : i32
      %mul3A_16 = arith.muli %scan3A_14, %mul3A_15 : i32
      %add3A_17 = arith.addi %add3A, %mul3A_16 : i32
      "tpu.region"() ({
        %run_scoped3A = tpu.sem_alloc : memref<!tpu.dma_semaphore, #tpu.memory_space<semaphore_mem>>
        %dma_start3A = tpu.memref_slice %arg3[%add3A_17] : memref<160000xi32, #tpu.memory_space<hbm>> -> memref<200xi32, #tpu.memory_space<hbm>>
        %dma_start3A_18 = tpu.memref_slice %arg3[%add3A_17] : memref<160000xi32, #tpu.memory_space<hbm>> -> memref<200xi32, #tpu.memory_space<hbm>>
        tpu.enqueue_dma source(%dma_start3A_18 : memref<200xi32, #tpu.memory_space<hbm>>) target(%arg7 : memref<200xi32, #tpu.memory_space<vmem>>) target_semaphore(%run_scoped3A : memref<!tpu.dma_semaphore, #tpu.memory_space<semaphore_mem>>)
        %dma_wait3A = tpu.memref_slice %arg3[%add3A_17] : memref<160000xi32, #tpu.memory_space<hbm>> -> memref<200xi32, #tpu.memory_space<hbm>>
        %dma_wait3A_19 = tpu.memref_slice %arg3[%add3A_17] : memref<160000xi32, #tpu.memory_space<hbm>> -> memref<200xi32, #tpu.memory_space<hbm>>
        tpu.wait_dma2 semaphore(%run_scoped3A : memref<!tpu.dma_semaphore, #tpu.memory_space<semaphore_mem>>) src(%dma_wait3A_19 : memref<200xi32, #tpu.memory_space<hbm>>) dst(%arg7 : memref<200xi32, #tpu.memory_space<vmem>>)
        tpu.yield
      }) : () -> ()
      "tpu.region"() ({
        %run_scoped3A = tpu.sem_alloc : memref<!tpu.dma_semaphore, #tpu.memory_space<semaphore_mem>>
        %dma_start3A = arith.constant 0 : i32
        %dma_start3A_18 = arith.constant 0 : i32
        %dma_start3A_19 = tpu.memref_slice %arg9[%dma_start3A, %dma_start3A_18] : memref<10240x128xf32, #tpu.memory_space<vmem_shared>> -> memref<10240x128xf32, #tpu.memory_space<vmem_shared>>
        tpu.enqueue_indirect_dma source(%arg8 : memref<200x128xf32, #tpu.memory_space<vmem>>) target(%dma_start3A_19 : memref<10240x128xf32, #tpu.memory_space<vmem_shared>>) offsets(%arg7 : memref<200xi32, #tpu.memory_space<vmem>>) semaphore(%run_scoped3A : memref<!tpu.dma_semaphore, #tpu.memory_space<semaphore_mem>>) {add = true}
        %dma_wait3A = arith.constant 0 : i32
        %dma_wait3A_20 = arith.constant 0 : i32
        %dma_wait3A_21 = tpu.memref_slice %arg9[%dma_wait3A, %dma_wait3A_20] : memref<10240x128xf32, #tpu.memory_space<vmem_shared>> -> memref<10240x128xf32, #tpu.memory_space<vmem_shared>>
        tpu.wait_indirect_dma semaphore(%run_scoped3A : memref<!tpu.dma_semaphore, #tpu.memory_space<semaphore_mem>>) src(%arg8 : memref<200x128xf32, #tpu.memory_space<vmem>>) dst(%dma_wait3A_21 : memref<10240x128xf32, #tpu.memory_space<vmem_shared>>)
        tpu.yield
      }) : () -> ()
    }
    %scan3A_8 = arith.constant 25 : i32
    %barrier3A_9 = arith.constant 0 : index
    tpu.barrier barrier_id(%barrier3A_9)
    %mul3A_10 = arith.constant 640 : i32
    %mul3A_11 = arith.muli %arg1, %mul3A_10 : i32
    %mul3A_12 = arith.constant 640 : i32
    %mul3A_13 = arith.muli %arg1, %mul3A_12 : i32
    "tpu.region"() ({
      %run_scoped3A = tpu.sem_alloc : memref<!tpu.dma_semaphore, #tpu.memory_space<semaphore_mem>>
      %dma_start3A = arith.constant 0 : i32
      %dma_start3A_14 = tpu.memref_slice %arg6[%arg0, %mul3A_13, %dma_start3A] : memref<2x10240x128xf32, #tpu.memory_space<hbm>> -> memref<1x640x128xf32, #tpu.memory_space<hbm>>
      %dma_start3A_15 = tpu.memref_squeeze %dma_start3A_14 : memref<1x640x128xf32, #tpu.memory_space<hbm>> -> memref<640x128xf32, #tpu.memory_space<hbm>>
      %dma_start3A_16 = arith.constant 0 : i32
      %dma_start3A_17 = tpu.memref_slice %arg9[%mul3A_11, %dma_start3A_16] : memref<10240x128xf32, #tpu.memory_space<vmem_shared>> -> memref<640x128xf32, #tpu.memory_space<vmem_shared>>
      tpu.enqueue_dma source(%dma_start3A_17 : memref<640x128xf32, #tpu.memory_space<vmem_shared>>) target(%dma_start3A_15 : memref<640x128xf32, #tpu.memory_space<hbm>>) target_semaphore(%run_scoped3A : memref<!tpu.dma_semaphore, #tpu.memory_space<semaphore_mem>>)
      %dma_wait3A = arith.constant 0 : i32
      %dma_wait3A_18 = tpu.memref_slice %arg6[%arg0, %mul3A_13, %dma_wait3A] : memref<2x10240x128xf32, #tpu.memory_space<hbm>> -> memref<1x640x128xf32, #tpu.memory_space<hbm>>
      %dma_wait3A_19 = tpu.memref_squeeze %dma_wait3A_18 : memref<1x640x128xf32, #tpu.memory_space<hbm>> -> memref<640x128xf32, #tpu.memory_space<hbm>>
      %dma_wait3A_20 = arith.constant 0 : i32
      %dma_wait3A_21 = tpu.memref_slice %arg9[%mul3A_11, %dma_wait3A_20] : memref<10240x128xf32, #tpu.memory_space<vmem_shared>> -> memref<640x128xf32, #tpu.memory_space<vmem_shared>>
      tpu.wait_dma2 semaphore(%run_scoped3A : memref<!tpu.dma_semaphore, #tpu.memory_space<semaphore_mem>>) src(%dma_wait3A_21 : memref<640x128xf32, #tpu.memory_space<vmem_shared>>) dst(%dma_wait3A_19 : memref<640x128xf32, #tpu.memory_space<hbm>>)
      tpu.yield
    }) : () -> ()
    return
  }
}

#map = affine_map<(d0, d1) -> (0)>
module attributes {stable_mosaic.version = 14 : i64} {
  func.func @_mask_body(%arg0: i32, %arg1: i32, %arg2: memref<160000xi32, #tpu.memory_space<hbm>>, %arg3: memref<160000xi32, #tpu.memory_space<hbm>>, %arg4: memref<8192xf32, #tpu.memory_space<hbm>>, %arg5: memref<4096xf32, #tpu.memory_space<hbm>>, %arg6: memref<20971520xf32, #tpu.memory_space<hbm>>, %arg7: memref<20480xi32, #tpu.memory_space<vmem>>, %arg8: memref<4096xi32, #tpu.memory_space<vmem>>, %arg9: memref<4096xi32, #tpu.memory_space<vmem>>, %arg10: memref<8192xf32, #tpu.memory_space<vmem>>, %arg11: memref<4096xf32, #tpu.memory_space<vmem>>, %arg12: memref<1312768xf32, #tpu.memory_space<vmem_shared>>, %arg13: memref<!tpu.dma_semaphore, #tpu.memory_space<semaphore_mem>>) attributes {dimension_semantics = [#tpu.dimension_semantics<core_parallel>, #tpu.dimension_semantics<subcore_parallel>], iteration_bounds = array<i64: 2, 16>, scalar_prefetch = 0 : i64, scratch_operands = 7 : i64, tpu.core_type = #tpu.core_type<sc_vector_subcore>, window_params = [{transform_indices = #map}, {transform_indices = #map}, {transform_indices = #map}, {transform_indices = #map}, {transform_indices = #map}]} {
    "tpu.region"() ({
      %run_scoped3A = tpu.sem_alloc : memref<!tpu.dma_semaphore, #tpu.memory_space<semaphore_mem>>
      tpu.enqueue_dma source(%arg4 : memref<8192xf32, #tpu.memory_space<hbm>>) target(%arg10 : memref<8192xf32, #tpu.memory_space<vmem>>) target_semaphore(%run_scoped3A : memref<!tpu.dma_semaphore, #tpu.memory_space<semaphore_mem>>)
      tpu.wait_dma2 semaphore(%run_scoped3A : memref<!tpu.dma_semaphore, #tpu.memory_space<semaphore_mem>>) src(%arg4 : memref<8192xf32, #tpu.memory_space<hbm>>) dst(%arg10 : memref<8192xf32, #tpu.memory_space<vmem>>)
      tpu.yield
    }) : () -> ()
    "tpu.region"() ({
      %run_scoped3A = tpu.sem_alloc : memref<!tpu.dma_semaphore, #tpu.memory_space<semaphore_mem>>
      tpu.enqueue_dma source(%arg5 : memref<4096xf32, #tpu.memory_space<hbm>>) target(%arg11 : memref<4096xf32, #tpu.memory_space<vmem>>) target_semaphore(%run_scoped3A : memref<!tpu.dma_semaphore, #tpu.memory_space<semaphore_mem>>)
      tpu.wait_dma2 semaphore(%run_scoped3A : memref<!tpu.dma_semaphore, #tpu.memory_space<semaphore_mem>>) src(%arg5 : memref<4096xf32, #tpu.memory_space<hbm>>) dst(%arg11 : memref<4096xf32, #tpu.memory_space<vmem>>)
      tpu.yield
    }) : () -> ()
    %mul3A = arith.constant 10000 : i32
    %mul3A_0 = arith.muli %arg1, %mul3A : i32
    "tpu.region"() ({
      %run_scoped3A = tpu.sem_alloc : memref<!tpu.dma_semaphore, #tpu.memory_space<semaphore_mem>>
      %dma_start3A = arith.constant 0 : i32
      %dma_start3A_190 = tpu.memref_slice %arg7[%dma_start3A] : memref<20480xi32, #tpu.memory_space<vmem>> -> memref<10000xi32, #tpu.memory_space<vmem>>
      %dma_start3A_191 = tpu.memref_slice %arg2[%mul3A_0] : memref<160000xi32, #tpu.memory_space<hbm>> -> memref<10000xi32, #tpu.memory_space<hbm>>
      %dma_start3A_192 = arith.constant 0 : i32
      %dma_start3A_193 = tpu.memref_slice %arg7[%dma_start3A_192] : memref<20480xi32, #tpu.memory_space<vmem>> -> memref<10000xi32, #tpu.memory_space<vmem>>
      %dma_start3A_194 = tpu.memref_slice %arg2[%mul3A_0] : memref<160000xi32, #tpu.memory_space<hbm>> -> memref<10000xi32, #tpu.memory_space<hbm>>
      tpu.enqueue_dma source(%dma_start3A_194 : memref<10000xi32, #tpu.memory_space<hbm>>) target(%dma_start3A_193 : memref<10000xi32, #tpu.memory_space<vmem>>) target_semaphore(%run_scoped3A : memref<!tpu.dma_semaphore, #tpu.memory_space<semaphore_mem>>)
      %dma_wait3A = arith.constant 0 : i32
      %dma_wait3A_195 = tpu.memref_slice %arg7[%dma_wait3A] : memref<20480xi32, #tpu.memory_space<vmem>> -> memref<10000xi32, #tpu.memory_space<vmem>>
      %dma_wait3A_196 = tpu.memref_slice %arg2[%mul3A_0] : memref<160000xi32, #tpu.memory_space<hbm>> -> memref<10000xi32, #tpu.memory_space<hbm>>
      %dma_wait3A_197 = arith.constant 0 : i32
      %dma_wait3A_198 = tpu.memref_slice %arg7[%dma_wait3A_197] : memref<20480xi32, #tpu.memory_space<vmem>> -> memref<10000xi32, #tpu.memory_space<vmem>>
      %dma_wait3A_199 = tpu.memref_slice %arg2[%mul3A_0] : memref<160000xi32, #tpu.memory_space<hbm>> -> memref<10000xi32, #tpu.memory_space<hbm>>
      tpu.wait_dma2 semaphore(%run_scoped3A : memref<!tpu.dma_semaphore, #tpu.memory_space<semaphore_mem>>) src(%dma_wait3A_199 : memref<10000xi32, #tpu.memory_space<hbm>>) dst(%dma_wait3A_198 : memref<10000xi32, #tpu.memory_space<vmem>>)
      tpu.yield
    }) : () -> ()
    %mul3A_1 = arith.constant 10000 : i32
    %mul3A_2 = arith.muli %arg1, %mul3A_1 : i32
    "tpu.region"() ({
      %run_scoped3A = tpu.sem_alloc : memref<!tpu.dma_semaphore, #tpu.memory_space<semaphore_mem>>
      %dma_start3A = arith.constant 10240 : i32
      %dma_start3A_190 = tpu.memref_slice %arg7[%dma_start3A] : memref<20480xi32, #tpu.memory_space<vmem>> -> memref<10000xi32, #tpu.memory_space<vmem>>
      %dma_start3A_191 = tpu.memref_slice %arg3[%mul3A_2] : memref<160000xi32, #tpu.memory_space<hbm>> -> memref<10000xi32, #tpu.memory_space<hbm>>
      %dma_start3A_192 = arith.constant 10240 : i32
      %dma_start3A_193 = tpu.memref_slice %arg7[%dma_start3A_192] : memref<20480xi32, #tpu.memory_space<vmem>> -> memref<10000xi32, #tpu.memory_space<vmem>>
      %dma_start3A_194 = tpu.memref_slice %arg3[%mul3A_2] : memref<160000xi32, #tpu.memory_space<hbm>> -> memref<10000xi32, #tpu.memory_space<hbm>>
      tpu.enqueue_dma source(%dma_start3A_194 : memref<10000xi32, #tpu.memory_space<hbm>>) target(%dma_start3A_193 : memref<10000xi32, #tpu.memory_space<vmem>>) target_semaphore(%run_scoped3A : memref<!tpu.dma_semaphore, #tpu.memory_space<semaphore_mem>>)
      %dma_wait3A = arith.constant 10240 : i32
      %dma_wait3A_195 = tpu.memref_slice %arg7[%dma_wait3A] : memref<20480xi32, #tpu.memory_space<vmem>> -> memref<10000xi32, #tpu.memory_space<vmem>>
      %dma_wait3A_196 = tpu.memref_slice %arg3[%mul3A_2] : memref<160000xi32, #tpu.memory_space<hbm>> -> memref<10000xi32, #tpu.memory_space<hbm>>
      %dma_wait3A_197 = arith.constant 10240 : i32
      %dma_wait3A_198 = tpu.memref_slice %arg7[%dma_wait3A_197] : memref<20480xi32, #tpu.memory_space<vmem>> -> memref<10000xi32, #tpu.memory_space<vmem>>
      %dma_wait3A_199 = tpu.memref_slice %arg3[%mul3A_2] : memref<160000xi32, #tpu.memory_space<hbm>> -> memref<10000xi32, #tpu.memory_space<hbm>>
      tpu.wait_dma2 semaphore(%run_scoped3A : memref<!tpu.dma_semaphore, #tpu.memory_space<semaphore_mem>>) src(%dma_wait3A_199 : memref<10000xi32, #tpu.memory_space<hbm>>) dst(%dma_wait3A_198 : memref<10000xi32, #tpu.memory_space<vmem>>)
      tpu.yield
    }) : () -> ()
    %scan3A = arith.constant 0 : i32
    %scan3A_3 = arith.constant 125 : i32
    %scan3A_4 = arith.addi %scan3A, %scan3A_3 : i32
    %scan3A_5 = arith.constant 1 : i32
    scf.for %scan3A_190 = %scan3A to %scan3A_4 step %scan3A_5  : i32 {
      %mul3A_191 = arith.constant 5 : i32
      %mul3A_192 = arith.muli %scan3A_190, %mul3A_191 : i32
      %add3A = arith.constant 0 : i32
      %add3A_193 = arith.addi %mul3A_192, %add3A : i32
      %mul3A_194 = arith.constant 16 : i32
      %mul3A_195 = arith.muli %add3A_193, %mul3A_194 : i32
      %get3A = arith.index_cast %mul3A_195 : i32 to index
      %get3A_196 = tpu.vector_load %arg7[%get3A] {strides = array<i32>} : memref<20480xi32, #tpu.memory_space<vmem>>, vector<16xi32>,
      %get3A_197 = vector.shape_cast %get3A_196 : vector<16xi32> to vector<16xi32>
      %add3A_198 = arith.constant 10240 : i32
      %add3A_199 = arith.addi %add3A_198, %mul3A_195 : i32
      %get3A_200 = arith.index_cast %add3A_199 : i32 to index
      %get3A_201 = tpu.vector_load %arg7[%get3A_200] {strides = array<i32>} : memref<20480xi32, #tpu.memory_space<vmem>>, vector<16xi32>,
      %get3A_202 = vector.shape_cast %get3A_201 : vector<16xi32> to vector<16xi32>
      %lt3A = arith.constant 2048 : i32
      %lt3A_203 = vector.broadcast %lt3A : i32 to vector<16xi32>
      %lt3A_204 = arith.cmpi slt, %get3A_197, %lt3A_203 : vector<16xi32>
      %mul3A_205 = arith.constant 2048 : i32
      %mul3A_206 = vector.broadcast %mul3A_205 : i32 to vector<16xi32>
      %mul3A_207 = arith.muli %get3A_202, %mul3A_206 : vector<16xi32>
      %add3A_208 = arith.addi %mul3A_207, %get3A_197 : vector<16xi32>
      %jit3A = arith.constant 1073741824 : i32
      %broadcast_in_dim3A_209 = vector.broadcast %jit3A : i32 to vector<16xi32>
      %select_n3A = arith.select %lt3A_204, %add3A_208, %broadcast_in_dim3A_209 : vector<16xi1>, vector<16xi32>
      %swap3A_210 = arith.index_cast %mul3A_195 : i32 to index
      %swap3A_211 = tpu.vector_load %arg7[%swap3A_210] {strides = array<i32>} : memref<20480xi32, #tpu.memory_space<vmem>>, vector<16xi32>,
      %swap3A_212 = vector.shape_cast %swap3A_211 : vector<16xi32> to vector<16xi32>
      %swap3A_213 = vector.shape_cast %select_n3A : vector<16xi32> to vector<16xi32>
      tpu.vector_store %arg7[%swap3A_210], %swap3A_213 {strides = array<i32>} : memref<20480xi32, #tpu.memory_space<vmem>>, vector<16xi32>,
      %lt3A_214 = arith.constant 2048 : i32
      %lt3A_215 = vector.broadcast %lt3A_214 : i32 to vector<16xi32>
      %lt3A_216 = arith.cmpi slt, %get3A_202, %lt3A_215 : vector<16xi32>
      %mul3A_217 = arith.constant 2048 : i32
      %mul3A_218 = vector.broadcast %mul3A_217 : i32 to vector<16xi32>
      %mul3A_219 = arith.muli %get3A_197, %mul3A_218 : vector<16xi32>
      %add3A_220 = arith.addi %mul3A_219, %get3A_202 : vector<16xi32>
      %jit3A_221 = arith.constant 1073741824 : i32
      %broadcast_in_dim3A_222 = vector.broadcast %jit3A_221 : i32 to vector<16xi32>
      %select_n3A_223 = arith.select %lt3A_216, %add3A_220, %broadcast_in_dim3A_222 : vector<16xi1>, vector<16xi32>
      %add3A_224 = arith.constant 10240 : i32
      %add3A_225 = arith.addi %add3A_224, %mul3A_195 : i32
      %swap3A_226 = arith.index_cast %add3A_225 : i32 to index
      %swap3A_227 = tpu.vector_load %arg7[%swap3A_226] {strides = array<i32>} : memref<20480xi32, #tpu.memory_space<vmem>>, vector<16xi32>,
      %swap3A_228 = vector.shape_cast %swap3A_227 : vector<16xi32> to vector<16xi32>
      %swap3A_229 = vector.shape_cast %select_n3A_223 : vector<16xi32> to vector<16xi32>
      tpu.vector_store %arg7[%swap3A_226], %swap3A_229 {strides = array<i32>} : memref<20480xi32, #tpu.memory_space<vmem>>, vector<16xi32>,
      %mul3A_230 = arith.constant 5 : i32
      %mul3A_231 = arith.muli %scan3A_190, %mul3A_230 : i32
      %add3A_232 = arith.constant 1 : i32
      %add3A_233 = arith.addi %mul3A_231, %add3A_232 : i32
      %mul3A_234 = arith.constant 16 : i32
      %mul3A_235 = arith.muli %add3A_233, %mul3A_234 : i32
      %get3A_236 = arith.index_cast %mul3A_235 : i32 to index
      %get3A_237 = tpu.vector_load %arg7[%get3A_236] {strides = array<i32>} : memref<20480xi32, #tpu.memory_space<vmem>>, vector<16xi32>,
      %get3A_238 = vector.shape_cast %get3A_237 : vector<16xi32> to vector<16xi32>
      %add3A_239 = arith.constant 10240 : i32
      %add3A_240 = arith.addi %add3A_239, %mul3A_235 : i32
      %get3A_241 = arith.index_cast %add3A_240 : i32 to index
      %get3A_242 = tpu.vector_load %arg7[%get3A_241] {strides = array<i32>} : memref<20480xi32, #tpu.memory_space<vmem>>, vector<16xi32>,
      %get3A_243 = vector.shape_cast %get3A_242 : vector<16xi32> to vector<16xi32>
      %lt3A_244 = arith.constant 2048 : i32
      %lt3A_245 = vector.broadcast %lt3A_244 : i32 to vector<16xi32>
      %lt3A_246 = arith.cmpi slt, %get3A_238, %lt3A_245 : vector<16xi32>
      %mul3A_247 = arith.constant 2048 : i32
      %mul3A_248 = vector.broadcast %mul3A_247 : i32 to vector<16xi32>
      %mul3A_249 = arith.muli %get3A_243, %mul3A_248 : vector<16xi32>
      %add3A_250 = arith.addi %mul3A_249, %get3A_238 : vector<16xi32>
      %jit3A_251 = arith.constant 1073741824 : i32
      %broadcast_in_dim3A_252 = vector.broadcast %jit3A_251 : i32 to vector<16xi32>
      %select_n3A_253 = arith.select %lt3A_246, %add3A_250, %broadcast_in_dim3A_252 : vector<16xi1>, vector<16xi32>
      %swap3A_254 = arith.index_cast %mul3A_235 : i32 to index
      %swap3A_255 = tpu.vector_load %arg7[%swap3A_254] {strides = array<i32>} : memref<20480xi32, #tpu.memory_space<vmem>>, vector<16xi32>,
      %swap3A_256 = vector.shape_cast %swap3A_255 : vector<16xi32> to vector<16xi32>
      %swap3A_257 = vector.shape_cast %select_n3A_253 : vector<16xi32> to vector<16xi32>
      tpu.vector_store %arg7[%swap3A_254], %swap3A_257 {strides = array<i32>} : memref<20480xi32, #tpu.memory_space<vmem>>, vector<16xi32>,
      %lt3A_258 = arith.constant 2048 : i32
      %lt3A_259 = vector.broadcast %lt3A_258 : i32 to vector<16xi32>
      %lt3A_260 = arith.cmpi slt, %get3A_243, %lt3A_259 : vector<16xi32>
      %mul3A_261 = arith.constant 2048 : i32
      %mul3A_262 = vector.broadcast %mul3A_261 : i32 to vector<16xi32>
      %mul3A_263 = arith.muli %get3A_238, %mul3A_262 : vector<16xi32>
      %add3A_264 = arith.addi %mul3A_263, %get3A_243 : vector<16xi32>
      %jit3A_265 = arith.constant 1073741824 : i32
      %broadcast_in_dim3A_266 = vector.broadcast %jit3A_265 : i32 to vector<16xi32>
      %select_n3A_267 = arith.select %lt3A_260, %add3A_264, %broadcast_in_dim3A_266 : vector<16xi1>, vector<16xi32>
      %add3A_268 = arith.constant 10240 : i32
      %add3A_269 = arith.addi %add3A_268, %mul3A_235 : i32
      %swap3A_270 = arith.index_cast %add3A_269 : i32 to index
      %swap3A_271 = tpu.vector_load %arg7[%swap3A_270] {strides = array<i32>} : memref<20480xi32, #tpu.memory_space<vmem>>, vector<16xi32>,
      %swap3A_272 = vector.shape_cast %swap3A_271 : vector<16xi32> to vector<16xi32>
      %swap3A_273 = vector.shape_cast %select_n3A_267 : vector<16xi32> to vector<16xi32>
      tpu.vector_store %arg7[%swap3A_270], %swap3A_273 {strides = array<i32>} : memref<20480xi32, #tpu.memory_space<vmem>>, vector<16xi32>,
      %mul3A_274 = arith.constant 5 : i32
      %mul3A_275 = arith.muli %scan3A_190, %mul3A_274 : i32
      %add3A_276 = arith.constant 2 : i32
      %add3A_277 = arith.addi %mul3A_275, %add3A_276 : i32
      %mul3A_278 = arith.constant 16 : i32
      %mul3A_279 = arith.muli %add3A_277, %mul3A_278 : i32
      %get3A_280 = arith.index_cast %mul3A_279 : i32 to index
      %get3A_281 = tpu.vector_load %arg7[%get3A_280] {strides = array<i32>} : memref<20480xi32, #tpu.memory_space<vmem>>, vector<16xi32>,
      %get3A_282 = vector.shape_cast %get3A_281 : vector<16xi32> to vector<16xi32>
      %add3A_283 = arith.constant 10240 : i32
      %add3A_284 = arith.addi %add3A_283, %mul3A_279 : i32
      %get3A_285 = arith.index_cast %add3A_284 : i32 to index
      %get3A_286 = tpu.vector_load %arg7[%get3A_285] {strides = array<i32>} : memref<20480xi32, #tpu.memory_space<vmem>>, vector<16xi32>,
      %get3A_287 = vector.shape_cast %get3A_286 : vector<16xi32> to vector<16xi32>
      %lt3A_288 = arith.constant 2048 : i32
      %lt3A_289 = vector.broadcast %lt3A_288 : i32 to vector<16xi32>
      %lt3A_290 = arith.cmpi slt, %get3A_282, %lt3A_289 : vector<16xi32>
      %mul3A_291 = arith.constant 2048 : i32
      %mul3A_292 = vector.broadcast %mul3A_291 : i32 to vector<16xi32>
      %mul3A_293 = arith.muli %get3A_287, %mul3A_292 : vector<16xi32>
      %add3A_294 = arith.addi %mul3A_293, %get3A_282 : vector<16xi32>
      %jit3A_295 = arith.constant 1073741824 : i32
      %broadcast_in_dim3A_296 = vector.broadcast %jit3A_295 : i32 to vector<16xi32>
      %select_n3A_297 = arith.select %lt3A_290, %add3A_294, %broadcast_in_dim3A_296 : vector<16xi1>, vector<16xi32>
      %swap3A_298 = arith.index_cast %mul3A_279 : i32 to index
      %swap3A_299 = tpu.vector_load %arg7[%swap3A_298] {strides = array<i32>} : memref<20480xi32, #tpu.memory_space<vmem>>, vector<16xi32>,
      %swap3A_300 = vector.shape_cast %swap3A_299 : vector<16xi32> to vector<16xi32>
      %swap3A_301 = vector.shape_cast %select_n3A_297 : vector<16xi32> to vector<16xi32>
      tpu.vector_store %arg7[%swap3A_298], %swap3A_301 {strides = array<i32>} : memref<20480xi32, #tpu.memory_space<vmem>>, vector<16xi32>,
      %lt3A_302 = arith.constant 2048 : i32
      %lt3A_303 = vector.broadcast %lt3A_302 : i32 to vector<16xi32>
      %lt3A_304 = arith.cmpi slt, %get3A_287, %lt3A_303 : vector<16xi32>
      %mul3A_305 = arith.constant 2048 : i32
      %mul3A_306 = vector.broadcast %mul3A_305 : i32 to vector<16xi32>
      %mul3A_307 = arith.muli %get3A_282, %mul3A_306 : vector<16xi32>
      %add3A_308 = arith.addi %mul3A_307, %get3A_287 : vector<16xi32>
      %jit3A_309 = arith.constant 1073741824 : i32
      %broadcast_in_dim3A_310 = vector.broadcast %jit3A_309 : i32 to vector<16xi32>
      %select_n3A_311 = arith.select %lt3A_304, %add3A_308, %broadcast_in_dim3A_310 : vector<16xi1>, vector<16xi32>
      %add3A_312 = arith.constant 10240 : i32
      %add3A_313 = arith.addi %add3A_312, %mul3A_279 : i32
      %swap3A_314 = arith.index_cast %add3A_313 : i32 to index
      %swap3A_315 = tpu.vector_load %arg7[%swap3A_314] {strides = array<i32>} : memref<20480xi32, #tpu.memory_space<vmem>>, vector<16xi32>,
      %swap3A_316 = vector.shape_cast %swap3A_315 : vector<16xi32> to vector<16xi32>
      %swap3A_317 = vector.shape_cast %select_n3A_311 : vector<16xi32> to vector<16xi32>
      tpu.vector_store %arg7[%swap3A_314], %swap3A_317 {strides = array<i32>} : memref<20480xi32, #tpu.memory_space<vmem>>, vector<16xi32>,
      %mul3A_318 = arith.constant 5 : i32
      %mul3A_319 = arith.muli %scan3A_190, %mul3A_318 : i32
      %add3A_320 = arith.constant 3 : i32
      %add3A_321 = arith.addi %mul3A_319, %add3A_320 : i32
      %mul3A_322 = arith.constant 16 : i32
      %mul3A_323 = arith.muli %add3A_321, %mul3A_322 : i32
      %get3A_324 = arith.index_cast %mul3A_323 : i32 to index
      %get3A_325 = tpu.vector_load %arg7[%get3A_324] {strides = array<i32>} : memref<20480xi32, #tpu.memory_space<vmem>>, vector<16xi32>,
      %get3A_326 = vector.shape_cast %get3A_325 : vector<16xi32> to vector<16xi32>
      %add3A_327 = arith.constant 10240 : i32
      %add3A_328 = arith.addi %add3A_327, %mul3A_323 : i32
      %get3A_329 = arith.index_cast %add3A_328 : i32 to index
      %get3A_330 = tpu.vector_load %arg7[%get3A_329] {strides = array<i32>} : memref<20480xi32, #tpu.memory_space<vmem>>, vector<16xi32>,
      %get3A_331 = vector.shape_cast %get3A_330 : vector<16xi32> to vector<16xi32>
      %lt3A_332 = arith.constant 2048 : i32
      %lt3A_333 = vector.broadcast %lt3A_332 : i32 to vector<16xi32>
      %lt3A_334 = arith.cmpi slt, %get3A_326, %lt3A_333 : vector<16xi32>
      %mul3A_335 = arith.constant 2048 : i32
      %mul3A_336 = vector.broadcast %mul3A_335 : i32 to vector<16xi32>
      %mul3A_337 = arith.muli %get3A_331, %mul3A_336 : vector<16xi32>
      %add3A_338 = arith.addi %mul3A_337, %get3A_326 : vector<16xi32>
      %jit3A_339 = arith.constant 1073741824 : i32
      %broadcast_in_dim3A_340 = vector.broadcast %jit3A_339 : i32 to vector<16xi32>
      %select_n3A_341 = arith.select %lt3A_334, %add3A_338, %broadcast_in_dim3A_340 : vector<16xi1>, vector<16xi32>
      %swap3A_342 = arith.index_cast %mul3A_323 : i32 to index
      %swap3A_343 = tpu.vector_load %arg7[%swap3A_342] {strides = array<i32>} : memref<20480xi32, #tpu.memory_space<vmem>>, vector<16xi32>,
      %swap3A_344 = vector.shape_cast %swap3A_343 : vector<16xi32> to vector<16xi32>
      %swap3A_345 = vector.shape_cast %select_n3A_341 : vector<16xi32> to vector<16xi32>
      tpu.vector_store %arg7[%swap3A_342], %swap3A_345 {strides = array<i32>} : memref<20480xi32, #tpu.memory_space<vmem>>, vector<16xi32>,
      %lt3A_346 = arith.constant 2048 : i32
      %lt3A_347 = vector.broadcast %lt3A_346 : i32 to vector<16xi32>
      %lt3A_348 = arith.cmpi slt, %get3A_331, %lt3A_347 : vector<16xi32>
      %mul3A_349 = arith.constant 2048 : i32
      %mul3A_350 = vector.broadcast %mul3A_349 : i32 to vector<16xi32>
      %mul3A_351 = arith.muli %get3A_326, %mul3A_350 : vector<16xi32>
      %add3A_352 = arith.addi %mul3A_351, %get3A_331 : vector<16xi32>
      %jit3A_353 = arith.constant 1073741824 : i32
      %broadcast_in_dim3A_354 = vector.broadcast %jit3A_353 : i32 to vector<16xi32>
      %select_n3A_355 = arith.select %lt3A_348, %add3A_352, %broadcast_in_dim3A_354 : vector<16xi1>, vector<16xi32>
      %add3A_356 = arith.constant 10240 : i32
      %add3A_357 = arith.addi %add3A_356, %mul3A_323 : i32
      %swap3A_358 = arith.index_cast %add3A_357 : i32 to index
      %swap3A_359 = tpu.vector_load %arg7[%swap3A_358] {strides = array<i32>} : memref<20480xi32, #tpu.memory_space<vmem>>, vector<16xi32>,
      %swap3A_360 = vector.shape_cast %swap3A_359 : vector<16xi32> to vector<16xi32>
      %swap3A_361 = vector.shape_cast %select_n3A_355 : vector<16xi32> to vector<16xi32>
      tpu.vector_store %arg7[%swap3A_358], %swap3A_361 {strides = array<i32>} : memref<20480xi32, #tpu.memory_space<vmem>>, vector<16xi32>,
      %mul3A_362 = arith.constant 5 : i32
      %mul3A_363 = arith.muli %scan3A_190, %mul3A_362 : i32
      %add3A_364 = arith.constant 4 : i32
      %add3A_365 = arith.addi %mul3A_363, %add3A_364 : i32
      %mul3A_366 = arith.constant 16 : i32
      %mul3A_367 = arith.muli %add3A_365, %mul3A_366 : i32
      %get3A_368 = arith.index_cast %mul3A_367 : i32 to index
      %get3A_369 = tpu.vector_load %arg7[%get3A_368] {strides = array<i32>} : memref<20480xi32, #tpu.memory_space<vmem>>, vector<16xi32>,
      %get3A_370 = vector.shape_cast %get3A_369 : vector<16xi32> to vector<16xi32>
      %add3A_371 = arith.constant 10240 : i32
      %add3A_372 = arith.addi %add3A_371, %mul3A_367 : i32
      %get3A_373 = arith.index_cast %add3A_372 : i32 to index
      %get3A_374 = tpu.vector_load %arg7[%get3A_373] {strides = array<i32>} : memref<20480xi32, #tpu.memory_space<vmem>>, vector<16xi32>,
      %get3A_375 = vector.shape_cast %get3A_374 : vector<16xi32> to vector<16xi32>
      %lt3A_376 = arith.constant 2048 : i32
      %lt3A_377 = vector.broadcast %lt3A_376 : i32 to vector<16xi32>
      %lt3A_378 = arith.cmpi slt, %get3A_370, %lt3A_377 : vector<16xi32>
      %mul3A_379 = arith.constant 2048 : i32
      %mul3A_380 = vector.broadcast %mul3A_379 : i32 to vector<16xi32>
      %mul3A_381 = arith.muli %get3A_375, %mul3A_380 : vector<16xi32>
      %add3A_382 = arith.addi %mul3A_381, %get3A_370 : vector<16xi32>
      %jit3A_383 = arith.constant 1073741824 : i32
      %broadcast_in_dim3A_384 = vector.broadcast %jit3A_383 : i32 to vector<16xi32>
      %select_n3A_385 = arith.select %lt3A_378, %add3A_382, %broadcast_in_dim3A_384 : vector<16xi1>, vector<16xi32>
      %swap3A_386 = arith.index_cast %mul3A_367 : i32 to index
      %swap3A_387 = tpu.vector_load %arg7[%swap3A_386] {strides = array<i32>} : memref<20480xi32, #tpu.memory_space<vmem>>, vector<16xi32>,
      %swap3A_388 = vector.shape_cast %swap3A_387 : vector<16xi32> to vector<16xi32>
      %swap3A_389 = vector.shape_cast %select_n3A_385 : vector<16xi32> to vector<16xi32>
      tpu.vector_store %arg7[%swap3A_386], %swap3A_389 {strides = array<i32>} : memref<20480xi32, #tpu.memory_space<vmem>>, vector<16xi32>,
      %lt3A_390 = arith.constant 2048 : i32
      %lt3A_391 = vector.broadcast %lt3A_390 : i32 to vector<16xi32>
      %lt3A_392 = arith.cmpi slt, %get3A_375, %lt3A_391 : vector<16xi32>
      %mul3A_393 = arith.constant 2048 : i32
      %mul3A_394 = vector.broadcast %mul3A_393 : i32 to vector<16xi32>
      %mul3A_395 = arith.muli %get3A_370, %mul3A_394 : vector<16xi32>
      %add3A_396 = arith.addi %mul3A_395, %get3A_375 : vector<16xi32>
      %jit3A_397 = arith.constant 1073741824 : i32
      %broadcast_in_dim3A_398 = vector.broadcast %jit3A_397 : i32 to vector<16xi32>
      %select_n3A_399 = arith.select %lt3A_392, %add3A_396, %broadcast_in_dim3A_398 : vector<16xi1>, vector<16xi32>
      %add3A_400 = arith.constant 10240 : i32
      %add3A_401 = arith.addi %add3A_400, %mul3A_367 : i32
      %swap3A_402 = arith.index_cast %add3A_401 : i32 to index
      %swap3A_403 = tpu.vector_load %arg7[%swap3A_402] {strides = array<i32>} : memref<20480xi32, #tpu.memory_space<vmem>>, vector<16xi32>,
      %swap3A_404 = vector.shape_cast %swap3A_403 : vector<16xi32> to vector<16xi32>
      %swap3A_405 = vector.shape_cast %select_n3A_399 : vector<16xi32> to vector<16xi32>
      tpu.vector_store %arg7[%swap3A_402], %swap3A_405 {strides = array<i32>} : memref<20480xi32, #tpu.memory_space<vmem>>, vector<16xi32>,
    }
    %scan3A_6 = arith.constant 125 : i32
    %broadcast_in_dim3A = arith.constant 1073741824 : i32
    %broadcast_in_dim3A_7 = vector.broadcast %broadcast_in_dim3A : i32 to vector<16xi32>
    %swap3A = arith.constant 10000 : index
    %swap3A_8 = tpu.vector_load %arg7[%swap3A] {strides = array<i32>} : memref<20480xi32, #tpu.memory_space<vmem>>, vector<16xi32>,
    %swap3A_9 = vector.shape_cast %swap3A_8 : vector<16xi32> to vector<16xi32>
    %swap3A_10 = vector.shape_cast %broadcast_in_dim3A_7 : vector<16xi32> to vector<16xi32>
    tpu.vector_store %arg7[%swap3A], %swap3A_10 {strides = array<i32>} : memref<20480xi32, #tpu.memory_space<vmem>>, vector<16xi32>,
    %broadcast_in_dim3A_11 = arith.constant 1073741824 : i32
    %broadcast_in_dim3A_12 = vector.broadcast %broadcast_in_dim3A_11 : i32 to vector<16xi32>
    %swap3A_13 = arith.constant 20240 : index
    %swap3A_14 = tpu.vector_load %arg7[%swap3A_13] {strides = array<i32>} : memref<20480xi32, #tpu.memory_space<vmem>>, vector<16xi32>,
    %swap3A_15 = vector.shape_cast %swap3A_14 : vector<16xi32> to vector<16xi32>
    %swap3A_16 = vector.shape_cast %broadcast_in_dim3A_12 : vector<16xi32> to vector<16xi32>
    tpu.vector_store %arg7[%swap3A_13], %swap3A_16 {strides = array<i32>} : memref<20480xi32, #tpu.memory_space<vmem>>, vector<16xi32>,
    %broadcast_in_dim3A_17 = arith.constant 1073741824 : i32
    %broadcast_in_dim3A_18 = vector.broadcast %broadcast_in_dim3A_17 : i32 to vector<16xi32>
    %swap3A_19 = arith.constant 10016 : index
    %swap3A_20 = tpu.vector_load %arg7[%swap3A_19] {strides = array<i32>} : memref<20480xi32, #tpu.memory_space<vmem>>, vector<16xi32>,
    %swap3A_21 = vector.shape_cast %swap3A_20 : vector<16xi32> to vector<16xi32>
    %swap3A_22 = vector.shape_cast %broadcast_in_dim3A_18 : vector<16xi32> to vector<16xi32>
    tpu.vector_store %arg7[%swap3A_19], %swap3A_22 {strides = array<i32>} : memref<20480xi32, #tpu.memory_space<vmem>>, vector<16xi32>,
    %broadcast_in_dim3A_23 = arith.constant 1073741824 : i32
    %broadcast_in_dim3A_24 = vector.broadcast %broadcast_in_dim3A_23 : i32 to vector<16xi32>
    %swap3A_25 = arith.constant 20256 : index
    %swap3A_26 = tpu.vector_load %arg7[%swap3A_25] {strides = array<i32>} : memref<20480xi32, #tpu.memory_space<vmem>>, vector<16xi32>,
    %swap3A_27 = vector.shape_cast %swap3A_26 : vector<16xi32> to vector<16xi32>
    %swap3A_28 = vector.shape_cast %broadcast_in_dim3A_24 : vector<16xi32> to vector<16xi32>
    tpu.vector_store %arg7[%swap3A_25], %swap3A_28 {strides = array<i32>} : memref<20480xi32, #tpu.memory_space<vmem>>, vector<16xi32>,
    %broadcast_in_dim3A_29 = arith.constant 1073741824 : i32
    %broadcast_in_dim3A_30 = vector.broadcast %broadcast_in_dim3A_29 : i32 to vector<16xi32>
    %swap3A_31 = arith.constant 10032 : index
    %swap3A_32 = tpu.vector_load %arg7[%swap3A_31] {strides = array<i32>} : memref<20480xi32, #tpu.memory_space<vmem>>, vector<16xi32>,
    %swap3A_33 = vector.shape_cast %swap3A_32 : vector<16xi32> to vector<16xi32>
    %swap3A_34 = vector.shape_cast %broadcast_in_dim3A_30 : vector<16xi32> to vector<16xi32>
    tpu.vector_store %arg7[%swap3A_31], %swap3A_34 {strides = array<i32>} : memref<20480xi32, #tpu.memory_space<vmem>>, vector<16xi32>,
    %broadcast_in_dim3A_35 = arith.constant 1073741824 : i32
    %broadcast_in_dim3A_36 = vector.broadcast %broadcast_in_dim3A_35 : i32 to vector<16xi32>
    %swap3A_37 = arith.constant 20272 : index
    %swap3A_38 = tpu.vector_load %arg7[%swap3A_37] {strides = array<i32>} : memref<20480xi32, #tpu.memory_space<vmem>>, vector<16xi32>,
    %swap3A_39 = vector.shape_cast %swap3A_38 : vector<16xi32> to vector<16xi32>
    %swap3A_40 = vector.shape_cast %broadcast_in_dim3A_36 : vector<16xi32> to vector<16xi32>
    tpu.vector_store %arg7[%swap3A_37], %swap3A_40 {strides = array<i32>} : memref<20480xi32, #tpu.memory_space<vmem>>, vector<16xi32>,
    %broadcast_in_dim3A_41 = arith.constant 1073741824 : i32
    %broadcast_in_dim3A_42 = vector.broadcast %broadcast_in_dim3A_41 : i32 to vector<16xi32>
    %swap3A_43 = arith.constant 10048 : index
    %swap3A_44 = tpu.vector_load %arg7[%swap3A_43] {strides = array<i32>} : memref<20480xi32, #tpu.memory_space<vmem>>, vector<16xi32>,
    %swap3A_45 = vector.shape_cast %swap3A_44 : vector<16xi32> to vector<16xi32>
    %swap3A_46 = vector.shape_cast %broadcast_in_dim3A_42 : vector<16xi32> to vector<16xi32>
    tpu.vector_store %arg7[%swap3A_43], %swap3A_46 {strides = array<i32>} : memref<20480xi32, #tpu.memory_space<vmem>>, vector<16xi32>,
    %broadcast_in_dim3A_47 = arith.constant 1073741824 : i32
    %broadcast_in_dim3A_48 = vector.broadcast %broadcast_in_dim3A_47 : i32 to vector<16xi32>
    %swap3A_49 = arith.constant 20288 : index
    %swap3A_50 = tpu.vector_load %arg7[%swap3A_49] {strides = array<i32>} : memref<20480xi32, #tpu.memory_space<vmem>>, vector<16xi32>,
    %swap3A_51 = vector.shape_cast %swap3A_50 : vector<16xi32> to vector<16xi32>
    %swap3A_52 = vector.shape_cast %broadcast_in_dim3A_48 : vector<16xi32> to vector<16xi32>
    tpu.vector_store %arg7[%swap3A_49], %swap3A_52 {strides = array<i32>} : memref<20480xi32, #tpu.memory_space<vmem>>, vector<16xi32>,
    %broadcast_in_dim3A_53 = arith.constant 1073741824 : i32
    %broadcast_in_dim3A_54 = vector.broadcast %broadcast_in_dim3A_53 : i32 to vector<16xi32>
    %swap3A_55 = arith.constant 10064 : index
    %swap3A_56 = tpu.vector_load %arg7[%swap3A_55] {strides = array<i32>} : memref<20480xi32, #tpu.memory_space<vmem>>, vector<16xi32>,
    %swap3A_57 = vector.shape_cast %swap3A_56 : vector<16xi32> to vector<16xi32>
    %swap3A_58 = vector.shape_cast %broadcast_in_dim3A_54 : vector<16xi32> to vector<16xi32>
    tpu.vector_store %arg7[%swap3A_55], %swap3A_58 {strides = array<i32>} : memref<20480xi32, #tpu.memory_space<vmem>>, vector<16xi32>,
    %broadcast_in_dim3A_59 = arith.constant 1073741824 : i32
    %broadcast_in_dim3A_60 = vector.broadcast %broadcast_in_dim3A_59 : i32 to vector<16xi32>
    %swap3A_61 = arith.constant 20304 : index
    %swap3A_62 = tpu.vector_load %arg7[%swap3A_61] {strides = array<i32>} : memref<20480xi32, #tpu.memory_space<vmem>>, vector<16xi32>,
    %swap3A_63 = vector.shape_cast %swap3A_62 : vector<16xi32> to vector<16xi32>
    %swap3A_64 = vector.shape_cast %broadcast_in_dim3A_60 : vector<16xi32> to vector<16xi32>
    tpu.vector_store %arg7[%swap3A_61], %swap3A_64 {strides = array<i32>} : memref<20480xi32, #tpu.memory_space<vmem>>, vector<16xi32>,
    %broadcast_in_dim3A_65 = arith.constant 1073741824 : i32
    %broadcast_in_dim3A_66 = vector.broadcast %broadcast_in_dim3A_65 : i32 to vector<16xi32>
    %swap3A_67 = arith.constant 10080 : index
    %swap3A_68 = tpu.vector_load %arg7[%swap3A_67] {strides = array<i32>} : memref<20480xi32, #tpu.memory_space<vmem>>, vector<16xi32>,
    %swap3A_69 = vector.shape_cast %swap3A_68 : vector<16xi32> to vector<16xi32>
    %swap3A_70 = vector.shape_cast %broadcast_in_dim3A_66 : vector<16xi32> to vector<16xi32>
    tpu.vector_store %arg7[%swap3A_67], %swap3A_70 {strides = array<i32>} : memref<20480xi32, #tpu.memory_space<vmem>>, vector<16xi32>,
    %broadcast_in_dim3A_71 = arith.constant 1073741824 : i32
    %broadcast_in_dim3A_72 = vector.broadcast %broadcast_in_dim3A_71 : i32 to vector<16xi32>
    %swap3A_73 = arith.constant 20320 : index
    %swap3A_74 = tpu.vector_load %arg7[%swap3A_73] {strides = array<i32>} : memref<20480xi32, #tpu.memory_space<vmem>>, vector<16xi32>,
    %swap3A_75 = vector.shape_cast %swap3A_74 : vector<16xi32> to vector<16xi32>
    %swap3A_76 = vector.shape_cast %broadcast_in_dim3A_72 : vector<16xi32> to vector<16xi32>
    tpu.vector_store %arg7[%swap3A_73], %swap3A_76 {strides = array<i32>} : memref<20480xi32, #tpu.memory_space<vmem>>, vector<16xi32>,
    %broadcast_in_dim3A_77 = arith.constant 1073741824 : i32
    %broadcast_in_dim3A_78 = vector.broadcast %broadcast_in_dim3A_77 : i32 to vector<16xi32>
    %swap3A_79 = arith.constant 10096 : index
    %swap3A_80 = tpu.vector_load %arg7[%swap3A_79] {strides = array<i32>} : memref<20480xi32, #tpu.memory_space<vmem>>, vector<16xi32>,
    %swap3A_81 = vector.shape_cast %swap3A_80 : vector<16xi32> to vector<16xi32>
    %swap3A_82 = vector.shape_cast %broadcast_in_dim3A_78 : vector<16xi32> to vector<16xi32>
    tpu.vector_store %arg7[%swap3A_79], %swap3A_82 {strides = array<i32>} : memref<20480xi32, #tpu.memory_space<vmem>>, vector<16xi32>,
    %broadcast_in_dim3A_83 = arith.constant 1073741824 : i32
    %broadcast_in_dim3A_84 = vector.broadcast %broadcast_in_dim3A_83 : i32 to vector<16xi32>
    %swap3A_85 = arith.constant 20336 : index
    %swap3A_86 = tpu.vector_load %arg7[%swap3A_85] {strides = array<i32>} : memref<20480xi32, #tpu.memory_space<vmem>>, vector<16xi32>,
    %swap3A_87 = vector.shape_cast %swap3A_86 : vector<16xi32> to vector<16xi32>
    %swap3A_88 = vector.shape_cast %broadcast_in_dim3A_84 : vector<16xi32> to vector<16xi32>
    tpu.vector_store %arg7[%swap3A_85], %swap3A_88 {strides = array<i32>} : memref<20480xi32, #tpu.memory_space<vmem>>, vector<16xi32>,
    %broadcast_in_dim3A_89 = arith.constant 1073741824 : i32
    %broadcast_in_dim3A_90 = vector.broadcast %broadcast_in_dim3A_89 : i32 to vector<16xi32>
    %swap3A_91 = arith.constant 10112 : index
    %swap3A_92 = tpu.vector_load %arg7[%swap3A_91] {strides = array<i32>} : memref<20480xi32, #tpu.memory_space<vmem>>, vector<16xi32>,
    %swap3A_93 = vector.shape_cast %swap3A_92 : vector<16xi32> to vector<16xi32>
    %swap3A_94 = vector.shape_cast %broadcast_in_dim3A_90 : vector<16xi32> to vector<16xi32>
    tpu.vector_store %arg7[%swap3A_91], %swap3A_94 {strides = array<i32>} : memref<20480xi32, #tpu.memory_space<vmem>>, vector<16xi32>,
    %broadcast_in_dim3A_95 = arith.constant 1073741824 : i32
    %broadcast_in_dim3A_96 = vector.broadcast %broadcast_in_dim3A_95 : i32 to vector<16xi32>
    %swap3A_97 = arith.constant 20352 : index
    %swap3A_98 = tpu.vector_load %arg7[%swap3A_97] {strides = array<i32>} : memref<20480xi32, #tpu.memory_space<vmem>>, vector<16xi32>,
    %swap3A_99 = vector.shape_cast %swap3A_98 : vector<16xi32> to vector<16xi32>
    %swap3A_100 = vector.shape_cast %broadcast_in_dim3A_96 : vector<16xi32> to vector<16xi32>
    tpu.vector_store %arg7[%swap3A_97], %swap3A_100 {strides = array<i32>} : memref<20480xi32, #tpu.memory_space<vmem>>, vector<16xi32>,
    %broadcast_in_dim3A_101 = arith.constant 1073741824 : i32
    %broadcast_in_dim3A_102 = vector.broadcast %broadcast_in_dim3A_101 : i32 to vector<16xi32>
    %swap3A_103 = arith.constant 10128 : index
    %swap3A_104 = tpu.vector_load %arg7[%swap3A_103] {strides = array<i32>} : memref<20480xi32, #tpu.memory_space<vmem>>, vector<16xi32>,
    %swap3A_105 = vector.shape_cast %swap3A_104 : vector<16xi32> to vector<16xi32>
    %swap3A_106 = vector.shape_cast %broadcast_in_dim3A_102 : vector<16xi32> to vector<16xi32>
    tpu.vector_store %arg7[%swap3A_103], %swap3A_106 {strides = array<i32>} : memref<20480xi32, #tpu.memory_space<vmem>>, vector<16xi32>,
    %broadcast_in_dim3A_107 = arith.constant 1073741824 : i32
    %broadcast_in_dim3A_108 = vector.broadcast %broadcast_in_dim3A_107 : i32 to vector<16xi32>
    %swap3A_109 = arith.constant 20368 : index
    %swap3A_110 = tpu.vector_load %arg7[%swap3A_109] {strides = array<i32>} : memref<20480xi32, #tpu.memory_space<vmem>>, vector<16xi32>,
    %swap3A_111 = vector.shape_cast %swap3A_110 : vector<16xi32> to vector<16xi32>
    %swap3A_112 = vector.shape_cast %broadcast_in_dim3A_108 : vector<16xi32> to vector<16xi32>
    tpu.vector_store %arg7[%swap3A_109], %swap3A_112 {strides = array<i32>} : memref<20480xi32, #tpu.memory_space<vmem>>, vector<16xi32>,
    %broadcast_in_dim3A_113 = arith.constant 1073741824 : i32
    %broadcast_in_dim3A_114 = vector.broadcast %broadcast_in_dim3A_113 : i32 to vector<16xi32>
    %swap3A_115 = arith.constant 10144 : index
    %swap3A_116 = tpu.vector_load %arg7[%swap3A_115] {strides = array<i32>} : memref<20480xi32, #tpu.memory_space<vmem>>, vector<16xi32>,
    %swap3A_117 = vector.shape_cast %swap3A_116 : vector<16xi32> to vector<16xi32>
    %swap3A_118 = vector.shape_cast %broadcast_in_dim3A_114 : vector<16xi32> to vector<16xi32>
    tpu.vector_store %arg7[%swap3A_115], %swap3A_118 {strides = array<i32>} : memref<20480xi32, #tpu.memory_space<vmem>>, vector<16xi32>,
    %broadcast_in_dim3A_119 = arith.constant 1073741824 : i32
    %broadcast_in_dim3A_120 = vector.broadcast %broadcast_in_dim3A_119 : i32 to vector<16xi32>
    %swap3A_121 = arith.constant 20384 : index
    %swap3A_122 = tpu.vector_load %arg7[%swap3A_121] {strides = array<i32>} : memref<20480xi32, #tpu.memory_space<vmem>>, vector<16xi32>,
    %swap3A_123 = vector.shape_cast %swap3A_122 : vector<16xi32> to vector<16xi32>
    %swap3A_124 = vector.shape_cast %broadcast_in_dim3A_120 : vector<16xi32> to vector<16xi32>
    tpu.vector_store %arg7[%swap3A_121], %swap3A_124 {strides = array<i32>} : memref<20480xi32, #tpu.memory_space<vmem>>, vector<16xi32>,
    %broadcast_in_dim3A_125 = arith.constant 1073741824 : i32
    %broadcast_in_dim3A_126 = vector.broadcast %broadcast_in_dim3A_125 : i32 to vector<16xi32>
    %swap3A_127 = arith.constant 10160 : index
    %swap3A_128 = tpu.vector_load %arg7[%swap3A_127] {strides = array<i32>} : memref<20480xi32, #tpu.memory_space<vmem>>, vector<16xi32>,
    %swap3A_129 = vector.shape_cast %swap3A_128 : vector<16xi32> to vector<16xi32>
    %swap3A_130 = vector.shape_cast %broadcast_in_dim3A_126 : vector<16xi32> to vector<16xi32>
    tpu.vector_store %arg7[%swap3A_127], %swap3A_130 {strides = array<i32>} : memref<20480xi32, #tpu.memory_space<vmem>>, vector<16xi32>,
    %broadcast_in_dim3A_131 = arith.constant 1073741824 : i32
    %broadcast_in_dim3A_132 = vector.broadcast %broadcast_in_dim3A_131 : i32 to vector<16xi32>
    %swap3A_133 = arith.constant 20400 : index
    %swap3A_134 = tpu.vector_load %arg7[%swap3A_133] {strides = array<i32>} : memref<20480xi32, #tpu.memory_space<vmem>>, vector<16xi32>,
    %swap3A_135 = vector.shape_cast %swap3A_134 : vector<16xi32> to vector<16xi32>
    %swap3A_136 = vector.shape_cast %broadcast_in_dim3A_132 : vector<16xi32> to vector<16xi32>
    tpu.vector_store %arg7[%swap3A_133], %swap3A_136 {strides = array<i32>} : memref<20480xi32, #tpu.memory_space<vmem>>, vector<16xi32>,
    %broadcast_in_dim3A_137 = arith.constant 1073741824 : i32
    %broadcast_in_dim3A_138 = vector.broadcast %broadcast_in_dim3A_137 : i32 to vector<16xi32>
    %swap3A_139 = arith.constant 10176 : index
    %swap3A_140 = tpu.vector_load %arg7[%swap3A_139] {strides = array<i32>} : memref<20480xi32, #tpu.memory_space<vmem>>, vector<16xi32>,
    %swap3A_141 = vector.shape_cast %swap3A_140 : vector<16xi32> to vector<16xi32>
    %swap3A_142 = vector.shape_cast %broadcast_in_dim3A_138 : vector<16xi32> to vector<16xi32>
    tpu.vector_store %arg7[%swap3A_139], %swap3A_142 {strides = array<i32>} : memref<20480xi32, #tpu.memory_space<vmem>>, vector<16xi32>,
    %broadcast_in_dim3A_143 = arith.constant 1073741824 : i32
    %broadcast_in_dim3A_144 = vector.broadcast %broadcast_in_dim3A_143 : i32 to vector<16xi32>
    %swap3A_145 = arith.constant 20416 : index
    %swap3A_146 = tpu.vector_load %arg7[%swap3A_145] {strides = array<i32>} : memref<20480xi32, #tpu.memory_space<vmem>>, vector<16xi32>,
    %swap3A_147 = vector.shape_cast %swap3A_146 : vector<16xi32> to vector<16xi32>
    %swap3A_148 = vector.shape_cast %broadcast_in_dim3A_144 : vector<16xi32> to vector<16xi32>
    tpu.vector_store %arg7[%swap3A_145], %swap3A_148 {strides = array<i32>} : memref<20480xi32, #tpu.memory_space<vmem>>, vector<16xi32>,
    %broadcast_in_dim3A_149 = arith.constant 1073741824 : i32
    %broadcast_in_dim3A_150 = vector.broadcast %broadcast_in_dim3A_149 : i32 to vector<16xi32>
    %swap3A_151 = arith.constant 10192 : index
    %swap3A_152 = tpu.vector_load %arg7[%swap3A_151] {strides = array<i32>} : memref<20480xi32, #tpu.memory_space<vmem>>, vector<16xi32>,
    %swap3A_153 = vector.shape_cast %swap3A_152 : vector<16xi32> to vector<16xi32>
    %swap3A_154 = vector.shape_cast %broadcast_in_dim3A_150 : vector<16xi32> to vector<16xi32>
    tpu.vector_store %arg7[%swap3A_151], %swap3A_154 {strides = array<i32>} : memref<20480xi32, #tpu.memory_space<vmem>>, vector<16xi32>,
    %broadcast_in_dim3A_155 = arith.constant 1073741824 : i32
    %broadcast_in_dim3A_156 = vector.broadcast %broadcast_in_dim3A_155 : i32 to vector<16xi32>
    %swap3A_157 = arith.constant 20432 : index
    %swap3A_158 = tpu.vector_load %arg7[%swap3A_157] {strides = array<i32>} : memref<20480xi32, #tpu.memory_space<vmem>>, vector<16xi32>,
    %swap3A_159 = vector.shape_cast %swap3A_158 : vector<16xi32> to vector<16xi32>
    %swap3A_160 = vector.shape_cast %broadcast_in_dim3A_156 : vector<16xi32> to vector<16xi32>
    tpu.vector_store %arg7[%swap3A_157], %swap3A_160 {strides = array<i32>} : memref<20480xi32, #tpu.memory_space<vmem>>, vector<16xi32>,
    %broadcast_in_dim3A_161 = arith.constant 1073741824 : i32
    %broadcast_in_dim3A_162 = vector.broadcast %broadcast_in_dim3A_161 : i32 to vector<16xi32>
    %swap3A_163 = arith.constant 10208 : index
    %swap3A_164 = tpu.vector_load %arg7[%swap3A_163] {strides = array<i32>} : memref<20480xi32, #tpu.memory_space<vmem>>, vector<16xi32>,
    %swap3A_165 = vector.shape_cast %swap3A_164 : vector<16xi32> to vector<16xi32>
    %swap3A_166 = vector.shape_cast %broadcast_in_dim3A_162 : vector<16xi32> to vector<16xi32>
    tpu.vector_store %arg7[%swap3A_163], %swap3A_166 {strides = array<i32>} : memref<20480xi32, #tpu.memory_space<vmem>>, vector<16xi32>,
    %broadcast_in_dim3A_167 = arith.constant 1073741824 : i32
    %broadcast_in_dim3A_168 = vector.broadcast %broadcast_in_dim3A_167 : i32 to vector<16xi32>
    %swap3A_169 = arith.constant 20448 : index
    %swap3A_170 = tpu.vector_load %arg7[%swap3A_169] {strides = array<i32>} : memref<20480xi32, #tpu.memory_space<vmem>>, vector<16xi32>,
    %swap3A_171 = vector.shape_cast %swap3A_170 : vector<16xi32> to vector<16xi32>
    %swap3A_172 = vector.shape_cast %broadcast_in_dim3A_168 : vector<16xi32> to vector<16xi32>
    tpu.vector_store %arg7[%swap3A_169], %swap3A_172 {strides = array<i32>} : memref<20480xi32, #tpu.memory_space<vmem>>, vector<16xi32>,
    %broadcast_in_dim3A_173 = arith.constant 1073741824 : i32
    %broadcast_in_dim3A_174 = vector.broadcast %broadcast_in_dim3A_173 : i32 to vector<16xi32>
    %swap3A_175 = arith.constant 10224 : index
    %swap3A_176 = tpu.vector_load %arg7[%swap3A_175] {strides = array<i32>} : memref<20480xi32, #tpu.memory_space<vmem>>, vector<16xi32>,
    %swap3A_177 = vector.shape_cast %swap3A_176 : vector<16xi32> to vector<16xi32>
    %swap3A_178 = vector.shape_cast %broadcast_in_dim3A_174 : vector<16xi32> to vector<16xi32>
    tpu.vector_store %arg7[%swap3A_175], %swap3A_178 {strides = array<i32>} : memref<20480xi32, #tpu.memory_space<vmem>>, vector<16xi32>,
    %broadcast_in_dim3A_179 = arith.constant 1073741824 : i32
    %broadcast_in_dim3A_180 = vector.broadcast %broadcast_in_dim3A_179 : i32 to vector<16xi32>
    %swap3A_181 = arith.constant 20464 : index
    %swap3A_182 = tpu.vector_load %arg7[%swap3A_181] {strides = array<i32>} : memref<20480xi32, #tpu.memory_space<vmem>>, vector<16xi32>,
    %swap3A_183 = vector.shape_cast %swap3A_182 : vector<16xi32> to vector<16xi32>
    %swap3A_184 = vector.shape_cast %broadcast_in_dim3A_180 : vector<16xi32> to vector<16xi32>
    tpu.vector_store %arg7[%swap3A_181], %swap3A_184 {strides = array<i32>} : memref<20480xi32, #tpu.memory_space<vmem>>, vector<16xi32>,
    %scan3A_185 = arith.constant 0 : i32
    %scan3A_186 = arith.constant 8 : i32
    %scan3A_187 = arith.addi %scan3A_185, %scan3A_186 : i32
    %scan3A_188 = arith.constant 1 : i32
    scf.for %scan3A_190 = %scan3A_185 to %scan3A_187 step %scan3A_188  : i32 {
      %mul3A_191 = arith.constant 8 : i32
      %mul3A_192 = arith.muli %mul3A_191, %arg0 : i32
      %add3A = arith.addi %mul3A_192, %scan3A_190 : i32
      %mul3A_193 = arith.constant 1310720 : i32
      %mul3A_194 = arith.muli %add3A, %mul3A_193 : i32
      %mul3A_195 = arith.constant 81920 : i32
      %mul3A_196 = arith.muli %arg1, %mul3A_195 : i32
      %add3A_197 = arith.constant 0 : i32
      %add3A_198 = arith.addi %mul3A_196, %add3A_197 : i32
      "tpu.region"() ({
        %run_scoped3A = tpu.sem_alloc : memref<!tpu.dma_semaphore, #tpu.memory_space<semaphore_mem>>
        %dma_start3A = tpu.memref_slice %arg12[%add3A_198] : memref<1312768xf32, #tpu.memory_space<vmem_shared>> -> memref<8192xf32, #tpu.memory_space<vmem_shared>>
        %dma_start3A_255 = tpu.memref_slice %arg12[%add3A_198] : memref<1312768xf32, #tpu.memory_space<vmem_shared>> -> memref<8192xf32, #tpu.memory_space<vmem_shared>>
        tpu.enqueue_dma source(%arg10 : memref<8192xf32, #tpu.memory_space<vmem>>) target(%dma_start3A_255 : memref<8192xf32, #tpu.memory_space<vmem_shared>>) target_semaphore(%run_scoped3A : memref<!tpu.dma_semaphore, #tpu.memory_space<semaphore_mem>>)
        %dma_wait3A = tpu.memref_slice %arg12[%add3A_198] : memref<1312768xf32, #tpu.memory_space<vmem_shared>> -> memref<8192xf32, #tpu.memory_space<vmem_shared>>
        %dma_wait3A_256 = tpu.memref_slice %arg12[%add3A_198] : memref<1312768xf32, #tpu.memory_space<vmem_shared>> -> memref<8192xf32, #tpu.memory_space<vmem_shared>>
        tpu.wait_dma2 semaphore(%run_scoped3A : memref<!tpu.dma_semaphore, #tpu.memory_space<semaphore_mem>>) src(%arg10 : memref<8192xf32, #tpu.memory_space<vmem>>) dst(%dma_wait3A_256 : memref<8192xf32, #tpu.memory_space<vmem_shared>>)
        tpu.yield
      }) : () -> ()
      %mul3A_199 = arith.constant 81920 : i32
      %mul3A_200 = arith.muli %arg1, %mul3A_199 : i32
      %add3A_201 = arith.constant 8192 : i32
      %add3A_202 = arith.addi %mul3A_200, %add3A_201 : i32
      "tpu.region"() ({
        %run_scoped3A = tpu.sem_alloc : memref<!tpu.dma_semaphore, #tpu.memory_space<semaphore_mem>>
        %dma_start3A = tpu.memref_slice %arg12[%add3A_202] : memref<1312768xf32, #tpu.memory_space<vmem_shared>> -> memref<8192xf32, #tpu.memory_space<vmem_shared>>
        %dma_start3A_255 = tpu.memref_slice %arg12[%add3A_202] : memref<1312768xf32, #tpu.memory_space<vmem_shared>> -> memref<8192xf32, #tpu.memory_space<vmem_shared>>
        tpu.enqueue_dma source(%arg10 : memref<8192xf32, #tpu.memory_space<vmem>>) target(%dma_start3A_255 : memref<8192xf32, #tpu.memory_space<vmem_shared>>) target_semaphore(%run_scoped3A : memref<!tpu.dma_semaphore, #tpu.memory_space<semaphore_mem>>)
        %dma_wait3A = tpu.memref_slice %arg12[%add3A_202] : memref<1312768xf32, #tpu.memory_space<vmem_shared>> -> memref<8192xf32, #tpu.memory_space<vmem_shared>>
        %dma_wait3A_256 = tpu.memref_slice %arg12[%add3A_202] : memref<1312768xf32, #tpu.memory_space<vmem_shared>> -> memref<8192xf32, #tpu.memory_space<vmem_shared>>
        tpu.wait_dma2 semaphore(%run_scoped3A : memref<!tpu.dma_semaphore, #tpu.memory_space<semaphore_mem>>) src(%arg10 : memref<8192xf32, #tpu.memory_space<vmem>>) dst(%dma_wait3A_256 : memref<8192xf32, #tpu.memory_space<vmem_shared>>)
        tpu.yield
      }) : () -> ()
      %mul3A_203 = arith.constant 81920 : i32
      %mul3A_204 = arith.muli %arg1, %mul3A_203 : i32
      %add3A_205 = arith.constant 16384 : i32
      %add3A_206 = arith.addi %mul3A_204, %add3A_205 : i32
      "tpu.region"() ({
        %run_scoped3A = tpu.sem_alloc : memref<!tpu.dma_semaphore, #tpu.memory_space<semaphore_mem>>
        %dma_start3A = tpu.memref_slice %arg12[%add3A_206] : memref<1312768xf32, #tpu.memory_space<vmem_shared>> -> memref<8192xf32, #tpu.memory_space<vmem_shared>>
        %dma_start3A_255 = tpu.memref_slice %arg12[%add3A_206] : memref<1312768xf32, #tpu.memory_space<vmem_shared>> -> memref<8192xf32, #tpu.memory_space<vmem_shared>>
        tpu.enqueue_dma source(%arg10 : memref<8192xf32, #tpu.memory_space<vmem>>) target(%dma_start3A_255 : memref<8192xf32, #tpu.memory_space<vmem_shared>>) target_semaphore(%run_scoped3A : memref<!tpu.dma_semaphore, #tpu.memory_space<semaphore_mem>>)
        %dma_wait3A = tpu.memref_slice %arg12[%add3A_206] : memref<1312768xf32, #tpu.memory_space<vmem_shared>> -> memref<8192xf32, #tpu.memory_space<vmem_shared>>
        %dma_wait3A_256 = tpu.memref_slice %arg12[%add3A_206] : memref<1312768xf32, #tpu.memory_space<vmem_shared>> -> memref<8192xf32, #tpu.memory_space<vmem_shared>>
        tpu.wait_dma2 semaphore(%run_scoped3A : memref<!tpu.dma_semaphore, #tpu.memory_space<semaphore_mem>>) src(%arg10 : memref<8192xf32, #tpu.memory_space<vmem>>) dst(%dma_wait3A_256 : memref<8192xf32, #tpu.memory_space<vmem_shared>>)
        tpu.yield
      }) : () -> ()
      %mul3A_207 = arith.constant 81920 : i32
      %mul3A_208 = arith.muli %arg1, %mul3A_207 : i32
      %add3A_209 = arith.constant 24576 : i32
      %add3A_210 = arith.addi %mul3A_208, %add3A_209 : i32
      "tpu.region"() ({
        %run_scoped3A = tpu.sem_alloc : memref<!tpu.dma_semaphore, #tpu.memory_space<semaphore_mem>>
        %dma_start3A = tpu.memref_slice %arg12[%add3A_210] : memref<1312768xf32, #tpu.memory_space<vmem_shared>> -> memref<8192xf32, #tpu.memory_space<vmem_shared>>
        %dma_start3A_255 = tpu.memref_slice %arg12[%add3A_210] : memref<1312768xf32, #tpu.memory_space<vmem_shared>> -> memref<8192xf32, #tpu.memory_space<vmem_shared>>
        tpu.enqueue_dma source(%arg10 : memref<8192xf32, #tpu.memory_space<vmem>>) target(%dma_start3A_255 : memref<8192xf32, #tpu.memory_space<vmem_shared>>) target_semaphore(%run_scoped3A : memref<!tpu.dma_semaphore, #tpu.memory_space<semaphore_mem>>)
        %dma_wait3A = tpu.memref_slice %arg12[%add3A_210] : memref<1312768xf32, #tpu.memory_space<vmem_shared>> -> memref<8192xf32, #tpu.memory_space<vmem_shared>>
        %dma_wait3A_256 = tpu.memref_slice %arg12[%add3A_210] : memref<1312768xf32, #tpu.memory_space<vmem_shared>> -> memref<8192xf32, #tpu.memory_space<vmem_shared>>
        tpu.wait_dma2 semaphore(%run_scoped3A : memref<!tpu.dma_semaphore, #tpu.memory_space<semaphore_mem>>) src(%arg10 : memref<8192xf32, #tpu.memory_space<vmem>>) dst(%dma_wait3A_256 : memref<8192xf32, #tpu.memory_space<vmem_shared>>)
        tpu.yield
      }) : () -> ()
      %mul3A_211 = arith.constant 81920 : i32
      %mul3A_212 = arith.muli %arg1, %mul3A_211 : i32
      %add3A_213 = arith.constant 32768 : i32
      %add3A_214 = arith.addi %mul3A_212, %add3A_213 : i32
      "tpu.region"() ({
        %run_scoped3A = tpu.sem_alloc : memref<!tpu.dma_semaphore, #tpu.memory_space<semaphore_mem>>
        %dma_start3A = tpu.memref_slice %arg12[%add3A_214] : memref<1312768xf32, #tpu.memory_space<vmem_shared>> -> memref<8192xf32, #tpu.memory_space<vmem_shared>>
        %dma_start3A_255 = tpu.memref_slice %arg12[%add3A_214] : memref<1312768xf32, #tpu.memory_space<vmem_shared>> -> memref<8192xf32, #tpu.memory_space<vmem_shared>>
        tpu.enqueue_dma source(%arg10 : memref<8192xf32, #tpu.memory_space<vmem>>) target(%dma_start3A_255 : memref<8192xf32, #tpu.memory_space<vmem_shared>>) target_semaphore(%run_scoped3A : memref<!tpu.dma_semaphore, #tpu.memory_space<semaphore_mem>>)
        %dma_wait3A = tpu.memref_slice %arg12[%add3A_214] : memref<1312768xf32, #tpu.memory_space<vmem_shared>> -> memref<8192xf32, #tpu.memory_space<vmem_shared>>
        %dma_wait3A_256 = tpu.memref_slice %arg12[%add3A_214] : memref<1312768xf32, #tpu.memory_space<vmem_shared>> -> memref<8192xf32, #tpu.memory_space<vmem_shared>>
        tpu.wait_dma2 semaphore(%run_scoped3A : memref<!tpu.dma_semaphore, #tpu.memory_space<semaphore_mem>>) src(%arg10 : memref<8192xf32, #tpu.memory_space<vmem>>) dst(%dma_wait3A_256 : memref<8192xf32, #tpu.memory_space<vmem_shared>>)
        tpu.yield
      }) : () -> ()
      %mul3A_215 = arith.constant 81920 : i32
      %mul3A_216 = arith.muli %arg1, %mul3A_215 : i32
      %add3A_217 = arith.constant 40960 : i32
      %add3A_218 = arith.addi %mul3A_216, %add3A_217 : i32
      "tpu.region"() ({
        %run_scoped3A = tpu.sem_alloc : memref<!tpu.dma_semaphore, #tpu.memory_space<semaphore_mem>>
        %dma_start3A = tpu.memref_slice %arg12[%add3A_218] : memref<1312768xf32, #tpu.memory_space<vmem_shared>> -> memref<8192xf32, #tpu.memory_space<vmem_shared>>
        %dma_start3A_255 = tpu.memref_slice %arg12[%add3A_218] : memref<1312768xf32, #tpu.memory_space<vmem_shared>> -> memref<8192xf32, #tpu.memory_space<vmem_shared>>
        tpu.enqueue_dma source(%arg10 : memref<8192xf32, #tpu.memory_space<vmem>>) target(%dma_start3A_255 : memref<8192xf32, #tpu.memory_space<vmem_shared>>) target_semaphore(%run_scoped3A : memref<!tpu.dma_semaphore, #tpu.memory_space<semaphore_mem>>)
        %dma_wait3A = tpu.memref_slice %arg12[%add3A_218] : memref<1312768xf32, #tpu.memory_space<vmem_shared>> -> memref<8192xf32, #tpu.memory_space<vmem_shared>>
        %dma_wait3A_256 = tpu.memref_slice %arg12[%add3A_218] : memref<1312768xf32, #tpu.memory_space<vmem_shared>> -> memref<8192xf32, #tpu.memory_space<vmem_shared>>
        tpu.wait_dma2 semaphore(%run_scoped3A : memref<!tpu.dma_semaphore, #tpu.memory_space<semaphore_mem>>) src(%arg10 : memref<8192xf32, #tpu.memory_space<vmem>>) dst(%dma_wait3A_256 : memref<8192xf32, #tpu.memory_space<vmem_shared>>)
        tpu.yield
      }) : () -> ()
      %mul3A_219 = arith.constant 81920 : i32
      %mul3A_220 = arith.muli %arg1, %mul3A_219 : i32
      %add3A_221 = arith.constant 49152 : i32
      %add3A_222 = arith.addi %mul3A_220, %add3A_221 : i32
      "tpu.region"() ({
        %run_scoped3A = tpu.sem_alloc : memref<!tpu.dma_semaphore, #tpu.memory_space<semaphore_mem>>
        %dma_start3A = tpu.memref_slice %arg12[%add3A_222] : memref<1312768xf32, #tpu.memory_space<vmem_shared>> -> memref<8192xf32, #tpu.memory_space<vmem_shared>>
        %dma_start3A_255 = tpu.memref_slice %arg12[%add3A_222] : memref<1312768xf32, #tpu.memory_space<vmem_shared>> -> memref<8192xf32, #tpu.memory_space<vmem_shared>>
        tpu.enqueue_dma source(%arg10 : memref<8192xf32, #tpu.memory_space<vmem>>) target(%dma_start3A_255 : memref<8192xf32, #tpu.memory_space<vmem_shared>>) target_semaphore(%run_scoped3A : memref<!tpu.dma_semaphore, #tpu.memory_space<semaphore_mem>>)
        %dma_wait3A = tpu.memref_slice %arg12[%add3A_222] : memref<1312768xf32, #tpu.memory_space<vmem_shared>> -> memref<8192xf32, #tpu.memory_space<vmem_shared>>
        %dma_wait3A_256 = tpu.memref_slice %arg12[%add3A_222] : memref<1312768xf32, #tpu.memory_space<vmem_shared>> -> memref<8192xf32, #tpu.memory_space<vmem_shared>>
        tpu.wait_dma2 semaphore(%run_scoped3A : memref<!tpu.dma_semaphore, #tpu.memory_space<semaphore_mem>>) src(%arg10 : memref<8192xf32, #tpu.memory_space<vmem>>) dst(%dma_wait3A_256 : memref<8192xf32, #tpu.memory_space<vmem_shared>>)
        tpu.yield
      }) : () -> ()
      %mul3A_223 = arith.constant 81920 : i32
      %mul3A_224 = arith.muli %arg1, %mul3A_223 : i32
      %add3A_225 = arith.constant 57344 : i32
      %add3A_226 = arith.addi %mul3A_224, %add3A_225 : i32
      "tpu.region"() ({
        %run_scoped3A = tpu.sem_alloc : memref<!tpu.dma_semaphore, #tpu.memory_space<semaphore_mem>>
        %dma_start3A = tpu.memref_slice %arg12[%add3A_226] : memref<1312768xf32, #tpu.memory_space<vmem_shared>> -> memref<8192xf32, #tpu.memory_space<vmem_shared>>
        %dma_start3A_255 = tpu.memref_slice %arg12[%add3A_226] : memref<1312768xf32, #tpu.memory_space<vmem_shared>> -> memref<8192xf32, #tpu.memory_space<vmem_shared>>
        tpu.enqueue_dma source(%arg10 : memref<8192xf32, #tpu.memory_space<vmem>>) target(%dma_start3A_255 : memref<8192xf32, #tpu.memory_space<vmem_shared>>) target_semaphore(%run_scoped3A : memref<!tpu.dma_semaphore, #tpu.memory_space<semaphore_mem>>)
        %dma_wait3A = tpu.memref_slice %arg12[%add3A_226] : memref<1312768xf32, #tpu.memory_space<vmem_shared>> -> memref<8192xf32, #tpu.memory_space<vmem_shared>>
        %dma_wait3A_256 = tpu.memref_slice %arg12[%add3A_226] : memref<1312768xf32, #tpu.memory_space<vmem_shared>> -> memref<8192xf32, #tpu.memory_space<vmem_shared>>
        tpu.wait_dma2 semaphore(%run_scoped3A : memref<!tpu.dma_semaphore, #tpu.memory_space<semaphore_mem>>) src(%arg10 : memref<8192xf32, #tpu.memory_space<vmem>>) dst(%dma_wait3A_256 : memref<8192xf32, #tpu.memory_space<vmem_shared>>)
        tpu.yield
      }) : () -> ()
      %mul3A_227 = arith.constant 81920 : i32
      %mul3A_228 = arith.muli %arg1, %mul3A_227 : i32
      %add3A_229 = arith.constant 65536 : i32
      %add3A_230 = arith.addi %mul3A_228, %add3A_229 : i32
      "tpu.region"() ({
        %run_scoped3A = tpu.sem_alloc : memref<!tpu.dma_semaphore, #tpu.memory_space<semaphore_mem>>
        %dma_start3A = tpu.memref_slice %arg12[%add3A_230] : memref<1312768xf32, #tpu.memory_space<vmem_shared>> -> memref<8192xf32, #tpu.memory_space<vmem_shared>>
        %dma_start3A_255 = tpu.memref_slice %arg12[%add3A_230] : memref<1312768xf32, #tpu.memory_space<vmem_shared>> -> memref<8192xf32, #tpu.memory_space<vmem_shared>>
        tpu.enqueue_dma source(%arg10 : memref<8192xf32, #tpu.memory_space<vmem>>) target(%dma_start3A_255 : memref<8192xf32, #tpu.memory_space<vmem_shared>>) target_semaphore(%run_scoped3A : memref<!tpu.dma_semaphore, #tpu.memory_space<semaphore_mem>>)
        %dma_wait3A = tpu.memref_slice %arg12[%add3A_230] : memref<1312768xf32, #tpu.memory_space<vmem_shared>> -> memref<8192xf32, #tpu.memory_space<vmem_shared>>
        %dma_wait3A_256 = tpu.memref_slice %arg12[%add3A_230] : memref<1312768xf32, #tpu.memory_space<vmem_shared>> -> memref<8192xf32, #tpu.memory_space<vmem_shared>>
        tpu.wait_dma2 semaphore(%run_scoped3A : memref<!tpu.dma_semaphore, #tpu.memory_space<semaphore_mem>>) src(%arg10 : memref<8192xf32, #tpu.memory_space<vmem>>) dst(%dma_wait3A_256 : memref<8192xf32, #tpu.memory_space<vmem_shared>>)
        tpu.yield
      }) : () -> ()
      %mul3A_231 = arith.constant 81920 : i32
      %mul3A_232 = arith.muli %arg1, %mul3A_231 : i32
      %add3A_233 = arith.constant 73728 : i32
      %add3A_234 = arith.addi %mul3A_232, %add3A_233 : i32
      "tpu.region"() ({
        %run_scoped3A = tpu.sem_alloc : memref<!tpu.dma_semaphore, #tpu.memory_space<semaphore_mem>>
        %dma_start3A = tpu.memref_slice %arg12[%add3A_234] : memref<1312768xf32, #tpu.memory_space<vmem_shared>> -> memref<8192xf32, #tpu.memory_space<vmem_shared>>
        %dma_start3A_255 = tpu.memref_slice %arg12[%add3A_234] : memref<1312768xf32, #tpu.memory_space<vmem_shared>> -> memref<8192xf32, #tpu.memory_space<vmem_shared>>
        tpu.enqueue_dma source(%arg10 : memref<8192xf32, #tpu.memory_space<vmem>>) target(%dma_start3A_255 : memref<8192xf32, #tpu.memory_space<vmem_shared>>) target_semaphore(%run_scoped3A : memref<!tpu.dma_semaphore, #tpu.memory_space<semaphore_mem>>)
        %dma_wait3A = tpu.memref_slice %arg12[%add3A_234] : memref<1312768xf32, #tpu.memory_space<vmem_shared>> -> memref<8192xf32, #tpu.memory_space<vmem_shared>>
        %dma_wait3A_256 = tpu.memref_slice %arg12[%add3A_234] : memref<1312768xf32, #tpu.memory_space<vmem_shared>> -> memref<8192xf32, #tpu.memory_space<vmem_shared>>
        tpu.wait_dma2 semaphore(%run_scoped3A : memref<!tpu.dma_semaphore, #tpu.memory_space<semaphore_mem>>) src(%arg10 : memref<8192xf32, #tpu.memory_space<vmem>>) dst(%dma_wait3A_256 : memref<8192xf32, #tpu.memory_space<vmem_shared>>)
        tpu.yield
      }) : () -> ()
      %mul3A_235 = arith.constant 128 : i32
      %mul3A_236 = arith.muli %arg1, %mul3A_235 : i32
      %add3A_237 = arith.constant 1310720 : i32
      %add3A_238 = arith.addi %add3A_237, %mul3A_236 : i32
      "tpu.region"() ({
        %run_scoped3A = tpu.sem_alloc : memref<!tpu.dma_semaphore, #tpu.memory_space<semaphore_mem>>
        %dma_start3A = arith.constant 0 : i32
        %dma_start3A_255 = tpu.memref_slice %arg10[%dma_start3A] : memref<8192xf32, #tpu.memory_space<vmem>> -> memref<128xf32, #tpu.memory_space<vmem>>
        %dma_start3A_256 = tpu.memref_slice %arg12[%add3A_238] : memref<1312768xf32, #tpu.memory_space<vmem_shared>> -> memref<128xf32, #tpu.memory_space<vmem_shared>>
        %dma_start3A_257 = tpu.memref_slice %arg12[%add3A_238] : memref<1312768xf32, #tpu.memory_space<vmem_shared>> -> memref<128xf32, #tpu.memory_space<vmem_shared>>
        %dma_start3A_258 = arith.constant 0 : i32
        %dma_start3A_259 = tpu.memref_slice %arg10[%dma_start3A_258] : memref<8192xf32, #tpu.memory_space<vmem>> -> memref<128xf32, #tpu.memory_space<vmem>>
        tpu.enqueue_dma source(%dma_start3A_259 : memref<128xf32, #tpu.memory_space<vmem>>) target(%dma_start3A_257 : memref<128xf32, #tpu.memory_space<vmem_shared>>) target_semaphore(%run_scoped3A : memref<!tpu.dma_semaphore, #tpu.memory_space<semaphore_mem>>)
        %dma_wait3A = arith.constant 0 : i32
        %dma_wait3A_260 = tpu.memref_slice %arg10[%dma_wait3A] : memref<8192xf32, #tpu.memory_space<vmem>> -> memref<128xf32, #tpu.memory_space<vmem>>
        %dma_wait3A_261 = tpu.memref_slice %arg12[%add3A_238] : memref<1312768xf32, #tpu.memory_space<vmem_shared>> -> memref<128xf32, #tpu.memory_space<vmem_shared>>
        %dma_wait3A_262 = tpu.memref_slice %arg12[%add3A_238] : memref<1312768xf32, #tpu.memory_space<vmem_shared>> -> memref<128xf32, #tpu.memory_space<vmem_shared>>
        %dma_wait3A_263 = arith.constant 0 : i32
        %dma_wait3A_264 = tpu.memref_slice %arg10[%dma_wait3A_263] : memref<8192xf32, #tpu.memory_space<vmem>> -> memref<128xf32, #tpu.memory_space<vmem>>
        tpu.wait_dma2 semaphore(%run_scoped3A : memref<!tpu.dma_semaphore, #tpu.memory_space<semaphore_mem>>) src(%dma_wait3A_264 : memref<128xf32, #tpu.memory_space<vmem>>) dst(%dma_wait3A_262 : memref<128xf32, #tpu.memory_space<vmem_shared>>)
        tpu.yield
      }) : () -> ()
      %barrier3A = arith.constant 0 : index
      tpu.barrier barrier_id(%barrier3A)
      %scan3A_239 = arith.constant 0 : i32
      %scan3A_240 = arith.constant 32 : i32
      %scan3A_241 = arith.addi %scan3A_239, %scan3A_240 : i32
      %scan3A_242 = arith.constant 1 : i32
      scf.for %scan3A_255 = %scan3A_239 to %scan3A_241 step %scan3A_242  : i32 {
        %mul3A_256 = arith.constant 8 : i32
        %mul3A_257 = arith.muli %scan3A_255, %mul3A_256 : i32
        %add3A_258 = arith.constant 0 : i32
        %add3A_259 = arith.addi %mul3A_257, %add3A_258 : i32
        %mul3A_260 = arith.constant 16 : i32
        %mul3A_261 = arith.muli %add3A_259, %mul3A_260 : i32
        %add3A_262 = arith.constant 0 : i32
        %add3A_263 = arith.addi %add3A_262, %mul3A_261 : i32
        %get3A = arith.index_cast %add3A_263 : i32 to index
        %get3A_264 = tpu.vector_load %arg7[%get3A] {strides = array<i32>} : memref<20480xi32, #tpu.memory_space<vmem>>, vector<16xi32>,
        %get3A_265 = vector.shape_cast %get3A_264 : vector<16xi32> to vector<16xi32>
        %sub3A = vector.broadcast %mul3A_194 : i32 to vector<16xi32>
        %sub3A_266 = arith.subi %get3A_265, %sub3A : vector<16xi32>
        %ge3A = arith.constant 0 : i32
        %ge3A_267 = vector.broadcast %ge3A : i32 to vector<16xi32>
        %ge3A_268 = arith.cmpi sge, %sub3A_266, %ge3A_267 : vector<16xi32>
        %lt3A = arith.constant 1310720 : i32
        %lt3A_269 = vector.broadcast %lt3A : i32 to vector<16xi32>
        %lt3A_270 = arith.cmpi slt, %sub3A_266, %lt3A_269 : vector<16xi32>
        %and3A = arith.andi %ge3A_268, %lt3A_270 : vector<16xi1>
        %and3A_271 = arith.constant 2047 : i32
        %and3A_272 = vector.broadcast %and3A_271 : i32 to vector<16xi32>
        %and3A_273 = arith.andi %get3A_265, %and3A_272 : vector<16xi32>
        %add3A_274 = arith.constant 1310720 : i32
        %add3A_275 = vector.broadcast %add3A_274 : i32 to vector<16xi32>
        %add3A_276 = arith.addi %add3A_275, %and3A_273 : vector<16xi32>
        %select_n3A = arith.select %and3A, %sub3A_266, %add3A_276 : vector<16xi1>, vector<16xi32>
        %swap3A_277 = arith.index_cast %mul3A_261 : i32 to index
        %swap3A_278 = tpu.vector_load %arg8[%swap3A_277] {strides = array<i32>} : memref<4096xi32, #tpu.memory_space<vmem>>, vector<16xi32>,
        %swap3A_279 = vector.shape_cast %swap3A_278 : vector<16xi32> to vector<16xi32>
        %swap3A_280 = vector.shape_cast %select_n3A : vector<16xi32> to vector<16xi32>
        tpu.vector_store %arg8[%swap3A_277], %swap3A_280 {strides = array<i32>} : memref<4096xi32, #tpu.memory_space<vmem>>, vector<16xi32>,
        %mul3A_281 = arith.constant 8 : i32
        %mul3A_282 = arith.muli %scan3A_255, %mul3A_281 : i32
        %add3A_283 = arith.constant 1 : i32
        %add3A_284 = arith.addi %mul3A_282, %add3A_283 : i32
        %mul3A_285 = arith.constant 16 : i32
        %mul3A_286 = arith.muli %add3A_284, %mul3A_285 : i32
        %add3A_287 = arith.constant 0 : i32
        %add3A_288 = arith.addi %add3A_287, %mul3A_286 : i32
        %get3A_289 = arith.index_cast %add3A_288 : i32 to index
        %get3A_290 = tpu.vector_load %arg7[%get3A_289] {strides = array<i32>} : memref<20480xi32, #tpu.memory_space<vmem>>, vector<16xi32>,
        %get3A_291 = vector.shape_cast %get3A_290 : vector<16xi32> to vector<16xi32>
        %sub3A_292 = vector.broadcast %mul3A_194 : i32 to vector<16xi32>
        %sub3A_293 = arith.subi %get3A_291, %sub3A_292 : vector<16xi32>
        %ge3A_294 = arith.constant 0 : i32
        %ge3A_295 = vector.broadcast %ge3A_294 : i32 to vector<16xi32>
        %ge3A_296 = arith.cmpi sge, %sub3A_293, %ge3A_295 : vector<16xi32>
        %lt3A_297 = arith.constant 1310720 : i32
        %lt3A_298 = vector.broadcast %lt3A_297 : i32 to vector<16xi32>
        %lt3A_299 = arith.cmpi slt, %sub3A_293, %lt3A_298 : vector<16xi32>
        %and3A_300 = arith.andi %ge3A_296, %lt3A_299 : vector<16xi1>
        %and3A_301 = arith.constant 2047 : i32
        %and3A_302 = vector.broadcast %and3A_301 : i32 to vector<16xi32>
        %and3A_303 = arith.andi %get3A_291, %and3A_302 : vector<16xi32>
        %add3A_304 = arith.constant 1310720 : i32
        %add3A_305 = vector.broadcast %add3A_304 : i32 to vector<16xi32>
        %add3A_306 = arith.addi %add3A_305, %and3A_303 : vector<16xi32>
        %select_n3A_307 = arith.select %and3A_300, %sub3A_293, %add3A_306 : vector<16xi1>, vector<16xi32>
        %swap3A_308 = arith.index_cast %mul3A_286 : i32 to index
        %swap3A_309 = tpu.vector_load %arg8[%swap3A_308] {strides = array<i32>} : memref<4096xi32, #tpu.memory_space<vmem>>, vector<16xi32>,
        %swap3A_310 = vector.shape_cast %swap3A_309 : vector<16xi32> to vector<16xi32>
        %swap3A_311 = vector.shape_cast %select_n3A_307 : vector<16xi32> to vector<16xi32>
        tpu.vector_store %arg8[%swap3A_308], %swap3A_311 {strides = array<i32>} : memref<4096xi32, #tpu.memory_space<vmem>>, vector<16xi32>,
        %mul3A_312 = arith.constant 8 : i32
        %mul3A_313 = arith.muli %scan3A_255, %mul3A_312 : i32
        %add3A_314 = arith.constant 2 : i32
        %add3A_315 = arith.addi %mul3A_313, %add3A_314 : i32
        %mul3A_316 = arith.constant 16 : i32
        %mul3A_317 = arith.muli %add3A_315, %mul3A_316 : i32
        %add3A_318 = arith.constant 0 : i32
        %add3A_319 = arith.addi %add3A_318, %mul3A_317 : i32
        %get3A_320 = arith.index_cast %add3A_319 : i32 to index
        %get3A_321 = tpu.vector_load %arg7[%get3A_320] {strides = array<i32>} : memref<20480xi32, #tpu.memory_space<vmem>>, vector<16xi32>,
        %get3A_322 = vector.shape_cast %get3A_321 : vector<16xi32> to vector<16xi32>
        %sub3A_323 = vector.broadcast %mul3A_194 : i32 to vector<16xi32>
        %sub3A_324 = arith.subi %get3A_322, %sub3A_323 : vector<16xi32>
        %ge3A_325 = arith.constant 0 : i32
        %ge3A_326 = vector.broadcast %ge3A_325 : i32 to vector<16xi32>
        %ge3A_327 = arith.cmpi sge, %sub3A_324, %ge3A_326 : vector<16xi32>
        %lt3A_328 = arith.constant 1310720 : i32
        %lt3A_329 = vector.broadcast %lt3A_328 : i32 to vector<16xi32>
        %lt3A_330 = arith.cmpi slt, %sub3A_324, %lt3A_329 : vector<16xi32>
        %and3A_331 = arith.andi %ge3A_327, %lt3A_330 : vector<16xi1>
        %and3A_332 = arith.constant 2047 : i32
        %and3A_333 = vector.broadcast %and3A_332 : i32 to vector<16xi32>
        %and3A_334 = arith.andi %get3A_322, %and3A_333 : vector<16xi32>
        %add3A_335 = arith.constant 1310720 : i32
        %add3A_336 = vector.broadcast %add3A_335 : i32 to vector<16xi32>
        %add3A_337 = arith.addi %add3A_336, %and3A_334 : vector<16xi32>
        %select_n3A_338 = arith.select %and3A_331, %sub3A_324, %add3A_337 : vector<16xi1>, vector<16xi32>
        %swap3A_339 = arith.index_cast %mul3A_317 : i32 to index
        %swap3A_340 = tpu.vector_load %arg8[%swap3A_339] {strides = array<i32>} : memref<4096xi32, #tpu.memory_space<vmem>>, vector<16xi32>,
        %swap3A_341 = vector.shape_cast %swap3A_340 : vector<16xi32> to vector<16xi32>
        %swap3A_342 = vector.shape_cast %select_n3A_338 : vector<16xi32> to vector<16xi32>
        tpu.vector_store %arg8[%swap3A_339], %swap3A_342 {strides = array<i32>} : memref<4096xi32, #tpu.memory_space<vmem>>, vector<16xi32>,
        %mul3A_343 = arith.constant 8 : i32
        %mul3A_344 = arith.muli %scan3A_255, %mul3A_343 : i32
        %add3A_345 = arith.constant 3 : i32
        %add3A_346 = arith.addi %mul3A_344, %add3A_345 : i32
        %mul3A_347 = arith.constant 16 : i32
        %mul3A_348 = arith.muli %add3A_346, %mul3A_347 : i32
        %add3A_349 = arith.constant 0 : i32
        %add3A_350 = arith.addi %add3A_349, %mul3A_348 : i32
        %get3A_351 = arith.index_cast %add3A_350 : i32 to index
        %get3A_352 = tpu.vector_load %arg7[%get3A_351] {strides = array<i32>} : memref<20480xi32, #tpu.memory_space<vmem>>, vector<16xi32>,
        %get3A_353 = vector.shape_cast %get3A_352 : vector<16xi32> to vector<16xi32>
        %sub3A_354 = vector.broadcast %mul3A_194 : i32 to vector<16xi32>
        %sub3A_355 = arith.subi %get3A_353, %sub3A_354 : vector<16xi32>
        %ge3A_356 = arith.constant 0 : i32
        %ge3A_357 = vector.broadcast %ge3A_356 : i32 to vector<16xi32>
        %ge3A_358 = arith.cmpi sge, %sub3A_355, %ge3A_357 : vector<16xi32>
        %lt3A_359 = arith.constant 1310720 : i32
        %lt3A_360 = vector.broadcast %lt3A_359 : i32 to vector<16xi32>
        %lt3A_361 = arith.cmpi slt, %sub3A_355, %lt3A_360 : vector<16xi32>
        %and3A_362 = arith.andi %ge3A_358, %lt3A_361 : vector<16xi1>
        %and3A_363 = arith.constant 2047 : i32
        %and3A_364 = vector.broadcast %and3A_363 : i32 to vector<16xi32>
        %and3A_365 = arith.andi %get3A_353, %and3A_364 : vector<16xi32>
        %add3A_366 = arith.constant 1310720 : i32
        %add3A_367 = vector.broadcast %add3A_366 : i32 to vector<16xi32>
        %add3A_368 = arith.addi %add3A_367, %and3A_365 : vector<16xi32>
        %select_n3A_369 = arith.select %and3A_362, %sub3A_355, %add3A_368 : vector<16xi1>, vector<16xi32>
        %swap3A_370 = arith.index_cast %mul3A_348 : i32 to index
        %swap3A_371 = tpu.vector_load %arg8[%swap3A_370] {strides = array<i32>} : memref<4096xi32, #tpu.memory_space<vmem>>, vector<16xi32>,
        %swap3A_372 = vector.shape_cast %swap3A_371 : vector<16xi32> to vector<16xi32>
        %swap3A_373 = vector.shape_cast %select_n3A_369 : vector<16xi32> to vector<16xi32>
        tpu.vector_store %arg8[%swap3A_370], %swap3A_373 {strides = array<i32>} : memref<4096xi32, #tpu.memory_space<vmem>>, vector<16xi32>,
        %mul3A_374 = arith.constant 8 : i32
        %mul3A_375 = arith.muli %scan3A_255, %mul3A_374 : i32
        %add3A_376 = arith.constant 4 : i32
        %add3A_377 = arith.addi %mul3A_375, %add3A_376 : i32
        %mul3A_378 = arith.constant 16 : i32
        %mul3A_379 = arith.muli %add3A_377, %mul3A_378 : i32
        %add3A_380 = arith.constant 0 : i32
        %add3A_381 = arith.addi %add3A_380, %mul3A_379 : i32
        %get3A_382 = arith.index_cast %add3A_381 : i32 to index
        %get3A_383 = tpu.vector_load %arg7[%get3A_382] {strides = array<i32>} : memref<20480xi32, #tpu.memory_space<vmem>>, vector<16xi32>,
        %get3A_384 = vector.shape_cast %get3A_383 : vector<16xi32> to vector<16xi32>
        %sub3A_385 = vector.broadcast %mul3A_194 : i32 to vector<16xi32>
        %sub3A_386 = arith.subi %get3A_384, %sub3A_385 : vector<16xi32>
        %ge3A_387 = arith.constant 0 : i32
        %ge3A_388 = vector.broadcast %ge3A_387 : i32 to vector<16xi32>
        %ge3A_389 = arith.cmpi sge, %sub3A_386, %ge3A_388 : vector<16xi32>
        %lt3A_390 = arith.constant 1310720 : i32
        %lt3A_391 = vector.broadcast %lt3A_390 : i32 to vector<16xi32>
        %lt3A_392 = arith.cmpi slt, %sub3A_386, %lt3A_391 : vector<16xi32>
        %and3A_393 = arith.andi %ge3A_389, %lt3A_392 : vector<16xi1>
        %and3A_394 = arith.constant 2047 : i32
        %and3A_395 = vector.broadcast %and3A_394 : i32 to vector<16xi32>
        %and3A_396 = arith.andi %get3A_384, %and3A_395 : vector<16xi32>
        %add3A_397 = arith.constant 1310720 : i32
        %add3A_398 = vector.broadcast %add3A_397 : i32 to vector<16xi32>
        %add3A_399 = arith.addi %add3A_398, %and3A_396 : vector<16xi32>
        %select_n3A_400 = arith.select %and3A_393, %sub3A_386, %add3A_399 : vector<16xi1>, vector<16xi32>
        %swap3A_401 = arith.index_cast %mul3A_379 : i32 to index
        %swap3A_402 = tpu.vector_load %arg8[%swap3A_401] {strides = array<i32>} : memref<4096xi32, #tpu.memory_space<vmem>>, vector<16xi32>,
        %swap3A_403 = vector.shape_cast %swap3A_402 : vector<16xi32> to vector<16xi32>
        %swap3A_404 = vector.shape_cast %select_n3A_400 : vector<16xi32> to vector<16xi32>
        tpu.vector_store %arg8[%swap3A_401], %swap3A_404 {strides = array<i32>} : memref<4096xi32, #tpu.memory_space<vmem>>, vector<16xi32>,
        %mul3A_405 = arith.constant 8 : i32
        %mul3A_406 = arith.muli %scan3A_255, %mul3A_405 : i32
        %add3A_407 = arith.constant 5 : i32
        %add3A_408 = arith.addi %mul3A_406, %add3A_407 : i32
        %mul3A_409 = arith.constant 16 : i32
        %mul3A_410 = arith.muli %add3A_408, %mul3A_409 : i32
        %add3A_411 = arith.constant 0 : i32
        %add3A_412 = arith.addi %add3A_411, %mul3A_410 : i32
        %get3A_413 = arith.index_cast %add3A_412 : i32 to index
        %get3A_414 = tpu.vector_load %arg7[%get3A_413] {strides = array<i32>} : memref<20480xi32, #tpu.memory_space<vmem>>, vector<16xi32>,
        %get3A_415 = vector.shape_cast %get3A_414 : vector<16xi32> to vector<16xi32>
        %sub3A_416 = vector.broadcast %mul3A_194 : i32 to vector<16xi32>
        %sub3A_417 = arith.subi %get3A_415, %sub3A_416 : vector<16xi32>
        %ge3A_418 = arith.constant 0 : i32
        %ge3A_419 = vector.broadcast %ge3A_418 : i32 to vector<16xi32>
        %ge3A_420 = arith.cmpi sge, %sub3A_417, %ge3A_419 : vector<16xi32>
        %lt3A_421 = arith.constant 1310720 : i32
        %lt3A_422 = vector.broadcast %lt3A_421 : i32 to vector<16xi32>
        %lt3A_423 = arith.cmpi slt, %sub3A_417, %lt3A_422 : vector<16xi32>
        %and3A_424 = arith.andi %ge3A_420, %lt3A_423 : vector<16xi1>
        %and3A_425 = arith.constant 2047 : i32
        %and3A_426 = vector.broadcast %and3A_425 : i32 to vector<16xi32>
        %and3A_427 = arith.andi %get3A_415, %and3A_426 : vector<16xi32>
        %add3A_428 = arith.constant 1310720 : i32
        %add3A_429 = vector.broadcast %add3A_428 : i32 to vector<16xi32>
        %add3A_430 = arith.addi %add3A_429, %and3A_427 : vector<16xi32>
        %select_n3A_431 = arith.select %and3A_424, %sub3A_417, %add3A_430 : vector<16xi1>, vector<16xi32>
        %swap3A_432 = arith.index_cast %mul3A_410 : i32 to index
        %swap3A_433 = tpu.vector_load %arg8[%swap3A_432] {strides = array<i32>} : memref<4096xi32, #tpu.memory_space<vmem>>, vector<16xi32>,
        %swap3A_434 = vector.shape_cast %swap3A_433 : vector<16xi32> to vector<16xi32>
        %swap3A_435 = vector.shape_cast %select_n3A_431 : vector<16xi32> to vector<16xi32>
        tpu.vector_store %arg8[%swap3A_432], %swap3A_435 {strides = array<i32>} : memref<4096xi32, #tpu.memory_space<vmem>>, vector<16xi32>,
        %mul3A_436 = arith.constant 8 : i32
        %mul3A_437 = arith.muli %scan3A_255, %mul3A_436 : i32
        %add3A_438 = arith.constant 6 : i32
        %add3A_439 = arith.addi %mul3A_437, %add3A_438 : i32
        %mul3A_440 = arith.constant 16 : i32
        %mul3A_441 = arith.muli %add3A_439, %mul3A_440 : i32
        %add3A_442 = arith.constant 0 : i32
        %add3A_443 = arith.addi %add3A_442, %mul3A_441 : i32
        %get3A_444 = arith.index_cast %add3A_443 : i32 to index
        %get3A_445 = tpu.vector_load %arg7[%get3A_444] {strides = array<i32>} : memref<20480xi32, #tpu.memory_space<vmem>>, vector<16xi32>,
        %get3A_446 = vector.shape_cast %get3A_445 : vector<16xi32> to vector<16xi32>
        %sub3A_447 = vector.broadcast %mul3A_194 : i32 to vector<16xi32>
        %sub3A_448 = arith.subi %get3A_446, %sub3A_447 : vector<16xi32>
        %ge3A_449 = arith.constant 0 : i32
        %ge3A_450 = vector.broadcast %ge3A_449 : i32 to vector<16xi32>
        %ge3A_451 = arith.cmpi sge, %sub3A_448, %ge3A_450 : vector<16xi32>
        %lt3A_452 = arith.constant 1310720 : i32
        %lt3A_453 = vector.broadcast %lt3A_452 : i32 to vector<16xi32>
        %lt3A_454 = arith.cmpi slt, %sub3A_448, %lt3A_453 : vector<16xi32>
        %and3A_455 = arith.andi %ge3A_451, %lt3A_454 : vector<16xi1>
        %and3A_456 = arith.constant 2047 : i32
        %and3A_457 = vector.broadcast %and3A_456 : i32 to vector<16xi32>
        %and3A_458 = arith.andi %get3A_446, %and3A_457 : vector<16xi32>
        %add3A_459 = arith.constant 1310720 : i32
        %add3A_460 = vector.broadcast %add3A_459 : i32 to vector<16xi32>
        %add3A_461 = arith.addi %add3A_460, %and3A_458 : vector<16xi32>
        %select_n3A_462 = arith.select %and3A_455, %sub3A_448, %add3A_461 : vector<16xi1>, vector<16xi32>
        %swap3A_463 = arith.index_cast %mul3A_441 : i32 to index
        %swap3A_464 = tpu.vector_load %arg8[%swap3A_463] {strides = array<i32>} : memref<4096xi32, #tpu.memory_space<vmem>>, vector<16xi32>,
        %swap3A_465 = vector.shape_cast %swap3A_464 : vector<16xi32> to vector<16xi32>
        %swap3A_466 = vector.shape_cast %select_n3A_462 : vector<16xi32> to vector<16xi32>
        tpu.vector_store %arg8[%swap3A_463], %swap3A_466 {strides = array<i32>} : memref<4096xi32, #tpu.memory_space<vmem>>, vector<16xi32>,
        %mul3A_467 = arith.constant 8 : i32
        %mul3A_468 = arith.muli %scan3A_255, %mul3A_467 : i32
        %add3A_469 = arith.constant 7 : i32
        %add3A_470 = arith.addi %mul3A_468, %add3A_469 : i32
        %mul3A_471 = arith.constant 16 : i32
        %mul3A_472 = arith.muli %add3A_470, %mul3A_471 : i32
        %add3A_473 = arith.constant 0 : i32
        %add3A_474 = arith.addi %add3A_473, %mul3A_472 : i32
        %get3A_475 = arith.index_cast %add3A_474 : i32 to index
        %get3A_476 = tpu.vector_load %arg7[%get3A_475] {strides = array<i32>} : memref<20480xi32, #tpu.memory_space<vmem>>, vector<16xi32>,
        %get3A_477 = vector.shape_cast %get3A_476 : vector<16xi32> to vector<16xi32>
        %sub3A_478 = vector.broadcast %mul3A_194 : i32 to vector<16xi32>
        %sub3A_479 = arith.subi %get3A_477, %sub3A_478 : vector<16xi32>
        %ge3A_480 = arith.constant 0 : i32
        %ge3A_481 = vector.broadcast %ge3A_480 : i32 to vector<16xi32>
        %ge3A_482 = arith.cmpi sge, %sub3A_479, %ge3A_481 : vector<16xi32>
        %lt3A_483 = arith.constant 1310720 : i32
        %lt3A_484 = vector.broadcast %lt3A_483 : i32 to vector<16xi32>
        %lt3A_485 = arith.cmpi slt, %sub3A_479, %lt3A_484 : vector<16xi32>
        %and3A_486 = arith.andi %ge3A_482, %lt3A_485 : vector<16xi1>
        %and3A_487 = arith.constant 2047 : i32
        %and3A_488 = vector.broadcast %and3A_487 : i32 to vector<16xi32>
        %and3A_489 = arith.andi %get3A_477, %and3A_488 : vector<16xi32>
        %add3A_490 = arith.constant 1310720 : i32
        %add3A_491 = vector.broadcast %add3A_490 : i32 to vector<16xi32>
        %add3A_492 = arith.addi %add3A_491, %and3A_489 : vector<16xi32>
        %select_n3A_493 = arith.select %and3A_486, %sub3A_479, %add3A_492 : vector<16xi1>, vector<16xi32>
        %swap3A_494 = arith.index_cast %mul3A_472 : i32 to index
        %swap3A_495 = tpu.vector_load %arg8[%swap3A_494] {strides = array<i32>} : memref<4096xi32, #tpu.memory_space<vmem>>, vector<16xi32>,
        %swap3A_496 = vector.shape_cast %swap3A_495 : vector<16xi32> to vector<16xi32>
        %swap3A_497 = vector.shape_cast %select_n3A_493 : vector<16xi32> to vector<16xi32>
        tpu.vector_store %arg8[%swap3A_494], %swap3A_497 {strides = array<i32>} : memref<4096xi32, #tpu.memory_space<vmem>>, vector<16xi32>,
      }
      %scan3A_243 = arith.constant 32 : i32
      %scan3A_244 = arith.constant 0 : i32
      %scan3A_245 = arith.constant 2 : i32
      %scan3A_246 = arith.addi %scan3A_244, %scan3A_245 : i32
      %scan3A_247 = arith.constant 1 : i32
      scf.for %scan3A_255 = %scan3A_244 to %scan3A_246 step %scan3A_247  : i32 {
        %dma_start3A = arith.constant 0 : i32
        %dma_start3A_256 = tpu.memref_slice %arg12[%dma_start3A] : memref<1312768xf32, #tpu.memory_space<vmem_shared>> -> memref<1312768xf32, #tpu.memory_space<vmem_shared>>
        tpu.enqueue_indirect_dma source(%arg11 : memref<4096xf32, #tpu.memory_space<vmem>>) target(%dma_start3A_256 : memref<1312768xf32, #tpu.memory_space<vmem_shared>>) offsets(%arg8 : memref<4096xi32, #tpu.memory_space<vmem>>) semaphore(%arg13 : memref<!tpu.dma_semaphore, #tpu.memory_space<semaphore_mem>>)
        %mul3A_257 = arith.constant 2 : i32
        %mul3A_258 = arith.muli %mul3A_257, %scan3A_255 : i32
        %add3A_259 = arith.constant 1 : i32
        %add3A_260 = arith.addi %mul3A_258, %add3A_259 : i32
        %scan3A_261 = arith.constant 0 : i32
        %scan3A_262 = arith.constant 32 : i32
        %scan3A_263 = arith.addi %scan3A_261, %scan3A_262 : i32
        %scan3A_264 = arith.constant 1 : i32
        scf.for %scan3A_277 = %scan3A_261 to %scan3A_263 step %scan3A_264  : i32 {
          %mul3A_278 = arith.constant 8 : i32
          %mul3A_279 = arith.muli %scan3A_277, %mul3A_278 : i32
          %add3A_280 = arith.constant 0 : i32
          %add3A_281 = arith.addi %mul3A_279, %add3A_280 : i32
          %mul3A_282 = arith.constant 16 : i32
          %mul3A_283 = arith.muli %add3A_281, %mul3A_282 : i32
          %mul3A_284 = arith.constant 4096 : i32
          %mul3A_285 = arith.muli %add3A_260, %mul3A_284 : i32
          %add3A_286 = arith.addi %mul3A_285, %mul3A_283 : i32
          %get3A = arith.index_cast %add3A_286 : i32 to index
          %get3A_287 = tpu.vector_load %arg7[%get3A] {strides = array<i32>} : memref<20480xi32, #tpu.memory_space<vmem>>, vector<16xi32>,
          %get3A_288 = vector.shape_cast %get3A_287 : vector<16xi32> to vector<16xi32>
          %sub3A = vector.broadcast %mul3A_194 : i32 to vector<16xi32>
          %sub3A_289 = arith.subi %get3A_288, %sub3A : vector<16xi32>
          %ge3A = arith.constant 0 : i32
          %ge3A_290 = vector.broadcast %ge3A : i32 to vector<16xi32>
          %ge3A_291 = arith.cmpi sge, %sub3A_289, %ge3A_290 : vector<16xi32>
          %lt3A = arith.constant 1310720 : i32
          %lt3A_292 = vector.broadcast %lt3A : i32 to vector<16xi32>
          %lt3A_293 = arith.cmpi slt, %sub3A_289, %lt3A_292 : vector<16xi32>
          %and3A = arith.andi %ge3A_291, %lt3A_293 : vector<16xi1>
          %and3A_294 = arith.constant 2047 : i32
          %and3A_295 = vector.broadcast %and3A_294 : i32 to vector<16xi32>
          %and3A_296 = arith.andi %get3A_288, %and3A_295 : vector<16xi32>
          %add3A_297 = arith.constant 1310720 : i32
          %add3A_298 = vector.broadcast %add3A_297 : i32 to vector<16xi32>
          %add3A_299 = arith.addi %add3A_298, %and3A_296 : vector<16xi32>
          %select_n3A = arith.select %and3A, %sub3A_289, %add3A_299 : vector<16xi1>, vector<16xi32>
          %swap3A_300 = arith.index_cast %mul3A_283 : i32 to index
          %swap3A_301 = tpu.vector_load %arg9[%swap3A_300] {strides = array<i32>} : memref<4096xi32, #tpu.memory_space<vmem>>, vector<16xi32>,
          %swap3A_302 = vector.shape_cast %swap3A_301 : vector<16xi32> to vector<16xi32>
          %swap3A_303 = vector.shape_cast %select_n3A : vector<16xi32> to vector<16xi32>
          tpu.vector_store %arg9[%swap3A_300], %swap3A_303 {strides = array<i32>} : memref<4096xi32, #tpu.memory_space<vmem>>, vector<16xi32>,
          %mul3A_304 = arith.constant 8 : i32
          %mul3A_305 = arith.muli %scan3A_277, %mul3A_304 : i32
          %add3A_306 = arith.constant 1 : i32
          %add3A_307 = arith.addi %mul3A_305, %add3A_306 : i32
          %mul3A_308 = arith.constant 16 : i32
          %mul3A_309 = arith.muli %add3A_307, %mul3A_308 : i32
          %mul3A_310 = arith.constant 4096 : i32
          %mul3A_311 = arith.muli %add3A_260, %mul3A_310 : i32
          %add3A_312 = arith.addi %mul3A_311, %mul3A_309 : i32
          %get3A_313 = arith.index_cast %add3A_312 : i32 to index
          %get3A_314 = tpu.vector_load %arg7[%get3A_313] {strides = array<i32>} : memref<20480xi32, #tpu.memory_space<vmem>>, vector<16xi32>,
          %get3A_315 = vector.shape_cast %get3A_314 : vector<16xi32> to vector<16xi32>
          %sub3A_316 = vector.broadcast %mul3A_194 : i32 to vector<16xi32>
          %sub3A_317 = arith.subi %get3A_315, %sub3A_316 : vector<16xi32>
          %ge3A_318 = arith.constant 0 : i32
          %ge3A_319 = vector.broadcast %ge3A_318 : i32 to vector<16xi32>
          %ge3A_320 = arith.cmpi sge, %sub3A_317, %ge3A_319 : vector<16xi32>
          %lt3A_321 = arith.constant 1310720 : i32
          %lt3A_322 = vector.broadcast %lt3A_321 : i32 to vector<16xi32>
          %lt3A_323 = arith.cmpi slt, %sub3A_317, %lt3A_322 : vector<16xi32>
          %and3A_324 = arith.andi %ge3A_320, %lt3A_323 : vector<16xi1>
          %and3A_325 = arith.constant 2047 : i32
          %and3A_326 = vector.broadcast %and3A_325 : i32 to vector<16xi32>
          %and3A_327 = arith.andi %get3A_315, %and3A_326 : vector<16xi32>
          %add3A_328 = arith.constant 1310720 : i32
          %add3A_329 = vector.broadcast %add3A_328 : i32 to vector<16xi32>
          %add3A_330 = arith.addi %add3A_329, %and3A_327 : vector<16xi32>
          %select_n3A_331 = arith.select %and3A_324, %sub3A_317, %add3A_330 : vector<16xi1>, vector<16xi32>
          %swap3A_332 = arith.index_cast %mul3A_309 : i32 to index
          %swap3A_333 = tpu.vector_load %arg9[%swap3A_332] {strides = array<i32>} : memref<4096xi32, #tpu.memory_space<vmem>>, vector<16xi32>,
          %swap3A_334 = vector.shape_cast %swap3A_333 : vector<16xi32> to vector<16xi32>
          %swap3A_335 = vector.shape_cast %select_n3A_331 : vector<16xi32> to vector<16xi32>
          tpu.vector_store %arg9[%swap3A_332], %swap3A_335 {strides = array<i32>} : memref<4096xi32, #tpu.memory_space<vmem>>, vector<16xi32>,
          %mul3A_336 = arith.constant 8 : i32
          %mul3A_337 = arith.muli %scan3A_277, %mul3A_336 : i32
          %add3A_338 = arith.constant 2 : i32
          %add3A_339 = arith.addi %mul3A_337, %add3A_338 : i32
          %mul3A_340 = arith.constant 16 : i32
          %mul3A_341 = arith.muli %add3A_339, %mul3A_340 : i32
          %mul3A_342 = arith.constant 4096 : i32
          %mul3A_343 = arith.muli %add3A_260, %mul3A_342 : i32
          %add3A_344 = arith.addi %mul3A_343, %mul3A_341 : i32
          %get3A_345 = arith.index_cast %add3A_344 : i32 to index
          %get3A_346 = tpu.vector_load %arg7[%get3A_345] {strides = array<i32>} : memref<20480xi32, #tpu.memory_space<vmem>>, vector<16xi32>,
          %get3A_347 = vector.shape_cast %get3A_346 : vector<16xi32> to vector<16xi32>
          %sub3A_348 = vector.broadcast %mul3A_194 : i32 to vector<16xi32>
          %sub3A_349 = arith.subi %get3A_347, %sub3A_348 : vector<16xi32>
          %ge3A_350 = arith.constant 0 : i32
          %ge3A_351 = vector.broadcast %ge3A_350 : i32 to vector<16xi32>
          %ge3A_352 = arith.cmpi sge, %sub3A_349, %ge3A_351 : vector<16xi32>
          %lt3A_353 = arith.constant 1310720 : i32
          %lt3A_354 = vector.broadcast %lt3A_353 : i32 to vector<16xi32>
          %lt3A_355 = arith.cmpi slt, %sub3A_349, %lt3A_354 : vector<16xi32>
          %and3A_356 = arith.andi %ge3A_352, %lt3A_355 : vector<16xi1>
          %and3A_357 = arith.constant 2047 : i32
          %and3A_358 = vector.broadcast %and3A_357 : i32 to vector<16xi32>
          %and3A_359 = arith.andi %get3A_347, %and3A_358 : vector<16xi32>
          %add3A_360 = arith.constant 1310720 : i32
          %add3A_361 = vector.broadcast %add3A_360 : i32 to vector<16xi32>
          %add3A_362 = arith.addi %add3A_361, %and3A_359 : vector<16xi32>
          %select_n3A_363 = arith.select %and3A_356, %sub3A_349, %add3A_362 : vector<16xi1>, vector<16xi32>
          %swap3A_364 = arith.index_cast %mul3A_341 : i32 to index
          %swap3A_365 = tpu.vector_load %arg9[%swap3A_364] {strides = array<i32>} : memref<4096xi32, #tpu.memory_space<vmem>>, vector<16xi32>,
          %swap3A_366 = vector.shape_cast %swap3A_365 : vector<16xi32> to vector<16xi32>
          %swap3A_367 = vector.shape_cast %select_n3A_363 : vector<16xi32> to vector<16xi32>
          tpu.vector_store %arg9[%swap3A_364], %swap3A_367 {strides = array<i32>} : memref<4096xi32, #tpu.memory_space<vmem>>, vector<16xi32>,
          %mul3A_368 = arith.constant 8 : i32
          %mul3A_369 = arith.muli %scan3A_277, %mul3A_368 : i32
          %add3A_370 = arith.constant 3 : i32
          %add3A_371 = arith.addi %mul3A_369, %add3A_370 : i32
          %mul3A_372 = arith.constant 16 : i32
          %mul3A_373 = arith.muli %add3A_371, %mul3A_372 : i32
          %mul3A_374 = arith.constant 4096 : i32
          %mul3A_375 = arith.muli %add3A_260, %mul3A_374 : i32
          %add3A_376 = arith.addi %mul3A_375, %mul3A_373 : i32
          %get3A_377 = arith.index_cast %add3A_376 : i32 to index
          %get3A_378 = tpu.vector_load %arg7[%get3A_377] {strides = array<i32>} : memref<20480xi32, #tpu.memory_space<vmem>>, vector<16xi32>,
          %get3A_379 = vector.shape_cast %get3A_378 : vector<16xi32> to vector<16xi32>
          %sub3A_380 = vector.broadcast %mul3A_194 : i32 to vector<16xi32>
          %sub3A_381 = arith.subi %get3A_379, %sub3A_380 : vector<16xi32>
          %ge3A_382 = arith.constant 0 : i32
          %ge3A_383 = vector.broadcast %ge3A_382 : i32 to vector<16xi32>
          %ge3A_384 = arith.cmpi sge, %sub3A_381, %ge3A_383 : vector<16xi32>
          %lt3A_385 = arith.constant 1310720 : i32
          %lt3A_386 = vector.broadcast %lt3A_385 : i32 to vector<16xi32>
          %lt3A_387 = arith.cmpi slt, %sub3A_381, %lt3A_386 : vector<16xi32>
          %and3A_388 = arith.andi %ge3A_384, %lt3A_387 : vector<16xi1>
          %and3A_389 = arith.constant 2047 : i32
          %and3A_390 = vector.broadcast %and3A_389 : i32 to vector<16xi32>
          %and3A_391 = arith.andi %get3A_379, %and3A_390 : vector<16xi32>
          %add3A_392 = arith.constant 1310720 : i32
          %add3A_393 = vector.broadcast %add3A_392 : i32 to vector<16xi32>
          %add3A_394 = arith.addi %add3A_393, %and3A_391 : vector<16xi32>
          %select_n3A_395 = arith.select %and3A_388, %sub3A_381, %add3A_394 : vector<16xi1>, vector<16xi32>
          %swap3A_396 = arith.index_cast %mul3A_373 : i32 to index
          %swap3A_397 = tpu.vector_load %arg9[%swap3A_396] {strides = array<i32>} : memref<4096xi32, #tpu.memory_space<vmem>>, vector<16xi32>,
          %swap3A_398 = vector.shape_cast %swap3A_397 : vector<16xi32> to vector<16xi32>
          %swap3A_399 = vector.shape_cast %select_n3A_395 : vector<16xi32> to vector<16xi32>
          tpu.vector_store %arg9[%swap3A_396], %swap3A_399 {strides = array<i32>} : memref<4096xi32, #tpu.memory_space<vmem>>, vector<16xi32>,
          %mul3A_400 = arith.constant 8 : i32
          %mul3A_401 = arith.muli %scan3A_277, %mul3A_400 : i32
          %add3A_402 = arith.constant 4 : i32
          %add3A_403 = arith.addi %mul3A_401, %add3A_402 : i32
          %mul3A_404 = arith.constant 16 : i32
          %mul3A_405 = arith.muli %add3A_403, %mul3A_404 : i32
          %mul3A_406 = arith.constant 4096 : i32
          %mul3A_407 = arith.muli %add3A_260, %mul3A_406 : i32
          %add3A_408 = arith.addi %mul3A_407, %mul3A_405 : i32
          %get3A_409 = arith.index_cast %add3A_408 : i32 to index
          %get3A_410 = tpu.vector_load %arg7[%get3A_409] {strides = array<i32>} : memref<20480xi32, #tpu.memory_space<vmem>>, vector<16xi32>,
          %get3A_411 = vector.shape_cast %get3A_410 : vector<16xi32> to vector<16xi32>
          %sub3A_412 = vector.broadcast %mul3A_194 : i32 to vector<16xi32>
          %sub3A_413 = arith.subi %get3A_411, %sub3A_412 : vector<16xi32>
          %ge3A_414 = arith.constant 0 : i32
          %ge3A_415 = vector.broadcast %ge3A_414 : i32 to vector<16xi32>
          %ge3A_416 = arith.cmpi sge, %sub3A_413, %ge3A_415 : vector<16xi32>
          %lt3A_417 = arith.constant 1310720 : i32
          %lt3A_418 = vector.broadcast %lt3A_417 : i32 to vector<16xi32>
          %lt3A_419 = arith.cmpi slt, %sub3A_413, %lt3A_418 : vector<16xi32>
          %and3A_420 = arith.andi %ge3A_416, %lt3A_419 : vector<16xi1>
          %and3A_421 = arith.constant 2047 : i32
          %and3A_422 = vector.broadcast %and3A_421 : i32 to vector<16xi32>
          %and3A_423 = arith.andi %get3A_411, %and3A_422 : vector<16xi32>
          %add3A_424 = arith.constant 1310720 : i32
          %add3A_425 = vector.broadcast %add3A_424 : i32 to vector<16xi32>
          %add3A_426 = arith.addi %add3A_425, %and3A_423 : vector<16xi32>
          %select_n3A_427 = arith.select %and3A_420, %sub3A_413, %add3A_426 : vector<16xi1>, vector<16xi32>
          %swap3A_428 = arith.index_cast %mul3A_405 : i32 to index
          %swap3A_429 = tpu.vector_load %arg9[%swap3A_428] {strides = array<i32>} : memref<4096xi32, #tpu.memory_space<vmem>>, vector<16xi32>,
          %swap3A_430 = vector.shape_cast %swap3A_429 : vector<16xi32> to vector<16xi32>
          %swap3A_431 = vector.shape_cast %select_n3A_427 : vector<16xi32> to vector<16xi32>
          tpu.vector_store %arg9[%swap3A_428], %swap3A_431 {strides = array<i32>} : memref<4096xi32, #tpu.memory_space<vmem>>, vector<16xi32>,
          %mul3A_432 = arith.constant 8 : i32
          %mul3A_433 = arith.muli %scan3A_277, %mul3A_432 : i32
          %add3A_434 = arith.constant 5 : i32
          %add3A_435 = arith.addi %mul3A_433, %add3A_434 : i32
          %mul3A_436 = arith.constant 16 : i32
          %mul3A_437 = arith.muli %add3A_435, %mul3A_436 : i32
          %mul3A_438 = arith.constant 4096 : i32
          %mul3A_439 = arith.muli %add3A_260, %mul3A_438 : i32
          %add3A_440 = arith.addi %mul3A_439, %mul3A_437 : i32
          %get3A_441 = arith.index_cast %add3A_440 : i32 to index
          %get3A_442 = tpu.vector_load %arg7[%get3A_441] {strides = array<i32>} : memref<20480xi32, #tpu.memory_space<vmem>>, vector<16xi32>,
          %get3A_443 = vector.shape_cast %get3A_442 : vector<16xi32> to vector<16xi32>
          %sub3A_444 = vector.broadcast %mul3A_194 : i32 to vector<16xi32>
          %sub3A_445 = arith.subi %get3A_443, %sub3A_444 : vector<16xi32>
          %ge3A_446 = arith.constant 0 : i32
          %ge3A_447 = vector.broadcast %ge3A_446 : i32 to vector<16xi32>
          %ge3A_448 = arith.cmpi sge, %sub3A_445, %ge3A_447 : vector<16xi32>
          %lt3A_449 = arith.constant 1310720 : i32
          %lt3A_450 = vector.broadcast %lt3A_449 : i32 to vector<16xi32>
          %lt3A_451 = arith.cmpi slt, %sub3A_445, %lt3A_450 : vector<16xi32>
          %and3A_452 = arith.andi %ge3A_448, %lt3A_451 : vector<16xi1>
          %and3A_453 = arith.constant 2047 : i32
          %and3A_454 = vector.broadcast %and3A_453 : i32 to vector<16xi32>
          %and3A_455 = arith.andi %get3A_443, %and3A_454 : vector<16xi32>
          %add3A_456 = arith.constant 1310720 : i32
          %add3A_457 = vector.broadcast %add3A_456 : i32 to vector<16xi32>
          %add3A_458 = arith.addi %add3A_457, %and3A_455 : vector<16xi32>
          %select_n3A_459 = arith.select %and3A_452, %sub3A_445, %add3A_458 : vector<16xi1>, vector<16xi32>
          %swap3A_460 = arith.index_cast %mul3A_437 : i32 to index
          %swap3A_461 = tpu.vector_load %arg9[%swap3A_460] {strides = array<i32>} : memref<4096xi32, #tpu.memory_space<vmem>>, vector<16xi32>,
          %swap3A_462 = vector.shape_cast %swap3A_461 : vector<16xi32> to vector<16xi32>
          %swap3A_463 = vector.shape_cast %select_n3A_459 : vector<16xi32> to vector<16xi32>
          tpu.vector_store %arg9[%swap3A_460], %swap3A_463 {strides = array<i32>} : memref<4096xi32, #tpu.memory_space<vmem>>, vector<16xi32>,
          %mul3A_464 = arith.constant 8 : i32
          %mul3A_465 = arith.muli %scan3A_277, %mul3A_464 : i32
          %add3A_466 = arith.constant 6 : i32
          %add3A_467 = arith.addi %mul3A_465, %add3A_466 : i32
          %mul3A_468 = arith.constant 16 : i32
          %mul3A_469 = arith.muli %add3A_467, %mul3A_468 : i32
          %mul3A_470 = arith.constant 4096 : i32
          %mul3A_471 = arith.muli %add3A_260, %mul3A_470 : i32
          %add3A_472 = arith.addi %mul3A_471, %mul3A_469 : i32
          %get3A_473 = arith.index_cast %add3A_472 : i32 to index
          %get3A_474 = tpu.vector_load %arg7[%get3A_473] {strides = array<i32>} : memref<20480xi32, #tpu.memory_space<vmem>>, vector<16xi32>,
          %get3A_475 = vector.shape_cast %get3A_474 : vector<16xi32> to vector<16xi32>
          %sub3A_476 = vector.broadcast %mul3A_194 : i32 to vector<16xi32>
          %sub3A_477 = arith.subi %get3A_475, %sub3A_476 : vector<16xi32>
          %ge3A_478 = arith.constant 0 : i32
          %ge3A_479 = vector.broadcast %ge3A_478 : i32 to vector<16xi32>
          %ge3A_480 = arith.cmpi sge, %sub3A_477, %ge3A_479 : vector<16xi32>
          %lt3A_481 = arith.constant 1310720 : i32
          %lt3A_482 = vector.broadcast %lt3A_481 : i32 to vector<16xi32>
          %lt3A_483 = arith.cmpi slt, %sub3A_477, %lt3A_482 : vector<16xi32>
          %and3A_484 = arith.andi %ge3A_480, %lt3A_483 : vector<16xi1>
          %and3A_485 = arith.constant 2047 : i32
          %and3A_486 = vector.broadcast %and3A_485 : i32 to vector<16xi32>
          %and3A_487 = arith.andi %get3A_475, %and3A_486 : vector<16xi32>
          %add3A_488 = arith.constant 1310720 : i32
          %add3A_489 = vector.broadcast %add3A_488 : i32 to vector<16xi32>
          %add3A_490 = arith.addi %add3A_489, %and3A_487 : vector<16xi32>
          %select_n3A_491 = arith.select %and3A_484, %sub3A_477, %add3A_490 : vector<16xi1>, vector<16xi32>
          %swap3A_492 = arith.index_cast %mul3A_469 : i32 to index
          %swap3A_493 = tpu.vector_load %arg9[%swap3A_492] {strides = array<i32>} : memref<4096xi32, #tpu.memory_space<vmem>>, vector<16xi32>,
          %swap3A_494 = vector.shape_cast %swap3A_493 : vector<16xi32> to vector<16xi32>
          %swap3A_495 = vector.shape_cast %select_n3A_491 : vector<16xi32> to vector<16xi32>
          tpu.vector_store %arg9[%swap3A_492], %swap3A_495 {strides = array<i32>} : memref<4096xi32, #tpu.memory_space<vmem>>, vector<16xi32>,
          %mul3A_496 = arith.constant 8 : i32
          %mul3A_497 = arith.muli %scan3A_277, %mul3A_496 : i32
          %add3A_498 = arith.constant 7 : i32
          %add3A_499 = arith.addi %mul3A_497, %add3A_498 : i32
          %mul3A_500 = arith.constant 16 : i32
          %mul3A_501 = arith.muli %add3A_499, %mul3A_500 : i32
          %mul3A_502 = arith.constant 4096 : i32
          %mul3A_503 = arith.muli %add3A_260, %mul3A_502 : i32
          %add3A_504 = arith.addi %mul3A_503, %mul3A_501 : i32
          %get3A_505 = arith.index_cast %add3A_504 : i32 to index
          %get3A_506 = tpu.vector_load %arg7[%get3A_505] {strides = array<i32>} : memref<20480xi32, #tpu.memory_space<vmem>>, vector<16xi32>,
          %get3A_507 = vector.shape_cast %get3A_506 : vector<16xi32> to vector<16xi32>
          %sub3A_508 = vector.broadcast %mul3A_194 : i32 to vector<16xi32>
          %sub3A_509 = arith.subi %get3A_507, %sub3A_508 : vector<16xi32>
          %ge3A_510 = arith.constant 0 : i32
          %ge3A_511 = vector.broadcast %ge3A_510 : i32 to vector<16xi32>
          %ge3A_512 = arith.cmpi sge, %sub3A_509, %ge3A_511 : vector<16xi32>
          %lt3A_513 = arith.constant 1310720 : i32
          %lt3A_514 = vector.broadcast %lt3A_513 : i32 to vector<16xi32>
          %lt3A_515 = arith.cmpi slt, %sub3A_509, %lt3A_514 : vector<16xi32>
          %and3A_516 = arith.andi %ge3A_512, %lt3A_515 : vector<16xi1>
          %and3A_517 = arith.constant 2047 : i32
          %and3A_518 = vector.broadcast %and3A_517 : i32 to vector<16xi32>
          %and3A_519 = arith.andi %get3A_507, %and3A_518 : vector<16xi32>
          %add3A_520 = arith.constant 1310720 : i32
          %add3A_521 = vector.broadcast %add3A_520 : i32 to vector<16xi32>
          %add3A_522 = arith.addi %add3A_521, %and3A_519 : vector<16xi32>
          %select_n3A_523 = arith.select %and3A_516, %sub3A_509, %add3A_522 : vector<16xi1>, vector<16xi32>
          %swap3A_524 = arith.index_cast %mul3A_501 : i32 to index
          %swap3A_525 = tpu.vector_load %arg9[%swap3A_524] {strides = array<i32>} : memref<4096xi32, #tpu.memory_space<vmem>>, vector<16xi32>,
          %swap3A_526 = vector.shape_cast %swap3A_525 : vector<16xi32> to vector<16xi32>
          %swap3A_527 = vector.shape_cast %select_n3A_523 : vector<16xi32> to vector<16xi32>
          tpu.vector_store %arg9[%swap3A_524], %swap3A_527 {strides = array<i32>} : memref<4096xi32, #tpu.memory_space<vmem>>, vector<16xi32>,
        }
        %scan3A_265 = arith.constant 32 : i32
        tpu.wait_dma2 semaphore(%arg13 : memref<!tpu.dma_semaphore, #tpu.memory_space<semaphore_mem>>) src(%arg5 : memref<4096xf32, #tpu.memory_space<hbm>>) dst(%arg11 : memref<4096xf32, #tpu.memory_space<vmem>>)
        %dma_start3A_266 = arith.constant 0 : i32
        %dma_start3A_267 = tpu.memref_slice %arg12[%dma_start3A_266] : memref<1312768xf32, #tpu.memory_space<vmem_shared>> -> memref<1312768xf32, #tpu.memory_space<vmem_shared>>
        tpu.enqueue_indirect_dma source(%arg11 : memref<4096xf32, #tpu.memory_space<vmem>>) target(%dma_start3A_267 : memref<1312768xf32, #tpu.memory_space<vmem_shared>>) offsets(%arg9 : memref<4096xi32, #tpu.memory_space<vmem>>) semaphore(%arg13 : memref<!tpu.dma_semaphore, #tpu.memory_space<semaphore_mem>>)
        %mul3A_268 = arith.constant 2 : i32
        %mul3A_269 = arith.muli %mul3A_268, %scan3A_255 : i32
        %add3A_270 = arith.constant 2 : i32
        %add3A_271 = arith.addi %mul3A_269, %add3A_270 : i32
        %scan3A_272 = arith.constant 0 : i32
        %scan3A_273 = arith.constant 32 : i32
        %scan3A_274 = arith.addi %scan3A_272, %scan3A_273 : i32
        %scan3A_275 = arith.constant 1 : i32
        scf.for %scan3A_277 = %scan3A_272 to %scan3A_274 step %scan3A_275  : i32 {
          %mul3A_278 = arith.constant 8 : i32
          %mul3A_279 = arith.muli %scan3A_277, %mul3A_278 : i32
          %add3A_280 = arith.constant 0 : i32
          %add3A_281 = arith.addi %mul3A_279, %add3A_280 : i32
          %mul3A_282 = arith.constant 16 : i32
          %mul3A_283 = arith.muli %add3A_281, %mul3A_282 : i32
          %mul3A_284 = arith.constant 4096 : i32
          %mul3A_285 = arith.muli %add3A_271, %mul3A_284 : i32
          %add3A_286 = arith.addi %mul3A_285, %mul3A_283 : i32
          %get3A = arith.index_cast %add3A_286 : i32 to index
          %get3A_287 = tpu.vector_load %arg7[%get3A] {strides = array<i32>} : memref<20480xi32, #tpu.memory_space<vmem>>, vector<16xi32>,
          %get3A_288 = vector.shape_cast %get3A_287 : vector<16xi32> to vector<16xi32>
          %sub3A = vector.broadcast %mul3A_194 : i32 to vector<16xi32>
          %sub3A_289 = arith.subi %get3A_288, %sub3A : vector<16xi32>
          %ge3A = arith.constant 0 : i32
          %ge3A_290 = vector.broadcast %ge3A : i32 to vector<16xi32>
          %ge3A_291 = arith.cmpi sge, %sub3A_289, %ge3A_290 : vector<16xi32>
          %lt3A = arith.constant 1310720 : i32
          %lt3A_292 = vector.broadcast %lt3A : i32 to vector<16xi32>
          %lt3A_293 = arith.cmpi slt, %sub3A_289, %lt3A_292 : vector<16xi32>
          %and3A = arith.andi %ge3A_291, %lt3A_293 : vector<16xi1>
          %and3A_294 = arith.constant 2047 : i32
          %and3A_295 = vector.broadcast %and3A_294 : i32 to vector<16xi32>
          %and3A_296 = arith.andi %get3A_288, %and3A_295 : vector<16xi32>
          %add3A_297 = arith.constant 1310720 : i32
          %add3A_298 = vector.broadcast %add3A_297 : i32 to vector<16xi32>
          %add3A_299 = arith.addi %add3A_298, %and3A_296 : vector<16xi32>
          %select_n3A = arith.select %and3A, %sub3A_289, %add3A_299 : vector<16xi1>, vector<16xi32>
          %swap3A_300 = arith.index_cast %mul3A_283 : i32 to index
          %swap3A_301 = tpu.vector_load %arg8[%swap3A_300] {strides = array<i32>} : memref<4096xi32, #tpu.memory_space<vmem>>, vector<16xi32>,
          %swap3A_302 = vector.shape_cast %swap3A_301 : vector<16xi32> to vector<16xi32>
          %swap3A_303 = vector.shape_cast %select_n3A : vector<16xi32> to vector<16xi32>
          tpu.vector_store %arg8[%swap3A_300], %swap3A_303 {strides = array<i32>} : memref<4096xi32, #tpu.memory_space<vmem>>, vector<16xi32>,
          %mul3A_304 = arith.constant 8 : i32
          %mul3A_305 = arith.muli %scan3A_277, %mul3A_304 : i32
          %add3A_306 = arith.constant 1 : i32
          %add3A_307 = arith.addi %mul3A_305, %add3A_306 : i32
          %mul3A_308 = arith.constant 16 : i32
          %mul3A_309 = arith.muli %add3A_307, %mul3A_308 : i32
          %mul3A_310 = arith.constant 4096 : i32
          %mul3A_311 = arith.muli %add3A_271, %mul3A_310 : i32
          %add3A_312 = arith.addi %mul3A_311, %mul3A_309 : i32
          %get3A_313 = arith.index_cast %add3A_312 : i32 to index
          %get3A_314 = tpu.vector_load %arg7[%get3A_313] {strides = array<i32>} : memref<20480xi32, #tpu.memory_space<vmem>>, vector<16xi32>,
          %get3A_315 = vector.shape_cast %get3A_314 : vector<16xi32> to vector<16xi32>
          %sub3A_316 = vector.broadcast %mul3A_194 : i32 to vector<16xi32>
          %sub3A_317 = arith.subi %get3A_315, %sub3A_316 : vector<16xi32>
          %ge3A_318 = arith.constant 0 : i32
          %ge3A_319 = vector.broadcast %ge3A_318 : i32 to vector<16xi32>
          %ge3A_320 = arith.cmpi sge, %sub3A_317, %ge3A_319 : vector<16xi32>
          %lt3A_321 = arith.constant 1310720 : i32
          %lt3A_322 = vector.broadcast %lt3A_321 : i32 to vector<16xi32>
          %lt3A_323 = arith.cmpi slt, %sub3A_317, %lt3A_322 : vector<16xi32>
          %and3A_324 = arith.andi %ge3A_320, %lt3A_323 : vector<16xi1>
          %and3A_325 = arith.constant 2047 : i32
          %and3A_326 = vector.broadcast %and3A_325 : i32 to vector<16xi32>
          %and3A_327 = arith.andi %get3A_315, %and3A_326 : vector<16xi32>
          %add3A_328 = arith.constant 1310720 : i32
          %add3A_329 = vector.broadcast %add3A_328 : i32 to vector<16xi32>
          %add3A_330 = arith.addi %add3A_329, %and3A_327 : vector<16xi32>
          %select_n3A_331 = arith.select %and3A_324, %sub3A_317, %add3A_330 : vector<16xi1>, vector<16xi32>
          %swap3A_332 = arith.index_cast %mul3A_309 : i32 to index
          %swap3A_333 = tpu.vector_load %arg8[%swap3A_332] {strides = array<i32>} : memref<4096xi32, #tpu.memory_space<vmem>>, vector<16xi32>,
          %swap3A_334 = vector.shape_cast %swap3A_333 : vector<16xi32> to vector<16xi32>
          %swap3A_335 = vector.shape_cast %select_n3A_331 : vector<16xi32> to vector<16xi32>
          tpu.vector_store %arg8[%swap3A_332], %swap3A_335 {strides = array<i32>} : memref<4096xi32, #tpu.memory_space<vmem>>, vector<16xi32>,
          %mul3A_336 = arith.constant 8 : i32
          %mul3A_337 = arith.muli %scan3A_277, %mul3A_336 : i32
          %add3A_338 = arith.constant 2 : i32
          %add3A_339 = arith.addi %mul3A_337, %add3A_338 : i32
          %mul3A_340 = arith.constant 16 : i32
          %mul3A_341 = arith.muli %add3A_339, %mul3A_340 : i32
          %mul3A_342 = arith.constant 4096 : i32
          %mul3A_343 = arith.muli %add3A_271, %mul3A_342 : i32
          %add3A_344 = arith.addi %mul3A_343, %mul3A_341 : i32
          %get3A_345 = arith.index_cast %add3A_344 : i32 to index
          %get3A_346 = tpu.vector_load %arg7[%get3A_345] {strides = array<i32>} : memref<20480xi32, #tpu.memory_space<vmem>>, vector<16xi32>,
          %get3A_347 = vector.shape_cast %get3A_346 : vector<16xi32> to vector<16xi32>
          %sub3A_348 = vector.broadcast %mul3A_194 : i32 to vector<16xi32>
          %sub3A_349 = arith.subi %get3A_347, %sub3A_348 : vector<16xi32>
          %ge3A_350 = arith.constant 0 : i32
          %ge3A_351 = vector.broadcast %ge3A_350 : i32 to vector<16xi32>
          %ge3A_352 = arith.cmpi sge, %sub3A_349, %ge3A_351 : vector<16xi32>
          %lt3A_353 = arith.constant 1310720 : i32
          %lt3A_354 = vector.broadcast %lt3A_353 : i32 to vector<16xi32>
          %lt3A_355 = arith.cmpi slt, %sub3A_349, %lt3A_354 : vector<16xi32>
          %and3A_356 = arith.andi %ge3A_352, %lt3A_355 : vector<16xi1>
          %and3A_357 = arith.constant 2047 : i32
          %and3A_358 = vector.broadcast %and3A_357 : i32 to vector<16xi32>
          %and3A_359 = arith.andi %get3A_347, %and3A_358 : vector<16xi32>
          %add3A_360 = arith.constant 1310720 : i32
          %add3A_361 = vector.broadcast %add3A_360 : i32 to vector<16xi32>
          %add3A_362 = arith.addi %add3A_361, %and3A_359 : vector<16xi32>
          %select_n3A_363 = arith.select %and3A_356, %sub3A_349, %add3A_362 : vector<16xi1>, vector<16xi32>
          %swap3A_364 = arith.index_cast %mul3A_341 : i32 to index
          %swap3A_365 = tpu.vector_load %arg8[%swap3A_364] {strides = array<i32>} : memref<4096xi32, #tpu.memory_space<vmem>>, vector<16xi32>,
          %swap3A_366 = vector.shape_cast %swap3A_365 : vector<16xi32> to vector<16xi32>
          %swap3A_367 = vector.shape_cast %select_n3A_363 : vector<16xi32> to vector<16xi32>
          tpu.vector_store %arg8[%swap3A_364], %swap3A_367 {strides = array<i32>} : memref<4096xi32, #tpu.memory_space<vmem>>, vector<16xi32>,
          %mul3A_368 = arith.constant 8 : i32
          %mul3A_369 = arith.muli %scan3A_277, %mul3A_368 : i32
          %add3A_370 = arith.constant 3 : i32
          %add3A_371 = arith.addi %mul3A_369, %add3A_370 : i32
          %mul3A_372 = arith.constant 16 : i32
          %mul3A_373 = arith.muli %add3A_371, %mul3A_372 : i32
          %mul3A_374 = arith.constant 4096 : i32
          %mul3A_375 = arith.muli %add3A_271, %mul3A_374 : i32
          %add3A_376 = arith.addi %mul3A_375, %mul3A_373 : i32
          %get3A_377 = arith.index_cast %add3A_376 : i32 to index
          %get3A_378 = tpu.vector_load %arg7[%get3A_377] {strides = array<i32>} : memref<20480xi32, #tpu.memory_space<vmem>>, vector<16xi32>,
          %get3A_379 = vector.shape_cast %get3A_378 : vector<16xi32> to vector<16xi32>
          %sub3A_380 = vector.broadcast %mul3A_194 : i32 to vector<16xi32>
          %sub3A_381 = arith.subi %get3A_379, %sub3A_380 : vector<16xi32>
          %ge3A_382 = arith.constant 0 : i32
          %ge3A_383 = vector.broadcast %ge3A_382 : i32 to vector<16xi32>
          %ge3A_384 = arith.cmpi sge, %sub3A_381, %ge3A_383 : vector<16xi32>
          %lt3A_385 = arith.constant 1310720 : i32
          %lt3A_386 = vector.broadcast %lt3A_385 : i32 to vector<16xi32>
          %lt3A_387 = arith.cmpi slt, %sub3A_381, %lt3A_386 : vector<16xi32>
          %and3A_388 = arith.andi %ge3A_384, %lt3A_387 : vector<16xi1>
          %and3A_389 = arith.constant 2047 : i32
          %and3A_390 = vector.broadcast %and3A_389 : i32 to vector<16xi32>
          %and3A_391 = arith.andi %get3A_379, %and3A_390 : vector<16xi32>
          %add3A_392 = arith.constant 1310720 : i32
          %add3A_393 = vector.broadcast %add3A_392 : i32 to vector<16xi32>
          %add3A_394 = arith.addi %add3A_393, %and3A_391 : vector<16xi32>
          %select_n3A_395 = arith.select %and3A_388, %sub3A_381, %add3A_394 : vector<16xi1>, vector<16xi32>
          %swap3A_396 = arith.index_cast %mul3A_373 : i32 to index
          %swap3A_397 = tpu.vector_load %arg8[%swap3A_396] {strides = array<i32>} : memref<4096xi32, #tpu.memory_space<vmem>>, vector<16xi32>,
          %swap3A_398 = vector.shape_cast %swap3A_397 : vector<16xi32> to vector<16xi32>
          %swap3A_399 = vector.shape_cast %select_n3A_395 : vector<16xi32> to vector<16xi32>
          tpu.vector_store %arg8[%swap3A_396], %swap3A_399 {strides = array<i32>} : memref<4096xi32, #tpu.memory_space<vmem>>, vector<16xi32>,
          %mul3A_400 = arith.constant 8 : i32
          %mul3A_401 = arith.muli %scan3A_277, %mul3A_400 : i32
          %add3A_402 = arith.constant 4 : i32
          %add3A_403 = arith.addi %mul3A_401, %add3A_402 : i32
          %mul3A_404 = arith.constant 16 : i32
          %mul3A_405 = arith.muli %add3A_403, %mul3A_404 : i32
          %mul3A_406 = arith.constant 4096 : i32
          %mul3A_407 = arith.muli %add3A_271, %mul3A_406 : i32
          %add3A_408 = arith.addi %mul3A_407, %mul3A_405 : i32
          %get3A_409 = arith.index_cast %add3A_408 : i32 to index
          %get3A_410 = tpu.vector_load %arg7[%get3A_409] {strides = array<i32>} : memref<20480xi32, #tpu.memory_space<vmem>>, vector<16xi32>,
          %get3A_411 = vector.shape_cast %get3A_410 : vector<16xi32> to vector<16xi32>
          %sub3A_412 = vector.broadcast %mul3A_194 : i32 to vector<16xi32>
          %sub3A_413 = arith.subi %get3A_411, %sub3A_412 : vector<16xi32>
          %ge3A_414 = arith.constant 0 : i32
          %ge3A_415 = vector.broadcast %ge3A_414 : i32 to vector<16xi32>
          %ge3A_416 = arith.cmpi sge, %sub3A_413, %ge3A_415 : vector<16xi32>
          %lt3A_417 = arith.constant 1310720 : i32
          %lt3A_418 = vector.broadcast %lt3A_417 : i32 to vector<16xi32>
          %lt3A_419 = arith.cmpi slt, %sub3A_413, %lt3A_418 : vector<16xi32>
          %and3A_420 = arith.andi %ge3A_416, %lt3A_419 : vector<16xi1>
          %and3A_421 = arith.constant 2047 : i32
          %and3A_422 = vector.broadcast %and3A_421 : i32 to vector<16xi32>
          %and3A_423 = arith.andi %get3A_411, %and3A_422 : vector<16xi32>
          %add3A_424 = arith.constant 1310720 : i32
          %add3A_425 = vector.broadcast %add3A_424 : i32 to vector<16xi32>
          %add3A_426 = arith.addi %add3A_425, %and3A_423 : vector<16xi32>
          %select_n3A_427 = arith.select %and3A_420, %sub3A_413, %add3A_426 : vector<16xi1>, vector<16xi32>
          %swap3A_428 = arith.index_cast %mul3A_405 : i32 to index
          %swap3A_429 = tpu.vector_load %arg8[%swap3A_428] {strides = array<i32>} : memref<4096xi32, #tpu.memory_space<vmem>>, vector<16xi32>,
          %swap3A_430 = vector.shape_cast %swap3A_429 : vector<16xi32> to vector<16xi32>
          %swap3A_431 = vector.shape_cast %select_n3A_427 : vector<16xi32> to vector<16xi32>
          tpu.vector_store %arg8[%swap3A_428], %swap3A_431 {strides = array<i32>} : memref<4096xi32, #tpu.memory_space<vmem>>, vector<16xi32>,
          %mul3A_432 = arith.constant 8 : i32
          %mul3A_433 = arith.muli %scan3A_277, %mul3A_432 : i32
          %add3A_434 = arith.constant 5 : i32
          %add3A_435 = arith.addi %mul3A_433, %add3A_434 : i32
          %mul3A_436 = arith.constant 16 : i32
          %mul3A_437 = arith.muli %add3A_435, %mul3A_436 : i32
          %mul3A_438 = arith.constant 4096 : i32
          %mul3A_439 = arith.muli %add3A_271, %mul3A_438 : i32
          %add3A_440 = arith.addi %mul3A_439, %mul3A_437 : i32
          %get3A_441 = arith.index_cast %add3A_440 : i32 to index
          %get3A_442 = tpu.vector_load %arg7[%get3A_441] {strides = array<i32>} : memref<20480xi32, #tpu.memory_space<vmem>>, vector<16xi32>,
          %get3A_443 = vector.shape_cast %get3A_442 : vector<16xi32> to vector<16xi32>
          %sub3A_444 = vector.broadcast %mul3A_194 : i32 to vector<16xi32>
          %sub3A_445 = arith.subi %get3A_443, %sub3A_444 : vector<16xi32>
          %ge3A_446 = arith.constant 0 : i32
          %ge3A_447 = vector.broadcast %ge3A_446 : i32 to vector<16xi32>
          %ge3A_448 = arith.cmpi sge, %sub3A_445, %ge3A_447 : vector<16xi32>
          %lt3A_449 = arith.constant 1310720 : i32
          %lt3A_450 = vector.broadcast %lt3A_449 : i32 to vector<16xi32>
          %lt3A_451 = arith.cmpi slt, %sub3A_445, %lt3A_450 : vector<16xi32>
          %and3A_452 = arith.andi %ge3A_448, %lt3A_451 : vector<16xi1>
          %and3A_453 = arith.constant 2047 : i32
          %and3A_454 = vector.broadcast %and3A_453 : i32 to vector<16xi32>
          %and3A_455 = arith.andi %get3A_443, %and3A_454 : vector<16xi32>
          %add3A_456 = arith.constant 1310720 : i32
          %add3A_457 = vector.broadcast %add3A_456 : i32 to vector<16xi32>
          %add3A_458 = arith.addi %add3A_457, %and3A_455 : vector<16xi32>
          %select_n3A_459 = arith.select %and3A_452, %sub3A_445, %add3A_458 : vector<16xi1>, vector<16xi32>
          %swap3A_460 = arith.index_cast %mul3A_437 : i32 to index
          %swap3A_461 = tpu.vector_load %arg8[%swap3A_460] {strides = array<i32>} : memref<4096xi32, #tpu.memory_space<vmem>>, vector<16xi32>,
          %swap3A_462 = vector.shape_cast %swap3A_461 : vector<16xi32> to vector<16xi32>
          %swap3A_463 = vector.shape_cast %select_n3A_459 : vector<16xi32> to vector<16xi32>
          tpu.vector_store %arg8[%swap3A_460], %swap3A_463 {strides = array<i32>} : memref<4096xi32, #tpu.memory_space<vmem>>, vector<16xi32>,
          %mul3A_464 = arith.constant 8 : i32
          %mul3A_465 = arith.muli %scan3A_277, %mul3A_464 : i32
          %add3A_466 = arith.constant 6 : i32
          %add3A_467 = arith.addi %mul3A_465, %add3A_466 : i32
          %mul3A_468 = arith.constant 16 : i32
          %mul3A_469 = arith.muli %add3A_467, %mul3A_468 : i32
          %mul3A_470 = arith.constant 4096 : i32
          %mul3A_471 = arith.muli %add3A_271, %mul3A_470 : i32
          %add3A_472 = arith.addi %mul3A_471, %mul3A_469 : i32
          %get3A_473 = arith.index_cast %add3A_472 : i32 to index
          %get3A_474 = tpu.vector_load %arg7[%get3A_473] {strides = array<i32>} : memref<20480xi32, #tpu.memory_space<vmem>>, vector<16xi32>,
          %get3A_475 = vector.shape_cast %get3A_474 : vector<16xi32> to vector<16xi32>
          %sub3A_476 = vector.broadcast %mul3A_194 : i32 to vector<16xi32>
          %sub3A_477 = arith.subi %get3A_475, %sub3A_476 : vector<16xi32>
          %ge3A_478 = arith.constant 0 : i32
          %ge3A_479 = vector.broadcast %ge3A_478 : i32 to vector<16xi32>
          %ge3A_480 = arith.cmpi sge, %sub3A_477, %ge3A_479 : vector<16xi32>
          %lt3A_481 = arith.constant 1310720 : i32
          %lt3A_482 = vector.broadcast %lt3A_481 : i32 to vector<16xi32>
          %lt3A_483 = arith.cmpi slt, %sub3A_477, %lt3A_482 : vector<16xi32>
          %and3A_484 = arith.andi %ge3A_480, %lt3A_483 : vector<16xi1>
          %and3A_485 = arith.constant 2047 : i32
          %and3A_486 = vector.broadcast %and3A_485 : i32 to vector<16xi32>
          %and3A_487 = arith.andi %get3A_475, %and3A_486 : vector<16xi32>
          %add3A_488 = arith.constant 1310720 : i32
          %add3A_489 = vector.broadcast %add3A_488 : i32 to vector<16xi32>
          %add3A_490 = arith.addi %add3A_489, %and3A_487 : vector<16xi32>
          %select_n3A_491 = arith.select %and3A_484, %sub3A_477, %add3A_490 : vector<16xi1>, vector<16xi32>
          %swap3A_492 = arith.index_cast %mul3A_469 : i32 to index
          %swap3A_493 = tpu.vector_load %arg8[%swap3A_492] {strides = array<i32>} : memref<4096xi32, #tpu.memory_space<vmem>>, vector<16xi32>,
          %swap3A_494 = vector.shape_cast %swap3A_493 : vector<16xi32> to vector<16xi32>
          %swap3A_495 = vector.shape_cast %select_n3A_491 : vector<16xi32> to vector<16xi32>
          tpu.vector_store %arg8[%swap3A_492], %swap3A_495 {strides = array<i32>} : memref<4096xi32, #tpu.memory_space<vmem>>, vector<16xi32>,
          %mul3A_496 = arith.constant 8 : i32
          %mul3A_497 = arith.muli %scan3A_277, %mul3A_496 : i32
          %add3A_498 = arith.constant 7 : i32
          %add3A_499 = arith.addi %mul3A_497, %add3A_498 : i32
          %mul3A_500 = arith.constant 16 : i32
          %mul3A_501 = arith.muli %add3A_499, %mul3A_500 : i32
          %mul3A_502 = arith.constant 4096 : i32
          %mul3A_503 = arith.muli %add3A_271, %mul3A_502 : i32
          %add3A_504 = arith.addi %mul3A_503, %mul3A_501 : i32
          %get3A_505 = arith.index_cast %add3A_504 : i32 to index
          %get3A_506 = tpu.vector_load %arg7[%get3A_505] {strides = array<i32>} : memref<20480xi32, #tpu.memory_space<vmem>>, vector<16xi32>,
          %get3A_507 = vector.shape_cast %get3A_506 : vector<16xi32> to vector<16xi32>
          %sub3A_508 = vector.broadcast %mul3A_194 : i32 to vector<16xi32>
          %sub3A_509 = arith.subi %get3A_507, %sub3A_508 : vector<16xi32>
          %ge3A_510 = arith.constant 0 : i32
          %ge3A_511 = vector.broadcast %ge3A_510 : i32 to vector<16xi32>
          %ge3A_512 = arith.cmpi sge, %sub3A_509, %ge3A_511 : vector<16xi32>
          %lt3A_513 = arith.constant 1310720 : i32
          %lt3A_514 = vector.broadcast %lt3A_513 : i32 to vector<16xi32>
          %lt3A_515 = arith.cmpi slt, %sub3A_509, %lt3A_514 : vector<16xi32>
          %and3A_516 = arith.andi %ge3A_512, %lt3A_515 : vector<16xi1>
          %and3A_517 = arith.constant 2047 : i32
          %and3A_518 = vector.broadcast %and3A_517 : i32 to vector<16xi32>
          %and3A_519 = arith.andi %get3A_507, %and3A_518 : vector<16xi32>
          %add3A_520 = arith.constant 1310720 : i32
          %add3A_521 = vector.broadcast %add3A_520 : i32 to vector<16xi32>
          %add3A_522 = arith.addi %add3A_521, %and3A_519 : vector<16xi32>
          %select_n3A_523 = arith.select %and3A_516, %sub3A_509, %add3A_522 : vector<16xi1>, vector<16xi32>
          %swap3A_524 = arith.index_cast %mul3A_501 : i32 to index
          %swap3A_525 = tpu.vector_load %arg8[%swap3A_524] {strides = array<i32>} : memref<4096xi32, #tpu.memory_space<vmem>>, vector<16xi32>,
          %swap3A_526 = vector.shape_cast %swap3A_525 : vector<16xi32> to vector<16xi32>
          %swap3A_527 = vector.shape_cast %select_n3A_523 : vector<16xi32> to vector<16xi32>
          tpu.vector_store %arg8[%swap3A_524], %swap3A_527 {strides = array<i32>} : memref<4096xi32, #tpu.memory_space<vmem>>, vector<16xi32>,
        }
        %scan3A_276 = arith.constant 32 : i32
        tpu.wait_dma2 semaphore(%arg13 : memref<!tpu.dma_semaphore, #tpu.memory_space<semaphore_mem>>) src(%arg5 : memref<4096xf32, #tpu.memory_space<hbm>>) dst(%arg11 : memref<4096xf32, #tpu.memory_space<vmem>>)
      }
      %scan3A_248 = arith.constant 2 : i32
      "tpu.region"() ({
        %run_scoped3A = tpu.sem_alloc : memref<!tpu.dma_semaphore, #tpu.memory_space<semaphore_mem>>
        %dma_start3A = arith.constant 0 : i32
        %dma_start3A_255 = tpu.memref_slice %arg12[%dma_start3A] : memref<1312768xf32, #tpu.memory_space<vmem_shared>> -> memref<1312768xf32, #tpu.memory_space<vmem_shared>>
        tpu.enqueue_indirect_dma source(%arg11 : memref<4096xf32, #tpu.memory_space<vmem>>) target(%dma_start3A_255 : memref<1312768xf32, #tpu.memory_space<vmem_shared>>) offsets(%arg8 : memref<4096xi32, #tpu.memory_space<vmem>>) semaphore(%run_scoped3A : memref<!tpu.dma_semaphore, #tpu.memory_space<semaphore_mem>>)
        %dma_wait3A = arith.constant 0 : i32
        %dma_wait3A_256 = tpu.memref_slice %arg12[%dma_wait3A] : memref<1312768xf32, #tpu.memory_space<vmem_shared>> -> memref<1312768xf32, #tpu.memory_space<vmem_shared>>
        tpu.wait_indirect_dma semaphore(%run_scoped3A : memref<!tpu.dma_semaphore, #tpu.memory_space<semaphore_mem>>) src(%arg11 : memref<4096xf32, #tpu.memory_space<vmem>>) dst(%dma_wait3A_256 : memref<1312768xf32, #tpu.memory_space<vmem_shared>>)
        tpu.yield
      }) : () -> ()
      %barrier3A_249 = arith.constant 0 : index
      tpu.barrier barrier_id(%barrier3A_249)
      %mul3A_250 = arith.constant 81920 : i32
      %mul3A_251 = arith.muli %arg1, %mul3A_250 : i32
      %mul3A_252 = arith.constant 81920 : i32
      %mul3A_253 = arith.muli %arg1, %mul3A_252 : i32
      %add3A_254 = arith.addi %mul3A_194, %mul3A_253 : i32
      "tpu.region"() ({
        %run_scoped3A = tpu.sem_alloc : memref<!tpu.dma_semaphore, #tpu.memory_space<semaphore_mem>>
        %dma_start3A = tpu.memref_slice %arg6[%add3A_254] : memref<20971520xf32, #tpu.memory_space<hbm>> -> memref<81920xf32, #tpu.memory_space<hbm>>
        %dma_start3A_255 = tpu.memref_slice %arg12[%mul3A_251] : memref<1312768xf32, #tpu.memory_space<vmem_shared>> -> memref<81920xf32, #tpu.memory_space<vmem_shared>>
        tpu.enqueue_dma source(%dma_start3A_255 : memref<81920xf32, #tpu.memory_space<vmem_shared>>) target(%dma_start3A : memref<81920xf32, #tpu.memory_space<hbm>>) target_semaphore(%run_scoped3A : memref<!tpu.dma_semaphore, #tpu.memory_space<semaphore_mem>>)
        %dma_wait3A = tpu.memref_slice %arg6[%add3A_254] : memref<20971520xf32, #tpu.memory_space<hbm>> -> memref<81920xf32, #tpu.memory_space<hbm>>
        %dma_wait3A_256 = tpu.memref_slice %arg12[%mul3A_251] : memref<1312768xf32, #tpu.memory_space<vmem_shared>> -> memref<81920xf32, #tpu.memory_space<vmem_shared>>
        tpu.wait_dma2 semaphore(%run_scoped3A : memref<!tpu.dma_semaphore, #tpu.memory_space<semaphore_mem>>) src(%dma_wait3A_256 : memref<81920xf32, #tpu.memory_space<vmem_shared>>) dst(%dma_wait3A : memref<81920xf32, #tpu.memory_space<hbm>>)
        tpu.yield
      }) : () -> ()
    }
    %scan3A_189 = arith.constant 8 : i32
    return
  }
}

#map = affine_map<(d0, d1) -> (0, 0)>
#map1 = affine_map<(d0, d1) -> (0)>
#map2 = affine_map<(d0, d1) -> (0, 0, 0)>
module attributes {stable_mosaic.version = 14 : i64} {
  func.func @_seg_body(%arg0: i32, %arg1: i32, %arg2: memref<10000x128xf32, #tpu.memory_space<hbm>>, %arg3: memref<160000xi32, #tpu.memory_space<hbm>>, %arg4: memref<160000xi32, #tpu.memory_space<hbm>>, %arg5: memref<640x128xf32, #tpu.memory_space<hbm>>, %arg6: memref<2x10240x128xf32, #tpu.memory_space<hbm>>, %arg7: memref<200xi32, #tpu.memory_space<vmem>>, %arg8: memref<200xi32, #tpu.memory_space<vmem>>, %arg9: memref<200xi32, #tpu.memory_space<vmem>>, %arg10: memref<200xi32, #tpu.memory_space<vmem>>, %arg11: memref<200x128xf32, #tpu.memory_space<vmem>>, %arg12: memref<10240x128xf32, #tpu.memory_space<vmem_shared>>, %arg13: memref<!tpu.dma_semaphore, #tpu.memory_space<semaphore_mem>>, %arg14: memref<!tpu.dma_semaphore, #tpu.memory_space<semaphore_mem>>) attributes {dimension_semantics = [#tpu.dimension_semantics<core_parallel>, #tpu.dimension_semantics<subcore_parallel>], iteration_bounds = array<i64: 2, 16>, scalar_prefetch = 0 : i64, scratch_operands = 8 : i64, tpu.core_type = #tpu.core_type<sc_vector_subcore>, window_params = [{transform_indices = #map}, {transform_indices = #map1}, {transform_indices = #map1}, {transform_indices = #map}, {transform_indices = #map2}]} {
    %mul3A = arith.constant 640 : i32
    %mul3A_0 = arith.muli %arg1, %mul3A : i32
    "tpu.region"() ({
      %run_scoped3A = tpu.sem_alloc : memref<!tpu.dma_semaphore, #tpu.memory_space<semaphore_mem>>
      %dma_start3A_20 = arith.constant 0 : i32
      %dma_start3A_21 = tpu.memref_slice %arg12[%mul3A_0, %dma_start3A_20] : memref<10240x128xf32, #tpu.memory_space<vmem_shared>> -> memref<640x128xf32, #tpu.memory_space<vmem_shared>>
      tpu.enqueue_dma source(%arg5 : memref<640x128xf32, #tpu.memory_space<hbm>>) target(%dma_start3A_21 : memref<640x128xf32, #tpu.memory_space<vmem_shared>>) target_semaphore(%run_scoped3A : memref<!tpu.dma_semaphore, #tpu.memory_space<semaphore_mem>>)
      %dma_wait3A_22 = arith.constant 0 : i32
      %dma_wait3A_23 = tpu.memref_slice %arg12[%mul3A_0, %dma_wait3A_22] : memref<10240x128xf32, #tpu.memory_space<vmem_shared>> -> memref<640x128xf32, #tpu.memory_space<vmem_shared>>
      tpu.wait_dma2 semaphore(%run_scoped3A : memref<!tpu.dma_semaphore, #tpu.memory_space<semaphore_mem>>) src(%arg5 : memref<640x128xf32, #tpu.memory_space<hbm>>) dst(%dma_wait3A_23 : memref<640x128xf32, #tpu.memory_space<vmem_shared>>)
      tpu.yield
    }) : () -> ()
    %barrier3A = arith.constant 0 : index
    tpu.barrier barrier_id(%barrier3A)
    %mul3A_1 = arith.constant 80000 : i32
    %mul3A_2 = arith.muli %arg0, %mul3A_1 : i32
    %mul3A_3 = arith.constant 5000 : i32
    %mul3A_4 = arith.muli %arg1, %mul3A_3 : i32
    %add3A = arith.addi %mul3A_2, %mul3A_4 : i32
    %add3A_5 = arith.constant 4800 : i32
    %add3A_6 = arith.addi %add3A, %add3A_5 : i32
    "tpu.region"() ({
      %run_scoped3A = tpu.sem_alloc : memref<!tpu.dma_semaphore, #tpu.memory_space<semaphore_mem>>
      %dma_start3A_20 = tpu.memref_slice %arg3[%add3A] : memref<160000xi32, #tpu.memory_space<hbm>> -> memref<200xi32, #tpu.memory_space<hbm>>
      %dma_start3A_21 = tpu.memref_slice %arg3[%add3A] : memref<160000xi32, #tpu.memory_space<hbm>> -> memref<200xi32, #tpu.memory_space<hbm>>
      tpu.enqueue_dma source(%dma_start3A_21 : memref<200xi32, #tpu.memory_space<hbm>>) target(%arg7 : memref<200xi32, #tpu.memory_space<vmem>>) target_semaphore(%run_scoped3A : memref<!tpu.dma_semaphore, #tpu.memory_space<semaphore_mem>>)
      %dma_wait3A_22 = tpu.memref_slice %arg3[%add3A] : memref<160000xi32, #tpu.memory_space<hbm>> -> memref<200xi32, #tpu.memory_space<hbm>>
      %dma_wait3A_23 = tpu.memref_slice %arg3[%add3A] : memref<160000xi32, #tpu.memory_space<hbm>> -> memref<200xi32, #tpu.memory_space<hbm>>
      tpu.wait_dma2 semaphore(%run_scoped3A : memref<!tpu.dma_semaphore, #tpu.memory_space<semaphore_mem>>) src(%dma_wait3A_23 : memref<200xi32, #tpu.memory_space<hbm>>) dst(%arg7 : memref<200xi32, #tpu.memory_space<vmem>>)
      tpu.yield
    }) : () -> ()
    "tpu.region"() ({
      %run_scoped3A = tpu.sem_alloc : memref<!tpu.dma_semaphore, #tpu.memory_space<semaphore_mem>>
      %dma_start3A_20 = tpu.memref_slice %arg4[%add3A] : memref<160000xi32, #tpu.memory_space<hbm>> -> memref<200xi32, #tpu.memory_space<hbm>>
      %dma_start3A_21 = tpu.memref_slice %arg4[%add3A] : memref<160000xi32, #tpu.memory_space<hbm>> -> memref<200xi32, #tpu.memory_space<hbm>>
      tpu.enqueue_dma source(%dma_start3A_21 : memref<200xi32, #tpu.memory_space<hbm>>) target(%arg8 : memref<200xi32, #tpu.memory_space<vmem>>) target_semaphore(%run_scoped3A : memref<!tpu.dma_semaphore, #tpu.memory_space<semaphore_mem>>)
      %dma_wait3A_22 = tpu.memref_slice %arg4[%add3A] : memref<160000xi32, #tpu.memory_space<hbm>> -> memref<200xi32, #tpu.memory_space<hbm>>
      %dma_wait3A_23 = tpu.memref_slice %arg4[%add3A] : memref<160000xi32, #tpu.memory_space<hbm>> -> memref<200xi32, #tpu.memory_space<hbm>>
      tpu.wait_dma2 semaphore(%run_scoped3A : memref<!tpu.dma_semaphore, #tpu.memory_space<semaphore_mem>>) src(%dma_wait3A_23 : memref<200xi32, #tpu.memory_space<hbm>>) dst(%arg8 : memref<200xi32, #tpu.memory_space<vmem>>)
      tpu.yield
    }) : () -> ()
    %scan3A = arith.constant 0 : i32
    %scan3A_7 = arith.constant 12 : i32
    %scan3A_8 = arith.addi %scan3A, %scan3A_7 : i32
    %scan3A_9 = arith.constant 1 : i32
    scf.for %scan3A_20 = %scan3A to %scan3A_8 step %scan3A_9  : i32 {
      %mul3A_21 = arith.constant 2 : i32
      %mul3A_22 = arith.muli %mul3A_21, %scan3A_20 : i32
      %add3A_23 = arith.constant 1 : i32
      %add3A_24 = arith.addi %mul3A_22, %add3A_23 : i32
      %mul3A_25 = arith.constant 200 : i32
      %mul3A_26 = arith.muli %add3A_24, %mul3A_25 : i32
      %add3A_27 = arith.addi %add3A, %mul3A_26 : i32
      %mul3A_28 = arith.constant 2 : i32
      %mul3A_29 = arith.muli %mul3A_28, %scan3A_20 : i32
      %add3A_30 = arith.constant 2 : i32
      %add3A_31 = arith.addi %mul3A_29, %add3A_30 : i32
      %mul3A_32 = arith.constant 200 : i32
      %mul3A_33 = arith.muli %add3A_31, %mul3A_32 : i32
      %add3A_34 = arith.addi %add3A, %mul3A_33 : i32
      %min3A = arith.minsi %add3A_34, %add3A_6 : i32
      %dma_start3A_35 = tpu.memref_slice %arg3[%add3A_27] : memref<160000xi32, #tpu.memory_space<hbm>> -> memref<200xi32, #tpu.memory_space<hbm>>
      %dma_start3A_36 = tpu.memref_slice %arg3[%add3A_27] : memref<160000xi32, #tpu.memory_space<hbm>> -> memref<200xi32, #tpu.memory_space<hbm>>
      tpu.enqueue_dma source(%dma_start3A_36 : memref<200xi32, #tpu.memory_space<hbm>>) target(%arg9 : memref<200xi32, #tpu.memory_space<vmem>>) target_semaphore(%arg13 : memref<!tpu.dma_semaphore, #tpu.memory_space<semaphore_mem>>)
      %dma_start3A_37 = tpu.memref_slice %arg4[%add3A_27] : memref<160000xi32, #tpu.memory_space<hbm>> -> memref<200xi32, #tpu.memory_space<hbm>>
      %dma_start3A_38 = tpu.memref_slice %arg4[%add3A_27] : memref<160000xi32, #tpu.memory_space<hbm>> -> memref<200xi32, #tpu.memory_space<hbm>>
      tpu.enqueue_dma source(%dma_start3A_38 : memref<200xi32, #tpu.memory_space<hbm>>) target(%arg10 : memref<200xi32, #tpu.memory_space<vmem>>) target_semaphore(%arg13 : memref<!tpu.dma_semaphore, #tpu.memory_space<semaphore_mem>>)
      %dma_start3A_39 = arith.constant 0 : i32
      %dma_start3A_40 = arith.constant 0 : i32
      %dma_start3A_41 = tpu.memref_slice %arg2[%dma_start3A_39, %dma_start3A_40] : memref<10000x128xf32, #tpu.memory_space<hbm>> -> memref<10000x128xf32, #tpu.memory_space<hbm>>
      tpu.enqueue_indirect_dma source(%dma_start3A_41 : memref<10000x128xf32, #tpu.memory_space<hbm>>) target(%arg11 : memref<200x128xf32, #tpu.memory_space<vmem>>) offsets(%arg7 : memref<200xi32, #tpu.memory_space<vmem>>) semaphore(%arg14 : memref<!tpu.dma_semaphore, #tpu.memory_space<semaphore_mem>>)
      %dma_wait3A_42 = arith.constant 0 : i32
      %dma_wait3A_43 = arith.constant 0 : i32
      %dma_wait3A_44 = tpu.memref_slice %arg2[%dma_wait3A_42, %dma_wait3A_43] : memref<10000x128xf32, #tpu.memory_space<hbm>> -> memref<10000x128xf32, #tpu.memory_space<hbm>>
      tpu.wait_indirect_dma semaphore(%arg14 : memref<!tpu.dma_semaphore, #tpu.memory_space<semaphore_mem>>) src(%dma_wait3A_44 : memref<10000x128xf32, #tpu.memory_space<hbm>>) dst(%arg11 : memref<200x128xf32, #tpu.memory_space<vmem>>)
      "tpu.region"() ({
        %run_scoped3A = tpu.sem_alloc : memref<!tpu.dma_semaphore, #tpu.memory_space<semaphore_mem>>
        %dma_start3A_71 = arith.constant 0 : i32
        %dma_start3A_72 = arith.constant 0 : i32
        %dma_start3A_73 = tpu.memref_slice %arg12[%dma_start3A_71, %dma_start3A_72] : memref<10240x128xf32, #tpu.memory_space<vmem_shared>> -> memref<10240x128xf32, #tpu.memory_space<vmem_shared>>
        tpu.enqueue_indirect_dma source(%arg11 : memref<200x128xf32, #tpu.memory_space<vmem>>) target(%dma_start3A_73 : memref<10240x128xf32, #tpu.memory_space<vmem_shared>>) offsets(%arg8 : memref<200xi32, #tpu.memory_space<vmem>>) semaphore(%run_scoped3A : memref<!tpu.dma_semaphore, #tpu.memory_space<semaphore_mem>>) {add = true}
        %dma_wait3A_74 = arith.constant 0 : i32
        %dma_wait3A_75 = arith.constant 0 : i32
        %dma_wait3A_76 = tpu.memref_slice %arg12[%dma_wait3A_74, %dma_wait3A_75] : memref<10240x128xf32, #tpu.memory_space<vmem_shared>> -> memref<10240x128xf32, #tpu.memory_space<vmem_shared>>
        tpu.wait_indirect_dma semaphore(%run_scoped3A : memref<!tpu.dma_semaphore, #tpu.memory_space<semaphore_mem>>) src(%arg11 : memref<200x128xf32, #tpu.memory_space<vmem>>) dst(%dma_wait3A_76 : memref<10240x128xf32, #tpu.memory_space<vmem_shared>>)
        tpu.yield
      }) : () -> ()
      %dma_wait3A_45 = arith.constant 0 : i32
      %dma_wait3A_46 = tpu.memref_slice %arg3[%dma_wait3A_45] : memref<160000xi32, #tpu.memory_space<hbm>> -> memref<200xi32, #tpu.memory_space<hbm>>
      %dma_wait3A_47 = arith.constant 0 : i32
      %dma_wait3A_48 = tpu.memref_slice %arg3[%dma_wait3A_47] : memref<160000xi32, #tpu.memory_space<hbm>> -> memref<200xi32, #tpu.memory_space<hbm>>
      tpu.wait_dma2 semaphore(%arg13 : memref<!tpu.dma_semaphore, #tpu.memory_space<semaphore_mem>>) src(%dma_wait3A_48 : memref<200xi32, #tpu.memory_space<hbm>>) dst(%arg9 : memref<200xi32, #tpu.memory_space<vmem>>)
      %dma_wait3A_49 = arith.constant 0 : i32
      %dma_wait3A_50 = tpu.memref_slice %arg3[%dma_wait3A_49] : memref<160000xi32, #tpu.memory_space<hbm>> -> memref<200xi32, #tpu.memory_space<hbm>>
      %dma_wait3A_51 = arith.constant 0 : i32
      %dma_wait3A_52 = tpu.memref_slice %arg3[%dma_wait3A_51] : memref<160000xi32, #tpu.memory_space<hbm>> -> memref<200xi32, #tpu.memory_space<hbm>>
      tpu.wait_dma2 semaphore(%arg13 : memref<!tpu.dma_semaphore, #tpu.memory_space<semaphore_mem>>) src(%dma_wait3A_52 : memref<200xi32, #tpu.memory_space<hbm>>) dst(%arg10 : memref<200xi32, #tpu.memory_space<vmem>>)
      %dma_start3A_53 = tpu.memref_slice %arg3[%min3A] : memref<160000xi32, #tpu.memory_space<hbm>> -> memref<200xi32, #tpu.memory_space<hbm>>
      %dma_start3A_54 = tpu.memref_slice %arg3[%min3A] : memref<160000xi32, #tpu.memory_space<hbm>> -> memref<200xi32, #tpu.memory_space<hbm>>
      tpu.enqueue_dma source(%dma_start3A_54 : memref<200xi32, #tpu.memory_space<hbm>>) target(%arg7 : memref<200xi32, #tpu.memory_space<vmem>>) target_semaphore(%arg13 : memref<!tpu.dma_semaphore, #tpu.memory_space<semaphore_mem>>)
      %dma_start3A_55 = tpu.memref_slice %arg4[%min3A] : memref<160000xi32, #tpu.memory_space<hbm>> -> memref<200xi32, #tpu.memory_space<hbm>>
      %dma_start3A_56 = tpu.memref_slice %arg4[%min3A] : memref<160000xi32, #tpu.memory_space<hbm>> -> memref<200xi32, #tpu.memory_space<hbm>>
      tpu.enqueue_dma source(%dma_start3A_56 : memref<200xi32, #tpu.memory_space<hbm>>) target(%arg8 : memref<200xi32, #tpu.memory_space<vmem>>) target_semaphore(%arg13 : memref<!tpu.dma_semaphore, #tpu.memory_space<semaphore_mem>>)
      %dma_start3A_57 = arith.constant 0 : i32
      %dma_start3A_58 = arith.constant 0 : i32
      %dma_start3A_59 = tpu.memref_slice %arg2[%dma_start3A_57, %dma_start3A_58] : memref<10000x128xf32, #tpu.memory_space<hbm>> -> memref<10000x128xf32, #tpu.memory_space<hbm>>
      tpu.enqueue_indirect_dma source(%dma_start3A_59 : memref<10000x128xf32, #tpu.memory_space<hbm>>) target(%arg11 : memref<200x128xf32, #tpu.memory_space<vmem>>) offsets(%arg9 : memref<200xi32, #tpu.memory_space<vmem>>) semaphore(%arg14 : memref<!tpu.dma_semaphore, #tpu.memory_space<semaphore_mem>>)
      %dma_wait3A_60 = arith.constant 0 : i32
      %dma_wait3A_61 = arith.constant 0 : i32
      %dma_wait3A_62 = tpu.memref_slice %arg2[%dma_wait3A_60, %dma_wait3A_61] : memref<10000x128xf32, #tpu.memory_space<hbm>> -> memref<10000x128xf32, #tpu.memory_space<hbm>>
      tpu.wait_indirect_dma semaphore(%arg14 : memref<!tpu.dma_semaphore, #tpu.memory_space<semaphore_mem>>) src(%dma_wait3A_62 : memref<10000x128xf32, #tpu.memory_space<hbm>>) dst(%arg11 : memref<200x128xf32, #tpu.memory_space<vmem>>)
      "tpu.region"() ({
        %run_scoped3A = tpu.sem_alloc : memref<!tpu.dma_semaphore, #tpu.memory_space<semaphore_mem>>
        %dma_start3A_71 = arith.constant 0 : i32
        %dma_start3A_72 = arith.constant 0 : i32
        %dma_start3A_73 = tpu.memref_slice %arg12[%dma_start3A_71, %dma_start3A_72] : memref<10240x128xf32, #tpu.memory_space<vmem_shared>> -> memref<10240x128xf32, #tpu.memory_space<vmem_shared>>
        tpu.enqueue_indirect_dma source(%arg11 : memref<200x128xf32, #tpu.memory_space<vmem>>) target(%dma_start3A_73 : memref<10240x128xf32, #tpu.memory_space<vmem_shared>>) offsets(%arg10 : memref<200xi32, #tpu.memory_space<vmem>>) semaphore(%run_scoped3A : memref<!tpu.dma_semaphore, #tpu.memory_space<semaphore_mem>>) {add = true}
        %dma_wait3A_74 = arith.constant 0 : i32
        %dma_wait3A_75 = arith.constant 0 : i32
        %dma_wait3A_76 = tpu.memref_slice %arg12[%dma_wait3A_74, %dma_wait3A_75] : memref<10240x128xf32, #tpu.memory_space<vmem_shared>> -> memref<10240x128xf32, #tpu.memory_space<vmem_shared>>
        tpu.wait_indirect_dma semaphore(%run_scoped3A : memref<!tpu.dma_semaphore, #tpu.memory_space<semaphore_mem>>) src(%arg11 : memref<200x128xf32, #tpu.memory_space<vmem>>) dst(%dma_wait3A_76 : memref<10240x128xf32, #tpu.memory_space<vmem_shared>>)
        tpu.yield
      }) : () -> ()
      %dma_wait3A_63 = arith.constant 0 : i32
      %dma_wait3A_64 = tpu.memref_slice %arg3[%dma_wait3A_63] : memref<160000xi32, #tpu.memory_space<hbm>> -> memref<200xi32, #tpu.memory_space<hbm>>
      %dma_wait3A_65 = arith.constant 0 : i32
      %dma_wait3A_66 = tpu.memref_slice %arg3[%dma_wait3A_65] : memref<160000xi32, #tpu.memory_space<hbm>> -> memref<200xi32, #tpu.memory_space<hbm>>
      tpu.wait_dma2 semaphore(%arg13 : memref<!tpu.dma_semaphore, #tpu.memory_space<semaphore_mem>>) src(%dma_wait3A_66 : memref<200xi32, #tpu.memory_space<hbm>>) dst(%arg7 : memref<200xi32, #tpu.memory_space<vmem>>)
      %dma_wait3A_67 = arith.constant 0 : i32
      %dma_wait3A_68 = tpu.memref_slice %arg3[%dma_wait3A_67] : memref<160000xi32, #tpu.memory_space<hbm>> -> memref<200xi32, #tpu.memory_space<hbm>>
      %dma_wait3A_69 = arith.constant 0 : i32
      %dma_wait3A_70 = tpu.memref_slice %arg3[%dma_wait3A_69] : memref<160000xi32, #tpu.memory_space<hbm>> -> memref<200xi32, #tpu.memory_space<hbm>>
      tpu.wait_dma2 semaphore(%arg13 : memref<!tpu.dma_semaphore, #tpu.memory_space<semaphore_mem>>) src(%dma_wait3A_70 : memref<200xi32, #tpu.memory_space<hbm>>) dst(%arg8 : memref<200xi32, #tpu.memory_space<vmem>>)
    }
    %scan3A_10 = arith.constant 12 : i32
    %dma_start3A = arith.constant 0 : i32
    %dma_start3A_11 = arith.constant 0 : i32
    %dma_start3A_12 = tpu.memref_slice %arg2[%dma_start3A, %dma_start3A_11] : memref<10000x128xf32, #tpu.memory_space<hbm>> -> memref<10000x128xf32, #tpu.memory_space<hbm>>
    tpu.enqueue_indirect_dma source(%dma_start3A_12 : memref<10000x128xf32, #tpu.memory_space<hbm>>) target(%arg11 : memref<200x128xf32, #tpu.memory_space<vmem>>) offsets(%arg7 : memref<200xi32, #tpu.memory_space<vmem>>) semaphore(%arg14 : memref<!tpu.dma_semaphore, #tpu.memory_space<semaphore_mem>>)
    %dma_wait3A = arith.constant 0 : i32
    %dma_wait3A_13 = arith.constant 0 : i32
    %dma_wait3A_14 = tpu.memref_slice %arg2[%dma_wait3A, %dma_wait3A_13] : memref<10000x128xf32, #tpu.memory_space<hbm>> -> memref<10000x128xf32, #tpu.memory_space<hbm>>
    tpu.wait_indirect_dma semaphore(%arg14 : memref<!tpu.dma_semaphore, #tpu.memory_space<semaphore_mem>>) src(%dma_wait3A_14 : memref<10000x128xf32, #tpu.memory_space<hbm>>) dst(%arg11 : memref<200x128xf32, #tpu.memory_space<vmem>>)
    "tpu.region"() ({
      %run_scoped3A = tpu.sem_alloc : memref<!tpu.dma_semaphore, #tpu.memory_space<semaphore_mem>>
      %dma_start3A_20 = arith.constant 0 : i32
      %dma_start3A_21 = arith.constant 0 : i32
      %dma_start3A_22 = tpu.memref_slice %arg12[%dma_start3A_20, %dma_start3A_21] : memref<10240x128xf32, #tpu.memory_space<vmem_shared>> -> memref<10240x128xf32, #tpu.memory_space<vmem_shared>>
      tpu.enqueue_indirect_dma source(%arg11 : memref<200x128xf32, #tpu.memory_space<vmem>>) target(%dma_start3A_22 : memref<10240x128xf32, #tpu.memory_space<vmem_shared>>) offsets(%arg8 : memref<200xi32, #tpu.memory_space<vmem>>) semaphore(%run_scoped3A : memref<!tpu.dma_semaphore, #tpu.memory_space<semaphore_mem>>) {add = true}
      %dma_wait3A_23 = arith.constant 0 : i32
      %dma_wait3A_24 = arith.constant 0 : i32
      %dma_wait3A_25 = tpu.memref_slice %arg12[%dma_wait3A_23, %dma_wait3A_24] : memref<10240x128xf32, #tpu.memory_space<vmem_shared>> -> memref<10240x128xf32, #tpu.memory_space<vmem_shared>>
      tpu.wait_indirect_dma semaphore(%run_scoped3A : memref<!tpu.dma_semaphore, #tpu.memory_space<semaphore_mem>>) src(%arg11 : memref<200x128xf32, #tpu.memory_space<vmem>>) dst(%dma_wait3A_25 : memref<10240x128xf32, #tpu.memory_space<vmem_shared>>)
      tpu.yield
    }) : () -> ()
    %barrier3A_15 = arith.constant 0 : index
    tpu.barrier barrier_id(%barrier3A_15)
    %mul3A_16 = arith.constant 640 : i32
    %mul3A_17 = arith.muli %arg1, %mul3A_16 : i32
    %mul3A_18 = arith.constant 640 : i32
    %mul3A_19 = arith.muli %arg1, %mul3A_18 : i32
    "tpu.region"() ({
      %run_scoped3A = tpu.sem_alloc : memref<!tpu.dma_semaphore, #tpu.memory_space<semaphore_mem>>
      %dma_start3A_20 = arith.constant 0 : i32
      %dma_start3A_21 = tpu.memref_slice %arg6[%arg0, %mul3A_19, %dma_start3A_20] : memref<2x10240x128xf32, #tpu.memory_space<hbm>> -> memref<1x640x128xf32, #tpu.memory_space<hbm>>
      %dma_start3A_22 = tpu.memref_squeeze %dma_start3A_21 : memref<1x640x128xf32, #tpu.memory_space<hbm>> -> memref<640x128xf32, #tpu.memory_space<hbm>>
      %dma_start3A_23 = arith.constant 0 : i32
      %dma_start3A_24 = tpu.memref_slice %arg12[%mul3A_17, %dma_start3A_23] : memref<10240x128xf32, #tpu.memory_space<vmem_shared>> -> memref<640x128xf32, #tpu.memory_space<vmem_shared>>
      tpu.enqueue_dma source(%dma_start3A_24 : memref<640x128xf32, #tpu.memory_space<vmem_shared>>) target(%dma_start3A_22 : memref<640x128xf32, #tpu.memory_space<hbm>>) target_semaphore(%run_scoped3A : memref<!tpu.dma_semaphore, #tpu.memory_space<semaphore_mem>>)
      %dma_wait3A_25 = arith.constant 0 : i32
      %dma_wait3A_26 = tpu.memref_slice %arg6[%arg0, %mul3A_19, %dma_wait3A_25] : memref<2x10240x128xf32, #tpu.memory_space<hbm>> -> memref<1x640x128xf32, #tpu.memory_space<hbm>>
      %dma_wait3A_27 = tpu.memref_squeeze %dma_wait3A_26 : memref<1x640x128xf32, #tpu.memory_space<hbm>> -> memref<640x128xf32, #tpu.memory_space<hbm>>
      %dma_wait3A_28 = arith.constant 0 : i32
      %dma_wait3A_29 = tpu.memref_slice %arg12[%mul3A_17, %dma_wait3A_28] : memref<10240x128xf32, #tpu.memory_space<vmem_shared>> -> memref<640x128xf32, #tpu.memory_space<vmem_shared>>
      tpu.wait_dma2 semaphore(%run_scoped3A : memref<!tpu.dma_semaphore, #tpu.memory_space<semaphore_mem>>) src(%dma_wait3A_29 : memref<640x128xf32, #tpu.memory_space<vmem_shared>>) dst(%dma_wait3A_27 : memref<640x128xf32, #tpu.memory_space<hbm>>)
      tpu.yield
    }) : () -> ()
    return
  }
}

#map = affine_map<(d0, d1) -> (0, 0)>
#map1 = affine_map<(d0, d1) -> (0)>
#map2 = affine_map<(d0, d1) -> (0, 0, 0)>
module attributes {stable_mosaic.version = 14 : i64} {
  func.func @_seg_body(%arg0: i32, %arg1: i32, %arg2: memref<10000x128xf32, #tpu.memory_space<hbm>>, %arg3: memref<160000xi32, #tpu.memory_space<hbm>>, %arg4: memref<160000xi32, #tpu.memory_space<hbm>>, %arg5: memref<640x128xf32, #tpu.memory_space<hbm>>, %arg6: memref<2x10240x128xf32, #tpu.memory_space<hbm>>, %arg7: memref<200xi32, #tpu.memory_space<vmem>>, %arg8: memref<200xi32, #tpu.memory_space<vmem>>, %arg9: memref<200xi32, #tpu.memory_space<vmem>>, %arg10: memref<200xi32, #tpu.memory_space<vmem>>, %arg11: memref<200x128xf32, #tpu.memory_space<vmem>>, %arg12: memref<10240x128xf32, #tpu.memory_space<vmem_shared>>, %arg13: memref<!tpu.dma_semaphore, #tpu.memory_space<semaphore_mem>>, %arg14: memref<!tpu.dma_semaphore, #tpu.memory_space<semaphore_mem>>) attributes {dimension_semantics = [#tpu.dimension_semantics<core_parallel>, #tpu.dimension_semantics<subcore_parallel>], iteration_bounds = array<i64: 2, 16>, scalar_prefetch = 0 : i64, scratch_operands = 8 : i64, tpu.core_type = #tpu.core_type<sc_vector_subcore>, window_params = [{transform_indices = #map}, {transform_indices = #map1}, {transform_indices = #map1}, {transform_indices = #map}, {transform_indices = #map2}]} {
    %mul3A = arith.constant 640 : i32
    %mul3A_0 = arith.muli %arg1, %mul3A : i32
    "tpu.region"() ({
      %run_scoped3A = tpu.sem_alloc : memref<!tpu.dma_semaphore, #tpu.memory_space<semaphore_mem>>
      %dma_start3A_20 = arith.constant 0 : i32
      %dma_start3A_21 = tpu.memref_slice %arg12[%mul3A_0, %dma_start3A_20] : memref<10240x128xf32, #tpu.memory_space<vmem_shared>> -> memref<640x128xf32, #tpu.memory_space<vmem_shared>>
      tpu.enqueue_dma source(%arg5 : memref<640x128xf32, #tpu.memory_space<hbm>>) target(%dma_start3A_21 : memref<640x128xf32, #tpu.memory_space<vmem_shared>>) target_semaphore(%run_scoped3A : memref<!tpu.dma_semaphore, #tpu.memory_space<semaphore_mem>>)
      %dma_wait3A_22 = arith.constant 0 : i32
      %dma_wait3A_23 = tpu.memref_slice %arg12[%mul3A_0, %dma_wait3A_22] : memref<10240x128xf32, #tpu.memory_space<vmem_shared>> -> memref<640x128xf32, #tpu.memory_space<vmem_shared>>
      tpu.wait_dma2 semaphore(%run_scoped3A : memref<!tpu.dma_semaphore, #tpu.memory_space<semaphore_mem>>) src(%arg5 : memref<640x128xf32, #tpu.memory_space<hbm>>) dst(%dma_wait3A_23 : memref<640x128xf32, #tpu.memory_space<vmem_shared>>)
      tpu.yield
    }) : () -> ()
    %barrier3A = arith.constant 0 : index
    tpu.barrier barrier_id(%barrier3A)
    %mul3A_1 = arith.constant 80000 : i32
    %mul3A_2 = arith.muli %arg0, %mul3A_1 : i32
    %mul3A_3 = arith.constant 5000 : i32
    %mul3A_4 = arith.muli %arg1, %mul3A_3 : i32
    %add3A = arith.addi %mul3A_2, %mul3A_4 : i32
    %add3A_5 = arith.constant 4800 : i32
    %add3A_6 = arith.addi %add3A, %add3A_5 : i32
    "tpu.region"() ({
      %run_scoped3A = tpu.sem_alloc : memref<!tpu.dma_semaphore, #tpu.memory_space<semaphore_mem>>
      %dma_start3A_20 = tpu.memref_slice %arg3[%add3A] : memref<160000xi32, #tpu.memory_space<hbm>> -> memref<200xi32, #tpu.memory_space<hbm>>
      %dma_start3A_21 = tpu.memref_slice %arg3[%add3A] : memref<160000xi32, #tpu.memory_space<hbm>> -> memref<200xi32, #tpu.memory_space<hbm>>
      tpu.enqueue_dma source(%dma_start3A_21 : memref<200xi32, #tpu.memory_space<hbm>>) target(%arg7 : memref<200xi32, #tpu.memory_space<vmem>>) target_semaphore(%run_scoped3A : memref<!tpu.dma_semaphore, #tpu.memory_space<semaphore_mem>>)
      %dma_wait3A_22 = tpu.memref_slice %arg3[%add3A] : memref<160000xi32, #tpu.memory_space<hbm>> -> memref<200xi32, #tpu.memory_space<hbm>>
      %dma_wait3A_23 = tpu.memref_slice %arg3[%add3A] : memref<160000xi32, #tpu.memory_space<hbm>> -> memref<200xi32, #tpu.memory_space<hbm>>
      tpu.wait_dma2 semaphore(%run_scoped3A : memref<!tpu.dma_semaphore, #tpu.memory_space<semaphore_mem>>) src(%dma_wait3A_23 : memref<200xi32, #tpu.memory_space<hbm>>) dst(%arg7 : memref<200xi32, #tpu.memory_space<vmem>>)
      tpu.yield
    }) : () -> ()
    "tpu.region"() ({
      %run_scoped3A = tpu.sem_alloc : memref<!tpu.dma_semaphore, #tpu.memory_space<semaphore_mem>>
      %dma_start3A_20 = tpu.memref_slice %arg4[%add3A] : memref<160000xi32, #tpu.memory_space<hbm>> -> memref<200xi32, #tpu.memory_space<hbm>>
      %dma_start3A_21 = tpu.memref_slice %arg4[%add3A] : memref<160000xi32, #tpu.memory_space<hbm>> -> memref<200xi32, #tpu.memory_space<hbm>>
      tpu.enqueue_dma source(%dma_start3A_21 : memref<200xi32, #tpu.memory_space<hbm>>) target(%arg8 : memref<200xi32, #tpu.memory_space<vmem>>) target_semaphore(%run_scoped3A : memref<!tpu.dma_semaphore, #tpu.memory_space<semaphore_mem>>)
      %dma_wait3A_22 = tpu.memref_slice %arg4[%add3A] : memref<160000xi32, #tpu.memory_space<hbm>> -> memref<200xi32, #tpu.memory_space<hbm>>
      %dma_wait3A_23 = tpu.memref_slice %arg4[%add3A] : memref<160000xi32, #tpu.memory_space<hbm>> -> memref<200xi32, #tpu.memory_space<hbm>>
      tpu.wait_dma2 semaphore(%run_scoped3A : memref<!tpu.dma_semaphore, #tpu.memory_space<semaphore_mem>>) src(%dma_wait3A_23 : memref<200xi32, #tpu.memory_space<hbm>>) dst(%arg8 : memref<200xi32, #tpu.memory_space<vmem>>)
      tpu.yield
    }) : () -> ()
    %scan3A = arith.constant 0 : i32
    %scan3A_7 = arith.constant 12 : i32
    %scan3A_8 = arith.addi %scan3A, %scan3A_7 : i32
    %scan3A_9 = arith.constant 1 : i32
    scf.for %scan3A_20 = %scan3A to %scan3A_8 step %scan3A_9  : i32 {
      %mul3A_21 = arith.constant 2 : i32
      %mul3A_22 = arith.muli %mul3A_21, %scan3A_20 : i32
      %add3A_23 = arith.constant 1 : i32
      %add3A_24 = arith.addi %mul3A_22, %add3A_23 : i32
      %mul3A_25 = arith.constant 200 : i32
      %mul3A_26 = arith.muli %add3A_24, %mul3A_25 : i32
      %add3A_27 = arith.addi %add3A, %mul3A_26 : i32
      %mul3A_28 = arith.constant 2 : i32
      %mul3A_29 = arith.muli %mul3A_28, %scan3A_20 : i32
      %add3A_30 = arith.constant 2 : i32
      %add3A_31 = arith.addi %mul3A_29, %add3A_30 : i32
      %mul3A_32 = arith.constant 200 : i32
      %mul3A_33 = arith.muli %add3A_31, %mul3A_32 : i32
      %add3A_34 = arith.addi %add3A, %mul3A_33 : i32
      %min3A = arith.minsi %add3A_34, %add3A_6 : i32
      %dma_start3A_35 = tpu.memref_slice %arg3[%add3A_27] : memref<160000xi32, #tpu.memory_space<hbm>> -> memref<200xi32, #tpu.memory_space<hbm>>
      %dma_start3A_36 = tpu.memref_slice %arg3[%add3A_27] : memref<160000xi32, #tpu.memory_space<hbm>> -> memref<200xi32, #tpu.memory_space<hbm>>
      tpu.enqueue_dma source(%dma_start3A_36 : memref<200xi32, #tpu.memory_space<hbm>>) target(%arg9 : memref<200xi32, #tpu.memory_space<vmem>>) target_semaphore(%arg13 : memref<!tpu.dma_semaphore, #tpu.memory_space<semaphore_mem>>)
      %dma_start3A_37 = tpu.memref_slice %arg4[%add3A_27] : memref<160000xi32, #tpu.memory_space<hbm>> -> memref<200xi32, #tpu.memory_space<hbm>>
      %dma_start3A_38 = tpu.memref_slice %arg4[%add3A_27] : memref<160000xi32, #tpu.memory_space<hbm>> -> memref<200xi32, #tpu.memory_space<hbm>>
      tpu.enqueue_dma source(%dma_start3A_38 : memref<200xi32, #tpu.memory_space<hbm>>) target(%arg10 : memref<200xi32, #tpu.memory_space<vmem>>) target_semaphore(%arg13 : memref<!tpu.dma_semaphore, #tpu.memory_space<semaphore_mem>>)
      %dma_start3A_39 = arith.constant 0 : i32
      %dma_start3A_40 = arith.constant 0 : i32
      %dma_start3A_41 = tpu.memref_slice %arg2[%dma_start3A_39, %dma_start3A_40] : memref<10000x128xf32, #tpu.memory_space<hbm>> -> memref<10000x128xf32, #tpu.memory_space<hbm>>
      tpu.enqueue_indirect_dma source(%dma_start3A_41 : memref<10000x128xf32, #tpu.memory_space<hbm>>) target(%arg11 : memref<200x128xf32, #tpu.memory_space<vmem>>) offsets(%arg7 : memref<200xi32, #tpu.memory_space<vmem>>) semaphore(%arg14 : memref<!tpu.dma_semaphore, #tpu.memory_space<semaphore_mem>>)
      %dma_wait3A_42 = arith.constant 0 : i32
      %dma_wait3A_43 = arith.constant 0 : i32
      %dma_wait3A_44 = tpu.memref_slice %arg2[%dma_wait3A_42, %dma_wait3A_43] : memref<10000x128xf32, #tpu.memory_space<hbm>> -> memref<10000x128xf32, #tpu.memory_space<hbm>>
      tpu.wait_indirect_dma semaphore(%arg14 : memref<!tpu.dma_semaphore, #tpu.memory_space<semaphore_mem>>) src(%dma_wait3A_44 : memref<10000x128xf32, #tpu.memory_space<hbm>>) dst(%arg11 : memref<200x128xf32, #tpu.memory_space<vmem>>)
      "tpu.region"() ({
        %run_scoped3A = tpu.sem_alloc : memref<!tpu.dma_semaphore, #tpu.memory_space<semaphore_mem>>
        %dma_start3A_71 = arith.constant 0 : i32
        %dma_start3A_72 = arith.constant 0 : i32
        %dma_start3A_73 = tpu.memref_slice %arg12[%dma_start3A_71, %dma_start3A_72] : memref<10240x128xf32, #tpu.memory_space<vmem_shared>> -> memref<10240x128xf32, #tpu.memory_space<vmem_shared>>
        tpu.enqueue_indirect_dma source(%arg11 : memref<200x128xf32, #tpu.memory_space<vmem>>) target(%dma_start3A_73 : memref<10240x128xf32, #tpu.memory_space<vmem_shared>>) offsets(%arg8 : memref<200xi32, #tpu.memory_space<vmem>>) semaphore(%run_scoped3A : memref<!tpu.dma_semaphore, #tpu.memory_space<semaphore_mem>>) {add = true}
        %dma_wait3A_74 = arith.constant 0 : i32
        %dma_wait3A_75 = arith.constant 0 : i32
        %dma_wait3A_76 = tpu.memref_slice %arg12[%dma_wait3A_74, %dma_wait3A_75] : memref<10240x128xf32, #tpu.memory_space<vmem_shared>> -> memref<10240x128xf32, #tpu.memory_space<vmem_shared>>
        tpu.wait_indirect_dma semaphore(%run_scoped3A : memref<!tpu.dma_semaphore, #tpu.memory_space<semaphore_mem>>) src(%arg11 : memref<200x128xf32, #tpu.memory_space<vmem>>) dst(%dma_wait3A_76 : memref<10240x128xf32, #tpu.memory_space<vmem_shared>>)
        tpu.yield
      }) : () -> ()
      %dma_wait3A_45 = arith.constant 0 : i32
      %dma_wait3A_46 = tpu.memref_slice %arg3[%dma_wait3A_45] : memref<160000xi32, #tpu.memory_space<hbm>> -> memref<200xi32, #tpu.memory_space<hbm>>
      %dma_wait3A_47 = arith.constant 0 : i32
      %dma_wait3A_48 = tpu.memref_slice %arg3[%dma_wait3A_47] : memref<160000xi32, #tpu.memory_space<hbm>> -> memref<200xi32, #tpu.memory_space<hbm>>
      tpu.wait_dma2 semaphore(%arg13 : memref<!tpu.dma_semaphore, #tpu.memory_space<semaphore_mem>>) src(%dma_wait3A_48 : memref<200xi32, #tpu.memory_space<hbm>>) dst(%arg9 : memref<200xi32, #tpu.memory_space<vmem>>)
      %dma_wait3A_49 = arith.constant 0 : i32
      %dma_wait3A_50 = tpu.memref_slice %arg3[%dma_wait3A_49] : memref<160000xi32, #tpu.memory_space<hbm>> -> memref<200xi32, #tpu.memory_space<hbm>>
      %dma_wait3A_51 = arith.constant 0 : i32
      %dma_wait3A_52 = tpu.memref_slice %arg3[%dma_wait3A_51] : memref<160000xi32, #tpu.memory_space<hbm>> -> memref<200xi32, #tpu.memory_space<hbm>>
      tpu.wait_dma2 semaphore(%arg13 : memref<!tpu.dma_semaphore, #tpu.memory_space<semaphore_mem>>) src(%dma_wait3A_52 : memref<200xi32, #tpu.memory_space<hbm>>) dst(%arg10 : memref<200xi32, #tpu.memory_space<vmem>>)
      %dma_start3A_53 = tpu.memref_slice %arg3[%min3A] : memref<160000xi32, #tpu.memory_space<hbm>> -> memref<200xi32, #tpu.memory_space<hbm>>
      %dma_start3A_54 = tpu.memref_slice %arg3[%min3A] : memref<160000xi32, #tpu.memory_space<hbm>> -> memref<200xi32, #tpu.memory_space<hbm>>
      tpu.enqueue_dma source(%dma_start3A_54 : memref<200xi32, #tpu.memory_space<hbm>>) target(%arg7 : memref<200xi32, #tpu.memory_space<vmem>>) target_semaphore(%arg13 : memref<!tpu.dma_semaphore, #tpu.memory_space<semaphore_mem>>)
      %dma_start3A_55 = tpu.memref_slice %arg4[%min3A] : memref<160000xi32, #tpu.memory_space<hbm>> -> memref<200xi32, #tpu.memory_space<hbm>>
      %dma_start3A_56 = tpu.memref_slice %arg4[%min3A] : memref<160000xi32, #tpu.memory_space<hbm>> -> memref<200xi32, #tpu.memory_space<hbm>>
      tpu.enqueue_dma source(%dma_start3A_56 : memref<200xi32, #tpu.memory_space<hbm>>) target(%arg8 : memref<200xi32, #tpu.memory_space<vmem>>) target_semaphore(%arg13 : memref<!tpu.dma_semaphore, #tpu.memory_space<semaphore_mem>>)
      %dma_start3A_57 = arith.constant 0 : i32
      %dma_start3A_58 = arith.constant 0 : i32
      %dma_start3A_59 = tpu.memref_slice %arg2[%dma_start3A_57, %dma_start3A_58] : memref<10000x128xf32, #tpu.memory_space<hbm>> -> memref<10000x128xf32, #tpu.memory_space<hbm>>
      tpu.enqueue_indirect_dma source(%dma_start3A_59 : memref<10000x128xf32, #tpu.memory_space<hbm>>) target(%arg11 : memref<200x128xf32, #tpu.memory_space<vmem>>) offsets(%arg9 : memref<200xi32, #tpu.memory_space<vmem>>) semaphore(%arg14 : memref<!tpu.dma_semaphore, #tpu.memory_space<semaphore_mem>>)
      %dma_wait3A_60 = arith.constant 0 : i32
      %dma_wait3A_61 = arith.constant 0 : i32
      %dma_wait3A_62 = tpu.memref_slice %arg2[%dma_wait3A_60, %dma_wait3A_61] : memref<10000x128xf32, #tpu.memory_space<hbm>> -> memref<10000x128xf32, #tpu.memory_space<hbm>>
      tpu.wait_indirect_dma semaphore(%arg14 : memref<!tpu.dma_semaphore, #tpu.memory_space<semaphore_mem>>) src(%dma_wait3A_62 : memref<10000x128xf32, #tpu.memory_space<hbm>>) dst(%arg11 : memref<200x128xf32, #tpu.memory_space<vmem>>)
      "tpu.region"() ({
        %run_scoped3A = tpu.sem_alloc : memref<!tpu.dma_semaphore, #tpu.memory_space<semaphore_mem>>
        %dma_start3A_71 = arith.constant 0 : i32
        %dma_start3A_72 = arith.constant 0 : i32
        %dma_start3A_73 = tpu.memref_slice %arg12[%dma_start3A_71, %dma_start3A_72] : memref<10240x128xf32, #tpu.memory_space<vmem_shared>> -> memref<10240x128xf32, #tpu.memory_space<vmem_shared>>
        tpu.enqueue_indirect_dma source(%arg11 : memref<200x128xf32, #tpu.memory_space<vmem>>) target(%dma_start3A_73 : memref<10240x128xf32, #tpu.memory_space<vmem_shared>>) offsets(%arg10 : memref<200xi32, #tpu.memory_space<vmem>>) semaphore(%run_scoped3A : memref<!tpu.dma_semaphore, #tpu.memory_space<semaphore_mem>>) {add = true}
        %dma_wait3A_74 = arith.constant 0 : i32
        %dma_wait3A_75 = arith.constant 0 : i32
        %dma_wait3A_76 = tpu.memref_slice %arg12[%dma_wait3A_74, %dma_wait3A_75] : memref<10240x128xf32, #tpu.memory_space<vmem_shared>> -> memref<10240x128xf32, #tpu.memory_space<vmem_shared>>
        tpu.wait_indirect_dma semaphore(%run_scoped3A : memref<!tpu.dma_semaphore, #tpu.memory_space<semaphore_mem>>) src(%arg11 : memref<200x128xf32, #tpu.memory_space<vmem>>) dst(%dma_wait3A_76 : memref<10240x128xf32, #tpu.memory_space<vmem_shared>>)
        tpu.yield
      }) : () -> ()
      %dma_wait3A_63 = arith.constant 0 : i32
      %dma_wait3A_64 = tpu.memref_slice %arg3[%dma_wait3A_63] : memref<160000xi32, #tpu.memory_space<hbm>> -> memref<200xi32, #tpu.memory_space<hbm>>
      %dma_wait3A_65 = arith.constant 0 : i32
      %dma_wait3A_66 = tpu.memref_slice %arg3[%dma_wait3A_65] : memref<160000xi32, #tpu.memory_space<hbm>> -> memref<200xi32, #tpu.memory_space<hbm>>
      tpu.wait_dma2 semaphore(%arg13 : memref<!tpu.dma_semaphore, #tpu.memory_space<semaphore_mem>>) src(%dma_wait3A_66 : memref<200xi32, #tpu.memory_space<hbm>>) dst(%arg7 : memref<200xi32, #tpu.memory_space<vmem>>)
      %dma_wait3A_67 = arith.constant 0 : i32
      %dma_wait3A_68 = tpu.memref_slice %arg3[%dma_wait3A_67] : memref<160000xi32, #tpu.memory_space<hbm>> -> memref<200xi32, #tpu.memory_space<hbm>>
      %dma_wait3A_69 = arith.constant 0 : i32
      %dma_wait3A_70 = tpu.memref_slice %arg3[%dma_wait3A_69] : memref<160000xi32, #tpu.memory_space<hbm>> -> memref<200xi32, #tpu.memory_space<hbm>>
      tpu.wait_dma2 semaphore(%arg13 : memref<!tpu.dma_semaphore, #tpu.memory_space<semaphore_mem>>) src(%dma_wait3A_70 : memref<200xi32, #tpu.memory_space<hbm>>) dst(%arg8 : memref<200xi32, #tpu.memory_space<vmem>>)
    }
    %scan3A_10 = arith.constant 12 : i32
    %dma_start3A = arith.constant 0 : i32
    %dma_start3A_11 = arith.constant 0 : i32
    %dma_start3A_12 = tpu.memref_slice %arg2[%dma_start3A, %dma_start3A_11] : memref<10000x128xf32, #tpu.memory_space<hbm>> -> memref<10000x128xf32, #tpu.memory_space<hbm>>
    tpu.enqueue_indirect_dma source(%dma_start3A_12 : memref<10000x128xf32, #tpu.memory_space<hbm>>) target(%arg11 : memref<200x128xf32, #tpu.memory_space<vmem>>) offsets(%arg7 : memref<200xi32, #tpu.memory_space<vmem>>) semaphore(%arg14 : memref<!tpu.dma_semaphore, #tpu.memory_space<semaphore_mem>>)
    %dma_wait3A = arith.constant 0 : i32
    %dma_wait3A_13 = arith.constant 0 : i32
    %dma_wait3A_14 = tpu.memref_slice %arg2[%dma_wait3A, %dma_wait3A_13] : memref<10000x128xf32, #tpu.memory_space<hbm>> -> memref<10000x128xf32, #tpu.memory_space<hbm>>
    tpu.wait_indirect_dma semaphore(%arg14 : memref<!tpu.dma_semaphore, #tpu.memory_space<semaphore_mem>>) src(%dma_wait3A_14 : memref<10000x128xf32, #tpu.memory_space<hbm>>) dst(%arg11 : memref<200x128xf32, #tpu.memory_space<vmem>>)
    "tpu.region"() ({
      %run_scoped3A = tpu.sem_alloc : memref<!tpu.dma_semaphore, #tpu.memory_space<semaphore_mem>>
      %dma_start3A_20 = arith.constant 0 : i32
      %dma_start3A_21 = arith.constant 0 : i32
      %dma_start3A_22 = tpu.memref_slice %arg12[%dma_start3A_20, %dma_start3A_21] : memref<10240x128xf32, #tpu.memory_space<vmem_shared>> -> memref<10240x128xf32, #tpu.memory_space<vmem_shared>>
      tpu.enqueue_indirect_dma source(%arg11 : memref<200x128xf32, #tpu.memory_space<vmem>>) target(%dma_start3A_22 : memref<10240x128xf32, #tpu.memory_space<vmem_shared>>) offsets(%arg8 : memref<200xi32, #tpu.memory_space<vmem>>) semaphore(%run_scoped3A : memref<!tpu.dma_semaphore, #tpu.memory_space<semaphore_mem>>) {add = true}
      %dma_wait3A_23 = arith.constant 0 : i32
      %dma_wait3A_24 = arith.constant 0 : i32
      %dma_wait3A_25 = tpu.memref_slice %arg12[%dma_wait3A_23, %dma_wait3A_24] : memref<10240x128xf32, #tpu.memory_space<vmem_shared>> -> memref<10240x128xf32, #tpu.memory_space<vmem_shared>>
      tpu.wait_indirect_dma semaphore(%run_scoped3A : memref<!tpu.dma_semaphore, #tpu.memory_space<semaphore_mem>>) src(%arg11 : memref<200x128xf32, #tpu.memory_space<vmem>>) dst(%dma_wait3A_25 : memref<10240x128xf32, #tpu.memory_space<vmem_shared>>)
      tpu.yield
    }) : () -> ()
    %barrier3A_15 = arith.constant 0 : index
    tpu.barrier barrier_id(%barrier3A_15)
    %mul3A_16 = arith.constant 640 : i32
    %mul3A_17 = arith.muli %arg1, %mul3A_16 : i32
    %mul3A_18 = arith.constant 640 : i32
    %mul3A_19 = arith.muli %arg1, %mul3A_18 : i32
    "tpu.region"() ({
      %run_scoped3A = tpu.sem_alloc : memref<!tpu.dma_semaphore, #tpu.memory_space<semaphore_mem>>
      %dma_start3A_20 = arith.constant 0 : i32
      %dma_start3A_21 = tpu.memref_slice %arg6[%arg0, %mul3A_19, %dma_start3A_20] : memref<2x10240x128xf32, #tpu.memory_space<hbm>> -> memref<1x640x128xf32, #tpu.memory_space<hbm>>
      %dma_start3A_22 = tpu.memref_squeeze %dma_start3A_21 : memref<1x640x128xf32, #tpu.memory_space<hbm>> -> memref<640x128xf32, #tpu.memory_space<hbm>>
      %dma_start3A_23 = arith.constant 0 : i32
      %dma_start3A_24 = tpu.memref_slice %arg12[%mul3A_17, %dma_start3A_23] : memref<10240x128xf32, #tpu.memory_space<vmem_shared>> -> memref<640x128xf32, #tpu.memory_space<vmem_shared>>
      tpu.enqueue_dma source(%dma_start3A_24 : memref<640x128xf32, #tpu.memory_space<vmem_shared>>) target(%dma_start3A_22 : memref<640x128xf32, #tpu.memory_space<hbm>>) target_semaphore(%run_scoped3A : memref<!tpu.dma_semaphore, #tpu.memory_space<semaphore_mem>>)
      %dma_wait3A_25 = arith.constant 0 : i32
      %dma_wait3A_26 = tpu.memref_slice %arg6[%arg0, %mul3A_19, %dma_wait3A_25] : memref<2x10240x128xf32, #tpu.memory_space<hbm>> -> memref<1x640x128xf32, #tpu.memory_space<hbm>>
      %dma_wait3A_27 = tpu.memref_squeeze %dma_wait3A_26 : memref<1x640x128xf32, #tpu.memory_space<hbm>> -> memref<640x128xf32, #tpu.memory_space<hbm>>
      %dma_wait3A_28 = arith.constant 0 : i32
      %dma_wait3A_29 = tpu.memref_slice %arg12[%mul3A_17, %dma_wait3A_28] : memref<10240x128xf32, #tpu.memory_space<vmem_shared>> -> memref<640x128xf32, #tpu.memory_space<vmem_shared>>
      tpu.wait_dma2 semaphore(%run_scoped3A : memref<!tpu.dma_semaphore, #tpu.memory_space<semaphore_mem>>) src(%dma_wait3A_29 : memref<640x128xf32, #tpu.memory_space<vmem_shared>>) dst(%dma_wait3A_27 : memref<640x128xf32, #tpu.memory_space<hbm>>)
      tpu.yield
    }) : () -> ()
    return
  }
}

#map = affine_map<(d0, d1) -> (0, 0)>
#map1 = affine_map<(d0, d1) -> (0)>
#map2 = affine_map<(d0, d1) -> (0, 0, 0)>
module attributes {stable_mosaic.version = 14 : i64} {
  func.func @_seg_body(%arg0: i32, %arg1: i32, %arg2: memref<10000x128xf32, #tpu.memory_space<hbm>>, %arg3: memref<160000xi32, #tpu.memory_space<hbm>>, %arg4: memref<160000xi32, #tpu.memory_space<hbm>>, %arg5: memref<640x128xf32, #tpu.memory_space<hbm>>, %arg6: memref<2x10240x128xf32, #tpu.memory_space<hbm>>, %arg7: memref<200xi32, #tpu.memory_space<vmem>>, %arg8: memref<200xi32, #tpu.memory_space<vmem>>, %arg9: memref<200xi32, #tpu.memory_space<vmem>>, %arg10: memref<200xi32, #tpu.memory_space<vmem>>, %arg11: memref<200x128xf32, #tpu.memory_space<vmem>>, %arg12: memref<10240x128xf32, #tpu.memory_space<vmem_shared>>, %arg13: memref<!tpu.dma_semaphore, #tpu.memory_space<semaphore_mem>>, %arg14: memref<!tpu.dma_semaphore, #tpu.memory_space<semaphore_mem>>) attributes {dimension_semantics = [#tpu.dimension_semantics<core_parallel>, #tpu.dimension_semantics<subcore_parallel>], iteration_bounds = array<i64: 2, 16>, scalar_prefetch = 0 : i64, scratch_operands = 8 : i64, tpu.core_type = #tpu.core_type<sc_vector_subcore>, window_params = [{transform_indices = #map}, {transform_indices = #map1}, {transform_indices = #map1}, {transform_indices = #map}, {transform_indices = #map2}]} {
    %mul3A = arith.constant 640 : i32
    %mul3A_0 = arith.muli %arg1, %mul3A : i32
    "tpu.region"() ({
      %run_scoped3A = tpu.sem_alloc : memref<!tpu.dma_semaphore, #tpu.memory_space<semaphore_mem>>
      %dma_start3A_20 = arith.constant 0 : i32
      %dma_start3A_21 = tpu.memref_slice %arg12[%mul3A_0, %dma_start3A_20] : memref<10240x128xf32, #tpu.memory_space<vmem_shared>> -> memref<640x128xf32, #tpu.memory_space<vmem_shared>>
      tpu.enqueue_dma source(%arg5 : memref<640x128xf32, #tpu.memory_space<hbm>>) target(%dma_start3A_21 : memref<640x128xf32, #tpu.memory_space<vmem_shared>>) target_semaphore(%run_scoped3A : memref<!tpu.dma_semaphore, #tpu.memory_space<semaphore_mem>>)
      %dma_wait3A_22 = arith.constant 0 : i32
      %dma_wait3A_23 = tpu.memref_slice %arg12[%mul3A_0, %dma_wait3A_22] : memref<10240x128xf32, #tpu.memory_space<vmem_shared>> -> memref<640x128xf32, #tpu.memory_space<vmem_shared>>
      tpu.wait_dma2 semaphore(%run_scoped3A : memref<!tpu.dma_semaphore, #tpu.memory_space<semaphore_mem>>) src(%arg5 : memref<640x128xf32, #tpu.memory_space<hbm>>) dst(%dma_wait3A_23 : memref<640x128xf32, #tpu.memory_space<vmem_shared>>)
      tpu.yield
    }) : () -> ()
    %barrier3A = arith.constant 0 : index
    tpu.barrier barrier_id(%barrier3A)
    %mul3A_1 = arith.constant 80000 : i32
    %mul3A_2 = arith.muli %arg0, %mul3A_1 : i32
    %mul3A_3 = arith.constant 5000 : i32
    %mul3A_4 = arith.muli %arg1, %mul3A_3 : i32
    %add3A = arith.addi %mul3A_2, %mul3A_4 : i32
    %add3A_5 = arith.constant 4800 : i32
    %add3A_6 = arith.addi %add3A, %add3A_5 : i32
    "tpu.region"() ({
      %run_scoped3A = tpu.sem_alloc : memref<!tpu.dma_semaphore, #tpu.memory_space<semaphore_mem>>
      %dma_start3A_20 = tpu.memref_slice %arg3[%add3A] : memref<160000xi32, #tpu.memory_space<hbm>> -> memref<200xi32, #tpu.memory_space<hbm>>
      %dma_start3A_21 = tpu.memref_slice %arg3[%add3A] : memref<160000xi32, #tpu.memory_space<hbm>> -> memref<200xi32, #tpu.memory_space<hbm>>
      tpu.enqueue_dma source(%dma_start3A_21 : memref<200xi32, #tpu.memory_space<hbm>>) target(%arg7 : memref<200xi32, #tpu.memory_space<vmem>>) target_semaphore(%run_scoped3A : memref<!tpu.dma_semaphore, #tpu.memory_space<semaphore_mem>>)
      %dma_wait3A_22 = tpu.memref_slice %arg3[%add3A] : memref<160000xi32, #tpu.memory_space<hbm>> -> memref<200xi32, #tpu.memory_space<hbm>>
      %dma_wait3A_23 = tpu.memref_slice %arg3[%add3A] : memref<160000xi32, #tpu.memory_space<hbm>> -> memref<200xi32, #tpu.memory_space<hbm>>
      tpu.wait_dma2 semaphore(%run_scoped3A : memref<!tpu.dma_semaphore, #tpu.memory_space<semaphore_mem>>) src(%dma_wait3A_23 : memref<200xi32, #tpu.memory_space<hbm>>) dst(%arg7 : memref<200xi32, #tpu.memory_space<vmem>>)
      tpu.yield
    }) : () -> ()
    "tpu.region"() ({
      %run_scoped3A = tpu.sem_alloc : memref<!tpu.dma_semaphore, #tpu.memory_space<semaphore_mem>>
      %dma_start3A_20 = tpu.memref_slice %arg4[%add3A] : memref<160000xi32, #tpu.memory_space<hbm>> -> memref<200xi32, #tpu.memory_space<hbm>>
      %dma_start3A_21 = tpu.memref_slice %arg4[%add3A] : memref<160000xi32, #tpu.memory_space<hbm>> -> memref<200xi32, #tpu.memory_space<hbm>>
      tpu.enqueue_dma source(%dma_start3A_21 : memref<200xi32, #tpu.memory_space<hbm>>) target(%arg8 : memref<200xi32, #tpu.memory_space<vmem>>) target_semaphore(%run_scoped3A : memref<!tpu.dma_semaphore, #tpu.memory_space<semaphore_mem>>)
      %dma_wait3A_22 = tpu.memref_slice %arg4[%add3A] : memref<160000xi32, #tpu.memory_space<hbm>> -> memref<200xi32, #tpu.memory_space<hbm>>
      %dma_wait3A_23 = tpu.memref_slice %arg4[%add3A] : memref<160000xi32, #tpu.memory_space<hbm>> -> memref<200xi32, #tpu.memory_space<hbm>>
      tpu.wait_dma2 semaphore(%run_scoped3A : memref<!tpu.dma_semaphore, #tpu.memory_space<semaphore_mem>>) src(%dma_wait3A_23 : memref<200xi32, #tpu.memory_space<hbm>>) dst(%arg8 : memref<200xi32, #tpu.memory_space<vmem>>)
      tpu.yield
    }) : () -> ()
    %scan3A = arith.constant 0 : i32
    %scan3A_7 = arith.constant 12 : i32
    %scan3A_8 = arith.addi %scan3A, %scan3A_7 : i32
    %scan3A_9 = arith.constant 1 : i32
    scf.for %scan3A_20 = %scan3A to %scan3A_8 step %scan3A_9  : i32 {
      %mul3A_21 = arith.constant 2 : i32
      %mul3A_22 = arith.muli %mul3A_21, %scan3A_20 : i32
      %add3A_23 = arith.constant 1 : i32
      %add3A_24 = arith.addi %mul3A_22, %add3A_23 : i32
      %mul3A_25 = arith.constant 200 : i32
      %mul3A_26 = arith.muli %add3A_24, %mul3A_25 : i32
      %add3A_27 = arith.addi %add3A, %mul3A_26 : i32
      %mul3A_28 = arith.constant 2 : i32
      %mul3A_29 = arith.muli %mul3A_28, %scan3A_20 : i32
      %add3A_30 = arith.constant 2 : i32
      %add3A_31 = arith.addi %mul3A_29, %add3A_30 : i32
      %mul3A_32 = arith.constant 200 : i32
      %mul3A_33 = arith.muli %add3A_31, %mul3A_32 : i32
      %add3A_34 = arith.addi %add3A, %mul3A_33 : i32
      %min3A = arith.minsi %add3A_34, %add3A_6 : i32
      %dma_start3A_35 = tpu.memref_slice %arg3[%add3A_27] : memref<160000xi32, #tpu.memory_space<hbm>> -> memref<200xi32, #tpu.memory_space<hbm>>
      %dma_start3A_36 = tpu.memref_slice %arg3[%add3A_27] : memref<160000xi32, #tpu.memory_space<hbm>> -> memref<200xi32, #tpu.memory_space<hbm>>
      tpu.enqueue_dma source(%dma_start3A_36 : memref<200xi32, #tpu.memory_space<hbm>>) target(%arg9 : memref<200xi32, #tpu.memory_space<vmem>>) target_semaphore(%arg13 : memref<!tpu.dma_semaphore, #tpu.memory_space<semaphore_mem>>)
      %dma_start3A_37 = tpu.memref_slice %arg4[%add3A_27] : memref<160000xi32, #tpu.memory_space<hbm>> -> memref<200xi32, #tpu.memory_space<hbm>>
      %dma_start3A_38 = tpu.memref_slice %arg4[%add3A_27] : memref<160000xi32, #tpu.memory_space<hbm>> -> memref<200xi32, #tpu.memory_space<hbm>>
      tpu.enqueue_dma source(%dma_start3A_38 : memref<200xi32, #tpu.memory_space<hbm>>) target(%arg10 : memref<200xi32, #tpu.memory_space<vmem>>) target_semaphore(%arg13 : memref<!tpu.dma_semaphore, #tpu.memory_space<semaphore_mem>>)
      %dma_start3A_39 = arith.constant 0 : i32
      %dma_start3A_40 = arith.constant 0 : i32
      %dma_start3A_41 = tpu.memref_slice %arg2[%dma_start3A_39, %dma_start3A_40] : memref<10000x128xf32, #tpu.memory_space<hbm>> -> memref<10000x128xf32, #tpu.memory_space<hbm>>
      tpu.enqueue_indirect_dma source(%dma_start3A_41 : memref<10000x128xf32, #tpu.memory_space<hbm>>) target(%arg11 : memref<200x128xf32, #tpu.memory_space<vmem>>) offsets(%arg7 : memref<200xi32, #tpu.memory_space<vmem>>) semaphore(%arg14 : memref<!tpu.dma_semaphore, #tpu.memory_space<semaphore_mem>>)
      %dma_wait3A_42 = arith.constant 0 : i32
      %dma_wait3A_43 = arith.constant 0 : i32
      %dma_wait3A_44 = tpu.memref_slice %arg2[%dma_wait3A_42, %dma_wait3A_43] : memref<10000x128xf32, #tpu.memory_space<hbm>> -> memref<10000x128xf32, #tpu.memory_space<hbm>>
      tpu.wait_indirect_dma semaphore(%arg14 : memref<!tpu.dma_semaphore, #tpu.memory_space<semaphore_mem>>) src(%dma_wait3A_44 : memref<10000x128xf32, #tpu.memory_space<hbm>>) dst(%arg11 : memref<200x128xf32, #tpu.memory_space<vmem>>)
      "tpu.region"() ({
        %run_scoped3A = tpu.sem_alloc : memref<!tpu.dma_semaphore, #tpu.memory_space<semaphore_mem>>
        %dma_start3A_71 = arith.constant 0 : i32
        %dma_start3A_72 = arith.constant 0 : i32
        %dma_start3A_73 = tpu.memref_slice %arg12[%dma_start3A_71, %dma_start3A_72] : memref<10240x128xf32, #tpu.memory_space<vmem_shared>> -> memref<10240x128xf32, #tpu.memory_space<vmem_shared>>
        tpu.enqueue_indirect_dma source(%arg11 : memref<200x128xf32, #tpu.memory_space<vmem>>) target(%dma_start3A_73 : memref<10240x128xf32, #tpu.memory_space<vmem_shared>>) offsets(%arg8 : memref<200xi32, #tpu.memory_space<vmem>>) semaphore(%run_scoped3A : memref<!tpu.dma_semaphore, #tpu.memory_space<semaphore_mem>>) {add = true}
        %dma_wait3A_74 = arith.constant 0 : i32
        %dma_wait3A_75 = arith.constant 0 : i32
        %dma_wait3A_76 = tpu.memref_slice %arg12[%dma_wait3A_74, %dma_wait3A_75] : memref<10240x128xf32, #tpu.memory_space<vmem_shared>> -> memref<10240x128xf32, #tpu.memory_space<vmem_shared>>
        tpu.wait_indirect_dma semaphore(%run_scoped3A : memref<!tpu.dma_semaphore, #tpu.memory_space<semaphore_mem>>) src(%arg11 : memref<200x128xf32, #tpu.memory_space<vmem>>) dst(%dma_wait3A_76 : memref<10240x128xf32, #tpu.memory_space<vmem_shared>>)
        tpu.yield
      }) : () -> ()
      %dma_wait3A_45 = arith.constant 0 : i32
      %dma_wait3A_46 = tpu.memref_slice %arg3[%dma_wait3A_45] : memref<160000xi32, #tpu.memory_space<hbm>> -> memref<200xi32, #tpu.memory_space<hbm>>
      %dma_wait3A_47 = arith.constant 0 : i32
      %dma_wait3A_48 = tpu.memref_slice %arg3[%dma_wait3A_47] : memref<160000xi32, #tpu.memory_space<hbm>> -> memref<200xi32, #tpu.memory_space<hbm>>
      tpu.wait_dma2 semaphore(%arg13 : memref<!tpu.dma_semaphore, #tpu.memory_space<semaphore_mem>>) src(%dma_wait3A_48 : memref<200xi32, #tpu.memory_space<hbm>>) dst(%arg9 : memref<200xi32, #tpu.memory_space<vmem>>)
      %dma_wait3A_49 = arith.constant 0 : i32
      %dma_wait3A_50 = tpu.memref_slice %arg3[%dma_wait3A_49] : memref<160000xi32, #tpu.memory_space<hbm>> -> memref<200xi32, #tpu.memory_space<hbm>>
      %dma_wait3A_51 = arith.constant 0 : i32
      %dma_wait3A_52 = tpu.memref_slice %arg3[%dma_wait3A_51] : memref<160000xi32, #tpu.memory_space<hbm>> -> memref<200xi32, #tpu.memory_space<hbm>>
      tpu.wait_dma2 semaphore(%arg13 : memref<!tpu.dma_semaphore, #tpu.memory_space<semaphore_mem>>) src(%dma_wait3A_52 : memref<200xi32, #tpu.memory_space<hbm>>) dst(%arg10 : memref<200xi32, #tpu.memory_space<vmem>>)
      %dma_start3A_53 = tpu.memref_slice %arg3[%min3A] : memref<160000xi32, #tpu.memory_space<hbm>> -> memref<200xi32, #tpu.memory_space<hbm>>
      %dma_start3A_54 = tpu.memref_slice %arg3[%min3A] : memref<160000xi32, #tpu.memory_space<hbm>> -> memref<200xi32, #tpu.memory_space<hbm>>
      tpu.enqueue_dma source(%dma_start3A_54 : memref<200xi32, #tpu.memory_space<hbm>>) target(%arg7 : memref<200xi32, #tpu.memory_space<vmem>>) target_semaphore(%arg13 : memref<!tpu.dma_semaphore, #tpu.memory_space<semaphore_mem>>)
      %dma_start3A_55 = tpu.memref_slice %arg4[%min3A] : memref<160000xi32, #tpu.memory_space<hbm>> -> memref<200xi32, #tpu.memory_space<hbm>>
      %dma_start3A_56 = tpu.memref_slice %arg4[%min3A] : memref<160000xi32, #tpu.memory_space<hbm>> -> memref<200xi32, #tpu.memory_space<hbm>>
      tpu.enqueue_dma source(%dma_start3A_56 : memref<200xi32, #tpu.memory_space<hbm>>) target(%arg8 : memref<200xi32, #tpu.memory_space<vmem>>) target_semaphore(%arg13 : memref<!tpu.dma_semaphore, #tpu.memory_space<semaphore_mem>>)
      %dma_start3A_57 = arith.constant 0 : i32
      %dma_start3A_58 = arith.constant 0 : i32
      %dma_start3A_59 = tpu.memref_slice %arg2[%dma_start3A_57, %dma_start3A_58] : memref<10000x128xf32, #tpu.memory_space<hbm>> -> memref<10000x128xf32, #tpu.memory_space<hbm>>
      tpu.enqueue_indirect_dma source(%dma_start3A_59 : memref<10000x128xf32, #tpu.memory_space<hbm>>) target(%arg11 : memref<200x128xf32, #tpu.memory_space<vmem>>) offsets(%arg9 : memref<200xi32, #tpu.memory_space<vmem>>) semaphore(%arg14 : memref<!tpu.dma_semaphore, #tpu.memory_space<semaphore_mem>>)
      %dma_wait3A_60 = arith.constant 0 : i32
      %dma_wait3A_61 = arith.constant 0 : i32
      %dma_wait3A_62 = tpu.memref_slice %arg2[%dma_wait3A_60, %dma_wait3A_61] : memref<10000x128xf32, #tpu.memory_space<hbm>> -> memref<10000x128xf32, #tpu.memory_space<hbm>>
      tpu.wait_indirect_dma semaphore(%arg14 : memref<!tpu.dma_semaphore, #tpu.memory_space<semaphore_mem>>) src(%dma_wait3A_62 : memref<10000x128xf32, #tpu.memory_space<hbm>>) dst(%arg11 : memref<200x128xf32, #tpu.memory_space<vmem>>)
      "tpu.region"() ({
        %run_scoped3A = tpu.sem_alloc : memref<!tpu.dma_semaphore, #tpu.memory_space<semaphore_mem>>
        %dma_start3A_71 = arith.constant 0 : i32
        %dma_start3A_72 = arith.constant 0 : i32
        %dma_start3A_73 = tpu.memref_slice %arg12[%dma_start3A_71, %dma_start3A_72] : memref<10240x128xf32, #tpu.memory_space<vmem_shared>> -> memref<10240x128xf32, #tpu.memory_space<vmem_shared>>
        tpu.enqueue_indirect_dma source(%arg11 : memref<200x128xf32, #tpu.memory_space<vmem>>) target(%dma_start3A_73 : memref<10240x128xf32, #tpu.memory_space<vmem_shared>>) offsets(%arg10 : memref<200xi32, #tpu.memory_space<vmem>>) semaphore(%run_scoped3A : memref<!tpu.dma_semaphore, #tpu.memory_space<semaphore_mem>>) {add = true}
        %dma_wait3A_74 = arith.constant 0 : i32
        %dma_wait3A_75 = arith.constant 0 : i32
        %dma_wait3A_76 = tpu.memref_slice %arg12[%dma_wait3A_74, %dma_wait3A_75] : memref<10240x128xf32, #tpu.memory_space<vmem_shared>> -> memref<10240x128xf32, #tpu.memory_space<vmem_shared>>
        tpu.wait_indirect_dma semaphore(%run_scoped3A : memref<!tpu.dma_semaphore, #tpu.memory_space<semaphore_mem>>) src(%arg11 : memref<200x128xf32, #tpu.memory_space<vmem>>) dst(%dma_wait3A_76 : memref<10240x128xf32, #tpu.memory_space<vmem_shared>>)
        tpu.yield
      }) : () -> ()
      %dma_wait3A_63 = arith.constant 0 : i32
      %dma_wait3A_64 = tpu.memref_slice %arg3[%dma_wait3A_63] : memref<160000xi32, #tpu.memory_space<hbm>> -> memref<200xi32, #tpu.memory_space<hbm>>
      %dma_wait3A_65 = arith.constant 0 : i32
      %dma_wait3A_66 = tpu.memref_slice %arg3[%dma_wait3A_65] : memref<160000xi32, #tpu.memory_space<hbm>> -> memref<200xi32, #tpu.memory_space<hbm>>
      tpu.wait_dma2 semaphore(%arg13 : memref<!tpu.dma_semaphore, #tpu.memory_space<semaphore_mem>>) src(%dma_wait3A_66 : memref<200xi32, #tpu.memory_space<hbm>>) dst(%arg7 : memref<200xi32, #tpu.memory_space<vmem>>)
      %dma_wait3A_67 = arith.constant 0 : i32
      %dma_wait3A_68 = tpu.memref_slice %arg3[%dma_wait3A_67] : memref<160000xi32, #tpu.memory_space<hbm>> -> memref<200xi32, #tpu.memory_space<hbm>>
      %dma_wait3A_69 = arith.constant 0 : i32
      %dma_wait3A_70 = tpu.memref_slice %arg3[%dma_wait3A_69] : memref<160000xi32, #tpu.memory_space<hbm>> -> memref<200xi32, #tpu.memory_space<hbm>>
      tpu.wait_dma2 semaphore(%arg13 : memref<!tpu.dma_semaphore, #tpu.memory_space<semaphore_mem>>) src(%dma_wait3A_70 : memref<200xi32, #tpu.memory_space<hbm>>) dst(%arg8 : memref<200xi32, #tpu.memory_space<vmem>>)
    }
    %scan3A_10 = arith.constant 12 : i32
    %dma_start3A = arith.constant 0 : i32
    %dma_start3A_11 = arith.constant 0 : i32
    %dma_start3A_12 = tpu.memref_slice %arg2[%dma_start3A, %dma_start3A_11] : memref<10000x128xf32, #tpu.memory_space<hbm>> -> memref<10000x128xf32, #tpu.memory_space<hbm>>
    tpu.enqueue_indirect_dma source(%dma_start3A_12 : memref<10000x128xf32, #tpu.memory_space<hbm>>) target(%arg11 : memref<200x128xf32, #tpu.memory_space<vmem>>) offsets(%arg7 : memref<200xi32, #tpu.memory_space<vmem>>) semaphore(%arg14 : memref<!tpu.dma_semaphore, #tpu.memory_space<semaphore_mem>>)
    %dma_wait3A = arith.constant 0 : i32
    %dma_wait3A_13 = arith.constant 0 : i32
    %dma_wait3A_14 = tpu.memref_slice %arg2[%dma_wait3A, %dma_wait3A_13] : memref<10000x128xf32, #tpu.memory_space<hbm>> -> memref<10000x128xf32, #tpu.memory_space<hbm>>
    tpu.wait_indirect_dma semaphore(%arg14 : memref<!tpu.dma_semaphore, #tpu.memory_space<semaphore_mem>>) src(%dma_wait3A_14 : memref<10000x128xf32, #tpu.memory_space<hbm>>) dst(%arg11 : memref<200x128xf32, #tpu.memory_space<vmem>>)
    "tpu.region"() ({
      %run_scoped3A = tpu.sem_alloc : memref<!tpu.dma_semaphore, #tpu.memory_space<semaphore_mem>>
      %dma_start3A_20 = arith.constant 0 : i32
      %dma_start3A_21 = arith.constant 0 : i32
      %dma_start3A_22 = tpu.memref_slice %arg12[%dma_start3A_20, %dma_start3A_21] : memref<10240x128xf32, #tpu.memory_space<vmem_shared>> -> memref<10240x128xf32, #tpu.memory_space<vmem_shared>>
      tpu.enqueue_indirect_dma source(%arg11 : memref<200x128xf32, #tpu.memory_space<vmem>>) target(%dma_start3A_22 : memref<10240x128xf32, #tpu.memory_space<vmem_shared>>) offsets(%arg8 : memref<200xi32, #tpu.memory_space<vmem>>) semaphore(%run_scoped3A : memref<!tpu.dma_semaphore, #tpu.memory_space<semaphore_mem>>) {add = true}
      %dma_wait3A_23 = arith.constant 0 : i32
      %dma_wait3A_24 = arith.constant 0 : i32
      %dma_wait3A_25 = tpu.memref_slice %arg12[%dma_wait3A_23, %dma_wait3A_24] : memref<10240x128xf32, #tpu.memory_space<vmem_shared>> -> memref<10240x128xf32, #tpu.memory_space<vmem_shared>>
      tpu.wait_indirect_dma semaphore(%run_scoped3A : memref<!tpu.dma_semaphore, #tpu.memory_space<semaphore_mem>>) src(%arg11 : memref<200x128xf32, #tpu.memory_space<vmem>>) dst(%dma_wait3A_25 : memref<10240x128xf32, #tpu.memory_space<vmem_shared>>)
      tpu.yield
    }) : () -> ()
    %barrier3A_15 = arith.constant 0 : index
    tpu.barrier barrier_id(%barrier3A_15)
    %mul3A_16 = arith.constant 640 : i32
    %mul3A_17 = arith.muli %arg1, %mul3A_16 : i32
    %mul3A_18 = arith.constant 640 : i32
    %mul3A_19 = arith.muli %arg1, %mul3A_18 : i32
    "tpu.region"() ({
      %run_scoped3A = tpu.sem_alloc : memref<!tpu.dma_semaphore, #tpu.memory_space<semaphore_mem>>
      %dma_start3A_20 = arith.constant 0 : i32
      %dma_start3A_21 = tpu.memref_slice %arg6[%arg0, %mul3A_19, %dma_start3A_20] : memref<2x10240x128xf32, #tpu.memory_space<hbm>> -> memref<1x640x128xf32, #tpu.memory_space<hbm>>
      %dma_start3A_22 = tpu.memref_squeeze %dma_start3A_21 : memref<1x640x128xf32, #tpu.memory_space<hbm>> -> memref<640x128xf32, #tpu.memory_space<hbm>>
      %dma_start3A_23 = arith.constant 0 : i32
      %dma_start3A_24 = tpu.memref_slice %arg12[%mul3A_17, %dma_start3A_23] : memref<10240x128xf32, #tpu.memory_space<vmem_shared>> -> memref<640x128xf32, #tpu.memory_space<vmem_shared>>
      tpu.enqueue_dma source(%dma_start3A_24 : memref<640x128xf32, #tpu.memory_space<vmem_shared>>) target(%dma_start3A_22 : memref<640x128xf32, #tpu.memory_space<hbm>>) target_semaphore(%run_scoped3A : memref<!tpu.dma_semaphore, #tpu.memory_space<semaphore_mem>>)
      %dma_wait3A_25 = arith.constant 0 : i32
      %dma_wait3A_26 = tpu.memref_slice %arg6[%arg0, %mul3A_19, %dma_wait3A_25] : memref<2x10240x128xf32, #tpu.memory_space<hbm>> -> memref<1x640x128xf32, #tpu.memory_space<hbm>>
      %dma_wait3A_27 = tpu.memref_squeeze %dma_wait3A_26 : memref<1x640x128xf32, #tpu.memory_space<hbm>> -> memref<640x128xf32, #tpu.memory_space<hbm>>
      %dma_wait3A_28 = arith.constant 0 : i32
      %dma_wait3A_29 = tpu.memref_slice %arg12[%mul3A_17, %dma_wait3A_28] : memref<10240x128xf32, #tpu.memory_space<vmem_shared>> -> memref<640x128xf32, #tpu.memory_space<vmem_shared>>
      tpu.wait_dma2 semaphore(%run_scoped3A : memref<!tpu.dma_semaphore, #tpu.memory_space<semaphore_mem>>) src(%dma_wait3A_29 : memref<640x128xf32, #tpu.memory_space<vmem_shared>>) dst(%dma_wait3A_27 : memref<640x128xf32, #tpu.memory_space<hbm>>)
      tpu.yield
    }) : () -> ()
    return
  }
}

module attributes {stable_mosaic.version = 14 : i64} {
  func.func @_tc_b_body(%arg0: i32, %arg1: memref<2x400x128xf32, #tpu.memory_space<vmem>>, %arg2: memref<2x400x128xf32, #tpu.memory_space<vmem>>, %arg3: memref<400x128xf32, #tpu.memory_space<vmem>>, %arg4: memref<400x128xf32, #tpu.memory_space<vmem>>, %arg5: memref<1x128xf32, #tpu.memory_space<vmem>>, %arg6: memref<1x128xf32, #tpu.memory_space<vmem>>, %arg7: memref<1x128xf32, #tpu.memory_space<vmem>>, %arg8: memref<128x128xf32, #tpu.memory_space<vmem>>, %arg9: memref<128x128xf32, #tpu.memory_space<vmem>>, %arg10: memref<400x128xf32, #tpu.memory_space<vmem>>, %arg11: memref<400x128xf32, #tpu.memory_space<vmem>>, %arg12: memref<1x128xf32, #tpu.memory_space<vmem>>) attributes {dimension_semantics = [#tpu.dimension_semantics<arbitrary>], iteration_bounds = array<i64: 25>, scalar_prefetch = 0 : i64, scratch_operands = 0 : i64, tpu.core_type = #tpu.core_type<tc>, window_params = [{transform_indices = @transform_0, window_bounds = array<i64: 2, 400, 128>}, {transform_indices = @transform_1, window_bounds = array<i64: 2, 400, 128>}, {transform_indices = @transform_2, window_bounds = array<i64: 400, 128>}, {transform_indices = @transform_3, window_bounds = array<i64: 400, 128>}, {pipeline_mode = #tpu.pipeline_mode<synchronous>, transform_indices = @transform_4, window_bounds = array<i64: 1, 128>}, {pipeline_mode = #tpu.pipeline_mode<synchronous>, transform_indices = @transform_5, window_bounds = array<i64: 1, 128>}, {pipeline_mode = #tpu.pipeline_mode<synchronous>, transform_indices = @transform_6, window_bounds = array<i64: 1, 128>}, {pipeline_mode = #tpu.pipeline_mode<synchronous>, transform_indices = @transform_7, window_bounds = array<i64: 128, 128>}, {pipeline_mode = #tpu.pipeline_mode<synchronous>, transform_indices = @transform_8, window_bounds = array<i64: 128, 128>}, {transform_indices = @transform_9, window_bounds = array<i64: 400, 128>}, {transform_indices = @transform_10, window_bounds = array<i64: 400, 128>}, {pipeline_mode = #tpu.pipeline_mode<synchronous>, transform_indices = @transform_11, window_bounds = array<i64: 1, 128>}]} {
    %get3A = arith.constant 0 : index
    %get3A_0 = arith.constant 0 : index
    %get3A_1 = arith.constant 0 : index
    %get3A_2 = vector.load %arg2[%get3A, %get3A_0, %get3A_1] : memref<2x400x128xf32, #tpu.memory_space<vmem>>, vector<2x400x128xf32>
    %slice3A = vector.extract_strided_slice %get3A_2 {offsets = [0, 0, 0], sizes = [1, 400, 1], strides = [1, 1, 1]} : vector<2x400x128xf32> to vector<1x400x1xf32>
    %squeeze3A = vector.shape_cast %slice3A : vector<1x400x1xf32> to vector<400xf32>
    %slice3A_3 = vector.extract_strided_slice %get3A_2 {offsets = [1, 0, 0], sizes = [1, 400, 1], strides = [1, 1, 1]} : vector<2x400x128xf32> to vector<1x400x1xf32>
    %squeeze3A_4 = vector.shape_cast %slice3A_3 : vector<1x400x1xf32> to vector<400xf32>
    %add3A = arith.addf %squeeze3A, %squeeze3A_4 : vector<400xf32>
    %max3A = arith.constant 1.000000e+00 : f32
    %max3A_5 = vector.broadcast %max3A : f32 to vector<400xf32>
    %max3A_6 = arith.maximumf %add3A, %max3A_5 : vector<400xf32>
    %div3A = arith.constant 1.000000e+00 : f32
    %div3A_7 = vector.broadcast %div3A : f32 to vector<400xf32>
    %div3A_8 = arith.divf %div3A_7, %max3A_6 : vector<400xf32>
    %get3A_9 = arith.constant 0 : index
    %get3A_10 = arith.constant 0 : index
    %get3A_11 = arith.constant 0 : index
    %get3A_12 = vector.load %arg1[%get3A_9, %get3A_10, %get3A_11] : memref<2x400x128xf32, #tpu.memory_space<vmem>>, vector<1x400x128xf32>
    %get3A_13 = vector.shape_cast %get3A_12 : vector<1x400x128xf32> to vector<400x128xf32>
    %get3A_14 = arith.constant 1 : index
    %get3A_15 = arith.constant 0 : index
    %get3A_16 = arith.constant 0 : index
    %get3A_17 = vector.load %arg1[%get3A_14, %get3A_15, %get3A_16] : memref<2x400x128xf32, #tpu.memory_space<vmem>>, vector<1x400x128xf32>
    %get3A_18 = vector.shape_cast %get3A_17 : vector<1x400x128xf32> to vector<400x128xf32>
    %add3A_19 = arith.addf %get3A_13, %get3A_18 : vector<400x128xf32>
    %broadcast_in_dim3A = vector.shape_cast %div3A_8 : vector<400xf32> to vector<400x1xf32>
    %mul3A = vector.broadcast %broadcast_in_dim3A : vector<400x1xf32> to vector<400x128xf32>
    %mul3A_20 = arith.mulf %add3A_19, %mul3A : vector<400x128xf32>
    %get3A_21 = arith.constant 0 : index
    %get3A_22 = arith.constant 0 : index
    %get3A_23 = vector.load %arg5[%get3A_21, %get3A_22] : memref<1x128xf32, #tpu.memory_space<vmem>>, vector<1x128xf32>
    %add3A_24 = vector.broadcast %get3A_23 : vector<1x128xf32> to vector<400x128xf32>
    %add3A_25 = arith.addf %mul3A_20, %add3A_24 : vector<400x128xf32>
    %get3A_26 = arith.constant 0 : index
    %get3A_27 = arith.constant 0 : index
    %get3A_28 = vector.load %arg3[%get3A_26, %get3A_27] : memref<400x128xf32, #tpu.memory_space<vmem>>, vector<400x128xf32>
    %add3A_29 = arith.addf %add3A_25, %get3A_28 : vector<400x128xf32>
    %max3A_30 = arith.constant 0.000000e+00 : f32
    %max3A_31 = vector.broadcast %max3A_30 : f32 to vector<400x128xf32>
    %max3A_32 = arith.maximumf %add3A_29, %max3A_31 : vector<400x128xf32>
    %get3A_33 = arith.constant 0 : index
    %get3A_34 = arith.constant 0 : index
    %get3A_35 = vector.load %arg6[%get3A_33, %get3A_34] : memref<1x128xf32, #tpu.memory_space<vmem>>, vector<1x128xf32>
    %get3A_36 = arith.constant 0 : index
    %get3A_37 = arith.constant 0 : index
    %get3A_38 = vector.load %arg7[%get3A_36, %get3A_37] : memref<1x128xf32, #tpu.memory_space<vmem>>, vector<1x128xf32>
    %reduce_sum3A = arith.constant dense<0.000000e+00> : vector<400xf32>
    %reduce_sum3A_39 = vector.multi_reduction <add>, %max3A_32, %reduce_sum3A [1] : vector<400x128xf32> to vector<400xf32>
    %broadcast_in_dim3A_40 = vector.shape_cast %reduce_sum3A_39 : vector<400xf32> to vector<400x1xf32>
    %div3A_41 = arith.constant 1.280000e+02 : f32
    %div3A_42 = vector.broadcast %div3A_41 : f32 to vector<400x1xf32>
    %div3A_43 = arith.divf %broadcast_in_dim3A_40, %div3A_42 : vector<400x1xf32>
    %jit3A = arith.constant 0 : i32
    %reduce_sum3A_44 = arith.constant dense<0.000000e+00> : vector<400xf32>
    %reduce_sum3A_45 = vector.multi_reduction <add>, %max3A_32, %reduce_sum3A_44 [1] : vector<400x128xf32> to vector<400xf32>
    %broadcast_in_dim3A_46 = vector.shape_cast %reduce_sum3A_45 : vector<400xf32> to vector<400x1xf32>
    %div3A_47 = arith.constant 1.280000e+02 : f32
    %div3A_48 = vector.broadcast %div3A_47 : f32 to vector<400x1xf32>
    %div3A_49 = arith.divf %broadcast_in_dim3A_46, %div3A_48 : vector<400x1xf32>
    %sub3A = vector.broadcast %div3A_49 : vector<400x1xf32> to vector<400x128xf32>
    %sub3A_50 = arith.subf %max3A_32, %sub3A : vector<400x128xf32>
    %square3A = arith.mulf %sub3A_50, %sub3A_50 : vector<400x128xf32>
    %convert_element_type3A = arith.sitofp %jit3A : i32 to f32
    %sub3A_51 = arith.constant 1.280000e+02 : f32
    %sub3A_52 = arith.subf %sub3A_51, %convert_element_type3A : f32
    %reduce_sum3A_53 = arith.constant dense<0.000000e+00> : vector<400xf32>
    %reduce_sum3A_54 = vector.multi_reduction <add>, %square3A, %reduce_sum3A_53 [1] : vector<400x128xf32> to vector<400xf32>
    %broadcast_in_dim3A_55 = vector.shape_cast %reduce_sum3A_54 : vector<400xf32> to vector<400x1xf32>
    %div3A_56 = vector.broadcast %sub3A_52 : f32 to vector<400x1xf32>
    %div3A_57 = arith.divf %broadcast_in_dim3A_55, %div3A_56 : vector<400x1xf32>
    %gt3A = arith.constant 0.000000e+00 : f32
    %gt3A_58 = arith.cmpf ogt, %sub3A_52, %gt3A : f32
    %jit3A_59 = arith.constant 0x7FC00000 : f32
    %broadcast_in_dim3A_60 = vector.broadcast %jit3A_59 : f32 to vector<400x1xf32>
    %select_n3A = arith.select %gt3A_58, %div3A_57, %broadcast_in_dim3A_60 : vector<400x1xf32>
    %sub3A_61 = vector.broadcast %div3A_43 : vector<400x1xf32> to vector<400x128xf32>
    %sub3A_62 = arith.subf %max3A_32, %sub3A_61 : vector<400x128xf32>
    %add3A_63 = arith.constant 9.99999974E-6 : f32
    %add3A_64 = vector.broadcast %add3A_63 : f32 to vector<400x1xf32>
    %add3A_65 = arith.addf %select_n3A, %add3A_64 : vector<400x1xf32>
    %sqrt3A = math.sqrt %add3A_65 : vector<400x1xf32>
    %div3A_66 = vector.broadcast %sqrt3A : vector<400x1xf32> to vector<400x128xf32>
    %div3A_67 = arith.divf %sub3A_62, %div3A_66 : vector<400x128xf32>
    %mul3A_68 = vector.broadcast %get3A_35 : vector<1x128xf32> to vector<400x128xf32>
    %mul3A_69 = arith.mulf %div3A_67, %mul3A_68 : vector<400x128xf32>
    %add3A_70 = vector.broadcast %get3A_38 : vector<1x128xf32> to vector<400x128xf32>
    %add3A_71 = arith.addf %mul3A_69, %add3A_70 : vector<400x128xf32>
    %get3A_72 = arith.constant 0 : index
    %get3A_73 = arith.constant 0 : index
    %get3A_74 = vector.load %arg8[%get3A_72, %get3A_73] : memref<128x128xf32, #tpu.memory_space<vmem>>, vector<128x128xf32>
    %dot_general3A = arith.constant dense<0.000000e+00> : vector<400x128xf32>
    %dot_general3A_75 = tpu.matmul %add3A_71, %get3A_74, %dot_general3A {dimension_numbers = #tpu.dot_dimension_numbers<[1], [0], [0], [1], [0, 0, 1, 1], [], []>, transpose_lhs_hint = false} : vector<400x128xf32>, vector<128x128xf32>, vector<400x128xf32> -> vector<400x128xf32>
    %swap3A = arith.constant 0 : index
    %swap3A_76 = arith.constant 0 : index
    %swap3A_77 = vector.load %arg10[%swap3A, %swap3A_76] : memref<400x128xf32, #tpu.memory_space<vmem>>, vector<400x128xf32>
    tpu.vector_store %arg10[%swap3A, %swap3A_76], %dot_general3A_75 {strides = array<i32>} : memref<400x128xf32, #tpu.memory_space<vmem>>, vector<400x128xf32>,
    %get3A_78 = arith.constant 0 : index
    %get3A_79 = arith.constant 0 : index
    %get3A_80 = vector.load %arg9[%get3A_78, %get3A_79] : memref<128x128xf32, #tpu.memory_space<vmem>>, vector<128x128xf32>
    %dot_general3A_81 = arith.constant dense<0.000000e+00> : vector<400x128xf32>
    %dot_general3A_82 = tpu.matmul %add3A_71, %get3A_80, %dot_general3A_81 {dimension_numbers = #tpu.dot_dimension_numbers<[1], [0], [0], [1], [0, 0, 1, 1], [], []>, transpose_lhs_hint = false} : vector<400x128xf32>, vector<128x128xf32>, vector<400x128xf32> -> vector<400x128xf32>
    %swap3A_83 = arith.constant 0 : index
    %swap3A_84 = arith.constant 0 : index
    %swap3A_85 = vector.load %arg11[%swap3A_83, %swap3A_84] : memref<400x128xf32, #tpu.memory_space<vmem>>, vector<400x128xf32>
    tpu.vector_store %arg11[%swap3A_83, %swap3A_84], %dot_general3A_82 {strides = array<i32>} : memref<400x128xf32, #tpu.memory_space<vmem>>, vector<400x128xf32>,
    %get3A_86 = arith.constant 0 : index
    %get3A_87 = arith.constant 0 : index
    %get3A_88 = vector.load %arg4[%get3A_86, %get3A_87] : memref<400x128xf32, #tpu.memory_space<vmem>>, vector<400x128xf32>
    %ne3A = arith.constant 0.000000e+00 : f32
    %ne3A_89 = vector.broadcast %ne3A : f32 to vector<400x128xf32>
    %ne3A_90 = arith.cmpf one, %get3A_88, %ne3A_89 : vector<400x128xf32>
    %reduce_or3A = arith.constant 1.000000e+00 : f32
    %reduce_or3A_91 = arith.constant 0.000000e+00 : f32
    %reduce_or3A_92 = vector.broadcast %reduce_or3A : f32 to vector<400x128xf32>
    %reduce_or3A_93 = vector.broadcast %reduce_or3A_91 : f32 to vector<400x128xf32>
    %reduce_or3A_94 = arith.select %ne3A_90, %reduce_or3A_92, %reduce_or3A_93 : vector<400x128xi1>, vector<400x128xf32>
    %reduce_or3A_95 = arith.constant dense<0xFF800000> : vector<400xf32>
    %reduce_or3A_96 = vector.multi_reduction <maximumf>, %reduce_or3A_94, %reduce_or3A_95 [1] : vector<400x128xf32> to vector<400xf32>
    %reduce_or3A_97 = arith.constant 0.000000e+00 : f32
    %reduce_or3A_98 = vector.broadcast %reduce_or3A_97 : f32 to vector<400xf32>
    %reduce_or3A_99 = arith.cmpf ogt, %reduce_or3A_96, %reduce_or3A_98 : vector<400xf32>
    %convert_element_type3A_100 = arith.extui %reduce_or3A_99 : vector<400xi1> to vector<400xi32>
    %convert_element_type3A_101 = arith.sitofp %convert_element_type3A_100 : vector<400xi32> to vector<400xf32>
    %broadcast_in_dim3A_102 = vector.shape_cast %convert_element_type3A_101 : vector<400xf32> to vector<1x400xf32>
    %dot_general3A_103 = arith.constant dense<0.000000e+00> : vector<1x128xf32>
    %dot_general3A_104 = tpu.matmul %broadcast_in_dim3A_102, %add3A_71, %dot_general3A_103 {dimension_numbers = #tpu.dot_dimension_numbers<[1], [0], [0], [1], [0, 0, 1, 1], [], []>, transpose_lhs_hint = false} : vector<1x400xf32>, vector<400x128xf32>, vector<1x128xf32> -> vector<1x128xf32>
    %eq3A = arith.constant 0 : i32
    %eq3A_105 = arith.cmpi eq, %arg0, %eq3A : i32
    %convert_element_type3A_106 = arith.extui %eq3A_105 : i1 to i32
    %cond3A = arith.constant 0 : i32
    %cond3A_107 = arith.cmpi ne, %convert_element_type3A_106, %cond3A : i32
    scf.if %cond3A_107 {
      %broadcast_in_dim3A_115 = arith.constant 0.000000e+00 : f32
      %broadcast_in_dim3A_116 = vector.broadcast %broadcast_in_dim3A_115 : f32 to vector<1x128xf32>
      %swap3A_117 = arith.constant 0 : index
      %swap3A_118 = arith.constant 0 : index
      %swap3A_119 = vector.load %arg12[%swap3A_117, %swap3A_118] : memref<1x128xf32, #tpu.memory_space<vmem>>, vector<1x128xf32>
      tpu.vector_store %arg12[%swap3A_117, %swap3A_118], %broadcast_in_dim3A_116 {strides = array<i32>} : memref<1x128xf32, #tpu.memory_space<vmem>>, vector<1x128xf32>,
    } else {
    }
    %get3A_108 = arith.constant 0 : index
    %get3A_109 = arith.constant 0 : index
    %get3A_110 = vector.load %arg12[%get3A_108, %get3A_109] : memref<1x128xf32, #tpu.memory_space<vmem>>, vector<1x128xf32>
    %add3A_111 = arith.addf %get3A_110, %dot_general3A_104 : vector<1x128xf32>
    %swap3A_112 = arith.constant 0 : index
    %swap3A_113 = arith.constant 0 : index
    %swap3A_114 = vector.load %arg12[%swap3A_112, %swap3A_113] : memref<1x128xf32, #tpu.memory_space<vmem>>, vector<1x128xf32>
    tpu.vector_store %arg12[%swap3A_112, %swap3A_113], %add3A_111 {strides = array<i32>} : memref<1x128xf32, #tpu.memory_space<vmem>>, vector<1x128xf32>,
    return
  }
  func.func @transform_0(%arg0: i32) -> (i32, i32, i32) {
    %c0_i32 = arith.constant 0 : i32
    %c0_i32_0 = arith.constant 0 : i32
    %c0_i32_1 = arith.constant 0 : i32
    return %c0_i32, %arg0, %c0_i32_0 : i32, i32, i32
  }
  func.func @transform_1(%arg0: i32) -> (i32, i32, i32) {
    %c0_i32 = arith.constant 0 : i32
    %c0_i32_0 = arith.constant 0 : i32
    %c0_i32_1 = arith.constant 0 : i32
    return %c0_i32, %arg0, %c0_i32_0 : i32, i32, i32
  }
  func.func @transform_2(%arg0: i32) -> (i32, i32) {
    %c0_i32 = arith.constant 0 : i32
    %c0_i32_0 = arith.constant 0 : i32
    return %arg0, %c0_i32 : i32, i32
  }
  func.func @transform_3(%arg0: i32) -> (i32, i32) {
    %c0_i32 = arith.constant 0 : i32
    %c0_i32_0 = arith.constant 0 : i32
    return %arg0, %c0_i32 : i32, i32
  }
  func.func @transform_4(%arg0: i32) -> (i32, i32) {
    %c0_i32 = arith.constant 0 : i32
    %c0_i32_0 = arith.constant 0 : i32
    %c0_i32_1 = arith.constant 0 : i32
    return %c0_i32, %c0_i32_0 : i32, i32
  }
  func.func @transform_5(%arg0: i32) -> (i32, i32) {
    %c0_i32 = arith.constant 0 : i32
    %c0_i32_0 = arith.constant 0 : i32
    %c0_i32_1 = arith.constant 0 : i32
    return %c0_i32, %c0_i32_0 : i32, i32
  }
  func.func @transform_6(%arg0: i32) -> (i32, i32) {
    %c0_i32 = arith.constant 0 : i32
    %c0_i32_0 = arith.constant 0 : i32
    %c0_i32_1 = arith.constant 0 : i32
    return %c0_i32, %c0_i32_0 : i32, i32
  }
  func.func @transform_7(%arg0: i32) -> (i32, i32) {
    %c0_i32 = arith.constant 0 : i32
    %c0_i32_0 = arith.constant 0 : i32
    %c0_i32_1 = arith.constant 0 : i32
    return %c0_i32, %c0_i32_0 : i32, i32
  }
  func.func @transform_8(%arg0: i32) -> (i32, i32) {
    %c0_i32 = arith.constant 0 : i32
    %c0_i32_0 = arith.constant 0 : i32
    %c0_i32_1 = arith.constant 0 : i32
    return %c0_i32, %c0_i32_0 : i32, i32
  }
  func.func @transform_9(%arg0: i32) -> (i32, i32) {
    %c0_i32 = arith.constant 0 : i32
    %c0_i32_0 = arith.constant 0 : i32
    return %arg0, %c0_i32 : i32, i32
  }
  func.func @transform_10(%arg0: i32) -> (i32, i32) {
    %c0_i32 = arith.constant 0 : i32
    %c0_i32_0 = arith.constant 0 : i32
    return %arg0, %c0_i32 : i32, i32
  }
  func.func @transform_11(%arg0: i32) -> (i32, i32) {
    %c0_i32 = arith.constant 0 : i32
    %c0_i32_0 = arith.constant 0 : i32
    %c0_i32_1 = arith.constant 0 : i32
    return %c0_i32, %c0_i32_0 : i32, i32
  }
}

module attributes {stable_mosaic.version = 14 : i64} {
  func.func @_tc_a_body(%arg0: i32, %arg1: memref<400x128xf32, #tpu.memory_space<vmem>>, %arg2: memref<400x128xf32, #tpu.memory_space<vmem>>, %arg3: memref<400x128xf32, #tpu.memory_space<vmem>>, %arg4: memref<400x128xf32, #tpu.memory_space<vmem>>, %arg5: memref<400x128xf32, #tpu.memory_space<vmem>>, %arg6: memref<640x128xf32, #tpu.memory_space<vmem>>, %arg7: memref<640x128xf32, #tpu.memory_space<vmem>>, %arg8: memref<400x128xf32, #tpu.memory_space<vmem>>, %arg9: memref<400x128xf32, #tpu.memory_space<vmem>>) attributes {dimension_semantics = [#tpu.dimension_semantics<arbitrary>], iteration_bounds = array<i64: 25>, scalar_prefetch = 0 : i64, scratch_operands = 0 : i64, tpu.core_type = #tpu.core_type<tc>, window_params = [{transform_indices = @transform_0, window_bounds = array<i64: 400, 128>}, {transform_indices = @transform_1, window_bounds = array<i64: 400, 128>}, {transform_indices = @transform_2, window_bounds = array<i64: 400, 128>}, {transform_indices = @transform_3, window_bounds = array<i64: 400, 128>}, {transform_indices = @transform_4, window_bounds = array<i64: 400, 128>}, {pipeline_mode = #tpu.pipeline_mode<synchronous>, transform_indices = @transform_5, window_bounds = array<i64: 640, 128>}, {pipeline_mode = #tpu.pipeline_mode<synchronous>, transform_indices = @transform_6, window_bounds = array<i64: 640, 128>}, {transform_indices = @transform_7, window_bounds = array<i64: 400, 128>}, {transform_indices = @transform_8, window_bounds = array<i64: 400, 128>}]} {
    %get3A = arith.constant 0 : index
    %get3A_0 = arith.constant 0 : index
    %get3A_1 = vector.load %arg1[%get3A, %get3A_0] : memref<400x128xf32, #tpu.memory_space<vmem>>, vector<400x128xf32>
    %get3A_2 = arith.constant 0 : index
    %get3A_3 = arith.constant 0 : index
    %get3A_4 = vector.load %arg2[%get3A_2, %get3A_3] : memref<400x128xf32, #tpu.memory_space<vmem>>, vector<400x128xf32>
    %get3A_5 = arith.constant 0 : index
    %get3A_6 = arith.constant 0 : index
    %get3A_7 = vector.load %arg3[%get3A_5, %get3A_6] : memref<400x128xf32, #tpu.memory_space<vmem>>, vector<400x128xf32>
    %get3A_8 = arith.constant 0 : index
    %get3A_9 = arith.constant 0 : index
    %get3A_10 = vector.load %arg4[%get3A_8, %get3A_9] : memref<400x128xf32, #tpu.memory_space<vmem>>, vector<400x128xf32>
    %get3A_11 = arith.constant 0 : index
    %get3A_12 = arith.constant 0 : index
    %get3A_13 = vector.load %arg5[%get3A_11, %get3A_12] : memref<400x128xf32, #tpu.memory_space<vmem>>, vector<400x128xf32>
    %get3A_14 = arith.constant 0 : index
    %get3A_15 = arith.constant 0 : index
    %get3A_16 = vector.load %arg6[%get3A_14, %get3A_15] : memref<640x128xf32, #tpu.memory_space<vmem>>, vector<640x128xf32>
    %get3A_17 = arith.constant 0 : index
    %get3A_18 = arith.constant 0 : index
    %get3A_19 = vector.load %arg7[%get3A_17, %get3A_18] : memref<640x128xf32, #tpu.memory_space<vmem>>, vector<640x128xf32>
    %slice3A = vector.extract_strided_slice %get3A_16 {offsets = [0, 0], sizes = [128, 128], strides = [1, 1]} : vector<640x128xf32> to vector<128x128xf32>
    %dot_general3A = arith.constant dense<0.000000e+00> : vector<400x128xf32>
    %dot_general3A_20 = tpu.matmul %get3A_1, %slice3A, %dot_general3A {dimension_numbers = #tpu.dot_dimension_numbers<[1], [0], [0], [1], [0, 0, 1, 1], [], []>, transpose_lhs_hint = false} : vector<400x128xf32>, vector<128x128xf32>, vector<400x128xf32> -> vector<400x128xf32>
    %slice3A_21 = vector.extract_strided_slice %get3A_19 {offsets = [0, 0], sizes = [128, 128], strides = [1, 1]} : vector<640x128xf32> to vector<128x128xf32>
    %dot_general3A_22 = arith.constant dense<0.000000e+00> : vector<400x128xf32>
    %dot_general3A_23 = tpu.matmul %get3A_1, %slice3A_21, %dot_general3A_22 {dimension_numbers = #tpu.dot_dimension_numbers<[1], [0], [0], [1], [0, 0, 1, 1], [], []>, transpose_lhs_hint = false} : vector<400x128xf32>, vector<128x128xf32>, vector<400x128xf32> -> vector<400x128xf32>
    %slice3A_24 = vector.extract_strided_slice %get3A_16 {offsets = [128, 0], sizes = [128, 128], strides = [1, 1]} : vector<640x128xf32> to vector<128x128xf32>
    %dot_general3A_25 = arith.constant dense<0.000000e+00> : vector<400x128xf32>
    %dot_general3A_26 = tpu.matmul %get3A_4, %slice3A_24, %dot_general3A_25 {dimension_numbers = #tpu.dot_dimension_numbers<[1], [0], [0], [1], [0, 0, 1, 1], [], []>, transpose_lhs_hint = false} : vector<400x128xf32>, vector<128x128xf32>, vector<400x128xf32> -> vector<400x128xf32>
    %add3A = arith.addf %dot_general3A_20, %dot_general3A_26 : vector<400x128xf32>
    %slice3A_27 = vector.extract_strided_slice %get3A_19 {offsets = [128, 0], sizes = [128, 128], strides = [1, 1]} : vector<640x128xf32> to vector<128x128xf32>
    %dot_general3A_28 = arith.constant dense<0.000000e+00> : vector<400x128xf32>
    %dot_general3A_29 = tpu.matmul %get3A_4, %slice3A_27, %dot_general3A_28 {dimension_numbers = #tpu.dot_dimension_numbers<[1], [0], [0], [1], [0, 0, 1, 1], [], []>, transpose_lhs_hint = false} : vector<400x128xf32>, vector<128x128xf32>, vector<400x128xf32> -> vector<400x128xf32>
    %add3A_30 = arith.addf %dot_general3A_23, %dot_general3A_29 : vector<400x128xf32>
    %slice3A_31 = vector.extract_strided_slice %get3A_16 {offsets = [256, 0], sizes = [128, 128], strides = [1, 1]} : vector<640x128xf32> to vector<128x128xf32>
    %dot_general3A_32 = arith.constant dense<0.000000e+00> : vector<400x128xf32>
    %dot_general3A_33 = tpu.matmul %get3A_7, %slice3A_31, %dot_general3A_32 {dimension_numbers = #tpu.dot_dimension_numbers<[1], [0], [0], [1], [0, 0, 1, 1], [], []>, transpose_lhs_hint = false} : vector<400x128xf32>, vector<128x128xf32>, vector<400x128xf32> -> vector<400x128xf32>
    %add3A_34 = arith.addf %add3A, %dot_general3A_33 : vector<400x128xf32>
    %slice3A_35 = vector.extract_strided_slice %get3A_19 {offsets = [256, 0], sizes = [128, 128], strides = [1, 1]} : vector<640x128xf32> to vector<128x128xf32>
    %dot_general3A_36 = arith.constant dense<0.000000e+00> : vector<400x128xf32>
    %dot_general3A_37 = tpu.matmul %get3A_7, %slice3A_35, %dot_general3A_36 {dimension_numbers = #tpu.dot_dimension_numbers<[1], [0], [0], [1], [0, 0, 1, 1], [], []>, transpose_lhs_hint = false} : vector<400x128xf32>, vector<128x128xf32>, vector<400x128xf32> -> vector<400x128xf32>
    %add3A_38 = arith.addf %add3A_30, %dot_general3A_37 : vector<400x128xf32>
    %slice3A_39 = vector.extract_strided_slice %get3A_16 {offsets = [384, 0], sizes = [128, 128], strides = [1, 1]} : vector<640x128xf32> to vector<128x128xf32>
    %dot_general3A_40 = arith.constant dense<0.000000e+00> : vector<400x128xf32>
    %dot_general3A_41 = tpu.matmul %get3A_10, %slice3A_39, %dot_general3A_40 {dimension_numbers = #tpu.dot_dimension_numbers<[1], [0], [0], [1], [0, 0, 1, 1], [], []>, transpose_lhs_hint = false} : vector<400x128xf32>, vector<128x128xf32>, vector<400x128xf32> -> vector<400x128xf32>
    %add3A_42 = arith.addf %add3A_34, %dot_general3A_41 : vector<400x128xf32>
    %slice3A_43 = vector.extract_strided_slice %get3A_19 {offsets = [384, 0], sizes = [128, 128], strides = [1, 1]} : vector<640x128xf32> to vector<128x128xf32>
    %dot_general3A_44 = arith.constant dense<0.000000e+00> : vector<400x128xf32>
    %dot_general3A_45 = tpu.matmul %get3A_10, %slice3A_43, %dot_general3A_44 {dimension_numbers = #tpu.dot_dimension_numbers<[1], [0], [0], [1], [0, 0, 1, 1], [], []>, transpose_lhs_hint = false} : vector<400x128xf32>, vector<128x128xf32>, vector<400x128xf32> -> vector<400x128xf32>
    %add3A_46 = arith.addf %add3A_38, %dot_general3A_45 : vector<400x128xf32>
    %slice3A_47 = vector.extract_strided_slice %get3A_16 {offsets = [512, 0], sizes = [128, 128], strides = [1, 1]} : vector<640x128xf32> to vector<128x128xf32>
    %dot_general3A_48 = arith.constant dense<0.000000e+00> : vector<400x128xf32>
    %dot_general3A_49 = tpu.matmul %get3A_13, %slice3A_47, %dot_general3A_48 {dimension_numbers = #tpu.dot_dimension_numbers<[1], [0], [0], [1], [0, 0, 1, 1], [], []>, transpose_lhs_hint = false} : vector<400x128xf32>, vector<128x128xf32>, vector<400x128xf32> -> vector<400x128xf32>
    %add3A_50 = arith.addf %add3A_42, %dot_general3A_49 : vector<400x128xf32>
    %slice3A_51 = vector.extract_strided_slice %get3A_19 {offsets = [512, 0], sizes = [128, 128], strides = [1, 1]} : vector<640x128xf32> to vector<128x128xf32>
    %dot_general3A_52 = arith.constant dense<0.000000e+00> : vector<400x128xf32>
    %dot_general3A_53 = tpu.matmul %get3A_13, %slice3A_51, %dot_general3A_52 {dimension_numbers = #tpu.dot_dimension_numbers<[1], [0], [0], [1], [0, 0, 1, 1], [], []>, transpose_lhs_hint = false} : vector<400x128xf32>, vector<128x128xf32>, vector<400x128xf32> -> vector<400x128xf32>
    %add3A_54 = arith.addf %add3A_46, %dot_general3A_53 : vector<400x128xf32>
    %swap3A = arith.constant 0 : index
    %swap3A_55 = arith.constant 0 : index
    %swap3A_56 = vector.load %arg8[%swap3A, %swap3A_55] : memref<400x128xf32, #tpu.memory_space<vmem>>, vector<400x128xf32>
    tpu.vector_store %arg8[%swap3A, %swap3A_55], %add3A_50 {strides = array<i32>} : memref<400x128xf32, #tpu.memory_space<vmem>>, vector<400x128xf32>,
    %swap3A_57 = arith.constant 0 : index
    %swap3A_58 = arith.constant 0 : index
    %swap3A_59 = vector.load %arg9[%swap3A_57, %swap3A_58] : memref<400x128xf32, #tpu.memory_space<vmem>>, vector<400x128xf32>
    tpu.vector_store %arg9[%swap3A_57, %swap3A_58], %add3A_54 {strides = array<i32>} : memref<400x128xf32, #tpu.memory_space<vmem>>, vector<400x128xf32>,
    return
  }
  func.func @transform_0(%arg0: i32) -> (i32, i32) {
    %c0_i32 = arith.constant 0 : i32
    %c0_i32_0 = arith.constant 0 : i32
    return %arg0, %c0_i32 : i32, i32
  }
  func.func @transform_1(%arg0: i32) -> (i32, i32) {
    %c0_i32 = arith.constant 0 : i32
    %c0_i32_0 = arith.constant 0 : i32
    return %arg0, %c0_i32 : i32, i32
  }
  func.func @transform_2(%arg0: i32) -> (i32, i32) {
    %c0_i32 = arith.constant 0 : i32
    %c0_i32_0 = arith.constant 0 : i32
    return %arg0, %c0_i32 : i32, i32
  }
  func.func @transform_3(%arg0: i32) -> (i32, i32) {
    %c0_i32 = arith.constant 0 : i32
    %c0_i32_0 = arith.constant 0 : i32
    return %arg0, %c0_i32 : i32, i32
  }
  func.func @transform_4(%arg0: i32) -> (i32, i32) {
    %c0_i32 = arith.constant 0 : i32
    %c0_i32_0 = arith.constant 0 : i32
    return %arg0, %c0_i32 : i32, i32
  }
  func.func @transform_5(%arg0: i32) -> (i32, i32) {
    %c0_i32 = arith.constant 0 : i32
    %c0_i32_0 = arith.constant 0 : i32
    %c0_i32_1 = arith.constant 0 : i32
    return %c0_i32, %c0_i32_0 : i32, i32
  }
  func.func @transform_6(%arg0: i32) -> (i32, i32) {
    %c0_i32 = arith.constant 0 : i32
    %c0_i32_0 = arith.constant 0 : i32
    %c0_i32_1 = arith.constant 0 : i32
    return %c0_i32, %c0_i32_0 : i32, i32
  }
  func.func @transform_7(%arg0: i32) -> (i32, i32) {
    %c0_i32 = arith.constant 0 : i32
    %c0_i32_0 = arith.constant 0 : i32
    return %arg0, %c0_i32 : i32, i32
  }
  func.func @transform_8(%arg0: i32) -> (i32, i32) {
    %c0_i32 = arith.constant 0 : i32
    %c0_i32_0 = arith.constant 0 : i32
    return %arg0, %c0_i32 : i32, i32
  }
}

module attributes {stable_mosaic.version = 14 : i64} {
  func.func @_tc_c_body(%arg0: i32, %arg1: memref<2x400x128xf32, #tpu.memory_space<vmem>>, %arg2: memref<2x400x128xf32, #tpu.memory_space<vmem>>, %arg3: memref<400x128xf32, #tpu.memory_space<vmem>>, %arg4: memref<1x128xf32, #tpu.memory_space<vmem>>, %arg5: memref<128x128xf32, #tpu.memory_space<vmem>>, %arg6: memref<128x128xf32, #tpu.memory_space<vmem>>, %arg7: memref<1x128xf32, #tpu.memory_space<vmem>>, %arg8: memref<1x128xf32, #tpu.memory_space<vmem>>, %arg9: memref<1x128xf32, #tpu.memory_space<vmem>>, %arg10: memref<128x128xf32, #tpu.memory_space<vmem>>, %arg11: memref<128x128xf32, #tpu.memory_space<vmem>>, %arg12: memref<400x128xf32, #tpu.memory_space<vmem>>, %arg13: memref<400x128xf32, #tpu.memory_space<vmem>>) attributes {dimension_semantics = [#tpu.dimension_semantics<arbitrary>], iteration_bounds = array<i64: 25>, scalar_prefetch = 0 : i64, scratch_operands = 0 : i64, tpu.core_type = #tpu.core_type<tc>, window_params = [{transform_indices = @transform_0, window_bounds = array<i64: 2, 400, 128>}, {transform_indices = @transform_1, window_bounds = array<i64: 2, 400, 128>}, {transform_indices = @transform_2, window_bounds = array<i64: 400, 128>}, {pipeline_mode = #tpu.pipeline_mode<synchronous>, transform_indices = @transform_3, window_bounds = array<i64: 1, 128>}, {pipeline_mode = #tpu.pipeline_mode<synchronous>, transform_indices = @transform_4, window_bounds = array<i64: 128, 128>}, {pipeline_mode = #tpu.pipeline_mode<synchronous>, transform_indices = @transform_5, window_bounds = array<i64: 128, 128>}, {pipeline_mode = #tpu.pipeline_mode<synchronous>, transform_indices = @transform_6, window_bounds = array<i64: 1, 128>}, {pipeline_mode = #tpu.pipeline_mode<synchronous>, transform_indices = @transform_7, window_bounds = array<i64: 1, 128>}, {pipeline_mode = #tpu.pipeline_mode<synchronous>, transform_indices = @transform_8, window_bounds = array<i64: 1, 128>}, {pipeline_mode = #tpu.pipeline_mode<synchronous>, transform_indices = @transform_9, window_bounds = array<i64: 128, 128>}, {pipeline_mode = #tpu.pipeline_mode<synchronous>, transform_indices = @transform_10, window_bounds = array<i64: 128, 128>}, {transform_indices = @transform_11, window_bounds = array<i64: 400, 128>}, {transform_indices = @transform_12, window_bounds = array<i64: 400, 128>}]} {
    %get3A = arith.constant 0 : index
    %get3A_0 = arith.constant 0 : index
    %get3A_1 = arith.constant 0 : index
    %get3A_2 = vector.load %arg2[%get3A, %get3A_0, %get3A_1] : memref<2x400x128xf32, #tpu.memory_space<vmem>>, vector<2x400x128xf32>
    %slice3A = vector.extract_strided_slice %get3A_2 {offsets = [0, 0, 0], sizes = [1, 400, 1], strides = [1, 1, 1]} : vector<2x400x128xf32> to vector<1x400x1xf32>
    %squeeze3A = vector.shape_cast %slice3A : vector<1x400x1xf32> to vector<400xf32>
    %slice3A_3 = vector.extract_strided_slice %get3A_2 {offsets = [1, 0, 0], sizes = [1, 400, 1], strides = [1, 1, 1]} : vector<2x400x128xf32> to vector<1x400x1xf32>
    %squeeze3A_4 = vector.shape_cast %slice3A_3 : vector<1x400x1xf32> to vector<400xf32>
    %add3A = arith.addf %squeeze3A, %squeeze3A_4 : vector<400xf32>
    %max3A = arith.constant 1.000000e+00 : f32
    %max3A_5 = vector.broadcast %max3A : f32 to vector<400xf32>
    %max3A_6 = arith.maximumf %add3A, %max3A_5 : vector<400xf32>
    %div3A = arith.constant 1.000000e+00 : f32
    %div3A_7 = vector.broadcast %div3A : f32 to vector<400xf32>
    %div3A_8 = arith.divf %div3A_7, %max3A_6 : vector<400xf32>
    %gt3A = arith.constant 0.000000e+00 : f32
    %gt3A_9 = vector.broadcast %gt3A : f32 to vector<400xf32>
    %gt3A_10 = arith.cmpf ogt, %add3A, %gt3A_9 : vector<400xf32>
    %convert_element_type3A = arith.extui %gt3A_10 : vector<400xi1> to vector<400xi32>
    %convert_element_type3A_11 = arith.sitofp %convert_element_type3A : vector<400xi32> to vector<400xf32>
    %get3A_12 = arith.constant 0 : index
    %get3A_13 = arith.constant 0 : index
    %get3A_14 = vector.load %arg4[%get3A_12, %get3A_13] : memref<1x128xf32, #tpu.memory_space<vmem>>, vector<1x128xf32>
    %get3A_15 = arith.constant 0 : index
    %get3A_16 = arith.constant 0 : index
    %get3A_17 = vector.load %arg5[%get3A_15, %get3A_16] : memref<128x128xf32, #tpu.memory_space<vmem>>, vector<128x128xf32>
    %dot_general3A = arith.constant dense<0.000000e+00> : vector<1x128xf32>
    %dot_general3A_18 = tpu.matmul %get3A_14, %get3A_17, %dot_general3A {dimension_numbers = #tpu.dot_dimension_numbers<[1], [0], [0], [1], [0, 0, 1, 1], [], []>, transpose_lhs_hint = false} : vector<1x128xf32>, vector<128x128xf32>, vector<1x128xf32> -> vector<1x128xf32>
    %get3A_19 = arith.constant 0 : index
    %get3A_20 = arith.constant 0 : index
    %get3A_21 = vector.load %arg6[%get3A_19, %get3A_20] : memref<128x128xf32, #tpu.memory_space<vmem>>, vector<128x128xf32>
    %dot_general3A_22 = arith.constant dense<0.000000e+00> : vector<1x128xf32>
    %dot_general3A_23 = tpu.matmul %get3A_14, %get3A_21, %dot_general3A_22 {dimension_numbers = #tpu.dot_dimension_numbers<[1], [0], [0], [1], [0, 0, 1, 1], [], []>, transpose_lhs_hint = false} : vector<1x128xf32>, vector<128x128xf32>, vector<1x128xf32> -> vector<1x128xf32>
    %get3A_24 = arith.constant 0 : index
    %get3A_25 = arith.constant 0 : index
    %get3A_26 = arith.constant 0 : index
    %get3A_27 = vector.load %arg1[%get3A_24, %get3A_25, %get3A_26] : memref<2x400x128xf32, #tpu.memory_space<vmem>>, vector<1x400x128xf32>
    %get3A_28 = vector.shape_cast %get3A_27 : vector<1x400x128xf32> to vector<400x128xf32>
    %get3A_29 = arith.constant 1 : index
    %get3A_30 = arith.constant 0 : index
    %get3A_31 = arith.constant 0 : index
    %get3A_32 = vector.load %arg1[%get3A_29, %get3A_30, %get3A_31] : memref<2x400x128xf32, #tpu.memory_space<vmem>>, vector<1x400x128xf32>
    %get3A_33 = vector.shape_cast %get3A_32 : vector<1x400x128xf32> to vector<400x128xf32>
    %add3A_34 = arith.addf %get3A_28, %get3A_33 : vector<400x128xf32>
    %broadcast_in_dim3A = vector.shape_cast %div3A_8 : vector<400xf32> to vector<400x1xf32>
    %mul3A = vector.broadcast %broadcast_in_dim3A : vector<400x1xf32> to vector<400x128xf32>
    %mul3A_35 = arith.mulf %add3A_34, %mul3A : vector<400x128xf32>
    %broadcast_in_dim3A_36 = vector.shape_cast %convert_element_type3A_11 : vector<400xf32> to vector<400x1xf32>
    %mul3A_37 = vector.broadcast %broadcast_in_dim3A_36 : vector<400x1xf32> to vector<400x128xf32>
    %mul3A_38 = vector.broadcast %dot_general3A_18 : vector<1x128xf32> to vector<400x128xf32>
    %mul3A_39 = arith.mulf %mul3A_37, %mul3A_38 : vector<400x128xf32>
    %add3A_40 = arith.addf %mul3A_35, %mul3A_39 : vector<400x128xf32>
    %get3A_41 = arith.constant 0 : index
    %get3A_42 = arith.constant 0 : index
    %get3A_43 = vector.load %arg7[%get3A_41, %get3A_42] : memref<1x128xf32, #tpu.memory_space<vmem>>, vector<1x128xf32>
    %add3A_44 = vector.broadcast %get3A_43 : vector<1x128xf32> to vector<400x128xf32>
    %add3A_45 = arith.addf %add3A_40, %add3A_44 : vector<400x128xf32>
    %get3A_46 = arith.constant 0 : index
    %get3A_47 = arith.constant 0 : index
    %get3A_48 = vector.load %arg3[%get3A_46, %get3A_47] : memref<400x128xf32, #tpu.memory_space<vmem>>, vector<400x128xf32>
    %add3A_49 = arith.addf %add3A_45, %get3A_48 : vector<400x128xf32>
    %add3A_50 = vector.broadcast %dot_general3A_23 : vector<1x128xf32> to vector<400x128xf32>
    %add3A_51 = arith.addf %add3A_49, %add3A_50 : vector<400x128xf32>
    %max3A_52 = arith.constant 0.000000e+00 : f32
    %max3A_53 = vector.broadcast %max3A_52 : f32 to vector<400x128xf32>
    %max3A_54 = arith.maximumf %add3A_51, %max3A_53 : vector<400x128xf32>
    %get3A_55 = arith.constant 0 : index
    %get3A_56 = arith.constant 0 : index
    %get3A_57 = vector.load %arg8[%get3A_55, %get3A_56] : memref<1x128xf32, #tpu.memory_space<vmem>>, vector<1x128xf32>
    %get3A_58 = arith.constant 0 : index
    %get3A_59 = arith.constant 0 : index
    %get3A_60 = vector.load %arg9[%get3A_58, %get3A_59] : memref<1x128xf32, #tpu.memory_space<vmem>>, vector<1x128xf32>
    %reduce_sum3A = arith.constant dense<0.000000e+00> : vector<400xf32>
    %reduce_sum3A_61 = vector.multi_reduction <add>, %max3A_54, %reduce_sum3A [1] : vector<400x128xf32> to vector<400xf32>
    %broadcast_in_dim3A_62 = vector.shape_cast %reduce_sum3A_61 : vector<400xf32> to vector<400x1xf32>
    %div3A_63 = arith.constant 1.280000e+02 : f32
    %div3A_64 = vector.broadcast %div3A_63 : f32 to vector<400x1xf32>
    %div3A_65 = arith.divf %broadcast_in_dim3A_62, %div3A_64 : vector<400x1xf32>
    %jit3A = arith.constant 0 : i32
    %reduce_sum3A_66 = arith.constant dense<0.000000e+00> : vector<400xf32>
    %reduce_sum3A_67 = vector.multi_reduction <add>, %max3A_54, %reduce_sum3A_66 [1] : vector<400x128xf32> to vector<400xf32>
    %broadcast_in_dim3A_68 = vector.shape_cast %reduce_sum3A_67 : vector<400xf32> to vector<400x1xf32>
    %div3A_69 = arith.constant 1.280000e+02 : f32
    %div3A_70 = vector.broadcast %div3A_69 : f32 to vector<400x1xf32>
    %div3A_71 = arith.divf %broadcast_in_dim3A_68, %div3A_70 : vector<400x1xf32>
    %sub3A = vector.broadcast %div3A_71 : vector<400x1xf32> to vector<400x128xf32>
    %sub3A_72 = arith.subf %max3A_54, %sub3A : vector<400x128xf32>
    %square3A = arith.mulf %sub3A_72, %sub3A_72 : vector<400x128xf32>
    %convert_element_type3A_73 = arith.sitofp %jit3A : i32 to f32
    %sub3A_74 = arith.constant 1.280000e+02 : f32
    %sub3A_75 = arith.subf %sub3A_74, %convert_element_type3A_73 : f32
    %reduce_sum3A_76 = arith.constant dense<0.000000e+00> : vector<400xf32>
    %reduce_sum3A_77 = vector.multi_reduction <add>, %square3A, %reduce_sum3A_76 [1] : vector<400x128xf32> to vector<400xf32>
    %broadcast_in_dim3A_78 = vector.shape_cast %reduce_sum3A_77 : vector<400xf32> to vector<400x1xf32>
    %div3A_79 = vector.broadcast %sub3A_75 : f32 to vector<400x1xf32>
    %div3A_80 = arith.divf %broadcast_in_dim3A_78, %div3A_79 : vector<400x1xf32>
    %gt3A_81 = arith.constant 0.000000e+00 : f32
    %gt3A_82 = arith.cmpf ogt, %sub3A_75, %gt3A_81 : f32
    %jit3A_83 = arith.constant 0x7FC00000 : f32
    %broadcast_in_dim3A_84 = vector.broadcast %jit3A_83 : f32 to vector<400x1xf32>
    %select_n3A = arith.select %gt3A_82, %div3A_80, %broadcast_in_dim3A_84 : vector<400x1xf32>
    %sub3A_85 = vector.broadcast %div3A_65 : vector<400x1xf32> to vector<400x128xf32>
    %sub3A_86 = arith.subf %max3A_54, %sub3A_85 : vector<400x128xf32>
    %add3A_87 = arith.constant 9.99999974E-6 : f32
    %add3A_88 = vector.broadcast %add3A_87 : f32 to vector<400x1xf32>
    %add3A_89 = arith.addf %select_n3A, %add3A_88 : vector<400x1xf32>
    %sqrt3A = math.sqrt %add3A_89 : vector<400x1xf32>
    %div3A_90 = vector.broadcast %sqrt3A : vector<400x1xf32> to vector<400x128xf32>
    %div3A_91 = arith.divf %sub3A_86, %div3A_90 : vector<400x128xf32>
    %mul3A_92 = vector.broadcast %get3A_57 : vector<1x128xf32> to vector<400x128xf32>
    %mul3A_93 = arith.mulf %div3A_91, %mul3A_92 : vector<400x128xf32>
    %add3A_94 = vector.broadcast %get3A_60 : vector<1x128xf32> to vector<400x128xf32>
    %add3A_95 = arith.addf %mul3A_93, %add3A_94 : vector<400x128xf32>
    %get3A_96 = arith.constant 0 : index
    %get3A_97 = arith.constant 0 : index
    %get3A_98 = vector.load %arg10[%get3A_96, %get3A_97] : memref<128x128xf32, #tpu.memory_space<vmem>>, vector<128x128xf32>
    %dot_general3A_99 = arith.constant dense<0.000000e+00> : vector<400x128xf32>
    %dot_general3A_100 = tpu.matmul %add3A_95, %get3A_98, %dot_general3A_99 {dimension_numbers = #tpu.dot_dimension_numbers<[1], [0], [0], [1], [0, 0, 1, 1], [], []>, transpose_lhs_hint = false} : vector<400x128xf32>, vector<128x128xf32>, vector<400x128xf32> -> vector<400x128xf32>
    %swap3A = arith.constant 0 : index
    %swap3A_101 = arith.constant 0 : index
    %swap3A_102 = vector.load %arg12[%swap3A, %swap3A_101] : memref<400x128xf32, #tpu.memory_space<vmem>>, vector<400x128xf32>
    tpu.vector_store %arg12[%swap3A, %swap3A_101], %dot_general3A_100 {strides = array<i32>} : memref<400x128xf32, #tpu.memory_space<vmem>>, vector<400x128xf32>,
    %get3A_103 = arith.constant 0 : index
    %get3A_104 = arith.constant 0 : index
    %get3A_105 = vector.load %arg11[%get3A_103, %get3A_104] : memref<128x128xf32, #tpu.memory_space<vmem>>, vector<128x128xf32>
    %dot_general3A_106 = arith.constant dense<0.000000e+00> : vector<400x128xf32>
    %dot_general3A_107 = tpu.matmul %add3A_95, %get3A_105, %dot_general3A_106 {dimension_numbers = #tpu.dot_dimension_numbers<[1], [0], [0], [1], [0, 0, 1, 1], [], []>, transpose_lhs_hint = false} : vector<400x128xf32>, vector<128x128xf32>, vector<400x128xf32> -> vector<400x128xf32>
    %swap3A_108 = arith.constant 0 : index
    %swap3A_109 = arith.constant 0 : index
    %swap3A_110 = vector.load %arg13[%swap3A_108, %swap3A_109] : memref<400x128xf32, #tpu.memory_space<vmem>>, vector<400x128xf32>
    tpu.vector_store %arg13[%swap3A_108, %swap3A_109], %dot_general3A_107 {strides = array<i32>} : memref<400x128xf32, #tpu.memory_space<vmem>>, vector<400x128xf32>,
    return
  }
  func.func @transform_0(%arg0: i32) -> (i32, i32, i32) {
    %c0_i32 = arith.constant 0 : i32
    %c0_i32_0 = arith.constant 0 : i32
    %c0_i32_1 = arith.constant 0 : i32
    return %c0_i32, %arg0, %c0_i32_0 : i32, i32, i32
  }
  func.func @transform_1(%arg0: i32) -> (i32, i32, i32) {
    %c0_i32 = arith.constant 0 : i32
    %c0_i32_0 = arith.constant 0 : i32
    %c0_i32_1 = arith.constant 0 : i32
    return %c0_i32, %arg0, %c0_i32_0 : i32, i32, i32
  }
  func.func @transform_2(%arg0: i32) -> (i32, i32) {
    %c0_i32 = arith.constant 0 : i32
    %c0_i32_0 = arith.constant 0 : i32
    return %arg0, %c0_i32 : i32, i32
  }
  func.func @transform_3(%arg0: i32) -> (i32, i32) {
    %c0_i32 = arith.constant 0 : i32
    %c0_i32_0 = arith.constant 0 : i32
    %c0_i32_1 = arith.constant 0 : i32
    return %c0_i32, %c0_i32_0 : i32, i32
  }
  func.func @transform_4(%arg0: i32) -> (i32, i32) {
    %c0_i32 = arith.constant 0 : i32
    %c0_i32_0 = arith.constant 0 : i32
    %c0_i32_1 = arith.constant 0 : i32
    return %c0_i32, %c0_i32_0 : i32, i32
  }
  func.func @transform_5(%arg0: i32) -> (i32, i32) {
    %c0_i32 = arith.constant 0 : i32
    %c0_i32_0 = arith.constant 0 : i32
    %c0_i32_1 = arith.constant 0 : i32
    return %c0_i32, %c0_i32_0 : i32, i32
  }
  func.func @transform_6(%arg0: i32) -> (i32, i32) {
    %c0_i32 = arith.constant 0 : i32
    %c0_i32_0 = arith.constant 0 : i32
    %c0_i32_1 = arith.constant 0 : i32
    return %c0_i32, %c0_i32_0 : i32, i32
  }
  func.func @transform_7(%arg0: i32) -> (i32, i32) {
    %c0_i32 = arith.constant 0 : i32
    %c0_i32_0 = arith.constant 0 : i32
    %c0_i32_1 = arith.constant 0 : i32
    return %c0_i32, %c0_i32_0 : i32, i32
  }
  func.func @transform_8(%arg0: i32) -> (i32, i32) {
    %c0_i32 = arith.constant 0 : i32
    %c0_i32_0 = arith.constant 0 : i32
    %c0_i32_1 = arith.constant 0 : i32
    return %c0_i32, %c0_i32_0 : i32, i32
  }
  func.func @transform_9(%arg0: i32) -> (i32, i32) {
    %c0_i32 = arith.constant 0 : i32
    %c0_i32_0 = arith.constant 0 : i32
    %c0_i32_1 = arith.constant 0 : i32
    return %c0_i32, %c0_i32_0 : i32, i32
  }
  func.func @transform_10(%arg0: i32) -> (i32, i32) {
    %c0_i32 = arith.constant 0 : i32
    %c0_i32_0 = arith.constant 0 : i32
    %c0_i32_1 = arith.constant 0 : i32
    return %c0_i32, %c0_i32_0 : i32, i32
  }
  func.func @transform_11(%arg0: i32) -> (i32, i32) {
    %c0_i32 = arith.constant 0 : i32
    %c0_i32_0 = arith.constant 0 : i32
    return %arg0, %c0_i32 : i32, i32
  }
  func.func @transform_12(%arg0: i32) -> (i32, i32) {
    %c0_i32 = arith.constant 0 : i32
    %c0_i32_0 = arith.constant 0 : i32
    return %arg0, %c0_i32 : i32, i32
  }
}

module attributes {stable_mosaic.version = 14 : i64} {
  func.func @_tc_d_body(%arg0: i32, %arg1: memref<2x400x128xf32, #tpu.memory_space<vmem>>, %arg2: memref<2x400x128xf32, #tpu.memory_space<vmem>>, %arg3: memref<400x128xf32, #tpu.memory_space<vmem>>, %arg4: memref<1x128xf32, #tpu.memory_space<vmem>>, %arg5: memref<128x2048xf32, #tpu.memory_space<vmem>>, %arg6: memref<1x2048xf32, #tpu.memory_space<vmem>>, %arg7: memref<400x2048xf32, #tpu.memory_space<vmem>>, %arg8: memref<400x2048xf32, #tpu.memory_space<vmem>>) attributes {dimension_semantics = [#tpu.dimension_semantics<arbitrary>], iteration_bounds = array<i64: 25>, scalar_prefetch = 0 : i64, scratch_operands = 0 : i64, tpu.core_type = #tpu.core_type<tc>, window_params = [{transform_indices = @transform_0, window_bounds = array<i64: 2, 400, 128>}, {transform_indices = @transform_1, window_bounds = array<i64: 2, 400, 128>}, {transform_indices = @transform_2, window_bounds = array<i64: 400, 128>}, {pipeline_mode = #tpu.pipeline_mode<synchronous>, transform_indices = @transform_3, window_bounds = array<i64: 1, 128>}, {pipeline_mode = #tpu.pipeline_mode<synchronous>, transform_indices = @transform_4, window_bounds = array<i64: 128, 2048>}, {pipeline_mode = #tpu.pipeline_mode<synchronous>, transform_indices = @transform_5, window_bounds = array<i64: 1, 2048>}, {transform_indices = @transform_6, window_bounds = array<i64: 400, 2048>}, {transform_indices = @transform_7, window_bounds = array<i64: 400, 2048>}]} {
    %get3A = arith.constant 0 : index
    %get3A_0 = arith.constant 0 : index
    %get3A_1 = arith.constant 0 : index
    %get3A_2 = vector.load %arg2[%get3A, %get3A_0, %get3A_1] : memref<2x400x128xf32, #tpu.memory_space<vmem>>, vector<2x400x128xf32>
    %slice3A = vector.extract_strided_slice %get3A_2 {offsets = [0, 0, 0], sizes = [1, 400, 1], strides = [1, 1, 1]} : vector<2x400x128xf32> to vector<1x400x1xf32>
    %squeeze3A = vector.shape_cast %slice3A : vector<1x400x1xf32> to vector<400xf32>
    %slice3A_3 = vector.extract_strided_slice %get3A_2 {offsets = [1, 0, 0], sizes = [1, 400, 1], strides = [1, 1, 1]} : vector<2x400x128xf32> to vector<1x400x1xf32>
    %squeeze3A_4 = vector.shape_cast %slice3A_3 : vector<1x400x1xf32> to vector<400xf32>
    %add3A = arith.addf %squeeze3A, %squeeze3A_4 : vector<400xf32>
    %max3A = arith.constant 1.000000e+00 : f32
    %max3A_5 = vector.broadcast %max3A : f32 to vector<400xf32>
    %max3A_6 = arith.maximumf %add3A, %max3A_5 : vector<400xf32>
    %div3A = arith.constant 1.000000e+00 : f32
    %div3A_7 = vector.broadcast %div3A : f32 to vector<400xf32>
    %div3A_8 = arith.divf %div3A_7, %max3A_6 : vector<400xf32>
    %get3A_9 = arith.constant 0 : index
    %get3A_10 = arith.constant 0 : index
    %get3A_11 = arith.constant 0 : index
    %get3A_12 = vector.load %arg1[%get3A_9, %get3A_10, %get3A_11] : memref<2x400x128xf32, #tpu.memory_space<vmem>>, vector<1x400x128xf32>
    %get3A_13 = vector.shape_cast %get3A_12 : vector<1x400x128xf32> to vector<400x128xf32>
    %get3A_14 = arith.constant 1 : index
    %get3A_15 = arith.constant 0 : index
    %get3A_16 = arith.constant 0 : index
    %get3A_17 = vector.load %arg1[%get3A_14, %get3A_15, %get3A_16] : memref<2x400x128xf32, #tpu.memory_space<vmem>>, vector<1x400x128xf32>
    %get3A_18 = vector.shape_cast %get3A_17 : vector<1x400x128xf32> to vector<400x128xf32>
    %add3A_19 = arith.addf %get3A_13, %get3A_18 : vector<400x128xf32>
    %broadcast_in_dim3A = vector.shape_cast %div3A_8 : vector<400xf32> to vector<400x1xf32>
    %mul3A = vector.broadcast %broadcast_in_dim3A : vector<400x1xf32> to vector<400x128xf32>
    %mul3A_20 = arith.mulf %add3A_19, %mul3A : vector<400x128xf32>
    %get3A_21 = arith.constant 0 : index
    %get3A_22 = arith.constant 0 : index
    %get3A_23 = vector.load %arg4[%get3A_21, %get3A_22] : memref<1x128xf32, #tpu.memory_space<vmem>>, vector<1x128xf32>
    %add3A_24 = vector.broadcast %get3A_23 : vector<1x128xf32> to vector<400x128xf32>
    %add3A_25 = arith.addf %mul3A_20, %add3A_24 : vector<400x128xf32>
    %get3A_26 = arith.constant 0 : index
    %get3A_27 = arith.constant 0 : index
    %get3A_28 = vector.load %arg3[%get3A_26, %get3A_27] : memref<400x128xf32, #tpu.memory_space<vmem>>, vector<400x128xf32>
    %add3A_29 = arith.addf %add3A_25, %get3A_28 : vector<400x128xf32>
    %max3A_30 = arith.constant 0.000000e+00 : f32
    %max3A_31 = vector.broadcast %max3A_30 : f32 to vector<400x128xf32>
    %max3A_32 = arith.maximumf %add3A_29, %max3A_31 : vector<400x128xf32>
    %get3A_33 = arith.constant 0 : index
    %get3A_34 = arith.constant 0 : index
    %get3A_35 = vector.load %arg5[%get3A_33, %get3A_34] : memref<128x2048xf32, #tpu.memory_space<vmem>>, vector<128x2048xf32>
    %dot_general3A = arith.constant dense<0.000000e+00> : vector<400x2048xf32>
    %dot_general3A_36 = tpu.matmul %max3A_32, %get3A_35, %dot_general3A {dimension_numbers = #tpu.dot_dimension_numbers<[1], [0], [0], [1], [0, 0, 1, 1], [], []>, transpose_lhs_hint = false} : vector<400x128xf32>, vector<128x2048xf32>, vector<400x2048xf32> -> vector<400x2048xf32>
    %get3A_37 = arith.constant 0 : index
    %get3A_38 = arith.constant 0 : index
    %get3A_39 = vector.load %arg6[%get3A_37, %get3A_38] : memref<1x2048xf32, #tpu.memory_space<vmem>>, vector<1x2048xf32>
    %add3A_40 = vector.broadcast %get3A_39 : vector<1x2048xf32> to vector<400x2048xf32>
    %add3A_41 = arith.addf %dot_general3A_36, %add3A_40 : vector<400x2048xf32>
    %mul3A_42 = arith.constant 400 : i32
    %mul3A_43 = arith.muli %arg0, %mul3A_42 : i32
    %iota3A = tpu.iota {dimensions = array<i32: 0>} : vector<400x2048xi32>
    %add3A_44 = vector.broadcast %mul3A_43 : i32 to vector<400x2048xi32>
    %add3A_45 = arith.addi %add3A_44, %iota3A : vector<400x2048xi32>
    %iota3A_46 = tpu.iota {dimensions = array<i32: 1>} : vector<400x2048xi32>
    %get3A_47 = arith.constant 0 : index
    %get3A_48 = arith.constant 0 : index
    %get3A_49 = vector.load %arg7[%get3A_47, %get3A_48] : memref<400x2048xf32, #tpu.memory_space<vmem>>, vector<400x2048xf32>
    %eq3A = arith.cmpi eq, %add3A_45, %iota3A_46 : vector<400x2048xi32>
    %convert_element_type3A = arith.extui %eq3A : vector<400x2048xi1> to vector<400x2048xi32>
    %convert_element_type3A_50 = arith.sitofp %convert_element_type3A : vector<400x2048xi32> to vector<400x2048xf32>
    %max3A_51 = arith.maximumf %get3A_49, %convert_element_type3A_50 : vector<400x2048xf32>
    %reduce_max3A = arith.constant dense<0xFF800000> : vector<400xf32>
    %reduce_max3A_52 = vector.multi_reduction <maximumf>, %add3A_41, %reduce_max3A [1] : vector<400x2048xf32> to vector<400xf32>
    %broadcast_in_dim3A_53 = vector.shape_cast %reduce_max3A_52 : vector<400xf32> to vector<400x1xf32>
    %sub3A = vector.broadcast %broadcast_in_dim3A_53 : vector<400x1xf32> to vector<400x2048xf32>
    %sub3A_54 = arith.subf %add3A_41, %sub3A : vector<400x2048xf32>
    %exp3A = math.exp %sub3A_54 : vector<400x2048xf32>
    %mul3A_55 = arith.mulf %exp3A, %max3A_51 : vector<400x2048xf32>
    %reduce_sum3A = arith.constant dense<0.000000e+00> : vector<400xf32>
    %reduce_sum3A_56 = vector.multi_reduction <add>, %mul3A_55, %reduce_sum3A [1] : vector<400x2048xf32> to vector<400xf32>
    %broadcast_in_dim3A_57 = vector.shape_cast %reduce_sum3A_56 : vector<400xf32> to vector<400x1xf32>
    %gt3A = arith.constant 0.000000e+00 : f32
    %gt3A_58 = vector.broadcast %gt3A : f32 to vector<400x1xf32>
    %gt3A_59 = arith.cmpf ogt, %broadcast_in_dim3A_57, %gt3A_58 : vector<400x1xf32>
    %gt3A_60 = arith.constant 0.000000e+00 : f32
    %gt3A_61 = vector.broadcast %gt3A_60 : f32 to vector<400x1xf32>
    %gt3A_62 = arith.cmpf ogt, %broadcast_in_dim3A_57, %gt3A_61 : vector<400x1xf32>
    %jit3A = arith.constant 1.000000e+00 : f32
    %broadcast_in_dim3A_63 = vector.broadcast %jit3A : f32 to vector<400x1xf32>
    %select_n3A = arith.select %gt3A_62, %broadcast_in_dim3A_57, %broadcast_in_dim3A_63 : vector<400x1xi1>, vector<400x1xf32>
    %div3A_64 = vector.broadcast %select_n3A : vector<400x1xf32> to vector<400x2048xf32>
    %div3A_65 = arith.divf %mul3A_55, %div3A_64 : vector<400x2048xf32>
    %jit3A_66 = arith.constant 0.000000e+00 : f32
    %broadcast_in_dim3A_67 = vector.shape_cast %gt3A_59 : vector<400x1xi1> to vector<400x1xi1>
    %broadcast_in_dim3A_68 = vector.broadcast %broadcast_in_dim3A_67 : vector<400x1xi1> to vector<400x2048xi1>
    %broadcast_in_dim3A_69 = vector.broadcast %jit3A_66 : f32 to vector<400x2048xf32>
    %select_n3A_70 = arith.select %broadcast_in_dim3A_68, %div3A_65, %broadcast_in_dim3A_69 : vector<400x2048xi1>, vector<400x2048xf32>
    %swap3A = arith.constant 0 : index
    %swap3A_71 = arith.constant 0 : index
    %swap3A_72 = vector.load %arg8[%swap3A, %swap3A_71] : memref<400x2048xf32, #tpu.memory_space<vmem>>, vector<400x2048xf32>
    tpu.vector_store %arg8[%swap3A, %swap3A_71], %select_n3A_70 {strides = array<i32>} : memref<400x2048xf32, #tpu.memory_space<vmem>>, vector<400x2048xf32>,
    return
  }
  func.func @transform_0(%arg0: i32) -> (i32, i32, i32) {
    %c0_i32 = arith.constant 0 : i32
    %c0_i32_0 = arith.constant 0 : i32
    %c0_i32_1 = arith.constant 0 : i32
    return %c0_i32, %arg0, %c0_i32_0 : i32, i32, i32
  }
  func.func @transform_1(%arg0: i32) -> (i32, i32, i32) {
    %c0_i32 = arith.constant 0 : i32
    %c0_i32_0 = arith.constant 0 : i32
    %c0_i32_1 = arith.constant 0 : i32
    return %c0_i32, %arg0, %c0_i32_0 : i32, i32, i32
  }
  func.func @transform_2(%arg0: i32) -> (i32, i32) {
    %c0_i32 = arith.constant 0 : i32
    %c0_i32_0 = arith.constant 0 : i32
    return %arg0, %c0_i32 : i32, i32
  }
  func.func @transform_3(%arg0: i32) -> (i32, i32) {
    %c0_i32 = arith.constant 0 : i32
    %c0_i32_0 = arith.constant 0 : i32
    %c0_i32_1 = arith.constant 0 : i32
    return %c0_i32, %c0_i32_0 : i32, i32
  }
  func.func @transform_4(%arg0: i32) -> (i32, i32) {
    %c0_i32 = arith.constant 0 : i32
    %c0_i32_0 = arith.constant 0 : i32
    %c0_i32_1 = arith.constant 0 : i32
    return %c0_i32, %c0_i32_0 : i32, i32
  }
  func.func @transform_5(%arg0: i32) -> (i32, i32) {
    %c0_i32 = arith.constant 0 : i32
    %c0_i32_0 = arith.constant 0 : i32
    %c0_i32_1 = arith.constant 0 : i32
    return %c0_i32, %c0_i32_0 : i32, i32
  }
  func.func @transform_6(%arg0: i32) -> (i32, i32) {
    %c0_i32 = arith.constant 0 : i32
    %c0_i32_0 = arith.constant 0 : i32
    return %arg0, %c0_i32 : i32, i32
  }
  func.func @transform_7(%arg0: i32) -> (i32, i32) {
    %c0_i32 = arith.constant 0 : i32
    %c0_i32_0 = arith.constant 0 : i32
    return %arg0, %c0_i32 : i32, i32
  }
}

</mosaic_0001>

<sc_bundles>
// kernel: kernel.11.cloned.1.call-start
scs
__scs_entry_jumppad:
0x0: {  	(pc) =	sbr.rel $0x88, $3  }
0x1: {  	(tag) =	ssettag $0x0;
	lr =	simm.s32 $0x1  }
0x2: {  	[smem:$0x3F8C] =	sst lr;
	_ =	strace $0xD0000000  }
0x3: {  	_ = 	snop  }
0x4: {  	_ = 	snop  }
0x5: {  	_ = 	snop  }
0x6: {  	_ = 	snop  }
0x7: {  	_ = 	snop  }
__scs_overlays_trampoline_lowered:
0x8: {  	[smem:$0x3F9B] =	sst s0  }
0x9: {  	[smem:$0x3F9C] =	sst s1  }
0xa: {  	[smem:$0x3F9D] =	sst s2  }
0xb: {  	[smem:$0x3F9E] =	sst s3  }
0xc: {  	[smem:$0x3F9F] =	sst s4  }
0xd: {  	[smem:$0x3FA0] =	sst s5  }
0xe: {  	[smem:$0x3FA1] =	sst s6  }
0xf: {  	[smem:$0x3FA2] =	sst s7  }
0x10: {  	[smem:$0x3FA3] =	sst s8  }
0x11: {  	[smem:$0x3FA4] =	sst s9;
	s0 =	simm.s32 @!p0 $0x0  }
0x12: {  	s1 =	sld [smem:$0x3F8A];
	s0 =	simm.s32 @p0 $0x1  }
0x13: {  	[smem:$0x3FA5] =	sst s0;
	s0 =	simm.s32 @!p1 $0x0  }
0x14: {  	s2 =	sld [smem:$0x3F89];
	s0 =	simm.s32 @p1 $0x1  }
0x15: {  	[smem:$0x3FA6] =	sst s0;
	s0 =	simm.s32 @!p2 $0x0  }
0x16: {  	s3 =	sld [smem:$0x3FDB];
	s0 =	simm.s32 @p2 $0x1  }
0x17: {  	s4 =	simm.s32 $0x1BF5;
	[smem:$0x3FA8] =	sst s0  }
0x18: {  	s0 =	sld [smem:$0x3F8B];
	_ =	swait.ge [sflag:s4], $0x0  }
0x19: {  	s7 =	sld [smem:$0x3F8C]  }
0x1a: {  	s8 =	sadd.s32 $0xFFFFE003, lr  }
0x1b: {  	s9 =	sadd.s32 $0xFFFFFEF7, lr;
	s5 =	simm.s32 $0xFFFFFFFF;
	p2 =	slt.u32 s8, $0xFFFFF086  }
0x1c: {  	p1 =	slt.u32 s9, $0xF7A;
	s5 =	simm.s32 @!p2 $0x0  }
0x1d: {  	s5 =	simm.s32 @p1 $0x1;
	p0 =	seq.s32 s7, s2  }
0x1e: {  	s7 =	smul.u32 @!p0 $0xF7A, s2;
	p2 =	seq.s32 @!p0 s5, $0x0  }
0x1f: {  	s9 =	smul.u32 $0xF7A, s1;
	s8 =	simm.s32 @!p0 $0x1BF5;
	p2 =	por !p2, p0  }
0x20: {  	[sflag:s8] =	ssyncset.s32 @!p0 $0xFFFFF086;
	s6 =	sadd.s32 @!p0 s3, s7;
	s7 =	simm.s32 @!p0 $0x108  }
0x21: {  	s3 =	sadd.s32 s3, s9;
	s6 =	sadd.s32 @!p0 $0x88, s6;
	s7 =	simm.s32 @p2 $0x1082  }
0x22: {  	[simem:s7], [sflag:s8] =	dma.local @!p0 [hbm:s6], $0xF7A  }
0x23: {  	s9 =	sor.u32 $0xD0000000, s2;
	s6 =	simm.s32 $0x108;
	_ =	swait.ge @!p0 [sflag:s8], $0x0  }
0x24: {  	s3 =	sadd.s32 $0x88, s3;
	s6 =	simm.s32 @!p1 $0x1082;
	[sflag:s4] =	ssyncset.s32 $0xFFFFF086  }
0x25: {  	[simem:s6], [sflag:s4] =	dma.local [hbm:s3], $0xF7A  }
0x26: {  	[smem:$0x3F8C] =	sst s1;
	(tag) =	ssettag s2;
	_ =	strace s9  }
0x27: {  	s1 =	sld [smem:$0x3F9C]  }
0x28: {  	s2 =	sld [smem:$0x3F9D]  }
0x29: {  	s4 =	sld [smem:$0x3F9F]  }
0x2a: {  	p0 =	seq.s32 s5, $0x0;
	s5 =	sld [smem:$0x3FA0]  }
0x2b: {  	s6 =	sld [smem:$0x3FA1]  }
0x2c: {  	s7 =	sld [smem:$0x3FA2]  }
0x2d: {  	s3 =	simm.s32 $0x108;
	s8 =	sld [smem:$0x3FA3]  }
0x2e: {  	s3 =	simm.s32 @!p0 $0x1082;
	s9 =	sld [smem:$0x3FA4]  }
0x2f: {  	lr =	sadd.s32 s0, s3;
	s0 =	sld [smem:$0x3F9B]  }
0x30: {  	s3 =	sld [smem:$0x3F9E]  }
0x31: {  	[smem:$0x3FA7] =	sst s10  }
0x32: {  	s10 =	sld [smem:$0x3FA5];
	_ =	sdelay $0x3  }
0x33: {  	p0 =	seq.s32 s10, $0x1;
	s10 =	sld [smem:$0x3FA7];
	_ =	sdelay $0x3  }
0x34: {  	[smem:$0x3FA7] =	sst s10  }
0x35: {  	s10 =	sld [smem:$0x3FA6];
	_ =	sdelay $0x3  }
0x36: {  	p1 =	seq.s32 s10, $0x1;
	s10 =	sld [smem:$0x3FA7];
	_ =	sdelay $0x3  }
0x37: {  	[smem:$0x3FA7] =	sst s10  }
0x38: {  	s10 =	sld [smem:$0x3FA8]  }
0x39: {  	_ = 	snop;
	(pc) =	sbr.ind lr, $3  }
0x3a: {  	_ = 	snop  }
0x3b: {  	_ = 	snop  }
0x3c: {  	p2 =	seq.s32 s10, $0x1;
	s10 =	sld [smem:$0x3FA7]  }
0x3d: {  	_ =	shalt  }
0x3e: {  	_ =	shalt  }
0x3f: {  	_ =	shalt  }
0x40: {  	_ =	shalt  }
0x41: {  	_ =	shalt  }
0x42: {  	_ =	shalt  }
0x43: {  	_ =	shalt  }
0x44: {  	_ =	shalt  }
0x45: {  	_ =	shalt  }
0x46: {  	_ =	shalt  }
0x47: {  	_ =	shalt  }
0x48: {  	_ =	shalt  }
0x49: {  	_ =	shalt  }
0x4a: {  	_ =	shalt  }
0x4b: {  	_ =	shalt  }
0x4c: {  	_ =	shalt  }
0x4d: {  	_ =	shalt  }
0x4e: {  	_ =	shalt  }
0x4f: {  	_ =	shalt  }
0x50: {  	_ =	shalt  }
0x51: {  	_ =	shalt  }
0x52: {  	_ =	shalt  }
0x53: {  	_ =	shalt  }
0x54: {  	_ =	shalt  }
0x55: {  	_ =	shalt  }
0x56: {  	_ =	shalt  }
0x57: {  	_ =	shalt  }
0x58: {  	_ =	shalt  }
0x59: {  	_ =	shalt  }
0x5a: {  	_ =	shalt  }
0x5b: {  	_ =	shalt  }
0x5c: {  	_ =	shalt  }
0x5d: {  	_ =	shalt  }
0x5e: {  	_ =	shalt  }
0x5f: {  	_ =	shalt  }
0x60: {  	_ =	shalt  }
0x61: {  	_ =	shalt  }
0x62: {  	_ =	shalt  }
0x63: {  	_ =	shalt  }
0x64: {  	_ =	shalt  }
0x65: {  	_ =	shalt  }
0x66: {  	_ =	shalt  }
0x67: {  	_ =	shalt  }
0x68: {  	_ =	shalt  }
0x69: {  	_ =	shalt  }
0x6a: {  	_ =	shalt  }
0x6b: {  	_ =	shalt  }
0x6c: {  	_ =	shalt  }
0x6d: {  	_ =	shalt  }
0x6e: {  	_ =	shalt  }
0x6f: {  	_ =	shalt  }
0x70: {  	_ =	shalt  }
0x71: {  	_ =	shalt  }
0x72: {  	_ =	shalt  }
0x73: {  	_ =	shalt  }
0x74: {  	_ =	shalt  }
0x75: {  	_ =	shalt  }
0x76: {  	_ =	shalt  }
0x77: {  	_ =	shalt  }
0x78: {  	_ =	shalt  }
0x79: {  	_ =	shalt  }
0x7a: {  	_ =	shalt  }
0x7b: {  	_ =	shalt  }
0x7c: {  	_ =	shalt  }
0x7d: {  	_ =	shalt  }
0x7e: {  	_ =	shalt  }
0x7f: {  	_ =	shalt  }
0x80: {  	_ =	shalt  }
0x81: {  	_ =	shalt  }
0x82: {  	_ =	shalt  }
0x83: {  	_ =	shalt  }
0x84: {  	_ =	shalt  }
0x85: {  	_ =	shalt  }
0x86: {  	_ =	shalt  }
0x87: {  	_ =	shalt  }
.Lfunc_end0:
.L_simem_size_0:
called_computation_lowered:
.L_overlay_start_0:
0x88: {  	s2 =	sld [smem:$0x3FD9]  }
0x89: {  	s3 =	sld [smem:$0x3FFE];
	_ =	sdelay $0x1  }
0x8a: {  	s1 =	srdreg.scid  }
0x8b: {  	s0 =	sand.u32 $0x1, s1  }
0x8c: {  	s17 =	sshll.u32 s0, $0xA;
	s2 =	sadd.s32 s3, s2  }
0x8d: {  	s2 =	sadd.s32 s2, s17  }
0x8e: {  	[smem:$0x3FB3] =	sst s2  }
0x8f: {  	_ = 	snop  }
0x90: {  	(tm) =	ssettm $0x1  }
0x91: {  	s18 =	sld [smem:$0x3FFB];
	_ =	sdelay $0x3  }
0x92: {  	_ =	strace s18  }
0x93: {  	s2 =	sld [smem:$0x3FFC];
	_ =	sdelay $0x3  }
0x94: {  	_ =	strace s2  }
0x95: {  	s2 =	sld [smem:$0x3FFD];
	_ =	sdelay $0x3  }
0x96: {  	_ =	strace s2  }
0x97: {  	_ =	strace $0x8FFFFFFF  }
0x98: {  	s19 =	sld [smem:$0x3FDB];
	_ =	sdelay $0x1  }
0x99: {  	s20 =	simm.s32 $_scs_section_size  }
0x9a: {  	s4 =	simm.s32 $_size__tile_overlayer_lowered;
	s5 =	simm.s32 $_tile_overlayer_lowered  }
0x9b: {  	s6 =	simm.s32 $0x1BFF;
	s21 =	sshll.u32 s5, $0x1;
	s3 =	sadd.s32 s20, s19  }
0x9c: {  	s22 =	simm.s32 $0x0;
	s4 =	sshll.u32 s4, $0x1;
	s5 =	sadd.s32 s21, s3  }
0x9d: {  	[timem:s22], [sflag:s6] =	dma.local [hbm:s5], s4  }
0x9e: {  	_ =	swait.ge [sflag:s6], s4  }
0x9f: {  	s4 =	ssub.s32 $0x0, s4;
	[sflag:s6] =	ssyncset.done $0x0  }
0xa0: {  	[sflag:s6] =	ssyncadd.s32 s4;
	_ =	sdelay $0x1  }
0xa1: {  	s23 =	simm.s32 $0x1B8B  }
0xa2: {  	_ =	swait.ge [sflag:s23], $0x1  }
0xa3: {  	[sflag:s23] =	ssyncset.done $0x0  }
0xa4: {  	[sflag:s23] =	ssyncadd.s32 $0xFFFFFFFF  }
0xa5: {  	s4 =	sld [smem:$0x0]  }
0xa6: {  	s5 =	sand.u32 $0xFFFFFFFE, s1  }
0xa7: {  	p0 =	sne.s32 s1, s5  }
0xa8: {  	s5 =	sshll.u32 @p0 s5, $0xE  }
0xa9: {  	s5 =	sadd.s32 @p0 $0x11B8D, s5;
	s6 =	sshll.u32 @p0 s4, $0x11  }
0xaa: {  	s5 =	sor.u32 @p0 s6, s5  }
0xab: {  	[sflag:s5] =	ssyncadd.remote.s32 @p0 $0x1;
	_ =	sdelay $0x1  }
0xac: {  	s5 =	simm.s32 @p0 $0x1B8D  }
0xad: {  	_ =	swait.eq @p0 [sflag:s5], $0x1  }
0xae: {  	[sflag:s5] =	ssyncadd.s32 @p0 $0xFFFFFFFF  }
0xaf: {  	s6 =	sshll.u32 @!p0 s1, $0xE  }
0xb0: {  	s6 =	sor.u32 @!p0 $0x4000, s6;
	s5 =	simm.s32 @!p0 $0x1B8D  }
0xb1: {  	s4 =	sshll.u32 @!p0 s4, $0x11;
	s6 =	sadd.s32 @!p0 $0x11B8D, s6;
	_ =	swait.eq @!p0 [sflag:s5], $0x1  }
0xb2: {  	s4 =	sor.u32 @!p0 s4, s6;
	[sflag:s5] =	ssyncadd.s32 @!p0 $0xFFFFFFFF  }
0xb3: {  	s25 =	simm.s32 $0x1B8E;
	s24 =	sld [smem:$0x3FFE];
	[sflag:s4] =	ssyncadd.remote.s32 @!p0 $0x1  }
0xb4: {  	s26 =	simm.s32 $execute0_lowered;
	[smem:$0x3FD2] =	sst s25  }
0xb5: {  	s5 =	sshll.u32 s26, $0x1;
	_ =	strace $0x8000004F;
	[dreg:$0x1] =	wrdreg $0xFFFFFFFF  }
0xb6: {  	s28 =	simm.s32 $_size_execute0_lowered;
	s3 =	sadd.s32 s3, s5;
	[dreg:$0x0] =	wrdreg $0x0  }
0xb7: {  	s5 =	sshll.u32 s28, $0x1;
	[dreg:$0x2] =	wrdreg s3  }
0xb8: {  	[dreg:$0x3] =	wrdreg s5  }
0xb9: {  	[dreg:$0x4] =	wrdreg $0xC0  }
0xba: {  	_ =	task [dreg:s22], $0x5FFFF  }
0xbb: {  	[dreg:$0x1] =	wrdreg $0xFFFFFFFF  }
0xbc: {  	[dreg:$0x0] =	wrdreg $0x60  }
0xbd: {  	[dreg:$0x2] =	wrdreg s24  }
0xbe: {  	[dreg:$0x3] =	wrdreg $0xA0000  }
0xbf: {  	[dreg:$0x4] =	wrdreg $0x9  }
0xc0: {  	_ =	task.clear_ibuf [dreg:s22], $0x5FFFF;
	_ =	strace $0x9000004F  }
0xc1: {  	s29 =	simm.s32 $0x9;
	_ =	strace $0x80000051  }
0xc2: {  	_ =	swait.ge [sflag:s29], $0x1  }
0xc3: {  	[sflag:s29] =	ssyncadd.s32 $0xFFFFFFFF  }
0xc4: {  	_ =	strace $0x90000051  }
0xc5: {  	_ =	sfence  }
0xc6: {  	s30 =	sld [smem:$0x0];
	_ =	sdelay $0x2  }
0xc7: {  	s31 =	sshll.u32 s1, $0xD;
	s1 =	sshrl.u32 s1, $0x2  }
0xc8: {  	s4 =	sand.u32 $0x4000, s31;
	s1 =	sadd.s32 s1, s30  }
0xc9: {  	s0 =	sor.u32 s4, s0;
	s1 =	sshll.u32 s1, $0x11  }
0xca: {  	s0 =	sor.u32 s1, s0  }
0xcb: {  	s0 =	sadd.s32 $0x8F2B, s0  }
0xcc: {  	[sflag:s0] =	ssyncadd.remote.s32 $0x1  }
0xcd: {  	_ =	sfence.sel $0xFFFF  }
0xce: {  	[dreg:$0x0] =	wrdreg $0xFFFFFFFF;
	(pc) =	sbr.abs _section_cstart, $3  }
0xcf: {  	[dreg:$0x1] =	wrdreg $0xFFFFFFFF  }
0xd0: {  	_ =	task.clear_ibuf [dreg:s22], $0x2FFFF;
	_ =	strace $0x9FFFFFFF  }
0xd1: {  	(tm) =	ssettm $0x7FFFFFFF  }
tec
execute0_lowered:
.L_overlay_start_1:
0x0: {  	(tag) =	ssettag $0x1  }
0x1: {  	s0 =	rddreg [dreg:$0x0]  }
0x2: {  	s2 =	rddreg [dreg:$0x1];
	s1 =	stileid.u32;
	s3 =	simm.s32 $0x0  }
0x3: {  	s5 =	srdreg.scid;
	s28 =	simm.s32 $0x1000;
	s29 =	simm.s32 $0x5000  }
0x4: {  	s30 =	simm.s32 $0x1;
	s31 =	simm.s32 $0x6000;
	s4 =	smul.u32 $0x4E2, s1  }
0x5: {  	[smem:$0x7FF] =	sst s3;
	s6 =	sand.u32 $0x1, s5;
	s23 =	sadd.s32 $0x11C00, s0  }
0x6: {  	s5 =	smul.u32 $0x14000, s1;
	s7 =	sadd.s32 $0x12000, s0;
	s26 =	sshll.u32 s1, $0x7  }
0x7: {  	_ =	strace $0x80000050;
	[dreg:$0x3] =	wrdreg s23;
	s8 =	ssub.s32 $0x2, s6  }
0x8: {  	[dreg:$0x4] =	wrdreg s7;
	s7 =	sadd.s32 $0x89C00, s0;
	s11 =	sshll.u32 s6, $0x3  }
0x9: {  	s23 =	simm.s32 $0x7000;
	s4 =	sadd.s32 s4, s0;
	s24 =	sshrl.u32 s8, $0x1  }
0xa: {  	s9 =	sadd.s32 s5, s2;
	s0 =	ssub.s32 s8, s24;
	s25 =	sadd.s32 $0xA400, s4  }
0xb: {  	s4 =	sadd.s32 $0x5400, s4;
	s12 =	sadd.s32 $0x2000, s9;
	s13 =	sadd.s32 $0x4000, s9  }
0xc: {  	s14 =	sadd.s32 $0x6000, s9;
	s15 =	sadd.s32 $0x8000, s9;
	s16 =	sadd.s32 $0xA000, s9  }
0xd: {  	s17 =	sadd.s32 $0xC000, s9;
	s18 =	sadd.s32 $0xE000, s9;
	s19 =	sadd.s32 $0x10000, s9  }
0xe: {  	s20 =	sadd.s32 $0x12000, s9;
	s24 =	simm.s32 $0x2;
	[dreg:$0x5] =	wrdreg s25  }
0xf: {  	[dreg:$0x6] =	wrdreg s4;
	s4 =	sadd.s32 s26, s2;
	s22 =	smax.u32 s0, $0x1  }
0x10: {  	v0 =	vimm.s32 $0x40000000;
	s25 =	simm.s32 $0x9000;
	s0 =	simm.s32 $0x0;
	s21 =	sadd.s32 $0x140000, s4  }
.LBB2_1:
0x11: {  	s4 =	rddreg [dreg:$0x3]  }
0x12: {  	[tilespmem:s23], [sflag:$0x2] =	stream.linear.gather [hbm4b:s4+s3], $0x2000, $0x38;
	[tilespmem:$0x1E080] =	vst v63  }
0x13: {  	_ =	swait.ge [sflag:s24], $0x2000  }
0x14: {  	[sflag:s24] =	ssyncset.done $0x0  }
0x15: {  	s8 =	rddreg [dreg:$0x4];
	[sflag:s24] =	ssyncadd.s32 $0xFFFFE000  }
0x16: {  	[tilespmem:s25], [sflag:$0x2] =	stream.linear.gather [hbm4b:s8+s3], $0x1000, $0x38;
	[tilespmem:$0x1E080] =	vst v63  }
0x17: {  	_ =	swait.ge [sflag:s24], $0x1000  }
0x18: {  	[sflag:s24] =	ssyncset.done $0x0  }
0x19: {  	s10 =	rddreg [dreg:$0x5];
	[sflag:s24] =	ssyncadd.s32 $0xFFFFF000  }
0x1a: {  	[tilespmem:s3], [sflag:$0x2] =	stream.linear.gather [hbm4b:s10+s3], $0x2710, $0x38;
	[tilespmem:$0x1E080] =	vst v63  }
0x1b: {  	_ =	swait.ge [sflag:s24], $0x2710  }
0x1c: {  	[sflag:s24] =	ssyncset.done $0x0  }
0x1d: {  	s6 =	simm.s32 $0x2800;
	s26 =	rddreg [dreg:$0x6];
	[sflag:s24] =	ssyncadd.s32 $0xFFFFD8F0  }
0x1e: {  	[tilespmem:s6], [sflag:$0x2] =	stream.linear.gather [hbm4b:s26+s3], $0x2710, $0x38;
	[tilespmem:$0x1E080] =	vst v63  }
0x1f: {  	_ =	swait.ge [sflag:s24], $0x2710  }
0x20: {  	[sflag:s24] =	ssyncset.done $0x0  }
0x21: {  	s4 =	simm.s32 $0x0;
	[sflag:s24] =	ssyncadd.s32 $0xFFFFD8F0  }
0x22: {  	s8 =	simm.s32 $0x50;
	s10 =	simm.s32 $0x0;
	s6 =	sand.u32 $0x3FF0, s3;
	v1 =	vld [tilespmem:s3+$0x0]  }
.LBB2_2:
0x23: {  	p0 =	sne.s32 s8, $0x26C0  }
0x24: {  	v2 =	vld [tilespmem:s6+$0x2800];
	s10 =	sadd.s32 $0x50, s10;
	s26 =	smov.u32 s8;
	s8 =	sadd.s32 $0x50, s8  }
0x25: {  	_ =	sdelay $0x2  }
0x26: {  	v3 =	vshll.u32 v1, $0xB  }
0x27: {  	v4 =	vshll.u32 v2, $0xB;
	vm0 =	vlt.s32 v2, $0x800;
	v2 =	vadd.s32 v2, v3  }
0x28: {  	vm1 =	vlt.s32 v1, $0x800;
	v1 =	vadd.s32 v1, v4;
	v2 =	vnsel vm0, $0x40000000, v2  }
0x29: {  	v1 =	vnsel vm1, $0x40000000, v1  }
0x2a: {  	[tilespmem:s4+$0x0] =	vst v1  }
0x2b: {  	[tilespmem:s6+$0x2800] =	vst v2  }
0x2c: {  	s6 =	sand.u32 $0x3FF0, s26;
	v1 =	vld [tilespmem:s4+$0x40]  }
0x2d: {  	v2 =	vld [tilespmem:s4+$0x2840]  }
0x2e: {  	v3 =	vld [tilespmem:s4+$0x30]  }
0x2f: {  	v4 =	vld [tilespmem:s4+$0x20]  }
0x30: {  	v5 =	vld [tilespmem:s4+$0x10]  }
0x31: {  	v6 =	vld [tilespmem:s4+$0x2820];
	v7 =	vshll.u32 v1, $0xB  }
0x32: {  	v8 =	vld [tilespmem:s4+$0x2830];
	v9 =	vshll.u32 v2, $0xB;
	vm0 =	vlt.s32 v2, $0x800;
	v2 =	vadd.s32 v2, v7  }
0x33: {  	vm1 =	vlt.s32 v1, $0x800;
	v7 =	vld [tilespmem:s4+$0x2810];
	v1 =	vadd.s32 v1, v9;
	v2 =	vnsel vm0, $0x40000000, v2  }
0x34: {  	v9 =	vshll.u32 v3, $0xB;
	v1 =	vnsel vm1, $0x40000000, v1;
	[tilespmem:s4+$0x2840] =	vst v2  }
0x35: {  	vm0 =	vlt.s32 v3, $0x800;
	v10 =	vshll.u32 v4, $0xB;
	v2 =	vshll.u32 v5, $0xB;
	[tilespmem:s4+$0x40] =	vst v1  }
0x36: {  	v1 =	vshll.u32 v6, $0xB;
	vm1 =	vlt.s32 v6, $0x800;
	v6 =	vadd.s32 v6, v10  }
0x37: {  	vm2 =	vlt.s32 v4, $0x800;
	v6 =	vnsel vm1, $0x40000000, v6;
	v10 =	vshll.u32 v8, $0xB  }
0x38: {  	vm1 =	vlt.s32 v5, $0x800;
	v11 =	vshll.u32 v7, $0xB;
	[tilespmem:s4+$0x2820] =	vst v6;
	v3 =	vadd.s32 v3, v10  }
0x39: {  	v1 =	vadd.s32 v4, v1;
	v5 =	vadd.s32 v5, v11;
	v3 =	vnsel vm0, $0x40000000, v3  }
.Ltmp0:
0x3a: {  	vm0 =	vlt.s32 v8, $0x800;
	v4 =	vnsel vm1, $0x40000000, v5;
	[tilespmem:s4+$0x30] =	vst v3;
	v3 =	vadd.s32 v8, v9;
	(pc) =	sbr.rel @p0 .LBB2_2-.Ltmp0, $4  }
0x3b: {  	v1 =	vnsel vm2, $0x40000000, v1;
	vm1 =	vlt.s32 v7, $0x800;
	[tilespmem:s4+$0x10] =	vst v4;
	v3 =	vnsel vm0, $0x40000000, v3  }
0x3c: {  	v2 =	vadd.s32 v7, v2;
	[tilespmem:s4+$0x20] =	vst v1  }
0x3d: {  	v2 =	vnsel vm1, $0x40000000, v2;
	[tilespmem:s4+$0x2830] =	vst v3  }
0x3e: {  	v1 =	vld [tilespmem:s10+$0x0];
	[tilespmem:s4+$0x2810] =	vst v2;
	s4 =	smov.u32 s10  }
0x3f: {  	v2 =	vld [tilespmem:s6+$0x2800];
	_ =	sdelay $0x4  }
0x40: {  	v3 =	vshll.u32 v2, $0xB  }
0x41: {  	v4 =	vshll.u32 v1, $0xB;
	vm0 =	vlt.s32 v1, $0x800;
	v1 =	vadd.s32 v1, v3  }
0x42: {  	vm1 =	vlt.s32 v2, $0x800;
	v2 =	vadd.s32 v2, v4;
	v1 =	vnsel vm0, $0x40000000, v1  }
0x43: {  	v2 =	vnsel vm1, $0x40000000, v2;
	[tilespmem:s4+$0x0] =	vst v1  }
0x44: {  	[tilespmem:s6+$0x2800] =	vst v2  }
0x45: {  	v1 =	vld [tilespmem:s4+$0x40]  }
0x46: {  	v2 =	vld [tilespmem:s4+$0x2840]  }
0x47: {  	v3 =	vld [tilespmem:s4+$0x30]  }
0x48: {  	v60 =	vld [tilespmem:s4+$0x20]  }
0x49: {  	v5 =	vld [tilespmem:s4+$0x10]  }
0x4a: {  	v6 =	vld [tilespmem:s4+$0x2820];
	_ =	sdelay $0x1  }
0x4b: {  	v8 =	vld [tilespmem:s4+$0x2830];
	v7 =	vshll.u32 v1, $0xB  }
0x4c: {  	v61 =	vld [tilespmem:s4+$0x2810];
	v9 =	vshll.u32 v2, $0xB;
	vm8 =	vlt.s32 v2, $0x800;
	vm9 =	vlt.s32 v1, $0x800  }
0x4d: {  	v62 =	vshll.u32 v3, $0xB;
	v10 =	vshll.u32 v5, $0xB;
	v11 =	vshll.u32 v60, $0xB  }
0x4e: {  	vm10 =	vlt.s32 v3, $0x800;
	v12 =	vshll.u32 v6, $0xB;
	v2 =	vadd.s32 v2, v7  }
0x4f: {  	vm11 =	vlt.s32 v6, $0x800;
	v1 =	vadd.s32 v1, v9;
	v2 =	vnsel vm8, $0x40000000, v2  }
0x50: {  	v63 =	vshll.u32 v8, $0xB;
	v1 =	vnsel vm9, $0x40000000, v1;
	[tilespmem:s4+$0x2840] =	vst v2;
	v2 =	vadd.s32 v6, v11  }
0x51: {  	v3 =	vadd.s32 v3, v63;
	[tilespmem:s4+$0x40] =	vst v1;
	v1 =	vnsel vm11, $0x40000000, v2;
	v2 =	vshll.u32 v61, $0xB  }
0x52: {  	vm12 =	vlt.s32 v5, $0x800;
	[tilespmem:s4+$0x2820] =	vst v1;
	v1 =	vadd.s32 v5, v2;
	v2 =	vnsel vm10, $0x40000000, v3  }
0x53: {  	vm13 =	vlt.s32 v60, $0x800;
	v3 =	vadd.s32 v60, v12;
	v1 =	vnsel vm12, $0x40000000, v1;
	[tilespmem:s4+$0x30] =	vst v2  }
0x54: {  	vm14 =	vlt.s32 v8, $0x800;
	v2 =	vadd.s32 v8, v62;
	[tilespmem:s4+$0x10] =	vst v1;
	v1 =	vnsel vm13, $0x40000000, v3  }
0x55: {  	vm15 =	vlt.s32 v61, $0x800;
	v2 =	vnsel vm14, $0x40000000, v2;
	v3 =	vadd.s32 v61, v10;
	[tilespmem:s4+$0x20] =	vst v1  }
0x56: {  	v1 =	vnsel vm15, $0x40000000, v3;
	[tilespmem:s4+$0x2830] =	vst v2  }
0x57: {  	[tilespmem:s4+$0x2810] =	vst v1  }
0x58: {  	[tilespmem:$0x2710] =	vst v0  }
0x59: {  	[tilespmem:$0x4F10] =	vst v0  }
0x5a: {  	[tilespmem:$0x2720] =	vst v0  }
0x5b: {  	[tilespmem:$0x4F20] =	vst v0  }
0x5c: {  	[tilespmem:$0x2730] =	vst v0  }
0x5d: {  	[tilespmem:$0x4F30] =	vst v0  }
0x5e: {  	[tilespmem:$0x2740] =	vst v0  }
0x5f: {  	[tilespmem:$0x4F40] =	vst v0  }
0x60: {  	[tilespmem:$0x2750] =	vst v0  }
0x61: {  	[tilespmem:$0x4F50] =	vst v0  }
0x62: {  	[tilespmem:$0x2760] =	vst v0  }
0x63: {  	[tilespmem:$0x4F60] =	vst v0  }
0x64: {  	[tilespmem:$0x2770] =	vst v0  }
0x65: {  	[tilespmem:$0x4F70] =	vst v0  }
0x66: {  	[tilespmem:$0x2780] =	vst v0  }
0x67: {  	[tilespmem:$0x4F80] =	vst v0  }
0x68: {  	[tilespmem:$0x2790] =	vst v0  }
0x69: {  	[tilespmem:$0x4F90] =	vst v0  }
0x6a: {  	[tilespmem:$0x27A0] =	vst v0  }
0x6b: {  	[tilespmem:$0x4FA0] =	vst v0  }
0x6c: {  	[tilespmem:$0x27B0] =	vst v0  }
0x6d: {  	[tilespmem:$0x4FB0] =	vst v0  }
0x6e: {  	[tilespmem:$0x27C0] =	vst v0  }
0x6f: {  	[tilespmem:$0x4FC0] =	vst v0  }
0x70: {  	[tilespmem:$0x27D0] =	vst v0  }
0x71: {  	[tilespmem:$0x4FD0] =	vst v0  }
0x72: {  	[tilespmem:$0x27E0] =	vst v0  }
0x73: {  	[tilespmem:$0x4FE0] =	vst v0  }
0x74: {  	[tilespmem:$0x27F0] =	vst v0  }
0x75: {  	s26 =	simm.s32 $0x0;
	[tilespmem:$0x4FF0] =	vst v0  }
.LBB2_4:
0x76: {  	[spmem:s9] =	stream.linear.scatter [tilespmem:s23], [sflag:$0x2], $0x2000, $0x38;
	[tilespmem:$0x1E080] =	vst v63  }
0x77: {  	_ =	swait.ge [sflag:s24], $0x2000  }
0x78: {  	[sflag:s24] =	ssyncset.done $0x0  }
0x79: {  	[sflag:s24] =	ssyncadd.s32 $0xFFFFE000  }
0x7a: {  	[spmem:s12] =	stream.linear.scatter [tilespmem:s23], [sflag:$0x2], $0x2000, $0x38;
	[tilespmem:$0x1E080] =	vst v63  }
0x7b: {  	_ =	swait.ge [sflag:s24], $0x2000  }
0x7c: {  	[sflag:s24] =	ssyncset.done $0x0  }
0x7d: {  	[sflag:s24] =	ssyncadd.s32 $0xFFFFE000  }
0x7e: {  	[spmem:s13] =	stream.linear.scatter [tilespmem:s23], [sflag:$0x2], $0x2000, $0x38;
	[tilespmem:$0x1E080] =	vst v63  }
0x7f: {  	_ =	swait.ge [sflag:s24], $0x2000  }
0x80: {  	[sflag:s24] =	ssyncset.done $0x0  }
0x81: {  	[sflag:s24] =	ssyncadd.s32 $0xFFFFE000  }
0x82: {  	[spmem:s14] =	stream.linear.scatter [tilespmem:s23], [sflag:$0x2], $0x2000, $0x38;
	[tilespmem:$0x1E080] =	vst v63  }
0x83: {  	_ =	swait.ge [sflag:s24], $0x2000  }
0x84: {  	[sflag:s24] =	ssyncset.done $0x0  }
0x85: {  	[sflag:s24] =	ssyncadd.s32 $0xFFFFE000  }
0x86: {  	[spmem:s15] =	stream.linear.scatter [tilespmem:s23], [sflag:$0x2], $0x2000, $0x38;
	[tilespmem:$0x1E080] =	vst v63  }
0x87: {  	_ =	swait.ge [sflag:s24], $0x2000  }
0x88: {  	[sflag:s24] =	ssyncset.done $0x0  }
0x89: {  	[sflag:s24] =	ssyncadd.s32 $0xFFFFE000  }
0x8a: {  	[spmem:s16] =	stream.linear.scatter [tilespmem:s23], [sflag:$0x2], $0x2000, $0x38;
	[tilespmem:$0x1E080] =	vst v63  }
0x8b: {  	_ =	swait.ge [sflag:s24], $0x2000  }
0x8c: {  	[sflag:s24] =	ssyncset.done $0x0  }
0x8d: {  	[sflag:s24] =	ssyncadd.s32 $0xFFFFE000  }
0x8e: {  	[spmem:s17] =	stream.linear.scatter [tilespmem:s23], [sflag:$0x2], $0x2000, $0x38;
	[tilespmem:$0x1E080] =	vst v63  }
0x8f: {  	_ =	swait.ge [sflag:s24], $0x2000  }
0x90: {  	[sflag:s24] =	ssyncset.done $0x0  }
0x91: {  	[sflag:s24] =	ssyncadd.s32 $0xFFFFE000  }
0x92: {  	[spmem:s18] =	stream.linear.scatter [tilespmem:s23], [sflag:$0x2], $0x2000, $0x38;
	[tilespmem:$0x1E080] =	vst v63  }
0x93: {  	_ =	swait.ge [sflag:s24], $0x2000  }
0x94: {  	[sflag:s24] =	ssyncset.done $0x0  }
0x95: {  	[sflag:s24] =	ssyncadd.s32 $0xFFFFE000  }
0x96: {  	[spmem:s19] =	stream.linear.scatter [tilespmem:s23], [sflag:$0x2], $0x2000, $0x38;
	[tilespmem:$0x1E080] =	vst v63  }
0x97: {  	_ =	swait.ge [sflag:s24], $0x2000  }
0x98: {  	[sflag:s24] =	ssyncset.done $0x0  }
0x99: {  	[sflag:s24] =	ssyncadd.s32 $0xFFFFE000  }
0x9a: {  	[spmem:s20] =	stream.linear.scatter [tilespmem:s23], [sflag:$0x2], $0x2000, $0x38;
	[tilespmem:$0x1E080] =	vst v63  }
0x9b: {  	_ =	swait.ge [sflag:s24], $0x2000  }
0x9c: {  	[sflag:s24] =	ssyncset.done $0x0  }
0x9d: {  	[sflag:s24] =	ssyncadd.s32 $0xFFFFE000  }
0x9e: {  	[spmem:s21] =	stream.linear.scatter [tilespmem:s23], [sflag:$0x2], $0x80, $0x38;
	[tilespmem:$0x1E080] =	vst v63  }
0x9f: {  	_ =	swait.ge [sflag:s24], $0x80  }
0xa0: {  	[sflag:s24] =	ssyncset.done $0x0  }
0xa1: {  	[sflag:s24] =	ssyncadd.s32 $0xFFFFFF80  }
0xa2: {  	s6 =	simm.s32 $0x0;
	[bflag:$0x0] =	sbarrier.arrive $0xFFFF  }
0xa3: {  	v2 =	vld [tilespmem:s6+$0x70]  }
0xa4: {  	v3 =	vld [tilespmem:s6+$0x0]  }
0xa5: {  	v5 =	vld [tilespmem:s6+$0x10]  }
0xa6: {  	s4 =	sadd.s32 s11, s26;
	v6 =	vld [tilespmem:s6+$0x20]  }
0xa7: {  	s4 =	smul.u32 $0x140000, s4;
	v8 =	vld [tilespmem:s6+$0x40]  }
0xa8: {  	v11 =	vld [tilespmem:s6+$0x50]  }
0xa9: {  	v1 =	vmov s4;
	v7 =	vld [tilespmem:s6+$0x30]  }
0xaa: {  	v9 =	vsub.s32 v2, v1;
	v4 =	vand.u32 $0x7FF, v2  }
0xab: {  	v2 =	vsub.s32 v3, v1;
	v12 =	vand.u32 $0x7FF, v3;
	v14 =	vand.u32 $0x7FF, v5  }
0xac: {  	v15 =	vld [tilespmem:s6+$0x60];
	v3 =	vsub.s32 v6, v1;
	v17 =	vand.u32 $0x7FF, v6;
	v6 =	vsub.s32 v8, v1  }
0xad: {  	v13 =	vand.u32 $0x7FF, v11;
	vm0 =	vlt.u32 v9, $0x140000;
	v10 =	vor.u32 $0x140000, v4  }
0xae: {  	v4 =	vsub.s32 v5, v1;
	v5 =	vsub.s32 v7, v1;
	v14 =	vor.u32 $0x140000, v14  }
0xaf: {  	vm2 =	vlt.u32 v3, $0x140000;
	v16 =	vsel vm0, v9, v10;
	vm0 =	vlt.u32 v2, $0x140000  }
0xb0: {  	v10 =	vand.u32 $0x7FF, v7;
	v9 =	vor.u32 $0x140000, v12;
	v12 =	vand.u32 $0x7FF, v8  }
0xb1: {  	vm1 =	vlt.u32 v4, $0x140000;
	v7 =	vsub.s32 v11, v1;
	v8 =	vsub.s32 v15, v1  }
0xb2: {  	s8 =	simm.s32 $0x80;
	s10 =	simm.s32 $0x400;
	v11 =	vand.u32 $0x7FF, v15;
	v15 =	vor.u32 $0x140000, v17;
	vm3 =	vlt.u32 v5, $0x140000;
	[tilespmem:s6+$0x5070] =	vst v16  }
.LBB2_5:
0xb3: {  	p0 =	sne.s32 s10, $0x3E00;
	v16 =	vld [tilespmem:s8+$0x70];
	v10 =	vor.u32 $0x140000, v10;
	vm4 =	vlt.u32 v6, $0x140000;
	v12 =	vor.u32 $0x140000, v12  }
0xb4: {  	vm5 =	vlt.u32 v7, $0x140000;
	v13 =	vor.u32 $0x140000, v13;
	vm6 =	vlt.u32 v8, $0x140000;
	v17 =	vld [tilespmem:s8+$0x0]  }
0xb5: {  	v2 =	vsel vm0, v2, v9;
	v4 =	vsel vm1, v4, v14;
	v9 =	vor.u32 $0x140000, v11;
	v18 =	vld [tilespmem:s8+$0x10]  }
0xb6: {  	v11 =	vld [tilespmem:s8+$0x20];
	[tilespmem:s6+$0x5000] =	vst v2;
	v2 =	vsel vm2, v3, v15;
	v3 =	vsel vm3, v5, v10;
	v5 =	vsel vm4, v6, v12  }
0xb7: {  	v7 =	vsel vm5, v7, v13;
	v8 =	vsel vm6, v8, v9;
	v6 =	vld [tilespmem:s8+$0x30];
	[tilespmem:s6+$0x5010] =	vst v4  }
0xb8: {  	v12 =	vld [tilespmem:s8+$0x40];
	v9 =	vsub.s32 v16, v1;
	v4 =	vand.u32 $0x7FF, v16;
	[tilespmem:s6+$0x5020] =	vst v2  }
0xb9: {  	v2 =	vsub.s32 v17, v1;
	v13 =	vld [tilespmem:s8+$0x50];
	vm0 =	vlt.u32 v9, $0x140000;
	v10 =	vor.u32 $0x140000, v4;
	[tilespmem:s6+$0x5030] =	vst v3  }
0xba: {  	v14 =	vand.u32 $0x7FF, v17;
	v4 =	vsub.s32 v18, v1;
	v15 =	vld [tilespmem:s8+$0x60];
	v9 =	vsel vm0, v9, v10;
	[tilespmem:s6+$0x5040] =	vst v5  }
0xbb: {  	v16 =	vand.u32 $0x7FF, v18;
	v3 =	vsub.s32 v11, v1;
	v17 =	vand.u32 $0x7FF, v11;
	[tilespmem:s8+$0x5070] =	vst v9  }
.Ltmp1:
0xbc: {  	vm0 =	vlt.u32 v2, $0x140000;
	v5 =	vsub.s32 v6, v1;
	v10 =	vand.u32 $0x7FF, v6;
	[tilespmem:s6+$0x5050] =	vst v7;
	(pc) =	sbr.rel @p0 .LBB2_5-.Ltmp1, $4  }
0xbd: {  	v9 =	vor.u32 $0x140000, v14;
	v6 =	vsub.s32 v12, v1;
	v12 =	vand.u32 $0x7FF, v12;
	[tilespmem:s6+$0x5060] =	vst v8;
	s6 =	smov.u32 s8  }
0xbe: {  	vm1 =	vlt.u32 v4, $0x140000;
	v7 =	vsub.s32 v13, v1;
	v13 =	vand.u32 $0x7FF, v13  }
0xbf: {  	v14 =	vor.u32 $0x140000, v16;
	v8 =	vsub.s32 v15, v1;
	v11 =	vand.u32 $0x7FF, v15  }
0xc0: {  	vm2 =	vlt.u32 v3, $0x140000;
	s8 =	sshra.s32 s10, $0x2;
	s10 =	sadd.s32 $0x200, s10;
	vm3 =	vlt.u32 v5, $0x140000;
	v15 =	vor.u32 $0x140000, v17  }
0xc1: {  	v16 =	vld [tilespmem:s8+$0x70]  }
0xc2: {  	v17 =	vld [tilespmem:s8+$0x0];
	v2 =	vsel vm0, v2, v9;
	v10 =	vor.u32 $0x140000, v10  }
0xc3: {  	v18 =	vld [tilespmem:s8+$0x10];
	vm14 =	vlt.u32 v6, $0x140000;
	v4 =	vsel vm1, v4, v14;
	vm15 =	vlt.u32 v7, $0x140000  }
0xc4: {  	v45 =	vld [tilespmem:s8+$0x20];
	v13 =	vor.u32 $0x140000, v13;
	vm4 =	vlt.u32 v8, $0x140000;
	v47 =	vor.u32 $0x140000, v11  }
0xc5: {  	v3 =	vsel vm2, v3, v15;
	[tilespmem:s6+$0x5000] =	vst v2;
	v2 =	vor.u32 $0x140000, v12;
	v5 =	vsel vm3, v5, v10  }
0xc6: {  	v49 =	vsel vm15, v7, v13;
	v46 =	vld [tilespmem:s8+$0x30];
	[tilespmem:s6+$0x5010] =	vst v4;
	v2 =	vsel vm14, v6, v2;
	v4 =	vsel vm4, v8, v47  }
0xc7: {  	v48 =	vld [tilespmem:s8+$0x40];
	[tilespmem:s6+$0x5020] =	vst v3;
	v3 =	vsub.s32 v16, v1;
	v50 =	vand.u32 $0x7FF, v16;
	v51 =	vsub.s32 v17, v1  }
0xc8: {  	v53 =	vand.u32 $0x7FF, v17;
	v54 =	vsub.s32 v18, v1;
	v56 =	vand.u32 $0x7FF, v18  }
0xc9: {  	v57 =	vsub.s32 v45, v1;
	v9 =	vand.u32 $0x7FF, v45;
	vm8 =	vlt.u32 v3, $0x140000  }
0xca: {  	v52 =	vld [tilespmem:s8+$0x50];
	[tilespmem:s6+$0x5030] =	vst v5;
	v7 =	vor.u32 $0x140000, v50;
	vm9 =	vlt.u32 v51, $0x140000;
	v5 =	vor.u32 $0x140000, v53  }
0xcb: {  	v55 =	vld [tilespmem:s8+$0x60];
	[tilespmem:s6+$0x5040] =	vst v2;
	vm10 =	vlt.u32 v54, $0x140000;
	vm11 =	vlt.u32 v57, $0x140000;
	v3 =	vsel vm8, v3, v7  }
0xcc: {  	v60 =	vor.u32 $0x140000, v9;
	v2 =	vsub.s32 v46, v1;
	v12 =	vand.u32 $0x7FF, v46;
	[tilespmem:s8+$0x5070] =	vst v3  }
0xcd: {  	v7 =	vor.u32 $0x140000, v56;
	v5 =	vsel vm9, v51, v5;
	v8 =	vsel vm11, v57, v60;
	[tilespmem:s6+$0x5050] =	vst v49  }
0xce: {  	v3 =	vsub.s32 v48, v1;
	v10 =	vand.u32 $0x7FF, v48;
	v7 =	vsel vm10, v54, v7;
	[tilespmem:s6+$0x5060] =	vst v4  }
0xcf: {  	vm12 =	vlt.u32 v2, $0x140000;
	v61 =	vor.u32 $0x140000, v12;
	v58 =	vsub.s32 v52, v1;
	[tilespmem:s8+$0x5000] =	vst v5  }
0xd0: {  	v11 =	vand.u32 $0x7FF, v52;
	vm13 =	vlt.u32 v3, $0x140000;
	v62 =	vor.u32 $0x140000, v10;
	[tilespmem:s8+$0x5010] =	vst v7  }
0xd1: {  	v2 =	vsel vm12, v2, v61;
	v59 =	vsub.s32 v55, v1;
	v14 =	vand.u32 $0x7FF, v55;
	[tilespmem:s8+$0x5020] =	vst v8  }
0xd2: {  	vm14 =	vlt.u32 v58, $0x140000;
	v63 =	vor.u32 $0x140000, v11;
	v3 =	vsel vm13, v3, v62;
	[tilespmem:s8+$0x5030] =	vst v2  }
0xd3: {  	vm15 =	vlt.u32 v59, $0x140000;
	v2 =	vor.u32 $0x140000, v14;
	v5 =	vsel vm14, v58, v63;
	[tilespmem:s8+$0x5040] =	vst v3  }
0xd4: {  	v2 =	vsel vm15, v59, v2;
	[tilespmem:s8+$0x5050] =	vst v5  }
0xd5: {  	p1 =	por $0x1, $0x1;
	s6 =	simm.s32 $0x0;
	[tilespmem:s8+$0x5060] =	vst v2  }
.LBB2_7:
0xd6: {  	s6 =	sshra.s32 s6, $0x2  }
0xd7: {  	s8 =	sadd.s32 $0x1070, s6  }
0xd8: {  	v2 =	vmov s8;
	_ =	sdelay $0x2  }
0xd9: {  	[spmem:s2] =	stream.indirect.scatter [tilespmem:s25], [sflag:$0x1], $0x1, s29, s28, $0xb8;
	[tilespmem:$0x1E080] =	vst v63  }
0xda: {  	p0 =	por p1, p1;
	s10 =	simm.s32 $0x200;
	s8 =	simm.s32 $0x0  }
.LBB2_8:
0xdb: {  	p1 =	sne.s32 s10, $0x3E00;
	v3 =	vld.idx.msk [tilespmem:v2+s8+$0xFFFFFF90 ss:$0x1], $0xffff;
	_ =	sdelay $0x5  }
0xdc: {  	v4 =	vsub.s32 v3, v1;
	v3 =	vand.u32 $0x7FF, v3  }
0xdd: {  	vm0 =	vlt.u32 v4, $0x140000;
	v3 =	vor.u32 $0x140000, v3  }
0xde: {  	v3 =	vsel vm0, v4, v3  }
0xdf: {  	[tilespmem:s8+$0x6000] =	vst v3  }
0xe0: {  	v3 =	vld.idx.msk [tilespmem:v2+s8+$0xFFFFFFA0 ss:$0x1], $0xffff;
	_ =	sdelay $0x5  }
0xe1: {  	v4 =	vsub.s32 v3, v1;
	v3 =	vand.u32 $0x7FF, v3  }
0xe2: {  	vm0 =	vlt.u32 v4, $0x140000;
	v3 =	vor.u32 $0x140000, v3  }
0xe3: {  	v3 =	vsel vm0, v4, v3  }
0xe4: {  	[tilespmem:s8+$0x6010] =	vst v3  }
0xe5: {  	v3 =	vld.idx.msk [tilespmem:v2+s8+$0xFFFFFFB0 ss:$0x1], $0xffff;
	_ =	sdelay $0x5  }
0xe6: {  	v4 =	vsub.s32 v3, v1;
	v3 =	vand.u32 $0x7FF, v3  }
0xe7: {  	vm0 =	vlt.u32 v4, $0x140000;
	v3 =	vor.u32 $0x140000, v3  }
0xe8: {  	v3 =	vsel vm0, v4, v3  }
0xe9: {  	[tilespmem:s8+$0x6020] =	vst v3  }
0xea: {  	v3 =	vld.idx.msk [tilespmem:v2+s8+$0xFFFFFFC0 ss:$0x1], $0xffff;
	_ =	sdelay $0x5  }
0xeb: {  	v4 =	vsub.s32 v3, v1;
	v3 =	vand.u32 $0x7FF, v3  }
0xec: {  	vm0 =	vlt.u32 v4, $0x140000;
	v3 =	vor.u32 $0x140000, v3  }
0xed: {  	v3 =	vsel vm0, v4, v3  }
0xee: {  	[tilespmem:s8+$0x6030] =	vst v3  }
0xef: {  	v3 =	vld.idx.msk [tilespmem:v2+s8+$0xFFFFFFD0 ss:$0x1], $0xffff;
	_ =	sdelay $0x5  }
0xf0: {  	v4 =	vsub.s32 v3, v1;
	v3 =	vand.u32 $0x7FF, v3  }
0xf1: {  	vm0 =	vlt.u32 v4, $0x140000;
	v3 =	vor.u32 $0x140000, v3  }
0xf2: {  	v3 =	vsel vm0, v4, v3  }
0xf3: {  	[tilespmem:s8+$0x6040] =	vst v3  }
0xf4: {  	v3 =	vld.idx.msk [tilespmem:v2+s8+$0xFFFFFFE0 ss:$0x1], $0xffff;
	_ =	sdelay $0x5  }
0xf5: {  	v4 =	vsub.s32 v3, v1;
	v3 =	vand.u32 $0x7FF, v3  }
0xf6: {  	vm0 =	vlt.u32 v4, $0x140000;
	v3 =	vor.u32 $0x140000, v3  }
0xf7: {  	v3 =	vsel vm0, v4, v3  }
0xf8: {  	[tilespmem:s8+$0x6050] =	vst v3  }
0xf9: {  	v3 =	vld.idx.msk [tilespmem:v2+s8+$0xFFFFFFF0 ss:$0x1], $0xffff;
	_ =	sdelay $0x5  }
0xfa: {  	v4 =	vsub.s32 v3, v1;
	v3 =	vand.u32 $0x7FF, v3  }
0xfb: {  	vm0 =	vlt.u32 v4, $0x140000;
	v3 =	vor.u32 $0x140000, v3  }
0xfc: {  	v3 =	vsel vm0, v4, v3  }
0xfd: {  	[tilespmem:s8+$0x6060] =	vst v3  }
0xfe: {  	v3 =	vld.idx.msk [tilespmem:v2+s8+$0x0 ss:$0x1], $0xffff;
	_ =	sdelay $0x4  }
.Ltmp2:
0xff: {  	(pc) =	sbr.rel @p1 .LBB2_8-.Ltmp2, $4  }
0x100: {  	v4 =	vsub.s32 v3, v1;
	v3 =	vand.u32 $0x7FF, v3  }
0x101: {  	vm0 =	vlt.u32 v4, $0x140000;
	v3 =	vor.u32 $0x140000, v3  }
0x102: {  	v3 =	vsel vm0, v4, v3  }
0x103: {  	[tilespmem:s8+$0x6070] =	vst v3;
	s8 =	sshra.s32 s10, $0x2;
	s10 =	sadd.s32 $0x200, s10  }
0x104: {  	_ =	sdelay $0x3  }
0x105: {  	v3 =	vld.idx.msk [tilespmem:v2+s8+$0xFFFFFF90 ss:$0x1], $0xffff;
	_ =	sdelay $0x4  }
0x106: {  	v4 =	vsub.s32 v3, v1;
	v3 =	vand.u32 $0x7FF, v3  }
0x107: {  	vm0 =	vlt.u32 v4, $0x140000;
	v3 =	vor.u32 $0x140000, v3  }
0x108: {  	v3 =	vsel vm0, v4, v3  }
0x109: {  	[tilespmem:s8+$0x6000] =	vst v3  }
0x10a: {  	v3 =	vld.idx.msk [tilespmem:v2+s8+$0xFFFFFFA0 ss:$0x1], $0xffff;
	_ =	sdelay $0x4  }
0x10b: {  	v58 =	vsub.s32 v3, v1;
	v3 =	vand.u32 $0x7FF, v3  }
0x10c: {  	vm9 =	vlt.u32 v58, $0x140000;
	v3 =	vor.u32 $0x140000, v3  }
0x10d: {  	v3 =	vsel vm9, v58, v3  }
0x10e: {  	[tilespmem:s8+$0x6010] =	vst v3  }
0x10f: {  	v3 =	vld.idx.msk [tilespmem:v2+s8+$0xFFFFFFB0 ss:$0x1], $0xffff;
	_ =	sdelay $0x4  }
0x110: {  	v59 =	vsub.s32 v3, v1;
	v3 =	vand.u32 $0x7FF, v3  }
0x111: {  	vm10 =	vlt.u32 v59, $0x140000;
	v3 =	vor.u32 $0x140000, v3  }
0x112: {  	v3 =	vsel vm10, v59, v3  }
0x113: {  	[tilespmem:s8+$0x6020] =	vst v3  }
0x114: {  	v3 =	vld.idx.msk [tilespmem:v2+s8+$0xFFFFFFC0 ss:$0x1], $0xffff;
	_ =	sdelay $0x4  }
0x115: {  	v60 =	vsub.s32 v3, v1;
	v3 =	vand.u32 $0x7FF, v3  }
0x116: {  	vm11 =	vlt.u32 v60, $0x140000;
	v3 =	vor.u32 $0x140000, v3  }
0x117: {  	v3 =	vsel vm11, v60, v3  }
0x118: {  	[tilespmem:s8+$0x6030] =	vst v3  }
0x119: {  	v3 =	vld.idx.msk [tilespmem:v2+s8+$0xFFFFFFD0 ss:$0x1], $0xffff;
	_ =	sdelay $0x4  }
0x11a: {  	v61 =	vsub.s32 v3, v1;
	v3 =	vand.u32 $0x7FF, v3  }
0x11b: {  	vm12 =	vlt.u32 v61, $0x140000;
	v3 =	vor.u32 $0x140000, v3  }
0x11c: {  	v3 =	vsel vm12, v61, v3  }
0x11d: {  	[tilespmem:s8+$0x6040] =	vst v3  }
0x11e: {  	v3 =	vld.idx.msk [tilespmem:v2+s8+$0xFFFFFFE0 ss:$0x1], $0xffff;
	_ =	sdelay $0x4  }
0x11f: {  	v62 =	vsub.s32 v3, v1;
	v3 =	vand.u32 $0x7FF, v3  }
0x120: {  	vm13 =	vlt.u32 v62, $0x140000;
	v3 =	vor.u32 $0x140000, v3  }
0x121: {  	v3 =	vsel vm13, v62, v3  }
0x122: {  	[tilespmem:s8+$0x6050] =	vst v3  }
0x123: {  	v3 =	vld.idx.msk [tilespmem:v2+s8+$0xFFFFFFF0 ss:$0x1], $0xffff;
	_ =	sdelay $0x4  }
0x124: {  	v63 =	vsub.s32 v3, v1;
	v3 =	vand.u32 $0x7FF, v3  }
0x125: {  	vm14 =	vlt.u32 v63, $0x140000;
	v3 =	vor.u32 $0x140000, v3  }
0x126: {  	v3 =	vsel vm14, v63, v3  }
0x127: {  	[tilespmem:s8+$0x6060] =	vst v3  }
0x128: {  	v2 =	vld.idx.msk [tilespmem:v2+s8+$0x0 ss:$0x1], $0xffff;
	_ =	sdelay $0x4  }
0x129: {  	v3 =	vsub.s32 v2, v1;
	v2 =	vand.u32 $0x7FF, v2  }
0x12a: {  	vm15 =	vlt.u32 v3, $0x140000;
	v2 =	vor.u32 $0x140000, v2  }
0x12b: {  	s6 =	sadd.s32 $0x2070, s6;
	v2 =	vsel vm15, v3, v2  }
0x12c: {  	[tilespmem:s8+$0x6070] =	vst v2;
	v2 =	vmov s6  }
0x12d: {  	_ =	swait.ge [sflag:s30], $0x1000  }
0x12e: {  	[sflag:s30] =	ssyncset.done $0x0  }
0x12f: {  	s6 =	simm.s32 $0x0;
	s8 =	simm.s32 $0x200;
	[sflag:s30] =	ssyncadd.s32 $0xFFFFF000  }
0x130: {  	[spmem:s2] =	stream.indirect.scatter [tilespmem:s25], [sflag:$0x1], $0x1, s31, s28, $0xb8;
	[tilespmem:$0x1E080] =	vst v63  }
.LBB2_10:
0x131: {  	p1 =	sne.s32 s8, $0x3E00;
	v3 =	vld.idx.msk [tilespmem:v2+s6+$0xFFFFFF90 ss:$0x1], $0xffff;
	_ =	sdelay $0x5  }
0x132: {  	v4 =	vsub.s32 v3, v1;
	v3 =	vand.u32 $0x7FF, v3  }
0x133: {  	vm0 =	vlt.u32 v4, $0x140000;
	v3 =	vor.u32 $0x140000, v3  }
0x134: {  	v3 =	vsel vm0, v4, v3  }
0x135: {  	[tilespmem:s6+$0x5000] =	vst v3  }
0x136: {  	v3 =	vld.idx.msk [tilespmem:v2+s6+$0xFFFFFFA0 ss:$0x1], $0xffff;
	_ =	sdelay $0x5  }
0x137: {  	v4 =	vsub.s32 v3, v1;
	v3 =	vand.u32 $0x7FF, v3  }
0x138: {  	vm0 =	vlt.u32 v4, $0x140000;
	v3 =	vor.u32 $0x140000, v3  }
0x139: {  	v3 =	vsel vm0, v4, v3  }
0x13a: {  	[tilespmem:s6+$0x5010] =	vst v3  }
0x13b: {  	v3 =	vld.idx.msk [tilespmem:v2+s6+$0xFFFFFFB0 ss:$0x1], $0xffff;
	_ =	sdelay $0x5  }
0x13c: {  	v4 =	vsub.s32 v3, v1;
	v3 =	vand.u32 $0x7FF, v3  }
0x13d: {  	vm0 =	vlt.u32 v4, $0x140000;
	v3 =	vor.u32 $0x140000, v3  }
0x13e: {  	v3 =	vsel vm0, v4, v3  }
0x13f: {  	[tilespmem:s6+$0x5020] =	vst v3  }
0x140: {  	v3 =	vld.idx.msk [tilespmem:v2+s6+$0xFFFFFFC0 ss:$0x1], $0xffff;
	_ =	sdelay $0x5  }
0x141: {  	v4 =	vsub.s32 v3, v1;
	v3 =	vand.u32 $0x7FF, v3  }
0x142: {  	vm0 =	vlt.u32 v4, $0x140000;
	v3 =	vor.u32 $0x140000, v3  }
0x143: {  	v3 =	vsel vm0, v4, v3  }
0x144: {  	[tilespmem:s6+$0x5030] =	vst v3  }
0x145: {  	v3 =	vld.idx.msk [tilespmem:v2+s6+$0xFFFFFFD0 ss:$0x1], $0xffff;
	_ =	sdelay $0x5  }
0x146: {  	v4 =	vsub.s32 v3, v1;
	v3 =	vand.u32 $0x7FF, v3  }
0x147: {  	vm0 =	vlt.u32 v4, $0x140000;
	v3 =	vor.u32 $0x140000, v3  }
0x148: {  	v3 =	vsel vm0, v4, v3  }
0x149: {  	[tilespmem:s6+$0x5040] =	vst v3  }
0x14a: {  	v3 =	vld.idx.msk [tilespmem:v2+s6+$0xFFFFFFE0 ss:$0x1], $0xffff;
	_ =	sdelay $0x5  }
0x14b: {  	v4 =	vsub.s32 v3, v1;
	v3 =	vand.u32 $0x7FF, v3  }
0x14c: {  	vm0 =	vlt.u32 v4, $0x140000;
	v3 =	vor.u32 $0x140000, v3  }
0x14d: {  	v3 =	vsel vm0, v4, v3  }
0x14e: {  	[tilespmem:s6+$0x5050] =	vst v3  }
0x14f: {  	v3 =	vld.idx.msk [tilespmem:v2+s6+$0xFFFFFFF0 ss:$0x1], $0xffff;
	_ =	sdelay $0x5  }
0x150: {  	v4 =	vsub.s32 v3, v1;
	v3 =	vand.u32 $0x7FF, v3  }
0x151: {  	vm0 =	vlt.u32 v4, $0x140000;
	v3 =	vor.u32 $0x140000, v3  }
0x152: {  	v3 =	vsel vm0, v4, v3  }
0x153: {  	[tilespmem:s6+$0x5060] =	vst v3  }
0x154: {  	v3 =	vld.idx.msk [tilespmem:v2+s6+$0x0 ss:$0x1], $0xffff;
	_ =	sdelay $0x4  }
.Ltmp3:
0x155: {  	(pc) =	sbr.rel @p1 .LBB2_10-.Ltmp3, $4  }
0x156: {  	v4 =	vsub.s32 v3, v1;
	v3 =	vand.u32 $0x7FF, v3  }
0x157: {  	vm0 =	vlt.u32 v4, $0x140000;
	v3 =	vor.u32 $0x140000, v3  }
0x158: {  	v3 =	vsel vm0, v4, v3  }
0x159: {  	[tilespmem:s6+$0x5070] =	vst v3;
	s6 =	sshra.s32 s8, $0x2;
	s8 =	sadd.s32 $0x200, s8  }
0x15a: {  	_ =	sdelay $0x3  }
0x15b: {  	v3 =	vld.idx.msk [tilespmem:v2+s6+$0xFFFFFF90 ss:$0x1], $0xffff;
	_ =	sdelay $0x4  }
0x15c: {  	v4 =	vsub.s32 v3, v1;
	v3 =	vand.u32 $0x7FF, v3  }
0x15d: {  	vm0 =	vlt.u32 v4, $0x140000;
	v3 =	vor.u32 $0x140000, v3  }
0x15e: {  	v3 =	vsel vm0, v4, v3  }
0x15f: {  	[tilespmem:s6+$0x5000] =	vst v3  }
0x160: {  	v3 =	vld.idx.msk [tilespmem:v2+s6+$0xFFFFFFA0 ss:$0x1], $0xffff;
	_ =	sdelay $0x4  }
0x161: {  	v58 =	vsub.s32 v3, v1;
	v3 =	vand.u32 $0x7FF, v3  }
0x162: {  	vm9 =	vlt.u32 v58, $0x140000;
	v3 =	vor.u32 $0x140000, v3  }
0x163: {  	v3 =	vsel vm9, v58, v3  }
0x164: {  	[tilespmem:s6+$0x5010] =	vst v3  }
0x165: {  	v3 =	vld.idx.msk [tilespmem:v2+s6+$0xFFFFFFB0 ss:$0x1], $0xffff;
	_ =	sdelay $0x4  }
0x166: {  	v59 =	vsub.s32 v3, v1;
	v3 =	vand.u32 $0x7FF, v3  }
0x167: {  	vm10 =	vlt.u32 v59, $0x140000;
	v3 =	vor.u32 $0x140000, v3  }
0x168: {  	v3 =	vsel vm10, v59, v3  }
0x169: {  	[tilespmem:s6+$0x5020] =	vst v3  }
0x16a: {  	v3 =	vld.idx.msk [tilespmem:v2+s6+$0xFFFFFFC0 ss:$0x1], $0xffff;
	_ =	sdelay $0x4  }
0x16b: {  	v60 =	vsub.s32 v3, v1;
	v3 =	vand.u32 $0x7FF, v3  }
0x16c: {  	vm11 =	vlt.u32 v60, $0x140000;
	v3 =	vor.u32 $0x140000, v3  }
0x16d: {  	v3 =	vsel vm11, v60, v3  }
0x16e: {  	[tilespmem:s6+$0x5030] =	vst v3  }
0x16f: {  	v3 =	vld.idx.msk [tilespmem:v2+s6+$0xFFFFFFD0 ss:$0x1], $0xffff;
	_ =	sdelay $0x4  }
0x170: {  	v61 =	vsub.s32 v3, v1;
	v3 =	vand.u32 $0x7FF, v3  }
0x171: {  	vm12 =	vlt.u32 v61, $0x140000;
	v3 =	vor.u32 $0x140000, v3  }
0x172: {  	v3 =	vsel vm12, v61, v3  }
0x173: {  	[tilespmem:s6+$0x5040] =	vst v3  }
0x174: {  	v3 =	vld.idx.msk [tilespmem:v2+s6+$0xFFFFFFE0 ss:$0x1], $0xffff;
	_ =	sdelay $0x4  }
0x175: {  	v62 =	vsub.s32 v3, v1;
	v3 =	vand.u32 $0x7FF, v3  }
0x176: {  	vm13 =	vlt.u32 v62, $0x140000;
	v3 =	vor.u32 $0x140000, v3  }
0x177: {  	v3 =	vsel vm13, v62, v3  }
0x178: {  	[tilespmem:s6+$0x5050] =	vst v3  }
0x179: {  	v3 =	vld.idx.msk [tilespmem:v2+s6+$0xFFFFFFF0 ss:$0x1], $0xffff;
	_ =	sdelay $0x4  }
0x17a: {  	v63 =	vsub.s32 v3, v1;
	v3 =	vand.u32 $0x7FF, v3  }
0x17b: {  	vm14 =	vlt.u32 v63, $0x140000;
	v3 =	vor.u32 $0x140000, v3  }
0x17c: {  	v3 =	vsel vm14, v63, v3  }
0x17d: {  	[tilespmem:s6+$0x5060] =	vst v3  }
0x17e: {  	v2 =	vld.idx.msk [tilespmem:v2+s6+$0x0 ss:$0x1], $0xffff;
	_ =	sdelay $0x4  }
0x17f: {  	v3 =	vsub.s32 v2, v1;
	v2 =	vand.u32 $0x7FF, v2  }
0x180: {  	vm15 =	vlt.u32 v3, $0x140000;
	v2 =	vor.u32 $0x140000, v2  }
.Ltmp4:
0x181: {  	v2 =	vsel vm15, v3, v2;
	(pc) =	sbr.rel @p0 .LBB2_7-.Ltmp4, $4  }
0x182: {  	[tilespmem:s6+$0x5070] =	vst v2  }
0x183: {  	_ =	swait.ge [sflag:s30], $0x1000  }
0x184: {  	[sflag:s30] =	ssyncset.done $0x0  }
0x185: {  	p1 =	por $0x0, $0x0;
	s6 =	simm.s32 $0x8000;
	[sflag:s30] =	ssyncadd.s32 $0xFFFFF000  }
0x186: {  	[spmem:s2] =	stream.indirect.scatter [tilespmem:s25], [sflag:$0x2], $0x1, s29, s28, $0xb8;
	[tilespmem:$0x1E080] =	vst v63  }
0x187: {  	s4 =	sadd.s32 s5, s4  }
0x188: {  	s6 =	sshll.u32 s1, $0x6;
	s8 =	sshrl.u32 s9, $0x3;
	_ =	swait.ge [sflag:s24], $0x1000  }
0x189: {  	s26 =	sadd.s32 $0x1, s26;
	s4 =	sshrl.u32 s4, $0x3;
	[sflag:s24] =	ssyncset.done $0x0  }
0x18a: {  	s6 =	sor.u32 $0x1C02, s6;
	p0 =	sne.s32 s26, $0x8;
	[sflag:s24] =	ssyncadd.s32 $0xFFFFF000  }
.Ltmp5:
0x18b: {  	s4 =	sadd.s32 s7, s4;
	[bflag:$0x0] =	sbarrier.arrive $0xFFFF;
	(pc) =	sbr.rel @p0 .LBB2_4-.Ltmp5, $4  }
0x18c: {  	[hbm:s4], [sflag:s6] =	dma.local [spmem:s8], $0x2800  }
0x18d: {  	_ =	swait.ge [sflag:s24], $0x2800  }
0x18e: {  	[sflag:s24] =	ssyncset.done $0x0  }
0x18f: {  	[sflag:s24] =	ssyncadd.s32 $0xFFFFD800  }
0x190: {  	s0 =	sadd.s32 $0x1, s0  }
0x191: {  	p0 =	sne.s32 s0, s22  }
.Ltmp6:
0x192: {  	_ = 	snop;
	(pc) =	sbr.rel @p0 .LBB2_1-.Ltmp6, $1  }
0x193: {  	_ =	sdelay $0x3  }
0x194: {  	_ =	sfence.sel $0x180000  }
0x195: {  	[bflag:$0x0] =	sbarrier.arrive $0xFFFF  }
0x196: {  	_ =	strace $0x90000050  }
0x197: {  	[bflag:$0x2] =	sbarrier.arrive $0xFFFF  }
0x198: {  	p0 =	sne.s32 s1, $0x0;
	s0 =	rddreg [dreg:$0x2]  }
0x199: {  	s0 =	sadd.s32 @!p0 $0x100000, s0  }
0x19a: {  	[sflag:s0] =	ssyncadd.tile.s32 @!p0 $0x1;
	_ =	shalt  }
.Lfunc_end2:
_tile_overlayer_lowered:
.L_overlay_start_2:
0x19b: {  	(tag) =	ssettag $0x2  }
0x19c: {  	s0 =	rddreg [dreg:$0x0];
	s2 =	stileid.u32  }
0x19d: {  	s1 =	rddreg [dreg:$0x1];
	p0 =	sne.s32 s2, $0x0  }
0x19e: {  	s3 =	rddreg [dreg:$0x2];
	[bflag:$0x3] =	sbarrier.arrive $0xFFFF;
	s2 =	simm.s32 @!p0 $0x1C02  }
0x19f: {  	[timem:s3], [sflag:s2] =	dma.local @!p0 [hbm:s0], s1  }
0x1a0: {  	s0 =	simm.s32 @!p0 $0x2  }
0x1a1: {  	_ =	swait.ge @!p0 [sflag:s0], s1  }
0x1a2: {  	s1 =	ssub.s32 @!p0 $0x0, s1;
	[sflag:s0] =	ssyncset.done @!p0 $0x0  }
0x1a3: {  	[sflag:s0] =	ssyncadd.s32 @!p0 s1  }
0x1a4: {  	[bflag:$0x3] =	sbarrier.arrive $0xFFFF  }
0x1a5: {  	_ =	shalt  }

// kernel: kernel.14.cloned.1.call-start
scs
__scs_entry_jumppad:
0x0: {  	(pc) =	sbr.rel $0x88, $3  }
0x1: {  	(tag) =	ssettag $0x0;
	lr =	simm.s32 $0x1  }
0x2: {  	[smem:$0x3F8C] =	sst lr;
	_ =	strace $0xD0000000  }
0x3: {  	_ = 	snop  }
0x4: {  	_ = 	snop  }
0x5: {  	_ = 	snop  }
0x6: {  	_ = 	snop  }
0x7: {  	_ = 	snop  }
__scs_overlays_trampoline_lowered:
0x8: {  	[smem:$0x3F9B] =	sst s0  }
0x9: {  	[smem:$0x3F9C] =	sst s1  }
0xa: {  	[smem:$0x3F9D] =	sst s2  }
0xb: {  	[smem:$0x3F9E] =	sst s3  }
0xc: {  	[smem:$0x3F9F] =	sst s4  }
0xd: {  	[smem:$0x3FA0] =	sst s5  }
0xe: {  	[smem:$0x3FA1] =	sst s6  }
0xf: {  	[smem:$0x3FA2] =	sst s7  }
0x10: {  	[smem:$0x3FA3] =	sst s8  }
0x11: {  	[smem:$0x3FA4] =	sst s9;
	s0 =	simm.s32 @!p0 $0x0  }
0x12: {  	s1 =	sld [smem:$0x3F8A];
	s0 =	simm.s32 @p0 $0x1  }
0x13: {  	[smem:$0x3FA5] =	sst s0;
	s0 =	simm.s32 @!p1 $0x0  }
0x14: {  	s2 =	sld [smem:$0x3F89];
	s0 =	simm.s32 @p1 $0x1  }
0x15: {  	[smem:$0x3FA6] =	sst s0;
	s0 =	simm.s32 @!p2 $0x0  }
0x16: {  	s3 =	sld [smem:$0x3FDB];
	s0 =	simm.s32 @p2 $0x1  }
0x17: {  	s4 =	simm.s32 $0x1BF5;
	[smem:$0x3FA8] =	sst s0  }
0x18: {  	s0 =	sld [smem:$0x3F8B];
	_ =	swait.ge [sflag:s4], $0x0  }
0x19: {  	s7 =	sld [smem:$0x3F8C]  }
0x1a: {  	s8 =	sadd.s32 $0xFFFFE003, lr  }
0x1b: {  	s9 =	sadd.s32 $0xFFFFFEF7, lr;
	s5 =	simm.s32 $0xFFFFFFFF;
	p2 =	slt.u32 s8, $0xFFFFF086  }
0x1c: {  	p1 =	slt.u32 s9, $0xF7A;
	s5 =	simm.s32 @!p2 $0x0  }
0x1d: {  	s5 =	simm.s32 @p1 $0x1;
	p0 =	seq.s32 s7, s2  }
0x1e: {  	s7 =	smul.u32 @!p0 $0xF7A, s2;
	p2 =	seq.s32 @!p0 s5, $0x0  }
0x1f: {  	s9 =	smul.u32 $0xF7A, s1;
	s8 =	simm.s32 @!p0 $0x1BF5;
	p2 =	por !p2, p0  }
0x20: {  	[sflag:s8] =	ssyncset.s32 @!p0 $0xFFFFF086;
	s6 =	sadd.s32 @!p0 s3, s7;
	s7 =	simm.s32 @!p0 $0x108  }
0x21: {  	s3 =	sadd.s32 s3, s9;
	s6 =	sadd.s32 @!p0 $0x88, s6;
	s7 =	simm.s32 @p2 $0x1082  }
0x22: {  	[simem:s7], [sflag:s8] =	dma.local @!p0 [hbm:s6], $0xF7A  }
0x23: {  	s9 =	sor.u32 $0xD0000000, s2;
	s6 =	simm.s32 $0x108;
	_ =	swait.ge @!p0 [sflag:s8], $0x0  }
0x24: {  	s3 =	sadd.s32 $0x88, s3;
	s6 =	simm.s32 @!p1 $0x1082;
	[sflag:s4] =	ssyncset.s32 $0xFFFFF086  }
0x25: {  	[simem:s6], [sflag:s4] =	dma.local [hbm:s3], $0xF7A  }
0x26: {  	[smem:$0x3F8C] =	sst s1;
	(tag) =	ssettag s2;
	_ =	strace s9  }
0x27: {  	s1 =	sld [smem:$0x3F9C]  }
0x28: {  	s2 =	sld [smem:$0x3F9D]  }
0x29: {  	s4 =	sld [smem:$0x3F9F]  }
0x2a: {  	p0 =	seq.s32 s5, $0x0;
	s5 =	sld [smem:$0x3FA0]  }
0x2b: {  	s6 =	sld [smem:$0x3FA1]  }
0x2c: {  	s7 =	sld [smem:$0x3FA2]  }
0x2d: {  	s3 =	simm.s32 $0x108;
	s8 =	sld [smem:$0x3FA3]  }
0x2e: {  	s3 =	simm.s32 @!p0 $0x1082;
	s9 =	sld [smem:$0x3FA4]  }
0x2f: {  	lr =	sadd.s32 s0, s3;
	s0 =	sld [smem:$0x3F9B]  }
0x30: {  	s3 =	sld [smem:$0x3F9E]  }
0x31: {  	[smem:$0x3FA7] =	sst s10  }
0x32: {  	s10 =	sld [smem:$0x3FA5];
	_ =	sdelay $0x3  }
0x33: {  	p0 =	seq.s32 s10, $0x1;
	s10 =	sld [smem:$0x3FA7];
	_ =	sdelay $0x3  }
0x34: {  	[smem:$0x3FA7] =	sst s10  }
0x35: {  	s10 =	sld [smem:$0x3FA6];
	_ =	sdelay $0x3  }
0x36: {  	p1 =	seq.s32 s10, $0x1;
	s10 =	sld [smem:$0x3FA7];
	_ =	sdelay $0x3  }
0x37: {  	[smem:$0x3FA7] =	sst s10  }
0x38: {  	s10 =	sld [smem:$0x3FA8]  }
0x39: {  	_ = 	snop;
	(pc) =	sbr.ind lr, $3  }
0x3a: {  	_ = 	snop  }
0x3b: {  	_ = 	snop  }
0x3c: {  	p2 =	seq.s32 s10, $0x1;
	s10 =	sld [smem:$0x3FA7]  }
0x3d: {  	_ =	shalt  }
0x3e: {  	_ =	shalt  }
0x3f: {  	_ =	shalt  }
0x40: {  	_ =	shalt  }
0x41: {  	_ =	shalt  }
0x42: {  	_ =	shalt  }
0x43: {  	_ =	shalt  }
0x44: {  	_ =	shalt  }
0x45: {  	_ =	shalt  }
0x46: {  	_ =	shalt  }
0x47: {  	_ =	shalt  }
0x48: {  	_ =	shalt  }
0x49: {  	_ =	shalt  }
0x4a: {  	_ =	shalt  }
0x4b: {  	_ =	shalt  }
0x4c: {  	_ =	shalt  }
0x4d: {  	_ =	shalt  }
0x4e: {  	_ =	shalt  }
0x4f: {  	_ =	shalt  }
0x50: {  	_ =	shalt  }
0x51: {  	_ =	shalt  }
0x52: {  	_ =	shalt  }
0x53: {  	_ =	shalt  }
0x54: {  	_ =	shalt  }
0x55: {  	_ =	shalt  }
0x56: {  	_ =	shalt  }
0x57: {  	_ =	shalt  }
0x58: {  	_ =	shalt  }
0x59: {  	_ =	shalt  }
0x5a: {  	_ =	shalt  }
0x5b: {  	_ =	shalt  }
0x5c: {  	_ =	shalt  }
0x5d: {  	_ =	shalt  }
0x5e: {  	_ =	shalt  }
0x5f: {  	_ =	shalt  }
0x60: {  	_ =	shalt  }
0x61: {  	_ =	shalt  }
0x62: {  	_ =	shalt  }
0x63: {  	_ =	shalt  }
0x64: {  	_ =	shalt  }
0x65: {  	_ =	shalt  }
0x66: {  	_ =	shalt  }
0x67: {  	_ =	shalt  }
0x68: {  	_ =	shalt  }
0x69: {  	_ =	shalt  }
0x6a: {  	_ =	shalt  }
0x6b: {  	_ =	shalt  }
0x6c: {  	_ =	shalt  }
0x6d: {  	_ =	shalt  }
0x6e: {  	_ =	shalt  }
0x6f: {  	_ =	shalt  }
0x70: {  	_ =	shalt  }
0x71: {  	_ =	shalt  }
0x72: {  	_ =	shalt  }
0x73: {  	_ =	shalt  }
0x74: {  	_ =	shalt  }
0x75: {  	_ =	shalt  }
0x76: {  	_ =	shalt  }
0x77: {  	_ =	shalt  }
0x78: {  	_ =	shalt  }
0x79: {  	_ =	shalt  }
0x7a: {  	_ =	shalt  }
0x7b: {  	_ =	shalt  }
0x7c: {  	_ =	shalt  }
0x7d: {  	_ =	shalt  }
0x7e: {  	_ =	shalt  }
0x7f: {  	_ =	shalt  }
0x80: {  	_ =	shalt  }
0x81: {  	_ =	shalt  }
0x82: {  	_ =	shalt  }
0x83: {  	_ =	shalt  }
0x84: {  	_ =	shalt  }
0x85: {  	_ =	shalt  }
0x86: {  	_ =	shalt  }
0x87: {  	_ =	shalt  }
.Lfunc_end0:
.L_simem_size_0:
called_computation.1_lowered:
.L_overlay_start_0:
0x88: {  	s2 =	sld [smem:$0x3FD9]  }
0x89: {  	s3 =	sld [smem:$0x3FFE];
	_ =	sdelay $0x1  }
0x8a: {  	s1 =	srdreg.scid  }
0x8b: {  	s0 =	sand.u32 $0x1, s1  }
0x8c: {  	s16 =	sshll.u32 s0, $0xA;
	s2 =	sadd.s32 s3, s2  }
0x8d: {  	s2 =	sadd.s32 s2, s16  }
0x8e: {  	[smem:$0x3FB3] =	sst s2  }
0x8f: {  	_ = 	snop  }
0x90: {  	(tm) =	ssettm $0x1  }
0x91: {  	s17 =	sld [smem:$0x3FFB];
	_ =	sdelay $0x3  }
0x92: {  	_ =	strace s17  }
0x93: {  	s2 =	sld [smem:$0x3FFC];
	_ =	sdelay $0x3  }
0x94: {  	_ =	strace s2  }
0x95: {  	s2 =	sld [smem:$0x3FFD];
	_ =	sdelay $0x3  }
0x96: {  	_ =	strace s2  }
0x97: {  	_ =	strace $0x8FFFFFFF  }
0x98: {  	s18 =	sld [smem:$0x3FDB];
	_ =	sdelay $0x1  }
0x99: {  	s19 =	simm.s32 $_scs_section_size  }
0x9a: {  	s4 =	simm.s32 $_size__tile_overlayer_lowered;
	s5 =	simm.s32 $_tile_overlayer_lowered  }
0x9b: {  	s22 =	simm.s32 $0x1BFF;
	s21 =	sshll.u32 s5, $0x1;
	s2 =	sadd.s32 s19, s18  }
0x9c: {  	s6 =	simm.s32 $0x0;
	s20 =	sshll.u32 s4, $0x1;
	s4 =	sadd.s32 s21, s2  }
0x9d: {  	[timem:s6], [sflag:s22] =	dma.local [hbm:s4], s20  }
0x9e: {  	_ =	swait.ge [sflag:s22], s20  }
0x9f: {  	s3 =	ssub.s32 $0x0, s20;
	[sflag:s22] =	ssyncset.done $0x0  }
0xa0: {  	[sflag:s22] =	ssyncadd.s32 s3;
	_ =	sdelay $0x1  }
0xa1: {  	s23 =	simm.s32 $0x1B8B  }
0xa2: {  	_ =	swait.ge [sflag:s23], $0x1  }
0xa3: {  	[sflag:s23] =	ssyncset.done $0x0  }
0xa4: {  	s25 =	simm.s32 $0x1B8E;
	s24 =	sld [smem:$0x3FFE];
	[sflag:s23] =	ssyncadd.s32 $0xFFFFFFFF  }
0xa5: {  	s26 =	simm.s32 $execute0_lowered;
	[smem:$0x3FD2] =	sst s25  }
0xa6: {  	s4 =	sshll.u32 s26, $0x1;
	_ =	strace $0x80000046;
	[dreg:$0x1] =	wrdreg $0xFFFFFFFF  }
0xa7: {  	s28 =	simm.s32 $_size_execute0_lowered;
	s2 =	sadd.s32 s2, s4;
	[dreg:$0x0] =	wrdreg $0x0  }
0xa8: {  	s4 =	sshll.u32 s28, $0x1;
	[dreg:$0x2] =	wrdreg s2  }
0xa9: {  	[dreg:$0x3] =	wrdreg s4  }
0xaa: {  	[dreg:$0x4] =	wrdreg $0xC0  }
0xab: {  	_ =	task [dreg:s6], $0x5FFFF  }
0xac: {  	[dreg:$0x1] =	wrdreg $0xFFFFFFFF  }
0xad: {  	[dreg:$0x0] =	wrdreg $0x60  }
0xae: {  	[dreg:$0x2] =	wrdreg s24  }
0xaf: {  	[dreg:$0x3] =	wrdreg $0x65000  }
0xb0: {  	[dreg:$0x4] =	wrdreg $0x9  }
0xb1: {  	_ =	task.clear_ibuf [dreg:s6], $0x5FFFF;
	_ =	strace $0x90000046  }
0xb2: {  	s29 =	simm.s32 $0x9;
	_ =	strace $0x80000048  }
0xb3: {  	_ =	swait.ge [sflag:s29], $0x1  }
0xb4: {  	[sflag:s29] =	ssyncadd.s32 $0xFFFFFFFF  }
0xb5: {  	_ =	strace $0x90000048  }
0xb6: {  	_ =	sfence  }
0xb7: {  	s30 =	sld [smem:$0x0];
	_ =	sdelay $0x2  }
0xb8: {  	s31 =	sshll.u32 s1, $0xD;
	s1 =	sshrl.u32 s1, $0x2  }
0xb9: {  	s3 =	sand.u32 $0x4000, s31;
	s1 =	sadd.s32 s1, s30  }
0xba: {  	s0 =	sor.u32 s3, s0;
	s1 =	sshll.u32 s1, $0x11  }
0xbb: {  	s0 =	sor.u32 s1, s0  }
0xbc: {  	s0 =	sadd.s32 $0x8F2B, s0  }
0xbd: {  	[sflag:s0] =	ssyncadd.remote.s32 $0x1  }
0xbe: {  	_ =	sfence.sel $0xFFFF  }
0xbf: {  	[dreg:$0x0] =	wrdreg $0xFFFFFFFF;
	(pc) =	sbr.abs _section_cstart, $3  }
0xc0: {  	[dreg:$0x1] =	wrdreg $0xFFFFFFFF  }
0xc1: {  	_ =	task.clear_ibuf [dreg:s6], $0x2FFFF;
	_ =	strace $0x9FFFFFFF  }
0xc2: {  	(tm) =	ssettm $0x7FFFFFFF  }
0xc3: {  	_ =	shalt  }
tec
execute0_lowered:
.L_overlay_start_1:
0x0: {  	(tag) =	ssettag $0x1  }
0x1: {  	s6 =	rddreg [dreg:$0x0]  }
0x2: {  	s0 =	srdreg.scid;
	s2 =	rddreg [dreg:$0x1]  }
0x3: {  	s1 =	rddreg [dreg:$0x2];
	s7 =	sand.u32 $0x1, s0  }
0x4: {  	s0 =	stileid.u32;
	s4 =	smul.u32 $0x13880, s7  }
0x5: {  	s3 =	simm.s32 $0x0;
	s13 =	simm.s32 $0xC8;
	s5 =	smul.u32 $0x1388, s0  }
0x6: {  	s14 =	simm.s32 $0x0;
	[smem:$0x7FF] =	sst s3;
	s30 =	smul.u32 $0x140000, s7  }
0x7: {  	s8 =	smul.u32 $0x14000, s0;
	_ =	strace $0x80000047;
	s7 =	ssub.s32 $0x2, s7  }
0x8: {  	s10 =	smul.u32 $0x50000, s0;
	s11 =	sshll.u32 s0, $0x6;
	s31 =	sshrl.u32 s7, $0x1  }
0x9: {  	s11 =	sor.u32 $0x1C01, s11;
	s4 =	sadd.s32 s5, s4;
	s8 =	sadd.s32 s8, s30  }
0xa: {  	s5 =	sadd.s32 $0x11C00, s6;
	s10 =	sshrl.u32 s10, $0x2;
	s7 =	ssub.s32 s7, s31  }
0xb: {  	s4 =	sshrl.u32 s4, $0x3;
	s8 =	sshrl.u32 s8, $0x3;
	s12 =	sadd.s32 s10, s2  }
0xc: {  	s7 =	smax.u32 s7, $0x1;
	s10 =	simm.s32 $0x1;
	s9 =	sadd.s32 s4, s6  }
0xd: {  	s4 =	sadd.s32 $0xF400, s6;
	s6 =	sadd.s32 s8, s6;
	s12 =	sshrl.u32 s12, $0x3  }
0xe: {  	s6 =	sadd.s32 $0x12A00, s6;
	s8 =	sadd.s32 $0x5400, s9;
	s9 =	simm.s32 $0x100  }
.LBB2_1:
0xf: {  	[tilespmem:s9], [sflag:$0x1] =	stream.linear.gather [hbm4b:s5+s3], $0x6400, $0x38;
	[tilespmem:$0x1A500] =	vst v63  }
0x10: {  	_ =	swait.ge [sflag:s10], $0x6400  }
0x11: {  	[sflag:s10] =	ssyncset.done $0x0  }
0x12: {  	[sflag:s10] =	ssyncadd.s32 $0xFFFF9C00  }
0x13: {  	[spmem:s12], [sflag:s11] =	dma.local [hbm:s4], $0x2800  }
0x14: {  	_ =	swait.ge [sflag:s10], $0x2800  }
0x15: {  	[sflag:s10] =	ssyncset.done $0x0  }
0x16: {  	[sflag:s10] =	ssyncadd.s32 $0xFFFFD800  }
0x17: {  	s15 =	sadd.s32 $0x0, s8;
	[bflag:$0x0] =	sbarrier.arrive $0xFFFF  }
0x18: {  	[tilespmem:s3], [sflag:$0x1] =	stream.linear.gather [hbm4b:s15+s3], $0xC8, $0x38;
	[tilespmem:$0x1A500] =	vst v63  }
0x19: {  	_ =	swait.ge [sflag:s10], $0xC8  }
0x1a: {  	[sflag:s10] =	ssyncset.done $0x0  }
0x1b: {  	[sflag:s10] =	ssyncadd.s32 $0xFFFFFF38  }
0x1c: {  	[spmem:s2] =	stream.indirect.scatter.add.f32 [tilespmem:s9], [sflag:$0x1], $0x80, s3, s13, $0xb8;
	[tilespmem:$0x1A500] =	vst v63  }
0x1d: {  	_ =	swait.ge [sflag:s10], $0x6400  }
0x1e: {  	s16 =	simm.s32 $0x32;
	s15 =	simm.s32 $0x19;
	[sflag:s10] =	ssyncset.done $0x0  }
.LBB2_2:
0x1f: {  	s17 =	sadd.s32 s15, s8  }
0x20: {  	[sflag:s10] =	ssyncadd.s32 $0xFFFF9C00;
	s15 =	smov.u32 s16;
	s18 =	sadd.s32 $0x19, s16  }
0x21: {  	[tilespmem:s3], [sflag:$0x1] =	stream.linear.gather [hbm4b:s17+s3], $0xC8, $0x38;
	[tilespmem:$0x1A500] =	vst v63  }
0x22: {  	p0 =	sne.s32 s16, $0x258;
	_ =	swait.ge [sflag:s10], $0xC8  }
.Ltmp0:
0x23: {  	[sflag:s10] =	ssyncset.done $0x0;
	(pc) =	sbr.rel @p0 .LBB2_2-.Ltmp0, $4  }
0x24: {  	[sflag:s10] =	ssyncadd.s32 $0xFFFFFF38  }
0x25: {  	[spmem:s2] =	stream.indirect.scatter.add.f32 [tilespmem:s9], [sflag:$0x1], $0x80, s3, s13, $0xb8;
	[tilespmem:$0x1A500] =	vst v63  }
0x26: {  	_ =	swait.ge [sflag:s10], $0x6400  }
0x27: {  	s16 =	smov.u32 s18;
	[sflag:s10] =	ssyncset.done $0x0  }
0x28: {  	s15 =	sadd.s32 s15, s8;
	[sflag:s10] =	ssyncadd.s32 $0xFFFF9C00  }
0x29: {  	[tilespmem:s3], [sflag:$0x1] =	stream.linear.gather [hbm4b:s15+s3], $0xC8, $0x38;
	[tilespmem:$0x1A500] =	vst v63  }
0x2a: {  	_ =	swait.ge [sflag:s10], $0xC8  }
0x2b: {  	[sflag:s10] =	ssyncset.done $0x0  }
0x2c: {  	[sflag:s10] =	ssyncadd.s32 $0xFFFFFF38  }
0x2d: {  	[spmem:s2] =	stream.indirect.scatter.add.f32 [tilespmem:s9], [sflag:$0x1], $0x80, s3, s13, $0xb8;
	[tilespmem:$0x1A500] =	vst v63  }
0x2e: {  	_ =	swait.ge [sflag:s10], $0x6400  }
0x2f: {  	s14 =	sadd.s32 $0x1, s14;
	[sflag:s10] =	ssyncset.done $0x0  }
0x30: {  	p0 =	sne.s32 s14, s7;
	[sflag:s10] =	ssyncadd.s32 $0xFFFF9C00  }
.Ltmp1:
0x31: {  	[bflag:$0x0] =	sbarrier.arrive $0xFFFF;
	(pc) =	sbr.rel @p0 .LBB2_1-.Ltmp1, $4  }
0x32: {  	[hbm:s6], [sflag:s11] =	dma.local [spmem:s12], $0x2800  }
0x33: {  	_ =	swait.ge [sflag:s10], $0x2800  }
0x34: {  	[sflag:s10] =	ssyncset.done $0x0  }
0x35: {  	[sflag:s10] =	ssyncadd.s32 $0xFFFFD800  }
0x36: {  	_ =	sfence.sel $0x180000  }
0x37: {  	[bflag:$0x0] =	sbarrier.arrive $0xFFFF  }
0x38: {  	p0 =	sne.s32 s0, $0x0;
	_ =	strace $0x90000047  }
0x39: {  	s0 =	sadd.s32 @!p0 $0x100000, s1;
	[bflag:$0x2] =	sbarrier.arrive $0xFFFF  }
0x3a: {  	[sflag:s0] =	ssyncadd.tile.s32 @!p0 $0x1;
	_ =	shalt  }
.Lfunc_end2:
_tile_overlayer_lowered:
.L_overlay_start_2:
0x3b: {  	(tag) =	ssettag $0x2  }
0x3c: {  	s0 =	rddreg [dreg:$0x0];
	s2 =	stileid.u32  }
0x3d: {  	s1 =	rddreg [dreg:$0x1];
	p0 =	sne.s32 s2, $0x0  }
0x3e: {  	s3 =	rddreg [dreg:$0x2];
	[bflag:$0x3] =	sbarrier.arrive $0xFFFF;
	s2 =	simm.s32 @!p0 $0x1C01  }
0x3f: {  	[timem:s3], [sflag:s2] =	dma.local @!p0 [hbm:s0], s1  }
0x40: {  	s0 =	simm.s32 @!p0 $0x1  }
0x41: {  	_ =	swait.ge @!p0 [sflag:s0], s1  }
0x42: {  	s1 =	ssub.s32 @!p0 $0x0, s1;
	[sflag:s0] =	ssyncset.done @!p0 $0x0  }
0x43: {  	[sflag:s0] =	ssyncadd.s32 @!p0 s1  }
0x44: {  	[bflag:$0x3] =	sbarrier.arrive $0xFFFF  }
0x45: {  	_ =	shalt  }

// kernel: kernel.17.cloned.1.call-start
scs
__scs_entry_jumppad:
0x0: {  	(pc) =	sbr.rel $0x88, $3  }
0x1: {  	(tag) =	ssettag $0x0;
	lr =	simm.s32 $0x1  }
0x2: {  	[smem:$0x3F8C] =	sst lr;
	_ =	strace $0xD0000000  }
0x3: {  	_ = 	snop  }
0x4: {  	_ = 	snop  }
0x5: {  	_ = 	snop  }
0x6: {  	_ = 	snop  }
0x7: {  	_ = 	snop  }
__scs_overlays_trampoline_lowered:
0x8: {  	[smem:$0x3F9B] =	sst s0  }
0x9: {  	[smem:$0x3F9C] =	sst s1  }
0xa: {  	[smem:$0x3F9D] =	sst s2  }
0xb: {  	[smem:$0x3F9E] =	sst s3  }
0xc: {  	[smem:$0x3F9F] =	sst s4  }
0xd: {  	[smem:$0x3FA0] =	sst s5  }
0xe: {  	[smem:$0x3FA1] =	sst s6  }
0xf: {  	[smem:$0x3FA2] =	sst s7  }
0x10: {  	[smem:$0x3FA3] =	sst s8  }
0x11: {  	[smem:$0x3FA4] =	sst s9;
	s0 =	simm.s32 @!p0 $0x0  }
0x12: {  	s1 =	sld [smem:$0x3F8A];
	s0 =	simm.s32 @p0 $0x1  }
0x13: {  	[smem:$0x3FA5] =	sst s0;
	s0 =	simm.s32 @!p1 $0x0  }
0x14: {  	s2 =	sld [smem:$0x3F89];
	s0 =	simm.s32 @p1 $0x1  }
0x15: {  	[smem:$0x3FA6] =	sst s0;
	s0 =	simm.s32 @!p2 $0x0  }
0x16: {  	s3 =	sld [smem:$0x3FDB];
	s0 =	simm.s32 @p2 $0x1  }
0x17: {  	s4 =	simm.s32 $0x1BF5;
	[smem:$0x3FA8] =	sst s0  }
0x18: {  	s0 =	sld [smem:$0x3F8B];
	_ =	swait.ge [sflag:s4], $0x0  }
0x19: {  	s7 =	sld [smem:$0x3F8C]  }
0x1a: {  	s8 =	sadd.s32 $0xFFFFE003, lr  }
0x1b: {  	s9 =	sadd.s32 $0xFFFFFEF7, lr;
	s5 =	simm.s32 $0xFFFFFFFF;
	p2 =	slt.u32 s8, $0xFFFFF086  }
0x1c: {  	p1 =	slt.u32 s9, $0xF7A;
	s5 =	simm.s32 @!p2 $0x0  }
0x1d: {  	s5 =	simm.s32 @p1 $0x1;
	p0 =	seq.s32 s7, s2  }
0x1e: {  	s7 =	smul.u32 @!p0 $0xF7A, s2;
	p2 =	seq.s32 @!p0 s5, $0x0  }
0x1f: {  	s9 =	smul.u32 $0xF7A, s1;
	s8 =	simm.s32 @!p0 $0x1BF5;
	p2 =	por !p2, p0  }
0x20: {  	[sflag:s8] =	ssyncset.s32 @!p0 $0xFFFFF086;
	s6 =	sadd.s32 @!p0 s3, s7;
	s7 =	simm.s32 @!p0 $0x108  }
0x21: {  	s3 =	sadd.s32 s3, s9;
	s6 =	sadd.s32 @!p0 $0x88, s6;
	s7 =	simm.s32 @p2 $0x1082  }
0x22: {  	[simem:s7], [sflag:s8] =	dma.local @!p0 [hbm:s6], $0xF7A  }
0x23: {  	s9 =	sor.u32 $0xD0000000, s2;
	s6 =	simm.s32 $0x108;
	_ =	swait.ge @!p0 [sflag:s8], $0x0  }
0x24: {  	s3 =	sadd.s32 $0x88, s3;
	s6 =	simm.s32 @!p1 $0x1082;
	[sflag:s4] =	ssyncset.s32 $0xFFFFF086  }
0x25: {  	[simem:s6], [sflag:s4] =	dma.local [hbm:s3], $0xF7A  }
0x26: {  	[smem:$0x3F8C] =	sst s1;
	(tag) =	ssettag s2;
	_ =	strace s9  }
0x27: {  	s1 =	sld [smem:$0x3F9C]  }
0x28: {  	s2 =	sld [smem:$0x3F9D]  }
0x29: {  	s4 =	sld [smem:$0x3F9F]  }
0x2a: {  	p0 =	seq.s32 s5, $0x0;
	s5 =	sld [smem:$0x3FA0]  }
0x2b: {  	s6 =	sld [smem:$0x3FA1]  }
0x2c: {  	s7 =	sld [smem:$0x3FA2]  }
0x2d: {  	s3 =	simm.s32 $0x108;
	s8 =	sld [smem:$0x3FA3]  }
0x2e: {  	s3 =	simm.s32 @!p0 $0x1082;
	s9 =	sld [smem:$0x3FA4]  }
0x2f: {  	lr =	sadd.s32 s0, s3;
	s0 =	sld [smem:$0x3F9B]  }
0x30: {  	s3 =	sld [smem:$0x3F9E]  }
0x31: {  	[smem:$0x3FA7] =	sst s10  }
0x32: {  	s10 =	sld [smem:$0x3FA5];
	_ =	sdelay $0x3  }
0x33: {  	p0 =	seq.s32 s10, $0x1;
	s10 =	sld [smem:$0x3FA7];
	_ =	sdelay $0x3  }
0x34: {  	[smem:$0x3FA7] =	sst s10  }
0x35: {  	s10 =	sld [smem:$0x3FA6];
	_ =	sdelay $0x3  }
0x36: {  	p1 =	seq.s32 s10, $0x1;
	s10 =	sld [smem:$0x3FA7];
	_ =	sdelay $0x3  }
0x37: {  	[smem:$0x3FA7] =	sst s10  }
0x38: {  	s10 =	sld [smem:$0x3FA8]  }
0x39: {  	_ = 	snop;
	(pc) =	sbr.ind lr, $3  }
0x3a: {  	_ = 	snop  }
0x3b: {  	_ = 	snop  }
0x3c: {  	p2 =	seq.s32 s10, $0x1;
	s10 =	sld [smem:$0x3FA7]  }
0x3d: {  	_ =	shalt  }
0x3e: {  	_ =	shalt  }
0x3f: {  	_ =	shalt  }
0x40: {  	_ =	shalt  }
0x41: {  	_ =	shalt  }
0x42: {  	_ =	shalt  }
0x43: {  	_ =	shalt  }
0x44: {  	_ =	shalt  }
0x45: {  	_ =	shalt  }
0x46: {  	_ =	shalt  }
0x47: {  	_ =	shalt  }
0x48: {  	_ =	shalt  }
0x49: {  	_ =	shalt  }
0x4a: {  	_ =	shalt  }
0x4b: {  	_ =	shalt  }
0x4c: {  	_ =	shalt  }
0x4d: {  	_ =	shalt  }
0x4e: {  	_ =	shalt  }
0x4f: {  	_ =	shalt  }
0x50: {  	_ =	shalt  }
0x51: {  	_ =	shalt  }
0x52: {  	_ =	shalt  }
0x53: {  	_ =	shalt  }
0x54: {  	_ =	shalt  }
0x55: {  	_ =	shalt  }
0x56: {  	_ =	shalt  }
0x57: {  	_ =	shalt  }
0x58: {  	_ =	shalt  }
0x59: {  	_ =	shalt  }
0x5a: {  	_ =	shalt  }
0x5b: {  	_ =	shalt  }
0x5c: {  	_ =	shalt  }
0x5d: {  	_ =	shalt  }
0x5e: {  	_ =	shalt  }
0x5f: {  	_ =	shalt  }
0x60: {  	_ =	shalt  }
0x61: {  	_ =	shalt  }
0x62: {  	_ =	shalt  }
0x63: {  	_ =	shalt  }
0x64: {  	_ =	shalt  }
0x65: {  	_ =	shalt  }
0x66: {  	_ =	shalt  }
0x67: {  	_ =	shalt  }
0x68: {  	_ =	shalt  }
0x69: {  	_ =	shalt  }
0x6a: {  	_ =	shalt  }
0x6b: {  	_ =	shalt  }
0x6c: {  	_ =	shalt  }
0x6d: {  	_ =	shalt  }
0x6e: {  	_ =	shalt  }
0x6f: {  	_ =	shalt  }
0x70: {  	_ =	shalt  }
0x71: {  	_ =	shalt  }
0x72: {  	_ =	shalt  }
0x73: {  	_ =	shalt  }
0x74: {  	_ =	shalt  }
0x75: {  	_ =	shalt  }
0x76: {  	_ =	shalt  }
0x77: {  	_ =	shalt  }
0x78: {  	_ =	shalt  }
0x79: {  	_ =	shalt  }
0x7a: {  	_ =	shalt  }
0x7b: {  	_ =	shalt  }
0x7c: {  	_ =	shalt  }
0x7d: {  	_ =	shalt  }
0x7e: {  	_ =	shalt  }
0x7f: {  	_ =	shalt  }
0x80: {  	_ =	shalt  }
0x81: {  	_ =	shalt  }
0x82: {  	_ =	shalt  }
0x83: {  	_ =	shalt  }
0x84: {  	_ =	shalt  }
0x85: {  	_ =	shalt  }
0x86: {  	_ =	shalt  }
0x87: {  	_ =	shalt  }
.Lfunc_end0:
.L_simem_size_0:
called_computation.2_lowered:
.L_overlay_start_0:
0x88: {  	s2 =	sld [smem:$0x3FD9]  }
0x89: {  	s3 =	sld [smem:$0x3FFE];
	_ =	sdelay $0x1  }
0x8a: {  	s1 =	srdreg.scid  }
0x8b: {  	s0 =	sand.u32 $0x1, s1  }
0x8c: {  	s17 =	sshll.u32 s0, $0xA;
	s2 =	sadd.s32 s3, s2  }
0x8d: {  	s2 =	sadd.s32 s2, s17  }
0x8e: {  	[smem:$0x3FB3] =	sst s2  }
0x8f: {  	_ = 	snop  }
0x90: {  	s18 =	sld [smem:$0x3FD0];
	(tm) =	ssettm $0x1  }
0x91: {  	s19 =	sld [smem:$0x3FFB];
	_ =	sdelay $0x3  }
0x92: {  	_ =	strace s19  }
0x93: {  	s2 =	sld [smem:$0x3FFC];
	_ =	sdelay $0x3  }
0x94: {  	_ =	strace s2  }
0x95: {  	s2 =	sld [smem:$0x3FFD];
	_ =	sdelay $0x3  }
0x96: {  	_ =	strace s2  }
0x97: {  	_ =	strace $0x8FFFFFFF  }
0x98: {  	s20 =	sld [smem:$0x3FDB];
	_ =	sdelay $0x1  }
0x99: {  	s4 =	simm.s32 $_scs_section_size  }
0x9a: {  	s5 =	simm.s32 $_size__tile_overlayer_lowered;
	s6 =	simm.s32 $_tile_overlayer_lowered  }
0x9b: {  	s7 =	simm.s32 $0x1BFF;
	s21 =	sshll.u32 s6, $0x1;
	s4 =	sadd.s32 s4, s20  }
0x9c: {  	s22 =	simm.s32 $0x0;
	s5 =	sshll.u32 s5, $0x1;
	s6 =	sadd.s32 s21, s4  }
0x9d: {  	[timem:s22], [sflag:s7] =	dma.local [hbm:s6], s5  }
0x9e: {  	_ =	swait.ge [sflag:s7], s5  }
0x9f: {  	s5 =	ssub.s32 $0x0, s5;
	[sflag:s7] =	ssyncset.done $0x0  }
0xa0: {  	[sflag:s7] =	ssyncadd.s32 s5;
	_ =	sdelay $0x1  }
0xa1: {  	s23 =	simm.s32 $0x1B8B  }
0xa2: {  	_ =	swait.ge [sflag:s23], $0x1  }
0xa3: {  	[sflag:s23] =	ssyncset.done $0x0  }
0xa4: {  	[sflag:s23] =	ssyncadd.s32 $0xFFFFFFFF  }
0xa5: {  	s5 =	sld [smem:$0x0]  }
0xa6: {  	s6 =	sand.u32 $0xFFFFFFFE, s1  }
0xa7: {  	p0 =	sne.s32 s1, s6  }
0xa8: {  	s6 =	sshll.u32 @p0 s6, $0xE  }
0xa9: {  	s6 =	sadd.s32 @p0 $0x11B8D, s6;
	s7 =	sshll.u32 @p0 s5, $0x11  }
0xaa: {  	s6 =	sor.u32 @p0 s7, s6  }
0xab: {  	[sflag:s6] =	ssyncadd.remote.s32 @p0 $0x1;
	_ =	sdelay $0x1  }
0xac: {  	s6 =	simm.s32 @p0 $0x1B8D  }
0xad: {  	_ =	swait.eq @p0 [sflag:s6], $0x1  }
0xae: {  	[sflag:s6] =	ssyncadd.s32 @p0 $0xFFFFFFFF  }
0xaf: {  	s7 =	sshll.u32 @!p0 s1, $0xE  }
0xb0: {  	s7 =	sor.u32 @!p0 $0x4000, s7;
	s6 =	simm.s32 @!p0 $0x1B8D  }
0xb1: {  	s5 =	sshll.u32 @!p0 s5, $0x11;
	s7 =	sadd.s32 @!p0 $0x11B8D, s7;
	_ =	swait.eq @!p0 [sflag:s6], $0x1  }
0xb2: {  	s5 =	sor.u32 @!p0 s5, s7;
	[sflag:s6] =	ssyncadd.s32 @!p0 $0xFFFFFFFF  }
0xb3: {  	s25 =	simm.s32 $0x1B8E;
	s24 =	sld [smem:$0x3FFE];
	[sflag:s5] =	ssyncadd.remote.s32 @!p0 $0x1  }
0xb4: {  	s26 =	simm.s32 $execute0_lowered;
	[smem:$0x3FD2] =	sst s25  }
0xb5: {  	s6 =	sshll.u32 s26, $0x1;
	_ =	strace $0x80000049;
	[dreg:$0x1] =	wrdreg $0xFFFFFFFF  }
0xb6: {  	s28 =	simm.s32 $_size_execute0_lowered;
	s4 =	sadd.s32 s4, s6;
	[dreg:$0x0] =	wrdreg $0x0  }
0xb7: {  	s6 =	sshll.u32 s28, $0x1;
	[dreg:$0x2] =	wrdreg s4  }
0xb8: {  	[dreg:$0x3] =	wrdreg s6  }
0xb9: {  	[dreg:$0x4] =	wrdreg $0xC0  }
0xba: {  	_ =	task [dreg:s22], $0x5FFFF  }
0xbb: {  	[dreg:$0x1] =	wrdreg $0xFFFFFFFF  }
0xbc: {  	[dreg:$0x0] =	wrdreg $0x60  }
0xbd: {  	[dreg:$0x2] =	wrdreg s24  }
0xbe: {  	[dreg:$0x3] =	wrdreg s18  }
0xbf: {  	[dreg:$0x4] =	wrdreg $0x68000  }
0xc0: {  	[dreg:$0x5] =	wrdreg $0xA  }
0xc1: {  	_ =	task.clear_ibuf [dreg:s22], $0x6FFFF;
	_ =	strace $0x90000049  }
0xc2: {  	s29 =	simm.s32 $0xA;
	_ =	strace $0x8000004B  }
0xc3: {  	_ =	swait.ge [sflag:s29], $0x1  }
0xc4: {  	[sflag:s29] =	ssyncadd.s32 $0xFFFFFFFF  }
0xc5: {  	_ =	strace $0x9000004B  }
0xc6: {  	_ =	sfence  }
0xc7: {  	s30 =	sld [smem:$0x0];
	_ =	sdelay $0x2  }
0xc8: {  	s31 =	sshll.u32 s1, $0xD;
	s1 =	sshrl.u32 s1, $0x2  }
0xc9: {  	s4 =	sand.u32 $0x4000, s31;
	s1 =	sadd.s32 s1, s30  }
0xca: {  	s0 =	sor.u32 s4, s0;
	s1 =	sshll.u32 s1, $0x11  }
0xcb: {  	s0 =	sor.u32 s1, s0  }
0xcc: {  	s0 =	sadd.s32 $0x8F2B, s0  }
0xcd: {  	[sflag:s0] =	ssyncadd.remote.s32 $0x1  }
0xce: {  	_ =	sfence.sel $0xFFFF  }
0xcf: {  	[dreg:$0x0] =	wrdreg $0xFFFFFFFF;
	(pc) =	sbr.abs _section_cstart, $3  }
0xd0: {  	[dreg:$0x1] =	wrdreg $0xFFFFFFFF  }
0xd1: {  	_ =	task.clear_ibuf [dreg:s22], $0x2FFFF;
	_ =	strace $0x9FFFFFFF  }
0xd2: {  	(tm) =	ssettm $0x7FFFFFFF  }
0xd3: {  	_ =	shalt  }
tec
execute0_lowered:
.L_overlay_start_1:
0x0: {  	(tag) =	ssettag $0x1  }
0x1: {  	s7 =	rddreg [dreg:$0x0]  }
0x2: {  	s11 =	rddreg [dreg:$0x1]  }
0x3: {  	s1 =	rddreg [dreg:$0x2]  }
0x4: {  	s2 =	simm.s32 $0x0;
	s6 =	srdreg.scid;
	s3 =	stileid.u32  }
0x5: {  	s18 =	simm.s32 $0x100;
	s19 =	simm.s32 $0x200;
	s20 =	simm.s32 $0x300  }
0x6: {  	s21 =	simm.s32 $0xC8;
	s22 =	simm.s32 $0x400;
	s23 =	simm.s32 $0x2  }
0x7: {  	s24 =	simm.s32 $0x1;
	s25 =	simm.s32 $0x0;
	[smem:$0x7FF] =	sst s2  }
0x8: {  	s4 =	sadd.s32 $0x62A00, s7;
	s5 =	sadd.s32 $0xA400, s7;
	s9 =	smul.u32 $0x50000, s3  }
0x9: {  	s8 =	sand.u32 $0x1, s6;
	s6 =	sadd.s32 $0x5400, s7;
	s14 =	smul.u32 $0x1388, s3  }
0xa: {  	s7 =	sadd.s32 $0xF400, s7;
	s29 =	sshll.u32 s3, $0x6;
	s30 =	smul.u32 $0x14000, s3  }
0xb: {  	_ =	strace $0x8000004A;
	s10 =	ssub.s32 $0x2, s8;
	s12 =	smul.u32 $0x13880, s8  }
0xc: {  	s28 =	smul.u32 $0x140000, s8;
	s8 =	sor.u32 $0x1C03, s29;
	s13 =	sshrl.u32 s10, $0x1  }
0xd: {  	s9 =	sshrl.u32 s9, $0x2;
	s13 =	ssub.s32 s10, s13;
	s15 =	sadd.s32 s14, s12  }
0xe: {  	s16 =	sadd.s32 s9, s1;
	s12 =	sadd.s32 s30, s28;
	s14 =	sshrl.u32 s15, $0x3  }
0xf: {  	s17 =	sadd.s32 $0xC8, s15;
	s12 =	sshrl.u32 s12, $0x3;
	s15 =	sadd.s32 $0x190, s15  }
0x10: {  	s16 =	sshrl.u32 s16, $0x3;
	s9 =	sadd.s32 s5, s14;
	s10 =	sadd.s32 s6, s14  }
0x11: {  	s31 =	sshrl.u32 s17, $0x3;
	s11 =	sadd.s32 s11, s12;
	s12 =	smax.u32 s13, $0x1  }
0x12: {  	s17 =	simm.s32 $0x3;
	s13 =	sadd.s32 s31, s6;
	s14 =	sadd.s32 s31, s5  }
.LBB2_1:
0x13: {  	[spmem:s16], [sflag:s8] =	dma.local [hbm:s7], $0x2800  }
0x14: {  	_ =	swait.ge [sflag:s17], $0x2800  }
0x15: {  	[sflag:s17] =	ssyncset.done $0x0  }
0x16: {  	[sflag:s17] =	ssyncadd.s32 $0xFFFFD800  }
0x17: {  	[bflag:$0x0] =	sbarrier.arrive $0xFFFF  }
0x18: {  	[tilespmem:s2], [sflag:$0x3] =	stream.linear.gather [hbm4b:s9+s2], $0xC8, $0x38;
	[tilespmem:$0x1A800] =	vst v63  }
0x19: {  	_ =	swait.ge [sflag:s17], $0xC8  }
0x1a: {  	[sflag:s17] =	ssyncset.done $0x0  }
0x1b: {  	[sflag:s17] =	ssyncadd.s32 $0xFFFFFF38  }
0x1c: {  	[tilespmem:s18], [sflag:$0x3] =	stream.linear.gather [hbm4b:s10+s2], $0xC8, $0x38;
	[tilespmem:$0x1A800] =	vst v63  }
0x1d: {  	_ =	swait.ge [sflag:s17], $0xC8  }
0x1e: {  	[sflag:s17] =	ssyncset.done $0x0  }
0x1f: {  	s26 =	sadd.s32 $0x0, s14;
	[sflag:s17] =	ssyncadd.s32 $0xFFFFFF38  }
0x20: {  	[tilespmem:s19], [sflag:$0x1] =	stream.linear.gather [hbm4b:s26+s2], $0xC8, $0x38;
	[tilespmem:$0x1A800] =	vst v63  }
0x21: {  	s29 =	sadd.s32 $0x0, s13  }
0x22: {  	[tilespmem:s20], [sflag:$0x1] =	stream.linear.gather [hbm4b:s29+s2], $0xC8, $0x38;
	[tilespmem:$0x1A800] =	vst v63  }
0x23: {  	_ = 	snop  }
0x24: {  	[tilespmem:s22], [sflag:$0x2] =	stream.indirect.gather [hbm4b:s4+s21], $0x80, s2, s21, $0xb8;
	[tilespmem:$0x1A800] =	vst v63  }
0x25: {  	_ =	swait.ge [sflag:s23], $0x6400  }
0x26: {  	[sflag:s23] =	ssyncset.done $0x0  }
0x27: {  	[sflag:s23] =	ssyncadd.s32 $0xFFFF9C00  }
0x28: {  	[spmem:s1] =	stream.indirect.scatter.add.f32 [tilespmem:s22], [sflag:$0x3], $0x80, s18, s21, $0xb8;
	[tilespmem:$0x1A800] =	vst v63  }
0x29: {  	_ =	swait.ge [sflag:s17], $0x6400  }
0x2a: {  	[sflag:s17] =	ssyncset.done $0x0  }
0x2b: {  	[sflag:s17] =	ssyncadd.s32 $0xFFFF9C00  }
0x2c: {  	_ =	swait.ge [sflag:s24], $0xC8  }
0x2d: {  	[sflag:s24] =	ssyncset.done $0x0  }
0x2e: {  	[sflag:s24] =	ssyncadd.s32 $0xFFFFFF38  }
0x2f: {  	_ =	swait.ge [sflag:s24], $0xC8  }
0x30: {  	s31 =	sshrl.u32 s15, $0x3;
	[sflag:s24] =	ssyncset.done $0x0  }
0x31: {  	s28 =	sadd.s32 s5, s31;
	[sflag:s24] =	ssyncadd.s32 $0xFFFFFF38  }
0x32: {  	[tilespmem:s2], [sflag:$0x1] =	stream.linear.gather [hbm4b:s28+s2], $0xC8, $0x38;
	[tilespmem:$0x1A800] =	vst v63  }
0x33: {  	s26 =	sadd.s32 s6, s31  }
0x34: {  	[tilespmem:s18], [sflag:$0x1] =	stream.linear.gather [hbm4b:s26+s2], $0xC8, $0x38;
	[tilespmem:$0x1A800] =	vst v63  }
0x35: {  	_ = 	snop  }
0x36: {  	[tilespmem:s22], [sflag:$0x2] =	stream.indirect.gather [hbm4b:s4+s21], $0x80, s19, s21, $0xb8;
	[tilespmem:$0x1A800] =	vst v63  }
0x37: {  	_ =	swait.ge [sflag:s23], $0x6400  }
0x38: {  	[sflag:s23] =	ssyncset.done $0x0  }
0x39: {  	[sflag:s23] =	ssyncadd.s32 $0xFFFF9C00  }
0x3a: {  	[spmem:s1] =	stream.indirect.scatter.add.f32 [tilespmem:s22], [sflag:$0x3], $0x80, s20, s21, $0xb8;
	[tilespmem:$0x1A800] =	vst v63  }
0x3b: {  	_ =	swait.ge [sflag:s17], $0x6400  }
0x3c: {  	[sflag:s17] =	ssyncset.done $0x0  }
0x3d: {  	[sflag:s17] =	ssyncadd.s32 $0xFFFF9C00  }
0x3e: {  	_ =	swait.ge [sflag:s24], $0xC8  }
0x3f: {  	[sflag:s24] =	ssyncset.done $0x0  }
0x40: {  	[sflag:s24] =	ssyncadd.s32 $0xFFFFFF38  }
0x41: {  	s30 =	simm.s32 $0x64;
	_ =	swait.ge [sflag:s24], $0xC8  }
0x42: {  	s28 =	simm.s32 $0x32;
	s26 =	sadd.s32 $0x190, s15;
	[sflag:s24] =	ssyncset.done $0x0  }
.LBB2_2:
0x43: {  	s31 =	sadd.s32 s28, s14  }
0x44: {  	[sflag:s24] =	ssyncadd.s32 $0xFFFFFF38;
	s0 =	smov.u32 s30;
	s29 =	sadd.s32 $0x32, s30  }
0x45: {  	[tilespmem:s19], [sflag:$0x1] =	stream.linear.gather [hbm4b:s31+s2], $0xC8, $0x38;
	[tilespmem:$0x1A800] =	vst v63  }
0x46: {  	p0 =	sne.s32 s30, $0x226;
	s30 =	sadd.s32 s28, s13;
	s28 =	smov.u32 s0  }
0x47: {  	[tilespmem:s20], [sflag:$0x1] =	stream.linear.gather [hbm4b:s30+s2], $0xC8, $0x38;
	[tilespmem:$0x1A800] =	vst v63  }
0x48: {  	_ = 	snop  }
0x49: {  	[tilespmem:s22], [sflag:$0x2] =	stream.indirect.gather [hbm4b:s4+s21], $0x80, s2, s21, $0xb8;
	[tilespmem:$0x1A800] =	vst v63  }
0x4a: {  	_ =	swait.ge [sflag:s23], $0x6400  }
0x4b: {  	[sflag:s23] =	ssyncset.done $0x0  }
0x4c: {  	[sflag:s23] =	ssyncadd.s32 $0xFFFF9C00  }
0x4d: {  	[spmem:s1] =	stream.indirect.scatter.add.f32 [tilespmem:s22], [sflag:$0x3], $0x80, s18, s21, $0xb8;
	[tilespmem:$0x1A800] =	vst v63  }
0x4e: {  	_ =	swait.ge [sflag:s17], $0x6400  }
0x4f: {  	[sflag:s17] =	ssyncset.done $0x0  }
0x50: {  	[sflag:s17] =	ssyncadd.s32 $0xFFFF9C00  }
0x51: {  	_ =	swait.ge [sflag:s24], $0xC8  }
0x52: {  	[sflag:s24] =	ssyncset.done $0x0  }
0x53: {  	[sflag:s24] =	ssyncadd.s32 $0xFFFFFF38  }
0x54: {  	_ =	swait.ge [sflag:s24], $0xC8  }
0x55: {  	s0 =	sshrl.u32 s26, $0x3;
	[sflag:s24] =	ssyncset.done $0x0  }
0x56: {  	s30 =	sadd.s32 s5, s0;
	[sflag:s24] =	ssyncadd.s32 $0xFFFFFF38  }
0x57: {  	[tilespmem:s2], [sflag:$0x1] =	stream.linear.gather [hbm4b:s30+s2], $0xC8, $0x38;
	[tilespmem:$0x1A800] =	vst v63  }
0x58: {  	s0 =	sadd.s32 s6, s0  }
0x59: {  	[tilespmem:s18], [sflag:$0x1] =	stream.linear.gather [hbm4b:s0+s2], $0xC8, $0x38;
	[tilespmem:$0x1A800] =	vst v63  }
0x5a: {  	_ = 	snop  }
0x5b: {  	[tilespmem:s22], [sflag:$0x2] =	stream.indirect.gather [hbm4b:s4+s21], $0x80, s19, s21, $0xb8;
	[tilespmem:$0x1A800] =	vst v63  }
0x5c: {  	_ =	swait.ge [sflag:s23], $0x6400  }
0x5d: {  	[sflag:s23] =	ssyncset.done $0x0  }
0x5e: {  	[sflag:s23] =	ssyncadd.s32 $0xFFFF9C00  }
0x5f: {  	[spmem:s1] =	stream.indirect.scatter.add.f32 [tilespmem:s22], [sflag:$0x3], $0x80, s20, s21, $0xb8;
	[tilespmem:$0x1A800] =	vst v63  }
0x60: {  	_ =	swait.ge [sflag:s17], $0x6400  }
0x61: {  	[sflag:s17] =	ssyncset.done $0x0  }
0x62: {  	[sflag:s17] =	ssyncadd.s32 $0xFFFF9C00  }
.Ltmp0:
0x63: {  	_ =	swait.ge [sflag:s24], $0xC8;
	(pc) =	sbr.rel @p0 .LBB2_2-.Ltmp0, $4  }
0x64: {  	[sflag:s24] =	ssyncset.done $0x0  }
0x65: {  	[sflag:s24] =	ssyncadd.s32 $0xFFFFFF38  }
0x66: {  	_ =	swait.ge [sflag:s24], $0xC8  }
0x67: {  	s26 =	sadd.s32 $0x190, s26;
	s30 =	smov.u32 s29;
	[sflag:s24] =	ssyncset.done $0x0  }
0x68: {  	s0 =	sadd.s32 s28, s14;
	[sflag:s24] =	ssyncadd.s32 $0xFFFFFF38  }
0x69: {  	[tilespmem:s19], [sflag:$0x1] =	stream.linear.gather [hbm4b:s0+s2], $0xC8, $0x38;
	[tilespmem:$0x1A800] =	vst v63  }
0x6a: {  	s30 =	sadd.s32 s28, s13  }
0x6b: {  	[tilespmem:s20], [sflag:$0x1] =	stream.linear.gather [hbm4b:s30+s2], $0xC8, $0x38;
	[tilespmem:$0x1A800] =	vst v63  }
0x6c: {  	_ = 	snop  }
0x6d: {  	[tilespmem:s22], [sflag:$0x2] =	stream.indirect.gather [hbm4b:s4+s21], $0x80, s2, s21, $0xb8;
	[tilespmem:$0x1A800] =	vst v63  }
0x6e: {  	_ =	swait.ge [sflag:s23], $0x6400  }
0x6f: {  	[sflag:s23] =	ssyncset.done $0x0  }
0x70: {  	[sflag:s23] =	ssyncadd.s32 $0xFFFF9C00  }
0x71: {  	[spmem:s1] =	stream.indirect.scatter.add.f32 [tilespmem:s22], [sflag:$0x3], $0x80, s18, s21, $0xb8;
	[tilespmem:$0x1A800] =	vst v63  }
0x72: {  	_ =	swait.ge [sflag:s17], $0x6400  }
0x73: {  	[sflag:s17] =	ssyncset.done $0x0  }
0x74: {  	[sflag:s17] =	ssyncadd.s32 $0xFFFF9C00  }
0x75: {  	_ =	swait.ge [sflag:s24], $0xC8  }
0x76: {  	[sflag:s24] =	ssyncset.done $0x0  }
0x77: {  	[sflag:s24] =	ssyncadd.s32 $0xFFFFFF38  }
0x78: {  	_ =	swait.ge [sflag:s24], $0xC8  }
0x79: {  	s31 =	sshrl.u32 s26, $0x3;
	[sflag:s24] =	ssyncset.done $0x0  }
0x7a: {  	s26 =	sadd.s32 s5, s31;
	[sflag:s24] =	ssyncadd.s32 $0xFFFFFF38  }
0x7b: {  	[tilespmem:s2], [sflag:$0x1] =	stream.linear.gather [hbm4b:s26+s2], $0xC8, $0x38;
	[tilespmem:$0x1A800] =	vst v63  }
0x7c: {  	s0 =	sadd.s32 s6, s31  }
0x7d: {  	[tilespmem:s18], [sflag:$0x1] =	stream.linear.gather [hbm4b:s0+s2], $0xC8, $0x38;
	[tilespmem:$0x1A800] =	vst v63  }
0x7e: {  	_ = 	snop  }
0x7f: {  	[tilespmem:s22], [sflag:$0x2] =	stream.indirect.gather [hbm4b:s4+s21], $0x80, s19, s21, $0xb8;
	[tilespmem:$0x1A800] =	vst v63  }
0x80: {  	_ =	swait.ge [sflag:s23], $0x6400  }
0x81: {  	[sflag:s23] =	ssyncset.done $0x0  }
0x82: {  	[sflag:s23] =	ssyncadd.s32 $0xFFFF9C00  }
0x83: {  	[spmem:s1] =	stream.indirect.scatter.add.f32 [tilespmem:s22], [sflag:$0x3], $0x80, s20, s21, $0xb8;
	[tilespmem:$0x1A800] =	vst v63  }
0x84: {  	_ =	swait.ge [sflag:s17], $0x6400  }
0x85: {  	[sflag:s17] =	ssyncset.done $0x0  }
0x86: {  	[sflag:s17] =	ssyncadd.s32 $0xFFFF9C00  }
0x87: {  	_ =	swait.ge [sflag:s24], $0xC8  }
0x88: {  	[sflag:s24] =	ssyncset.done $0x0  }
0x89: {  	[sflag:s24] =	ssyncadd.s32 $0xFFFFFF38  }
0x8a: {  	_ =	swait.ge [sflag:s24], $0xC8  }
0x8b: {  	[sflag:s24] =	ssyncset.done $0x0  }
0x8c: {  	[sflag:s24] =	ssyncadd.s32 $0xFFFFFF38  }
0x8d: {  	[tilespmem:s22], [sflag:$0x2] =	stream.indirect.gather [hbm4b:s4+s21], $0x80, s2, s21, $0xb8;
	[tilespmem:$0x1A800] =	vst v63  }
0x8e: {  	_ =	swait.ge [sflag:s23], $0x6400  }
0x8f: {  	[sflag:s23] =	ssyncset.done $0x0  }
0x90: {  	[sflag:s23] =	ssyncadd.s32 $0xFFFF9C00  }
0x91: {  	[spmem:s1] =	stream.indirect.scatter.add.f32 [tilespmem:s22], [sflag:$0x3], $0x80, s18, s21, $0xb8;
	[tilespmem:$0x1A800] =	vst v63  }
0x92: {  	_ =	swait.ge [sflag:s17], $0x6400  }
0x93: {  	s25 =	sadd.s32 $0x1, s25;
	[sflag:s17] =	ssyncset.done $0x0  }
0x94: {  	p0 =	sne.s32 s25, s12;
	[sflag:s17] =	ssyncadd.s32 $0xFFFF9C00  }
.Ltmp1:
0x95: {  	[bflag:$0x0] =	sbarrier.arrive $0xFFFF;
	(pc) =	sbr.rel @p0 .LBB2_1-.Ltmp1, $4  }
0x96: {  	[hbm:s11], [sflag:s8] =	dma.local [spmem:s16], $0x2800  }
0x97: {  	_ =	swait.ge [sflag:s17], $0x2800  }
0x98: {  	[sflag:s17] =	ssyncset.done $0x0  }
0x99: {  	[sflag:s17] =	ssyncadd.s32 $0xFFFFD800  }
0x9a: {  	_ =	sfence.sel $0x180000  }
0x9b: {  	[bflag:$0x0] =	sbarrier.arrive $0xFFFF  }
0x9c: {  	_ =	strace $0x9000004A  }
0x9d: {  	[bflag:$0x2] =	sbarrier.arrive $0xFFFF  }
0x9e: {  	p0 =	sne.s32 s3, $0x0;
	s0 =	rddreg [dreg:$0x3]  }
0x9f: {  	s0 =	sadd.s32 @!p0 $0x100000, s0  }
0xa0: {  	[sflag:s0] =	ssyncadd.tile.s32 @!p0 $0x1;
	_ =	shalt  }
.Lfunc_end2:
_tile_overlayer_lowered:
.L_overlay_start_2:
0xa1: {  	(tag) =	ssettag $0x2  }
0xa2: {  	s0 =	rddreg [dreg:$0x0];
	s2 =	stileid.u32  }
0xa3: {  	s1 =	rddreg [dreg:$0x1];
	p0 =	sne.s32 s2, $0x0  }
0xa4: {  	s3 =	rddreg [dreg:$0x2];
	[bflag:$0x3] =	sbarrier.arrive $0xFFFF;
	s2 =	simm.s32 @!p0 $0x1C03  }
0xa5: {  	[timem:s3], [sflag:s2] =	dma.local @!p0 [hbm:s0], s1  }
0xa6: {  	s0 =	simm.s32 @!p0 $0x3  }
0xa7: {  	_ =	swait.ge @!p0 [sflag:s0], s1  }
0xa8: {  	s1 =	ssub.s32 @!p0 $0x0, s1;
	[sflag:s0] =	ssyncset.done @!p0 $0x0  }
0xa9: {  	[sflag:s0] =	ssyncadd.s32 @!p0 s1  }
0xaa: {  	[bflag:$0x3] =	sbarrier.arrive $0xFFFF  }
0xab: {  	_ =	shalt  }

// kernel: kernel.20.cloned.1.call-start
scs
__scs_entry_jumppad:
0x0: {  	(pc) =	sbr.rel $0x88, $3  }
0x1: {  	(tag) =	ssettag $0x0;
	lr =	simm.s32 $0x1  }
0x2: {  	[smem:$0x3F8C] =	sst lr;
	_ =	strace $0xD0000000  }
0x3: {  	_ = 	snop  }
0x4: {  	_ = 	snop  }
0x5: {  	_ = 	snop  }
0x6: {  	_ = 	snop  }
0x7: {  	_ = 	snop  }
__scs_overlays_trampoline_lowered:
0x8: {  	[smem:$0x3F9B] =	sst s0  }
0x9: {  	[smem:$0x3F9C] =	sst s1  }
0xa: {  	[smem:$0x3F9D] =	sst s2  }
0xb: {  	[smem:$0x3F9E] =	sst s3  }
0xc: {  	[smem:$0x3F9F] =	sst s4  }
0xd: {  	[smem:$0x3FA0] =	sst s5  }
0xe: {  	[smem:$0x3FA1] =	sst s6  }
0xf: {  	[smem:$0x3FA2] =	sst s7  }
0x10: {  	[smem:$0x3FA3] =	sst s8  }
0x11: {  	[smem:$0x3FA4] =	sst s9;
	s0 =	simm.s32 @!p0 $0x0  }
0x12: {  	s1 =	sld [smem:$0x3F8A];
	s0 =	simm.s32 @p0 $0x1  }
0x13: {  	[smem:$0x3FA5] =	sst s0;
	s0 =	simm.s32 @!p1 $0x0  }
0x14: {  	s2 =	sld [smem:$0x3F89];
	s0 =	simm.s32 @p1 $0x1  }
0x15: {  	[smem:$0x3FA6] =	sst s0;
	s0 =	simm.s32 @!p2 $0x0  }
0x16: {  	s3 =	sld [smem:$0x3FDB];
	s0 =	simm.s32 @p2 $0x1  }
0x17: {  	s4 =	simm.s32 $0x1BF5;
	[smem:$0x3FA8] =	sst s0  }
0x18: {  	s0 =	sld [smem:$0x3F8B];
	_ =	swait.ge [sflag:s4], $0x0  }
0x19: {  	s7 =	sld [smem:$0x3F8C]  }
0x1a: {  	s8 =	sadd.s32 $0xFFFFE003, lr  }
0x1b: {  	s9 =	sadd.s32 $0xFFFFFEF7, lr;
	s5 =	simm.s32 $0xFFFFFFFF;
	p2 =	slt.u32 s8, $0xFFFFF086  }
0x1c: {  	p1 =	slt.u32 s9, $0xF7A;
	s5 =	simm.s32 @!p2 $0x0  }
0x1d: {  	s5 =	simm.s32 @p1 $0x1;
	p0 =	seq.s32 s7, s2  }
0x1e: {  	s7 =	smul.u32 @!p0 $0xF7A, s2;
	p2 =	seq.s32 @!p0 s5, $0x0  }
0x1f: {  	s9 =	smul.u32 $0xF7A, s1;
	s8 =	simm.s32 @!p0 $0x1BF5;
	p2 =	por !p2, p0  }
0x20: {  	[sflag:s8] =	ssyncset.s32 @!p0 $0xFFFFF086;
	s6 =	sadd.s32 @!p0 s3, s7;
	s7 =	simm.s32 @!p0 $0x108  }
0x21: {  	s3 =	sadd.s32 s3, s9;
	s6 =	sadd.s32 @!p0 $0x88, s6;
	s7 =	simm.s32 @p2 $0x1082  }
0x22: {  	[simem:s7], [sflag:s8] =	dma.local @!p0 [hbm:s6], $0xF7A  }
0x23: {  	s9 =	sor.u32 $0xD0000000, s2;
	s6 =	simm.s32 $0x108;
	_ =	swait.ge @!p0 [sflag:s8], $0x0  }
0x24: {  	s3 =	sadd.s32 $0x88, s3;
	s6 =	simm.s32 @!p1 $0x1082;
	[sflag:s4] =	ssyncset.s32 $0xFFFFF086  }
0x25: {  	[simem:s6], [sflag:s4] =	dma.local [hbm:s3], $0xF7A  }
0x26: {  	[smem:$0x3F8C] =	sst s1;
	(tag) =	ssettag s2;
	_ =	strace s9  }
0x27: {  	s1 =	sld [smem:$0x3F9C]  }
0x28: {  	s2 =	sld [smem:$0x3F9D]  }
0x29: {  	s4 =	sld [smem:$0x3F9F]  }
0x2a: {  	p0 =	seq.s32 s5, $0x0;
	s5 =	sld [smem:$0x3FA0]  }
0x2b: {  	s6 =	sld [smem:$0x3FA1]  }
0x2c: {  	s7 =	sld [smem:$0x3FA2]  }
0x2d: {  	s3 =	simm.s32 $0x108;
	s8 =	sld [smem:$0x3FA3]  }
0x2e: {  	s3 =	simm.s32 @!p0 $0x1082;
	s9 =	sld [smem:$0x3FA4]  }
0x2f: {  	lr =	sadd.s32 s0, s3;
	s0 =	sld [smem:$0x3F9B]  }
0x30: {  	s3 =	sld [smem:$0x3F9E]  }
0x31: {  	[smem:$0x3FA7] =	sst s10  }
0x32: {  	s10 =	sld [smem:$0x3FA5];
	_ =	sdelay $0x3  }
0x33: {  	p0 =	seq.s32 s10, $0x1;
	s10 =	sld [smem:$0x3FA7];
	_ =	sdelay $0x3  }
0x34: {  	[smem:$0x3FA7] =	sst s10  }
0x35: {  	s10 =	sld [smem:$0x3FA6];
	_ =	sdelay $0x3  }
0x36: {  	p1 =	seq.s32 s10, $0x1;
	s10 =	sld [smem:$0x3FA7];
	_ =	sdelay $0x3  }
0x37: {  	[smem:$0x3FA7] =	sst s10  }
0x38: {  	s10 =	sld [smem:$0x3FA8]  }
0x39: {  	_ = 	snop;
	(pc) =	sbr.ind lr, $3  }
0x3a: {  	_ = 	snop  }
0x3b: {  	_ = 	snop  }
0x3c: {  	p2 =	seq.s32 s10, $0x1;
	s10 =	sld [smem:$0x3FA7]  }
0x3d: {  	_ =	shalt  }
0x3e: {  	_ =	shalt  }
0x3f: {  	_ =	shalt  }
0x40: {  	_ =	shalt  }
0x41: {  	_ =	shalt  }
0x42: {  	_ =	shalt  }
0x43: {  	_ =	shalt  }
0x44: {  	_ =	shalt  }
0x45: {  	_ =	shalt  }
0x46: {  	_ =	shalt  }
0x47: {  	_ =	shalt  }
0x48: {  	_ =	shalt  }
0x49: {  	_ =	shalt  }
0x4a: {  	_ =	shalt  }
0x4b: {  	_ =	shalt  }
0x4c: {  	_ =	shalt  }
0x4d: {  	_ =	shalt  }
0x4e: {  	_ =	shalt  }
0x4f: {  	_ =	shalt  }
0x50: {  	_ =	shalt  }
0x51: {  	_ =	shalt  }
0x52: {  	_ =	shalt  }
0x53: {  	_ =	shalt  }
0x54: {  	_ =	shalt  }
0x55: {  	_ =	shalt  }
0x56: {  	_ =	shalt  }
0x57: {  	_ =	shalt  }
0x58: {  	_ =	shalt  }
0x59: {  	_ =	shalt  }
0x5a: {  	_ =	shalt  }
0x5b: {  	_ =	shalt  }
0x5c: {  	_ =	shalt  }
0x5d: {  	_ =	shalt  }
0x5e: {  	_ =	shalt  }
0x5f: {  	_ =	shalt  }
0x60: {  	_ =	shalt  }
0x61: {  	_ =	shalt  }
0x62: {  	_ =	shalt  }
0x63: {  	_ =	shalt  }
0x64: {  	_ =	shalt  }
0x65: {  	_ =	shalt  }
0x66: {  	_ =	shalt  }
0x67: {  	_ =	shalt  }
0x68: {  	_ =	shalt  }
0x69: {  	_ =	shalt  }
0x6a: {  	_ =	shalt  }
0x6b: {  	_ =	shalt  }
0x6c: {  	_ =	shalt  }
0x6d: {  	_ =	shalt  }
0x6e: {  	_ =	shalt  }
0x6f: {  	_ =	shalt  }
0x70: {  	_ =	shalt  }
0x71: {  	_ =	shalt  }
0x72: {  	_ =	shalt  }
0x73: {  	_ =	shalt  }
0x74: {  	_ =	shalt  }
0x75: {  	_ =	shalt  }
0x76: {  	_ =	shalt  }
0x77: {  	_ =	shalt  }
0x78: {  	_ =	shalt  }
0x79: {  	_ =	shalt  }
0x7a: {  	_ =	shalt  }
0x7b: {  	_ =	shalt  }
0x7c: {  	_ =	shalt  }
0x7d: {  	_ =	shalt  }
0x7e: {  	_ =	shalt  }
0x7f: {  	_ =	shalt  }
0x80: {  	_ =	shalt  }
0x81: {  	_ =	shalt  }
0x82: {  	_ =	shalt  }
0x83: {  	_ =	shalt  }
0x84: {  	_ =	shalt  }
0x85: {  	_ =	shalt  }
0x86: {  	_ =	shalt  }
0x87: {  	_ =	shalt  }
.Lfunc_end0:
.L_simem_size_0:
called_computation.3_lowered:
.L_overlay_start_0:
0x88: {  	s2 =	sld [smem:$0x3FD9]  }
0x89: {  	s3 =	sld [smem:$0x3FFE];
	_ =	sdelay $0x1  }
0x8a: {  	s1 =	srdreg.scid  }
0x8b: {  	s0 =	sand.u32 $0x1, s1  }
0x8c: {  	s17 =	sshll.u32 s0, $0xA;
	s2 =	sadd.s32 s3, s2  }
0x8d: {  	s2 =	sadd.s32 s2, s17  }
0x8e: {  	[smem:$0x3FB3] =	sst s2  }
0x8f: {  	_ = 	snop  }
0x90: {  	s2 =	sld [smem:$0x3FD0];
	(tm) =	ssettm $0x1  }
0x91: {  	s18 =	sld [smem:$0x3FFB];
	_ =	sdelay $0x3  }
0x92: {  	_ =	strace s18  }
0x93: {  	s3 =	sld [smem:$0x3FFC];
	_ =	sdelay $0x3  }
0x94: {  	_ =	strace s3  }
0x95: {  	s3 =	sld [smem:$0x3FFD];
	_ =	sdelay $0x3  }
0x96: {  	_ =	strace s3  }
0x97: {  	_ =	strace $0x8FFFFFFF  }
0x98: {  	s19 =	sld [smem:$0x3FDB];
	_ =	sdelay $0x1  }
0x99: {  	s4 =	simm.s32 $_scs_section_size  }
0x9a: {  	s5 =	simm.s32 $_size__tile_overlayer_lowered;
	s6 =	simm.s32 $_tile_overlayer_lowered  }
0x9b: {  	s22 =	simm.s32 $0x1BFF;
	s21 =	sshll.u32 s6, $0x1;
	s3 =	sadd.s32 s4, s19  }
0x9c: {  	s7 =	simm.s32 $0x0;
	s20 =	sshll.u32 s5, $0x1;
	s5 =	sadd.s32 s21, s3  }
0x9d: {  	[timem:s7], [sflag:s22] =	dma.local [hbm:s5], s20  }
0x9e: {  	_ =	swait.ge [sflag:s22], s20  }
0x9f: {  	s4 =	ssub.s32 $0x0, s20;
	[sflag:s22] =	ssyncset.done $0x0  }
0xa0: {  	[sflag:s22] =	ssyncadd.s32 s4;
	_ =	sdelay $0x1  }
0xa1: {  	s23 =	simm.s32 $0x1B8B  }
0xa2: {  	_ =	swait.ge [sflag:s23], $0x1  }
0xa3: {  	[sflag:s23] =	ssyncset.done $0x0  }
0xa4: {  	s25 =	simm.s32 $0x1B8E;
	s24 =	sld [smem:$0x3FFE];
	[sflag:s23] =	ssyncadd.s32 $0xFFFFFFFF  }
0xa5: {  	s26 =	simm.s32 $execute0_lowered;
	[smem:$0x3FD2] =	sst s25  }
0xa6: {  	s5 =	sshll.u32 s26, $0x1;
	_ =	strace $0x8000004C;
	[dreg:$0x1] =	wrdreg $0xFFFFFFFF  }
0xa7: {  	s28 =	simm.s32 $_size_execute0_lowered;
	s3 =	sadd.s32 s3, s5;
	[dreg:$0x0] =	wrdreg $0x0  }
0xa8: {  	s5 =	sshll.u32 s28, $0x1;
	[dreg:$0x2] =	wrdreg s3  }
0xa9: {  	[dreg:$0x3] =	wrdreg s5  }
0xaa: {  	[dreg:$0x4] =	wrdreg $0xC0  }
0xab: {  	_ =	task [dreg:s7], $0x5FFFF  }
0xac: {  	[dreg:$0x1] =	wrdreg $0xFFFFFFFF  }
0xad: {  	[dreg:$0x0] =	wrdreg $0x60  }
0xae: {  	[dreg:$0x2] =	wrdreg s24  }
0xaf: {  	[dreg:$0x3] =	wrdreg s2  }
0xb0: {  	[dreg:$0x4] =	wrdreg $0x68000  }
0xb1: {  	[dreg:$0x5] =	wrdreg $0xA  }
0xb2: {  	_ =	task.clear_ibuf [dreg:s7], $0x6FFFF;
	_ =	strace $0x9000004C  }
0xb3: {  	s29 =	simm.s32 $0xA;
	_ =	strace $0x8000004E  }
0xb4: {  	_ =	swait.ge [sflag:s29], $0x1  }
0xb5: {  	[sflag:s29] =	ssyncadd.s32 $0xFFFFFFFF  }
0xb6: {  	_ =	strace $0x9000004E  }
0xb7: {  	_ =	sfence  }
0xb8: {  	s30 =	sld [smem:$0x0];
	_ =	sdelay $0x2  }
0xb9: {  	s31 =	sshll.u32 s1, $0xD;
	s1 =	sshrl.u32 s1, $0x2  }
0xba: {  	s3 =	sand.u32 $0x4000, s31;
	s1 =	sadd.s32 s1, s30  }
0xbb: {  	s0 =	sor.u32 s3, s0;
	s1 =	sshll.u32 s1, $0x11  }
0xbc: {  	s0 =	sor.u32 s1, s0  }
0xbd: {  	s0 =	sadd.s32 $0x8F2B, s0  }
0xbe: {  	[sflag:s0] =	ssyncadd.remote.s32 $0x1  }
0xbf: {  	_ =	sfence.sel $0xFFFF  }
0xc0: {  	[dreg:$0x0] =	wrdreg $0xFFFFFFFF;
	(pc) =	sbr.abs _section_cstart, $3  }
0xc1: {  	[dreg:$0x1] =	wrdreg $0xFFFFFFFF  }
0xc2: {  	_ =	task.clear_ibuf [dreg:s7], $0x2FFFF;
	_ =	strace $0x9FFFFFFF  }
0xc3: {  	(tm) =	ssettm $0x7FFFFFFF  }
tec
execute0_lowered:
.L_overlay_start_1:
0x0: {  	(tag) =	ssettag $0x1  }
0x1: {  	s7 =	rddreg [dreg:$0x0]  }
0x2: {  	s11 =	rddreg [dreg:$0x1]  }
0x3: {  	s1 =	rddreg [dreg:$0x2]  }
0x4: {  	s2 =	simm.s32 $0x0;
	s6 =	srdreg.scid;
	s3 =	stileid.u32  }
0x5: {  	s18 =	simm.s32 $0x100;
	s19 =	simm.s32 $0x200;
	s20 =	simm.s32 $0x300  }
0x6: {  	s21 =	simm.s32 $0xC8;
	s22 =	simm.s32 $0x400;
	s23 =	simm.s32 $0x2  }
0x7: {  	s24 =	simm.s32 $0x1;
	s25 =	simm.s32 $0x0;
	[smem:$0x7FF] =	sst s2  }
0x8: {  	s4 =	sadd.s32 $0x62A00, s7;
	s5 =	sadd.s32 $0xA400, s7;
	s9 =	smul.u32 $0x50000, s3  }
0x9: {  	s8 =	sand.u32 $0x1, s6;
	s6 =	sadd.s32 $0x5400, s7;
	s14 =	smul.u32 $0x1388, s3  }
0xa: {  	s7 =	sadd.s32 $0xF400, s7;
	s29 =	sshll.u32 s3, $0x6;
	s30 =	smul.u32 $0x14000, s3  }
0xb: {  	_ =	strace $0x8000004D;
	s10 =	ssub.s32 $0x2, s8;
	s12 =	smul.u32 $0x13880, s8  }
0xc: {  	s28 =	smul.u32 $0x140000, s8;
	s8 =	sor.u32 $0x1C03, s29;
	s13 =	sshrl.u32 s10, $0x1  }
0xd: {  	s9 =	sshrl.u32 s9, $0x2;
	s13 =	ssub.s32 s10, s13;
	s15 =	sadd.s32 s14, s12  }
0xe: {  	s16 =	sadd.s32 s9, s1;
	s12 =	sadd.s32 s30, s28;
	s14 =	sshrl.u32 s15, $0x3  }
0xf: {  	s17 =	sadd.s32 $0xC8, s15;
	s12 =	sshrl.u32 s12, $0x3;
	s15 =	sadd.s32 $0x190, s15  }
0x10: {  	s16 =	sshrl.u32 s16, $0x3;
	s9 =	sadd.s32 s5, s14;
	s10 =	sadd.s32 s6, s14  }
0x11: {  	s31 =	sshrl.u32 s17, $0x3;
	s11 =	sadd.s32 s11, s12;
	s12 =	smax.u32 s13, $0x1  }
0x12: {  	s17 =	simm.s32 $0x3;
	s13 =	sadd.s32 s31, s6;
	s14 =	sadd.s32 s31, s5  }
.LBB2_1:
0x13: {  	[spmem:s16], [sflag:s8] =	dma.local [hbm:s7], $0x2800  }
0x14: {  	_ =	swait.ge [sflag:s17], $0x2800  }
0x15: {  	[sflag:s17] =	ssyncset.done $0x0  }
0x16: {  	[sflag:s17] =	ssyncadd.s32 $0xFFFFD800  }
0x17: {  	[bflag:$0x0] =	sbarrier.arrive $0xFFFF  }
0x18: {  	[tilespmem:s2], [sflag:$0x3] =	stream.linear.gather [hbm4b:s9+s2], $0xC8, $0x38;
	[tilespmem:$0x1A800] =	vst v63  }
0x19: {  	_ =	swait.ge [sflag:s17], $0xC8  }
0x1a: {  	[sflag:s17] =	ssyncset.done $0x0  }
0x1b: {  	[sflag:s17] =	ssyncadd.s32 $0xFFFFFF38  }
0x1c: {  	[tilespmem:s18], [sflag:$0x3] =	stream.linear.gather [hbm4b:s10+s2], $0xC8, $0x38;
	[tilespmem:$0x1A800] =	vst v63  }
0x1d: {  	_ =	swait.ge [sflag:s17], $0xC8  }
0x1e: {  	[sflag:s17] =	ssyncset.done $0x0  }
0x1f: {  	s26 =	sadd.s32 $0x0, s14;
	[sflag:s17] =	ssyncadd.s32 $0xFFFFFF38  }
0x20: {  	[tilespmem:s19], [sflag:$0x1] =	stream.linear.gather [hbm4b:s26+s2], $0xC8, $0x38;
	[tilespmem:$0x1A800] =	vst v63  }
0x21: {  	s29 =	sadd.s32 $0x0, s13  }
0x22: {  	[tilespmem:s20], [sflag:$0x1] =	stream.linear.gather [hbm4b:s29+s2], $0xC8, $0x38;
	[tilespmem:$0x1A800] =	vst v63  }
0x23: {  	_ = 	snop  }
0x24: {  	[tilespmem:s22], [sflag:$0x2] =	stream.indirect.gather [hbm4b:s4+s21], $0x80, s2, s21, $0xb8;
	[tilespmem:$0x1A800] =	vst v63  }
0x25: {  	_ =	swait.ge [sflag:s23], $0x6400  }
0x26: {  	[sflag:s23] =	ssyncset.done $0x0  }
0x27: {  	[sflag:s23] =	ssyncadd.s32 $0xFFFF9C00  }
0x28: {  	[spmem:s1] =	stream.indirect.scatter.add.f32 [tilespmem:s22], [sflag:$0x3], $0x80, s18, s21, $0xb8;
	[tilespmem:$0x1A800] =	vst v63  }
0x29: {  	_ =	swait.ge [sflag:s17], $0x6400  }
0x2a: {  	[sflag:s17] =	ssyncset.done $0x0  }
0x2b: {  	[sflag:s17] =	ssyncadd.s32 $0xFFFF9C00  }
0x2c: {  	_ =	swait.ge [sflag:s24], $0xC8  }
0x2d: {  	[sflag:s24] =	ssyncset.done $0x0  }
0x2e: {  	[sflag:s24] =	ssyncadd.s32 $0xFFFFFF38  }
0x2f: {  	_ =	swait.ge [sflag:s24], $0xC8  }
0x30: {  	s31 =	sshrl.u32 s15, $0x3;
	[sflag:s24] =	ssyncset.done $0x0  }
0x31: {  	s28 =	sadd.s32 s5, s31;
	[sflag:s24] =	ssyncadd.s32 $0xFFFFFF38  }
0x32: {  	[tilespmem:s2], [sflag:$0x1] =	stream.linear.gather [hbm4b:s28+s2], $0xC8, $0x38;
	[tilespmem:$0x1A800] =	vst v63  }
0x33: {  	s26 =	sadd.s32 s6, s31  }
0x34: {  	[tilespmem:s18], [sflag:$0x1] =	stream.linear.gather [hbm4b:s26+s2], $0xC8, $0x38;
	[tilespmem:$0x1A800] =	vst v63  }
0x35: {  	_ = 	snop  }
0x36: {  	[tilespmem:s22], [sflag:$0x2] =	stream.indirect.gather [hbm4b:s4+s21], $0x80, s19, s21, $0xb8;
	[tilespmem:$0x1A800] =	vst v63  }
0x37: {  	_ =	swait.ge [sflag:s23], $0x6400  }
0x38: {  	[sflag:s23] =	ssyncset.done $0x0  }
0x39: {  	[sflag:s23] =	ssyncadd.s32 $0xFFFF9C00  }
0x3a: {  	[spmem:s1] =	stream.indirect.scatter.add.f32 [tilespmem:s22], [sflag:$0x3], $0x80, s20, s21, $0xb8;
	[tilespmem:$0x1A800] =	vst v63  }
0x3b: {  	_ =	swait.ge [sflag:s17], $0x6400  }
0x3c: {  	[sflag:s17] =	ssyncset.done $0x0  }
0x3d: {  	[sflag:s17] =	ssyncadd.s32 $0xFFFF9C00  }
0x3e: {  	_ =	swait.ge [sflag:s24], $0xC8  }
0x3f: {  	[sflag:s24] =	ssyncset.done $0x0  }
0x40: {  	[sflag:s24] =	ssyncadd.s32 $0xFFFFFF38  }
0x41: {  	s30 =	simm.s32 $0x64;
	_ =	swait.ge [sflag:s24], $0xC8  }
0x42: {  	s28 =	simm.s32 $0x32;
	s26 =	sadd.s32 $0x190, s15;
	[sflag:s24] =	ssyncset.done $0x0  }
.LBB2_2:
0x43: {  	s31 =	sadd.s32 s28, s14  }
0x44: {  	[sflag:s24] =	ssyncadd.s32 $0xFFFFFF38;
	s0 =	smov.u32 s30;
	s29 =	sadd.s32 $0x32, s30  }
0x45: {  	[tilespmem:s19], [sflag:$0x1] =	stream.linear.gather [hbm4b:s31+s2], $0xC8, $0x38;
	[tilespmem:$0x1A800] =	vst v63  }
0x46: {  	p0 =	sne.s32 s30, $0x226;
	s30 =	sadd.s32 s28, s13;
	s28 =	smov.u32 s0  }
0x47: {  	[tilespmem:s20], [sflag:$0x1] =	stream.linear.gather [hbm4b:s30+s2], $0xC8, $0x38;
	[tilespmem:$0x1A800] =	vst v63  }
0x48: {  	_ = 	snop  }
0x49: {  	[tilespmem:s22], [sflag:$0x2] =	stream.indirect.gather [hbm4b:s4+s21], $0x80, s2, s21, $0xb8;
	[tilespmem:$0x1A800] =	vst v63  }
0x4a: {  	_ =	swait.ge [sflag:s23], $0x6400  }
0x4b: {  	[sflag:s23] =	ssyncset.done $0x0  }
0x4c: {  	[sflag:s23] =	ssyncadd.s32 $0xFFFF9C00  }
0x4d: {  	[spmem:s1] =	stream.indirect.scatter.add.f32 [tilespmem:s22], [sflag:$0x3], $0x80, s18, s21, $0xb8;
	[tilespmem:$0x1A800] =	vst v63  }
0x4e: {  	_ =	swait.ge [sflag:s17], $0x6400  }
0x4f: {  	[sflag:s17] =	ssyncset.done $0x0  }
0x50: {  	[sflag:s17] =	ssyncadd.s32 $0xFFFF9C00  }
0x51: {  	_ =	swait.ge [sflag:s24], $0xC8  }
0x52: {  	[sflag:s24] =	ssyncset.done $0x0  }
0x53: {  	[sflag:s24] =	ssyncadd.s32 $0xFFFFFF38  }
0x54: {  	_ =	swait.ge [sflag:s24], $0xC8  }
0x55: {  	s0 =	sshrl.u32 s26, $0x3;
	[sflag:s24] =	ssyncset.done $0x0  }
0x56: {  	s30 =	sadd.s32 s5, s0;
	[sflag:s24] =	ssyncadd.s32 $0xFFFFFF38  }
0x57: {  	[tilespmem:s2], [sflag:$0x1] =	stream.linear.gather [hbm4b:s30+s2], $0xC8, $0x38;
	[tilespmem:$0x1A800] =	vst v63  }
0x58: {  	s0 =	sadd.s32 s6, s0  }
0x59: {  	[tilespmem:s18], [sflag:$0x1] =	stream.linear.gather [hbm4b:s0+s2], $0xC8, $0x38;
	[tilespmem:$0x1A800] =	vst v63  }
0x5a: {  	_ = 	snop  }
0x5b: {  	[tilespmem:s22], [sflag:$0x2] =	stream.indirect.gather [hbm4b:s4+s21], $0x80, s19, s21, $0xb8;
	[tilespmem:$0x1A800] =	vst v63  }
0x5c: {  	_ =	swait.ge [sflag:s23], $0x6400  }
0x5d: {  	[sflag:s23] =	ssyncset.done $0x0  }
0x5e: {  	[sflag:s23] =	ssyncadd.s32 $0xFFFF9C00  }
0x5f: {  	[spmem:s1] =	stream.indirect.scatter.add.f32 [tilespmem:s22], [sflag:$0x3], $0x80, s20, s21, $0xb8;
	[tilespmem:$0x1A800] =	vst v63  }
0x60: {  	_ =	swait.ge [sflag:s17], $0x6400  }
0x61: {  	[sflag:s17] =	ssyncset.done $0x0  }
0x62: {  	[sflag:s17] =	ssyncadd.s32 $0xFFFF9C00  }
.Ltmp0:
0x63: {  	_ =	swait.ge [sflag:s24], $0xC8;
	(pc) =	sbr.rel @p0 .LBB2_2-.Ltmp0, $4  }
0x64: {  	[sflag:s24] =	ssyncset.done $0x0  }
0x65: {  	[sflag:s24] =	ssyncadd.s32 $0xFFFFFF38  }
0x66: {  	_ =	swait.ge [sflag:s24], $0xC8  }
0x67: {  	s26 =	sadd.s32 $0x190, s26;
	s30 =	smov.u32 s29;
	[sflag:s24] =	ssyncset.done $0x0  }
0x68: {  	s0 =	sadd.s32 s28, s14;
	[sflag:s24] =	ssyncadd.s32 $0xFFFFFF38  }
0x69: {  	[tilespmem:s19], [sflag:$0x1] =	stream.linear.gather [hbm4b:s0+s2], $0xC8, $0x38;
	[tilespmem:$0x1A800] =	vst v63  }
0x6a: {  	s30 =	sadd.s32 s28, s13  }
0x6b: {  	[tilespmem:s20], [sflag:$0x1] =	stream.linear.gather [hbm4b:s30+s2], $0xC8, $0x38;
	[tilespmem:$0x1A800] =	vst v63  }
0x6c: {  	_ = 	snop  }
0x6d: {  	[tilespmem:s22], [sflag:$0x2] =	stream.indirect.gather [hbm4b:s4+s21], $0x80, s2, s21, $0xb8;
	[tilespmem:$0x1A800] =	vst v63  }
0x6e: {  	_ =	swait.ge [sflag:s23], $0x6400  }
0x6f: {  	[sflag:s23] =	ssyncset.done $0x0  }
0x70: {  	[sflag:s23] =	ssyncadd.s32 $0xFFFF9C00  }
0x71: {  	[spmem:s1] =	stream.indirect.scatter.add.f32 [tilespmem:s22], [sflag:$0x3], $0x80, s18, s21, $0xb8;
	[tilespmem:$0x1A800] =	vst v63  }
0x72: {  	_ =	swait.ge [sflag:s17], $0x6400  }
0x73: {  	[sflag:s17] =	ssyncset.done $0x0  }
0x74: {  	[sflag:s17] =	ssyncadd.s32 $0xFFFF9C00  }
0x75: {  	_ =	swait.ge [sflag:s24], $0xC8  }
0x76: {  	[sflag:s24] =	ssyncset.done $0x0  }
0x77: {  	[sflag:s24] =	ssyncadd.s32 $0xFFFFFF38  }
0x78: {  	_ =	swait.ge [sflag:s24], $0xC8  }
0x79: {  	s31 =	sshrl.u32 s26, $0x3;
	[sflag:s24] =	ssyncset.done $0x0  }
0x7a: {  	s26 =	sadd.s32 s5, s31;
	[sflag:s24] =	ssyncadd.s32 $0xFFFFFF38  }
0x7b: {  	[tilespmem:s2], [sflag:$0x1] =	stream.linear.gather [hbm4b:s26+s2], $0xC8, $0x38;
	[tilespmem:$0x1A800] =	vst v63  }
0x7c: {  	s0 =	sadd.s32 s6, s31  }
0x7d: {  	[tilespmem:s18], [sflag:$0x1] =	stream.linear.gather [hbm4b:s0+s2], $0xC8, $0x38;
	[tilespmem:$0x1A800] =	vst v63  }
0x7e: {  	_ = 	snop  }
0x7f: {  	[tilespmem:s22], [sflag:$0x2] =	stream.indirect.gather [hbm4b:s4+s21], $0x80, s19, s21, $0xb8;
	[tilespmem:$0x1A800] =	vst v63  }
0x80: {  	_ =	swait.ge [sflag:s23], $0x6400  }
0x81: {  	[sflag:s23] =	ssyncset.done $0x0  }
0x82: {  	[sflag:s23] =	ssyncadd.s32 $0xFFFF9C00  }
0x83: {  	[spmem:s1] =	stream.indirect.scatter.add.f32 [tilespmem:s22], [sflag:$0x3], $0x80, s20, s21, $0xb8;
	[tilespmem:$0x1A800] =	vst v63  }
0x84: {  	_ =	swait.ge [sflag:s17], $0x6400  }
0x85: {  	[sflag:s17] =	ssyncset.done $0x0  }
0x86: {  	[sflag:s17] =	ssyncadd.s32 $0xFFFF9C00  }
0x87: {  	_ =	swait.ge [sflag:s24], $0xC8  }
0x88: {  	[sflag:s24] =	ssyncset.done $0x0  }
0x89: {  	[sflag:s24] =	ssyncadd.s32 $0xFFFFFF38  }
0x8a: {  	_ =	swait.ge [sflag:s24], $0xC8  }
0x8b: {  	[sflag:s24] =	ssyncset.done $0x0  }
0x8c: {  	[sflag:s24] =	ssyncadd.s32 $0xFFFFFF38  }
0x8d: {  	[tilespmem:s22], [sflag:$0x2] =	stream.indirect.gather [hbm4b:s4+s21], $0x80, s2, s21, $0xb8;
	[tilespmem:$0x1A800] =	vst v63  }
0x8e: {  	_ =	swait.ge [sflag:s23], $0x6400  }
0x8f: {  	[sflag:s23] =	ssyncset.done $0x0  }
0x90: {  	[sflag:s23] =	ssyncadd.s32 $0xFFFF9C00  }
0x91: {  	[spmem:s1] =	stream.indirect.scatter.add.f32 [tilespmem:s22], [sflag:$0x3], $0x80, s18, s21, $0xb8;
	[tilespmem:$0x1A800] =	vst v63  }
0x92: {  	_ =	swait.ge [sflag:s17], $0x6400  }
0x93: {  	s25 =	sadd.s32 $0x1, s25;
	[sflag:s17] =	ssyncset.done $0x0  }
0x94: {  	p0 =	sne.s32 s25, s12;
	[sflag:s17] =	ssyncadd.s32 $0xFFFF9C00  }
.Ltmp1:
0x95: {  	[bflag:$0x0] =	sbarrier.arrive $0xFFFF;
	(pc) =	sbr.rel @p0 .LBB2_1-.Ltmp1, $4  }
0x96: {  	[hbm:s11], [sflag:s8] =	dma.local [spmem:s16], $0x2800  }
0x97: {  	_ =	swait.ge [sflag:s17], $0x2800  }
0x98: {  	[sflag:s17] =	ssyncset.done $0x0  }
0x99: {  	[sflag:s17] =	ssyncadd.s32 $0xFFFFD800  }
0x9a: {  	_ =	sfence.sel $0x180000  }
0x9b: {  	[bflag:$0x0] =	sbarrier.arrive $0xFFFF  }
0x9c: {  	_ =	strace $0x9000004D  }
0x9d: {  	[bflag:$0x2] =	sbarrier.arrive $0xFFFF  }
0x9e: {  	p0 =	sne.s32 s3, $0x0;
	s0 =	rddreg [dreg:$0x3]  }
0x9f: {  	s0 =	sadd.s32 @!p0 $0x100000, s0  }
0xa0: {  	[sflag:s0] =	ssyncadd.tile.s32 @!p0 $0x1;
	_ =	shalt  }
.Lfunc_end2:
_tile_overlayer_lowered:
.L_overlay_start_2:
0xa1: {  	(tag) =	ssettag $0x2  }
0xa2: {  	s0 =	rddreg [dreg:$0x0];
	s2 =	stileid.u32  }
0xa3: {  	s1 =	rddreg [dreg:$0x1];
	p0 =	sne.s32 s2, $0x0  }
0xa4: {  	s3 =	rddreg [dreg:$0x2];
	[bflag:$0x3] =	sbarrier.arrive $0xFFFF;
	s2 =	simm.s32 @!p0 $0x1C03  }
0xa5: {  	[timem:s3], [sflag:s2] =	dma.local @!p0 [hbm:s0], s1  }
0xa6: {  	s0 =	simm.s32 @!p0 $0x3  }
0xa7: {  	_ =	swait.ge @!p0 [sflag:s0], s1  }
0xa8: {  	s1 =	ssub.s32 @!p0 $0x0, s1;
	[sflag:s0] =	ssyncset.done @!p0 $0x0  }
0xa9: {  	[sflag:s0] =	ssyncadd.s32 @!p0 s1  }
0xaa: {  	[bflag:$0x3] =	sbarrier.arrive $0xFFFF  }
0xab: {  	_ =	shalt  }

// kernel: kernel.23.cloned.1.call-start
scs
__scs_entry_jumppad:
0x0: {  	(pc) =	sbr.rel $0x88, $3  }
0x1: {  	(tag) =	ssettag $0x0;
	lr =	simm.s32 $0x1  }
0x2: {  	[smem:$0x3F8C] =	sst lr;
	_ =	strace $0xD0000000  }
0x3: {  	_ = 	snop  }
0x4: {  	_ = 	snop  }
0x5: {  	_ = 	snop  }
0x6: {  	_ = 	snop  }
0x7: {  	_ = 	snop  }
__scs_overlays_trampoline_lowered:
0x8: {  	[smem:$0x3F9B] =	sst s0  }
0x9: {  	[smem:$0x3F9C] =	sst s1  }
0xa: {  	[smem:$0x3F9D] =	sst s2  }
0xb: {  	[smem:$0x3F9E] =	sst s3  }
0xc: {  	[smem:$0x3F9F] =	sst s4  }
0xd: {  	[smem:$0x3FA0] =	sst s5  }
0xe: {  	[smem:$0x3FA1] =	sst s6  }
0xf: {  	[smem:$0x3FA2] =	sst s7  }
0x10: {  	[smem:$0x3FA3] =	sst s8  }
0x11: {  	[smem:$0x3FA4] =	sst s9;
	s0 =	simm.s32 @!p0 $0x0  }
0x12: {  	s1 =	sld [smem:$0x3F8A];
	s0 =	simm.s32 @p0 $0x1  }
0x13: {  	[smem:$0x3FA5] =	sst s0;
	s0 =	simm.s32 @!p1 $0x0  }
0x14: {  	s2 =	sld [smem:$0x3F89];
	s0 =	simm.s32 @p1 $0x1  }
0x15: {  	[smem:$0x3FA6] =	sst s0;
	s0 =	simm.s32 @!p2 $0x0  }
0x16: {  	s3 =	sld [smem:$0x3FDB];
	s0 =	simm.s32 @p2 $0x1  }
0x17: {  	s4 =	simm.s32 $0x1BF5;
	[smem:$0x3FA8] =	sst s0  }
0x18: {  	s0 =	sld [smem:$0x3F8B];
	_ =	swait.ge [sflag:s4], $0x0  }
0x19: {  	s7 =	sld [smem:$0x3F8C]  }
0x1a: {  	s8 =	sadd.s32 $0xFFFFE003, lr  }
0x1b: {  	s9 =	sadd.s32 $0xFFFFFEF7, lr;
	s5 =	simm.s32 $0xFFFFFFFF;
	p2 =	slt.u32 s8, $0xFFFFF086  }
0x1c: {  	p1 =	slt.u32 s9, $0xF7A;
	s5 =	simm.s32 @!p2 $0x0  }
0x1d: {  	s5 =	simm.s32 @p1 $0x1;
	p0 =	seq.s32 s7, s2  }
0x1e: {  	s7 =	smul.u32 @!p0 $0xF7A, s2;
	p2 =	seq.s32 @!p0 s5, $0x0  }
0x1f: {  	s9 =	smul.u32 $0xF7A, s1;
	s8 =	simm.s32 @!p0 $0x1BF5;
	p2 =	por !p2, p0  }
0x20: {  	[sflag:s8] =	ssyncset.s32 @!p0 $0xFFFFF086;
	s6 =	sadd.s32 @!p0 s3, s7;
	s7 =	simm.s32 @!p0 $0x108  }
0x21: {  	s3 =	sadd.s32 s3, s9;
	s6 =	sadd.s32 @!p0 $0x88, s6;
	s7 =	simm.s32 @p2 $0x1082  }
0x22: {  	[simem:s7], [sflag:s8] =	dma.local @!p0 [hbm:s6], $0xF7A  }
0x23: {  	s9 =	sor.u32 $0xD0000000, s2;
	s6 =	simm.s32 $0x108;
	_ =	swait.ge @!p0 [sflag:s8], $0x0  }
0x24: {  	s3 =	sadd.s32 $0x88, s3;
	s6 =	simm.s32 @!p1 $0x1082;
	[sflag:s4] =	ssyncset.s32 $0xFFFFF086  }
0x25: {  	[simem:s6], [sflag:s4] =	dma.local [hbm:s3], $0xF7A  }
0x26: {  	[smem:$0x3F8C] =	sst s1;
	(tag) =	ssettag s2;
	_ =	strace s9  }
0x27: {  	s1 =	sld [smem:$0x3F9C]  }
0x28: {  	s2 =	sld [smem:$0x3F9D]  }
0x29: {  	s4 =	sld [smem:$0x3F9F]  }
0x2a: {  	p0 =	seq.s32 s5, $0x0;
	s5 =	sld [smem:$0x3FA0]  }
0x2b: {  	s6 =	sld [smem:$0x3FA1]  }
0x2c: {  	s7 =	sld [smem:$0x3FA2]  }
0x2d: {  	s3 =	simm.s32 $0x108;
	s8 =	sld [smem:$0x3FA3]  }
0x2e: {  	s3 =	simm.s32 @!p0 $0x1082;
	s9 =	sld [smem:$0x3FA4]  }
0x2f: {  	lr =	sadd.s32 s0, s3;
	s0 =	sld [smem:$0x3F9B]  }
0x30: {  	s3 =	sld [smem:$0x3F9E]  }
0x31: {  	[smem:$0x3FA7] =	sst s10  }
0x32: {  	s10 =	sld [smem:$0x3FA5];
	_ =	sdelay $0x3  }
0x33: {  	p0 =	seq.s32 s10, $0x1;
	s10 =	sld [smem:$0x3FA7];
	_ =	sdelay $0x3  }
0x34: {  	[smem:$0x3FA7] =	sst s10  }
0x35: {  	s10 =	sld [smem:$0x3FA6];
	_ =	sdelay $0x3  }
0x36: {  	p1 =	seq.s32 s10, $0x1;
	s10 =	sld [smem:$0x3FA7];
	_ =	sdelay $0x3  }
0x37: {  	[smem:$0x3FA7] =	sst s10  }
0x38: {  	s10 =	sld [smem:$0x3FA8]  }
0x39: {  	_ = 	snop;
	(pc) =	sbr.ind lr, $3  }
0x3a: {  	_ = 	snop  }
0x3b: {  	_ = 	snop  }
0x3c: {  	p2 =	seq.s32 s10, $0x1;
	s10 =	sld [smem:$0x3FA7]  }
0x3d: {  	_ =	shalt  }
0x3e: {  	_ =	shalt  }
0x3f: {  	_ =	shalt  }
0x40: {  	_ =	shalt  }
0x41: {  	_ =	shalt  }
0x42: {  	_ =	shalt  }
0x43: {  	_ =	shalt  }
0x44: {  	_ =	shalt  }
0x45: {  	_ =	shalt  }
0x46: {  	_ =	shalt  }
0x47: {  	_ =	shalt  }
0x48: {  	_ =	shalt  }
0x49: {  	_ =	shalt  }
0x4a: {  	_ =	shalt  }
0x4b: {  	_ =	shalt  }
0x4c: {  	_ =	shalt  }
0x4d: {  	_ =	shalt  }
0x4e: {  	_ =	shalt  }
0x4f: {  	_ =	shalt  }
0x50: {  	_ =	shalt  }
0x51: {  	_ =	shalt  }
0x52: {  	_ =	shalt  }
0x53: {  	_ =	shalt  }
0x54: {  	_ =	shalt  }
0x55: {  	_ =	shalt  }
0x56: {  	_ =	shalt  }
0x57: {  	_ =	shalt  }
0x58: {  	_ =	shalt  }
0x59: {  	_ =	shalt  }
0x5a: {  	_ =	shalt  }
0x5b: {  	_ =	shalt  }
0x5c: {  	_ =	shalt  }
0x5d: {  	_ =	shalt  }
0x5e: {  	_ =	shalt  }
0x5f: {  	_ =	shalt  }
0x60: {  	_ =	shalt  }
0x61: {  	_ =	shalt  }
0x62: {  	_ =	shalt  }
0x63: {  	_ =	shalt  }
0x64: {  	_ =	shalt  }
0x65: {  	_ =	shalt  }
0x66: {  	_ =	shalt  }
0x67: {  	_ =	shalt  }
0x68: {  	_ =	shalt  }
0x69: {  	_ =	shalt  }
0x6a: {  	_ =	shalt  }
0x6b: {  	_ =	shalt  }
0x6c: {  	_ =	shalt  }
0x6d: {  	_ =	shalt  }
0x6e: {  	_ =	shalt  }
0x6f: {  	_ =	shalt  }
0x70: {  	_ =	shalt  }
0x71: {  	_ =	shalt  }
0x72: {  	_ =	shalt  }
0x73: {  	_ =	shalt  }
0x74: {  	_ =	shalt  }
0x75: {  	_ =	shalt  }
0x76: {  	_ =	shalt  }
0x77: {  	_ =	shalt  }
0x78: {  	_ =	shalt  }
0x79: {  	_ =	shalt  }
0x7a: {  	_ =	shalt  }
0x7b: {  	_ =	shalt  }
0x7c: {  	_ =	shalt  }
0x7d: {  	_ =	shalt  }
0x7e: {  	_ =	shalt  }
0x7f: {  	_ =	shalt  }
0x80: {  	_ =	shalt  }
0x81: {  	_ =	shalt  }
0x82: {  	_ =	shalt  }
0x83: {  	_ =	shalt  }
0x84: {  	_ =	shalt  }
0x85: {  	_ =	shalt  }
0x86: {  	_ =	shalt  }
0x87: {  	_ =	shalt  }
.Lfunc_end0:
.L_simem_size_0:
called_computation.4_lowered:
.L_overlay_start_0:
0x88: {  	s2 =	sld [smem:$0x3FD9]  }
0x89: {  	s3 =	sld [smem:$0x3FFE];
	_ =	sdelay $0x1  }
0x8a: {  	s1 =	srdreg.scid  }
0x8b: {  	s0 =	sand.u32 $0x1, s1  }
0x8c: {  	s17 =	sshll.u32 s0, $0xA;
	s2 =	sadd.s32 s3, s2  }
0x8d: {  	s2 =	sadd.s32 s2, s17  }
0x8e: {  	[smem:$0x3FB3] =	sst s2  }
0x8f: {  	_ = 	snop  }
0x90: {  	s18 =	sld [smem:$0x3FD0];
	(tm) =	ssettm $0x1  }
0x91: {  	s19 =	sld [smem:$0x3FFB];
	_ =	sdelay $0x3  }
0x92: {  	_ =	strace s19  }
0x93: {  	s2 =	sld [smem:$0x3FFC];
	_ =	sdelay $0x3  }
0x94: {  	_ =	strace s2  }
0x95: {  	s2 =	sld [smem:$0x3FFD];
	_ =	sdelay $0x3  }
0x96: {  	_ =	strace s2  }
0x97: {  	_ =	strace $0x8FFFFFFF  }
0x98: {  	s20 =	sld [smem:$0x3FDB];
	_ =	sdelay $0x1  }
0x99: {  	s4 =	simm.s32 $_scs_section_size  }
0x9a: {  	s5 =	simm.s32 $_size__tile_overlayer_lowered;
	s6 =	simm.s32 $_tile_overlayer_lowered  }
0x9b: {  	s7 =	simm.s32 $0x1BFF;
	s21 =	sshll.u32 s6, $0x1;
	s4 =	sadd.s32 s4, s20  }
0x9c: {  	s22 =	simm.s32 $0x0;
	s5 =	sshll.u32 s5, $0x1;
	s6 =	sadd.s32 s21, s4  }
0x9d: {  	[timem:s22], [sflag:s7] =	dma.local [hbm:s6], s5  }
0x9e: {  	_ =	swait.ge [sflag:s7], s5  }
0x9f: {  	s5 =	ssub.s32 $0x0, s5;
	[sflag:s7] =	ssyncset.done $0x0  }
0xa0: {  	[sflag:s7] =	ssyncadd.s32 s5;
	_ =	sdelay $0x1  }
0xa1: {  	s23 =	simm.s32 $0x1B8B  }
0xa2: {  	_ =	swait.ge [sflag:s23], $0x1  }
0xa3: {  	[sflag:s23] =	ssyncset.done $0x0  }
0xa4: {  	[sflag:s23] =	ssyncadd.s32 $0xFFFFFFFF  }
0xa5: {  	s5 =	sld [smem:$0x0]  }
0xa6: {  	s6 =	sand.u32 $0xFFFFFFFE, s1  }
0xa7: {  	p0 =	sne.s32 s1, s6  }
0xa8: {  	s6 =	sshll.u32 @p0 s6, $0xE  }
0xa9: {  	s6 =	sadd.s32 @p0 $0x11B8D, s6;
	s7 =	sshll.u32 @p0 s5, $0x11  }
0xaa: {  	s6 =	sor.u32 @p0 s7, s6  }
0xab: {  	[sflag:s6] =	ssyncadd.remote.s32 @p0 $0x1;
	_ =	sdelay $0x1  }
0xac: {  	s6 =	simm.s32 @p0 $0x1B8D  }
0xad: {  	_ =	swait.eq @p0 [sflag:s6], $0x1  }
0xae: {  	[sflag:s6] =	ssyncadd.s32 @p0 $0xFFFFFFFF  }
0xaf: {  	s7 =	sshll.u32 @!p0 s1, $0xE  }
0xb0: {  	s7 =	sor.u32 @!p0 $0x4000, s7;
	s6 =	simm.s32 @!p0 $0x1B8D  }
0xb1: {  	s5 =	sshll.u32 @!p0 s5, $0x11;
	s7 =	sadd.s32 @!p0 $0x11B8D, s7;
	_ =	swait.eq @!p0 [sflag:s6], $0x1  }
0xb2: {  	s5 =	sor.u32 @!p0 s5, s7;
	[sflag:s6] =	ssyncadd.s32 @!p0 $0xFFFFFFFF  }
0xb3: {  	s25 =	simm.s32 $0x1B8E;
	s24 =	sld [smem:$0x3FFE];
	[sflag:s5] =	ssyncadd.remote.s32 @!p0 $0x1  }
0xb4: {  	s26 =	simm.s32 $execute0_lowered;
	[smem:$0x3FD2] =	sst s25  }
0xb5: {  	s6 =	sshll.u32 s26, $0x1;
	_ =	strace $0x80000052;
	[dreg:$0x1] =	wrdreg $0xFFFFFFFF  }
0xb6: {  	s28 =	simm.s32 $_size_execute0_lowered;
	s4 =	sadd.s32 s4, s6;
	[dreg:$0x0] =	wrdreg $0x0  }
0xb7: {  	s6 =	sshll.u32 s28, $0x1;
	[dreg:$0x2] =	wrdreg s4  }
0xb8: {  	[dreg:$0x3] =	wrdreg s6  }
0xb9: {  	[dreg:$0x4] =	wrdreg $0xC0  }
0xba: {  	_ =	task [dreg:s22], $0x5FFFF  }
0xbb: {  	[dreg:$0x1] =	wrdreg $0xFFFFFFFF  }
0xbc: {  	[dreg:$0x0] =	wrdreg $0x60  }
0xbd: {  	[dreg:$0x2] =	wrdreg s24  }
0xbe: {  	[dreg:$0x3] =	wrdreg s18  }
0xbf: {  	[dreg:$0x4] =	wrdreg $0x68000  }
0xc0: {  	[dreg:$0x5] =	wrdreg $0xA  }
0xc1: {  	_ =	task.clear_ibuf [dreg:s22], $0x6FFFF;
	_ =	strace $0x90000052  }
0xc2: {  	s29 =	simm.s32 $0xA;
	_ =	strace $0x80000054  }
0xc3: {  	_ =	swait.ge [sflag:s29], $0x1  }
0xc4: {  	[sflag:s29] =	ssyncadd.s32 $0xFFFFFFFF  }
0xc5: {  	_ =	strace $0x90000054  }
0xc6: {  	_ =	sfence  }
0xc7: {  	s30 =	sld [smem:$0x0];
	_ =	sdelay $0x2  }
0xc8: {  	s31 =	sshll.u32 s1, $0xD;
	s1 =	sshrl.u32 s1, $0x2  }
0xc9: {  	s4 =	sand.u32 $0x4000, s31;
	s1 =	sadd.s32 s1, s30  }
0xca: {  	s0 =	sor.u32 s4, s0;
	s1 =	sshll.u32 s1, $0x11  }
0xcb: {  	s0 =	sor.u32 s1, s0  }
0xcc: {  	s0 =	sadd.s32 $0x8F2B, s0  }
0xcd: {  	[sflag:s0] =	ssyncadd.remote.s32 $0x1  }
0xce: {  	_ =	sfence.sel $0xFFFF  }
0xcf: {  	[dreg:$0x0] =	wrdreg $0xFFFFFFFF;
	(pc) =	sbr.abs _section_cstart, $3  }
0xd0: {  	[dreg:$0x1] =	wrdreg $0xFFFFFFFF  }
0xd1: {  	_ =	task.clear_ibuf [dreg:s22], $0x2FFFF;
	_ =	strace $0x9FFFFFFF  }
0xd2: {  	(tm) =	ssettm $0x7FFFFFFF  }
0xd3: {  	_ =	shalt  }
tec
execute0_lowered:
.L_overlay_start_1:
0x0: {  	(tag) =	ssettag $0x1  }
0x1: {  	s7 =	rddreg [dreg:$0x0]  }
0x2: {  	s11 =	rddreg [dreg:$0x1]  }
0x3: {  	s1 =	rddreg [dreg:$0x2]  }
0x4: {  	s2 =	simm.s32 $0x0;
	s6 =	srdreg.scid;
	s3 =	stileid.u32  }
0x5: {  	s18 =	simm.s32 $0x100;
	s19 =	simm.s32 $0x200;
	s20 =	simm.s32 $0x300  }
0x6: {  	s21 =	simm.s32 $0xC8;
	s22 =	simm.s32 $0x400;
	s23 =	simm.s32 $0x2  }
0x7: {  	s24 =	simm.s32 $0x1;
	s25 =	simm.s32 $0x0;
	[smem:$0x7FF] =	sst s2  }
0x8: {  	s4 =	sadd.s32 $0x62A00, s7;
	s5 =	sadd.s32 $0xA400, s7;
	s9 =	smul.u32 $0x50000, s3  }
0x9: {  	s8 =	sand.u32 $0x1, s6;
	s6 =	sadd.s32 $0x5400, s7;
	s14 =	smul.u32 $0x1388, s3  }
0xa: {  	s7 =	sadd.s32 $0xF400, s7;
	s29 =	sshll.u32 s3, $0x6;
	s30 =	smul.u32 $0x14000, s3  }
0xb: {  	_ =	strace $0x80000053;
	s10 =	ssub.s32 $0x2, s8;
	s12 =	smul.u32 $0x13880, s8  }
0xc: {  	s28 =	smul.u32 $0x140000, s8;
	s8 =	sor.u32 $0x1C03, s29;
	s13 =	sshrl.u32 s10, $0x1  }
0xd: {  	s9 =	sshrl.u32 s9, $0x2;
	s13 =	ssub.s32 s10, s13;
	s15 =	sadd.s32 s14, s12  }
0xe: {  	s16 =	sadd.s32 s9, s1;
	s12 =	sadd.s32 s30, s28;
	s14 =	sshrl.u32 s15, $0x3  }
0xf: {  	s17 =	sadd.s32 $0xC8, s15;
	s12 =	sshrl.u32 s12, $0x3;
	s15 =	sadd.s32 $0x190, s15  }
0x10: {  	s16 =	sshrl.u32 s16, $0x3;
	s9 =	sadd.s32 s5, s14;
	s10 =	sadd.s32 s6, s14  }
0x11: {  	s31 =	sshrl.u32 s17, $0x3;
	s11 =	sadd.s32 s11, s12;
	s12 =	smax.u32 s13, $0x1  }
0x12: {  	s17 =	simm.s32 $0x3;
	s13 =	sadd.s32 s31, s6;
	s14 =	sadd.s32 s31, s5  }
.LBB2_1:
0x13: {  	[spmem:s16], [sflag:s8] =	dma.local [hbm:s7], $0x2800  }
0x14: {  	_ =	swait.ge [sflag:s17], $0x2800  }
0x15: {  	[sflag:s17] =	ssyncset.done $0x0  }
0x16: {  	[sflag:s17] =	ssyncadd.s32 $0xFFFFD800  }
0x17: {  	[bflag:$0x0] =	sbarrier.arrive $0xFFFF  }
0x18: {  	[tilespmem:s2], [sflag:$0x3] =	stream.linear.gather [hbm4b:s9+s2], $0xC8, $0x38;
	[tilespmem:$0x1A800] =	vst v63  }
0x19: {  	_ =	swait.ge [sflag:s17], $0xC8  }
0x1a: {  	[sflag:s17] =	ssyncset.done $0x0  }
0x1b: {  	[sflag:s17] =	ssyncadd.s32 $0xFFFFFF38  }
0x1c: {  	[tilespmem:s18], [sflag:$0x3] =	stream.linear.gather [hbm4b:s10+s2], $0xC8, $0x38;
	[tilespmem:$0x1A800] =	vst v63  }
0x1d: {  	_ =	swait.ge [sflag:s17], $0xC8  }
0x1e: {  	[sflag:s17] =	ssyncset.done $0x0  }
0x1f: {  	s26 =	sadd.s32 $0x0, s14;
	[sflag:s17] =	ssyncadd.s32 $0xFFFFFF38  }
0x20: {  	[tilespmem:s19], [sflag:$0x1] =	stream.linear.gather [hbm4b:s26+s2], $0xC8, $0x38;
	[tilespmem:$0x1A800] =	vst v63  }
0x21: {  	s29 =	sadd.s32 $0x0, s13  }
0x22: {  	[tilespmem:s20], [sflag:$0x1] =	stream.linear.gather [hbm4b:s29+s2], $0xC8, $0x38;
	[tilespmem:$0x1A800] =	vst v63  }
0x23: {  	_ = 	snop  }
0x24: {  	[tilespmem:s22], [sflag:$0x2] =	stream.indirect.gather [hbm4b:s4+s21], $0x80, s2, s21, $0xb8;
	[tilespmem:$0x1A800] =	vst v63  }
0x25: {  	_ =	swait.ge [sflag:s23], $0x6400  }
0x26: {  	[sflag:s23] =	ssyncset.done $0x0  }
0x27: {  	[sflag:s23] =	ssyncadd.s32 $0xFFFF9C00  }
0x28: {  	[spmem:s1] =	stream.indirect.scatter.add.f32 [tilespmem:s22], [sflag:$0x3], $0x80, s18, s21, $0xb8;
	[tilespmem:$0x1A800] =	vst v63  }
0x29: {  	_ =	swait.ge [sflag:s17], $0x6400  }
0x2a: {  	[sflag:s17] =	ssyncset.done $0x0  }
0x2b: {  	[sflag:s17] =	ssyncadd.s32 $0xFFFF9C00  }
0x2c: {  	_ =	swait.ge [sflag:s24], $0xC8  }
0x2d: {  	[sflag:s24] =	ssyncset.done $0x0  }
0x2e: {  	[sflag:s24] =	ssyncadd.s32 $0xFFFFFF38  }
0x2f: {  	_ =	swait.ge [sflag:s24], $0xC8  }
0x30: {  	s31 =	sshrl.u32 s15, $0x3;
	[sflag:s24] =	ssyncset.done $0x0  }
0x31: {  	s28 =	sadd.s32 s5, s31;
	[sflag:s24] =	ssyncadd.s32 $0xFFFFFF38  }
0x32: {  	[tilespmem:s2], [sflag:$0x1] =	stream.linear.gather [hbm4b:s28+s2], $0xC8, $0x38;
	[tilespmem:$0x1A800] =	vst v63  }
0x33: {  	s26 =	sadd.s32 s6, s31  }
0x34: {  	[tilespmem:s18], [sflag:$0x1] =	stream.linear.gather [hbm4b:s26+s2], $0xC8, $0x38;
	[tilespmem:$0x1A800] =	vst v63  }
0x35: {  	_ = 	snop  }
0x36: {  	[tilespmem:s22], [sflag:$0x2] =	stream.indirect.gather [hbm4b:s4+s21], $0x80, s19, s21, $0xb8;
	[tilespmem:$0x1A800] =	vst v63  }
0x37: {  	_ =	swait.ge [sflag:s23], $0x6400  }
0x38: {  	[sflag:s23] =	ssyncset.done $0x0  }
0x39: {  	[sflag:s23] =	ssyncadd.s32 $0xFFFF9C00  }
0x3a: {  	[spmem:s1] =	stream.indirect.scatter.add.f32 [tilespmem:s22], [sflag:$0x3], $0x80, s20, s21, $0xb8;
	[tilespmem:$0x1A800] =	vst v63  }
0x3b: {  	_ =	swait.ge [sflag:s17], $0x6400  }
0x3c: {  	[sflag:s17] =	ssyncset.done $0x0  }
0x3d: {  	[sflag:s17] =	ssyncadd.s32 $0xFFFF9C00  }
0x3e: {  	_ =	swait.ge [sflag:s24], $0xC8  }
0x3f: {  	[sflag:s24] =	ssyncset.done $0x0  }
0x40: {  	[sflag:s24] =	ssyncadd.s32 $0xFFFFFF38  }
0x41: {  	s30 =	simm.s32 $0x64;
	_ =	swait.ge [sflag:s24], $0xC8  }
0x42: {  	s28 =	simm.s32 $0x32;
	s26 =	sadd.s32 $0x190, s15;
	[sflag:s24] =	ssyncset.done $0x0  }
.LBB2_2:
0x43: {  	s31 =	sadd.s32 s28, s14  }
0x44: {  	[sflag:s24] =	ssyncadd.s32 $0xFFFFFF38;
	s0 =	smov.u32 s30;
	s29 =	sadd.s32 $0x32, s30  }
0x45: {  	[tilespmem:s19], [sflag:$0x1] =	stream.linear.gather [hbm4b:s31+s2], $0xC8, $0x38;
	[tilespmem:$0x1A800] =	vst v63  }
0x46: {  	p0 =	sne.s32 s30, $0x226;
	s30 =	sadd.s32 s28, s13;
	s28 =	smov.u32 s0  }
0x47: {  	[tilespmem:s20], [sflag:$0x1] =	stream.linear.gather [hbm4b:s30+s2], $0xC8, $0x38;
	[tilespmem:$0x1A800] =	vst v63  }
0x48: {  	_ = 	snop  }
0x49: {  	[tilespmem:s22], [sflag:$0x2] =	stream.indirect.gather [hbm4b:s4+s21], $0x80, s2, s21, $0xb8;
	[tilespmem:$0x1A800] =	vst v63  }
0x4a: {  	_ =	swait.ge [sflag:s23], $0x6400  }
0x4b: {  	[sflag:s23] =	ssyncset.done $0x0  }
0x4c: {  	[sflag:s23] =	ssyncadd.s32 $0xFFFF9C00  }
0x4d: {  	[spmem:s1] =	stream.indirect.scatter.add.f32 [tilespmem:s22], [sflag:$0x3], $0x80, s18, s21, $0xb8;
	[tilespmem:$0x1A800] =	vst v63  }
0x4e: {  	_ =	swait.ge [sflag:s17], $0x6400  }
0x4f: {  	[sflag:s17] =	ssyncset.done $0x0  }
0x50: {  	[sflag:s17] =	ssyncadd.s32 $0xFFFF9C00  }
0x51: {  	_ =	swait.ge [sflag:s24], $0xC8  }
0x52: {  	[sflag:s24] =	ssyncset.done $0x0  }
0x53: {  	[sflag:s24] =	ssyncadd.s32 $0xFFFFFF38  }
0x54: {  	_ =	swait.ge [sflag:s24], $0xC8  }
0x55: {  	s0 =	sshrl.u32 s26, $0x3;
	[sflag:s24] =	ssyncset.done $0x0  }
0x56: {  	s30 =	sadd.s32 s5, s0;
	[sflag:s24] =	ssyncadd.s32 $0xFFFFFF38  }
0x57: {  	[tilespmem:s2], [sflag:$0x1] =	stream.linear.gather [hbm4b:s30+s2], $0xC8, $0x38;
	[tilespmem:$0x1A800] =	vst v63  }
0x58: {  	s0 =	sadd.s32 s6, s0  }
0x59: {  	[tilespmem:s18], [sflag:$0x1] =	stream.linear.gather [hbm4b:s0+s2], $0xC8, $0x38;
	[tilespmem:$0x1A800] =	vst v63  }
0x5a: {  	_ = 	snop  }
0x5b: {  	[tilespmem:s22], [sflag:$0x2] =	stream.indirect.gather [hbm4b:s4+s21], $0x80, s19, s21, $0xb8;
	[tilespmem:$0x1A800] =	vst v63  }
0x5c: {  	_ =	swait.ge [sflag:s23], $0x6400  }
0x5d: {  	[sflag:s23] =	ssyncset.done $0x0  }
0x5e: {  	[sflag:s23] =	ssyncadd.s32 $0xFFFF9C00  }
0x5f: {  	[spmem:s1] =	stream.indirect.scatter.add.f32 [tilespmem:s22], [sflag:$0x3], $0x80, s20, s21, $0xb8;
	[tilespmem:$0x1A800] =	vst v63  }
0x60: {  	_ =	swait.ge [sflag:s17], $0x6400  }
0x61: {  	[sflag:s17] =	ssyncset.done $0x0  }
0x62: {  	[sflag:s17] =	ssyncadd.s32 $0xFFFF9C00  }
.Ltmp0:
0x63: {  	_ =	swait.ge [sflag:s24], $0xC8;
	(pc) =	sbr.rel @p0 .LBB2_2-.Ltmp0, $4  }
0x64: {  	[sflag:s24] =	ssyncset.done $0x0  }
0x65: {  	[sflag:s24] =	ssyncadd.s32 $0xFFFFFF38  }
0x66: {  	_ =	swait.ge [sflag:s24], $0xC8  }
0x67: {  	s26 =	sadd.s32 $0x190, s26;
	s30 =	smov.u32 s29;
	[sflag:s24] =	ssyncset.done $0x0  }
0x68: {  	s0 =	sadd.s32 s28, s14;
	[sflag:s24] =	ssyncadd.s32 $0xFFFFFF38  }
0x69: {  	[tilespmem:s19], [sflag:$0x1] =	stream.linear.gather [hbm4b:s0+s2], $0xC8, $0x38;
	[tilespmem:$0x1A800] =	vst v63  }
0x6a: {  	s30 =	sadd.s32 s28, s13  }
0x6b: {  	[tilespmem:s20], [sflag:$0x1] =	stream.linear.gather [hbm4b:s30+s2], $0xC8, $0x38;
	[tilespmem:$0x1A800] =	vst v63  }
0x6c: {  	_ = 	snop  }
0x6d: {  	[tilespmem:s22], [sflag:$0x2] =	stream.indirect.gather [hbm4b:s4+s21], $0x80, s2, s21, $0xb8;
	[tilespmem:$0x1A800] =	vst v63  }
0x6e: {  	_ =	swait.ge [sflag:s23], $0x6400  }
0x6f: {  	[sflag:s23] =	ssyncset.done $0x0  }
0x70: {  	[sflag:s23] =	ssyncadd.s32 $0xFFFF9C00  }
0x71: {  	[spmem:s1] =	stream.indirect.scatter.add.f32 [tilespmem:s22], [sflag:$0x3], $0x80, s18, s21, $0xb8;
	[tilespmem:$0x1A800] =	vst v63  }
0x72: {  	_ =	swait.ge [sflag:s17], $0x6400  }
0x73: {  	[sflag:s17] =	ssyncset.done $0x0  }
0x74: {  	[sflag:s17] =	ssyncadd.s32 $0xFFFF9C00  }
0x75: {  	_ =	swait.ge [sflag:s24], $0xC8  }
0x76: {  	[sflag:s24] =	ssyncset.done $0x0  }
0x77: {  	[sflag:s24] =	ssyncadd.s32 $0xFFFFFF38  }
0x78: {  	_ =	swait.ge [sflag:s24], $0xC8  }
0x79: {  	s31 =	sshrl.u32 s26, $0x3;
	[sflag:s24] =	ssyncset.done $0x0  }
0x7a: {  	s26 =	sadd.s32 s5, s31;
	[sflag:s24] =	ssyncadd.s32 $0xFFFFFF38  }
0x7b: {  	[tilespmem:s2], [sflag:$0x1] =	stream.linear.gather [hbm4b:s26+s2], $0xC8, $0x38;
	[tilespmem:$0x1A800] =	vst v63  }
0x7c: {  	s0 =	sadd.s32 s6, s31  }
0x7d: {  	[tilespmem:s18], [sflag:$0x1] =	stream.linear.gather [hbm4b:s0+s2], $0xC8, $0x38;
	[tilespmem:$0x1A800] =	vst v63  }
0x7e: {  	_ = 	snop  }
0x7f: {  	[tilespmem:s22], [sflag:$0x2] =	stream.indirect.gather [hbm4b:s4+s21], $0x80, s19, s21, $0xb8;
	[tilespmem:$0x1A800] =	vst v63  }
0x80: {  	_ =	swait.ge [sflag:s23], $0x6400  }
0x81: {  	[sflag:s23] =	ssyncset.done $0x0  }
0x82: {  	[sflag:s23] =	ssyncadd.s32 $0xFFFF9C00  }
0x83: {  	[spmem:s1] =	stream.indirect.scatter.add.f32 [tilespmem:s22], [sflag:$0x3], $0x80, s20, s21, $0xb8;
	[tilespmem:$0x1A800] =	vst v63  }
0x84: {  	_ =	swait.ge [sflag:s17], $0x6400  }
0x85: {  	[sflag:s17] =	ssyncset.done $0x0  }
0x86: {  	[sflag:s17] =	ssyncadd.s32 $0xFFFF9C00  }
0x87: {  	_ =	swait.ge [sflag:s24], $0xC8  }
0x88: {  	[sflag:s24] =	ssyncset.done $0x0  }
0x89: {  	[sflag:s24] =	ssyncadd.s32 $0xFFFFFF38  }
0x8a: {  	_ =	swait.ge [sflag:s24], $0xC8  }
0x8b: {  	[sflag:s24] =	ssyncset.done $0x0  }
0x8c: {  	[sflag:s24] =	ssyncadd.s32 $0xFFFFFF38  }
0x8d: {  	[tilespmem:s22], [sflag:$0x2] =	stream.indirect.gather [hbm4b:s4+s21], $0x80, s2, s21, $0xb8;
	[tilespmem:$0x1A800] =	vst v63  }
0x8e: {  	_ =	swait.ge [sflag:s23], $0x6400  }
0x8f: {  	[sflag:s23] =	ssyncset.done $0x0  }
0x90: {  	[sflag:s23] =	ssyncadd.s32 $0xFFFF9C00  }
0x91: {  	[spmem:s1] =	stream.indirect.scatter.add.f32 [tilespmem:s22], [sflag:$0x3], $0x80, s18, s21, $0xb8;
	[tilespmem:$0x1A800] =	vst v63  }
0x92: {  	_ =	swait.ge [sflag:s17], $0x6400  }
0x93: {  	s25 =	sadd.s32 $0x1, s25;
	[sflag:s17] =	ssyncset.done $0x0  }
0x94: {  	p0 =	sne.s32 s25, s12;
	[sflag:s17] =	ssyncadd.s32 $0xFFFF9C00  }
.Ltmp1:
0x95: {  	[bflag:$0x0] =	sbarrier.arrive $0xFFFF;
	(pc) =	sbr.rel @p0 .LBB2_1-.Ltmp1, $4  }
0x96: {  	[hbm:s11], [sflag:s8] =	dma.local [spmem:s16], $0x2800  }
0x97: {  	_ =	swait.ge [sflag:s17], $0x2800  }
0x98: {  	[sflag:s17] =	ssyncset.done $0x0  }
0x99: {  	[sflag:s17] =	ssyncadd.s32 $0xFFFFD800  }
0x9a: {  	_ =	sfence.sel $0x180000  }
0x9b: {  	[bflag:$0x0] =	sbarrier.arrive $0xFFFF  }
0x9c: {  	_ =	strace $0x90000053  }
0x9d: {  	[bflag:$0x2] =	sbarrier.arrive $0xFFFF  }
0x9e: {  	p0 =	sne.s32 s3, $0x0;
	s0 =	rddreg [dreg:$0x3]  }
0x9f: {  	s0 =	sadd.s32 @!p0 $0x100000, s0  }
0xa0: {  	[sflag:s0] =	ssyncadd.tile.s32 @!p0 $0x1;
	_ =	shalt  }
.Lfunc_end2:
_tile_overlayer_lowered:
.L_overlay_start_2:
0xa1: {  	(tag) =	ssettag $0x2  }
0xa2: {  	s0 =	rddreg [dreg:$0x0];
	s2 =	stileid.u32  }
0xa3: {  	s1 =	rddreg [dreg:$0x1];
	p0 =	sne.s32 s2, $0x0  }
0xa4: {  	s3 =	rddreg [dreg:$0x2];
	[bflag:$0x3] =	sbarrier.arrive $0xFFFF;
	s2 =	simm.s32 @!p0 $0x1C03  }
0xa5: {  	[timem:s3], [sflag:s2] =	dma.local @!p0 [hbm:s0], s1  }
0xa6: {  	s0 =	simm.s32 @!p0 $0x3  }
0xa7: {  	_ =	swait.ge @!p0 [sflag:s0], s1  }
0xa8: {  	s1 =	ssub.s32 @!p0 $0x0, s1;
	[sflag:s0] =	ssyncset.done @!p0 $0x0  }
0xa9: {  	[sflag:s0] =	ssyncadd.s32 @!p0 s1  }
0xaa: {  	[bflag:$0x3] =	sbarrier.arrive $0xFFFF  }
0xab: {  	_ =	shalt  }

</sc_bundles>
